<compile_context>
chip_gen: v7x
topology: tpu7x:2x2x1
jax: 0.10.2.dev20260603
libtpu: 0.0.44.dev20260713+nightly
codegen_flags: <defaults>
</compile_context>

<pallas_src>
import functools

import numpy as np
import jax
import jax.numpy as jnp
from jax import lax
from jax.experimental import pallas as pl
from jax.experimental.pallas import tpu as pltpu
from jax.experimental.pallas import tpu_sc as plsc

N_LEVELS = 16
TABLE_SIZE = 524288
FEATS = 2
BASE_RES = 16
MAX_RES = 2048
_growth = (MAX_RES / BASE_RES) ** (1.0 / (N_LEVELS - 1))
RES_LIST = [int(BASE_RES * _growth**l) for l in range(N_LEVELS)]
PRIME_Y = np.uint32(2654435761).astype(np.int32).item()
PRIME_Z = np.uint32(805459861).astype(np.int32).item()
HASH_MASK = TABLE_SIZE - 1
LEVEL_FLOATS = TABLE_SIZE * FEATS

NUM_WORKERS = 32


def _build_sc_kernel(n_pos: int, chunk: int):
    per_w = n_pos // NUM_WORKERS
    n_chunks = per_w // chunk
    assert per_w % chunk == 0 and chunk % 128 == 0
    j_rows = chunk // 128
    n_groups = chunk // 16
    asm_groups = chunk * FEATS // 16

    mesh = plsc.VectorSubcoreMesh(
        core_axis_name="c", subcore_axis_name="s", num_cores=2, num_subcores=16
    )

    @functools.partial(
        pl.kernel,
        mesh=mesh,
        out_type=jax.ShapeDtypeStruct((4, n_pos // 128, 8, 128), jnp.float32),
        scratch_types=[
            pltpu.VMEM((chunk,), jnp.float32),
            pltpu.VMEM((chunk,), jnp.float32),
            pltpu.VMEM((chunk,), jnp.float32),
            pltpu.VMEM((N_LEVELS * j_rows, 128), jnp.int32),
            pltpu.VMEM((N_LEVELS * j_rows, 128), jnp.int32),
            pltpu.VMEM((N_LEVELS * j_rows, 128), jnp.int32),
            pltpu.VMEM((2, 2, j_rows, 128, 8), jnp.float32),
            pltpu.VMEM((4, chunk // 128, 8, 128), jnp.float32),
            pltpu.SemaphoreType.DMA,
            pltpu.SemaphoreType.DMA,
        ],
        compiler_params=pltpu.CompilerParams(
            needs_layout_passes=False, use_tc_tiling_on_sc=False
        ),
    )
    def sc_kernel(px_hbm, py_hbm, pz_hbm, tab_hbm, out_hbm,
                  px_v, py_v, pz_v, idx_v, sup0_v, sup1_v, gath_v, out_v,
                  sem0, sem1):
        wid = lax.axis_index("s") * 2 + lax.axis_index("c")
        lanes = lax.iota(jnp.int32, 16)
        half = lanes >> 1
        parity = lanes & 1

        def fire(l, b, sem):
            def body(j, c):
                row = l * j_rows + j
                pltpu.async_copy(
                    tab_hbm.at[sup0_v.at[row]], gath_v.at[b, 0, j], sem
                )
                pltpu.async_copy(
                    tab_hbm.at[sup1_v.at[row]], gath_v.at[b, 1, j], sem
                )
                return c
            lax.fori_loop(0, j_rows, body, 0, unroll=False)

        def drain(l, b, sem):
            def body(j, c):
                row = l * j_rows + j
                pltpu.make_async_copy(
                    tab_hbm.at[sup0_v.at[row]], gath_v.at[b, 0, j], sem
                ).wait()
                pltpu.make_async_copy(
                    tab_hbm.at[sup1_v.at[row]], gath_v.at[b, 1, j], sem
                ).wait()
                return c
            lax.fori_loop(0, j_rows, body, 0, unroll=False)

        def chunk_body(ci, carry):
            pbase = wid * per_w + ci * chunk
            pltpu.sync_copy(px_hbm.at[pl.ds(pbase, chunk)], px_v)
            pltpu.sync_copy(py_hbm.at[pl.ds(pbase, chunk)], py_v)
            pltpu.sync_copy(pz_hbm.at[pl.ds(pbase, chunk)], pz_v)

            def hash_body(g, c2):
                sl = pl.ds(g * 16, 16)
                px = jnp.maximum(px_v[sl], 0.0)
                py = jnp.maximum(py_v[sl], 0.0)
                pz = jnp.maximum(pz_v[sl], 0.0)
                jrow = g >> 3
                col = (g & 7) * 16
                for l in range(N_LEVELS):
                    res = RES_LIST[l]
                    cx = jnp.minimum((px * res).astype(jnp.int32), res - 1)
                    cy = jnp.minimum((py * res).astype(jnp.int32), res - 1)
                    cz = jnp.minimum((pz * res).astype(jnp.int32), res - 1)
                    h = (cx + cy * PRIME_Y + cz * PRIME_Z) & HASH_MASK
                    flat = ((h >> 7) << 8) | (h & 127)
                    idx_v[l * j_rows + jrow, pl.ds(col, 16)] = flat + l * LEVEL_FLOATS
                return c2

            lax.fori_loop(0, n_groups, hash_body, 0, unroll=False)

            def sup_body(t, c2):
                row = t >> 3
                col = pl.ds((t & 7) * 16, 16)
                s0 = idx_v[row, col] >> 3
                sup0_v[row, col] = s0
                sup1_v[row, col] = s0 + 16
                return c2

            lax.fori_loop(0, N_LEVELS * j_rows * 8, sup_body, 0, unroll=False)

            def asm_level(l, b):
                def asm(q, c3):
                    jrow = q >> 4
                    r0 = (q & 15) * 8
                    row = jnp.full((16,), l * j_rows + jrow, jnp.int32)
                    jsplat = jnp.full((16,), jrow, jnp.int32)
                    f16 = plsc.load_gather(idx_v, [row, r0 + half])
                    sub = f16 & 7
                    x = plsc.load_gather(
                        gath_v, [jnp.full((16,), b, jnp.int32), parity,
                                 jsplat, r0 + half, sub]
                    )
                    c = 2 * l + parity
                    plsc.store_scatter(
                        out_v, [c >> 3, jsplat, c & 7, r0 + half], x
                    )
                    return c3

                lax.fori_loop(0, asm_groups, asm, 0, unroll=False)

            sems = (sem0, sem1)
            fire(0, 0, sem0)
            for l in range(N_LEVELS):
                if l + 1 < N_LEVELS:
                    fire(l + 1, (l + 1) & 1, sems[(l + 1) & 1])
                drain(l, l & 1, sems[l & 1])
                asm_level(l, l & 1)
            pblk = pbase // 128
            for fb in range(4):
                pltpu.sync_copy(
                    out_v.at[fb], out_hbm.at[fb, pl.ds(pblk, chunk // 128)]
                )
            return carry

        lax.fori_loop(0, n_chunks, chunk_body, 0, unroll=False)

    return sc_kernel


def kernel(positions, tables):
    n_pos = positions.shape[0]
    px = positions[:, 0]
    py = positions[:, 1]
    pz = positions[:, 2]
    tab_flat = (tables.reshape(N_LEVELS, 4096, 128, 2)
                .swapaxes(2, 3).reshape(N_LEVELS * TABLE_SIZE // 4, 8))
    fn = _build_sc_kernel(n_pos, chunk=1024)
    out4 = fn(px, py, pz, tab_flat)
    return out4.transpose(1, 3, 0, 2).reshape(n_pos, N_LEVELS * FEATS)

# --- scband reference (transcript-rebuilt; emitter-appended) ---
"""Pipeline reference for scband-hash-encoding-8735963480350 (READ-ONLY COPY).

The authoritative reference and input builder live on the scoring server;
editing this copy changes nothing except your own understanding.
"""

import jax, jax.numpy as jnp
import numpy as np

NUM_LEVELS = 16
TABLE_SIZE = 524288  # 2**19, power of two so uint32 wraparound preserves mod
FEATURES = 2
SPATIAL_DIM = 3
BASE_RES = 16
MAX_RES = 2048
PRIMES = np.array([1, 2654435761, 805459861], dtype=np.uint32)
_b = (MAX_RES / BASE_RES) ** (1.0 / (NUM_LEVELS - 1))
RESOLUTIONS = [int(BASE_RES * _b ** l) for l in range(NUM_LEVELS)]


def setup_inputs(seed: int = 0) -> dict:
    key = jax.random.key(seed)
    k1, k2 = jax.random.split(key)
    positions = jax.random.uniform(k1, (1048576, 3), dtype=jnp.float32)
    tables = jax.random.normal(k2, (NUM_LEVELS, TABLE_SIZE, FEATURES), dtype=jnp.float32) * 0.01
    return {"positions": positions, "tables": tables}


def reference(positions, tables):
    output_shape = positions.shape[:-1]
    flat_pos = positions.reshape(-1, SPATIAL_DIM)
    primes = jnp.asarray(PRIMES[:SPATIAL_DIM])
    level_features = []
    for level_idx in range(NUM_LEVELS):
        res = RESOLUTIONS[level_idx]
        scaled = flat_pos * res
        floor_coords = jnp.clip(jnp.floor(scaled), 0, res - 1)
        coords = floor_coords.astype(jnp.uint32)
        # (sum of coord_i * prime_i) mod 2**19; uint32 wraparound (mod 2**32)
        # is exact because 2**19 divides 2**32, matching torch int64 math.
        hashed = (coords * primes).sum(axis=-1) % jnp.uint32(TABLE_SIZE)
        idx = hashed.astype(jnp.int32)
        feats = jnp.take(tables[level_idx], idx, axis=0)
        level_features.append(feats)
    out = jnp.concatenate(level_features, axis=-1)
    return out.reshape(*output_shape, NUM_LEVELS * FEATURES)

if __name__ == "__main__":
    import jax
    _d = setup_inputs()
    print(jax.jit(kernel)(*tuple(_d.values())))

</pallas_src>

<mosaic_0001>
#map = affine_map<(d0, d1) -> (0)>
#map1 = affine_map<(d0, d1) -> (0, 0)>
#map2 = affine_map<(d0, d1) -> (0, 0, 0, 0)>
module attributes {stable_mosaic.version = 14 : i64} {
  func.func @sc_kernel(%arg0: i32, %arg1: i32, %arg2: memref<1048576xf32, #tpu.memory_space<hbm>>, %arg3: memref<1048576xf32, #tpu.memory_space<hbm>>, %arg4: memref<1048576xf32, #tpu.memory_space<hbm>>, %arg5: memref<2097152x8xf32, #tpu.memory_space<hbm>>, %arg6: memref<4x8192x8x128xf32, #tpu.memory_space<hbm>>, %arg7: memref<1024xf32, #tpu.memory_space<vmem>>, %arg8: memref<1024xf32, #tpu.memory_space<vmem>>, %arg9: memref<1024xf32, #tpu.memory_space<vmem>>, %arg10: memref<128x128xi32, #tpu.memory_space<vmem>>, %arg11: memref<128x128xi32, #tpu.memory_space<vmem>>, %arg12: memref<128x128xi32, #tpu.memory_space<vmem>>, %arg13: memref<2x2x8x128x8xf32, #tpu.memory_space<vmem>>, %arg14: memref<4x8x8x128xf32, #tpu.memory_space<vmem>>, %arg15: memref<!tpu.dma_semaphore, #tpu.memory_space<semaphore_mem>>, %arg16: memref<!tpu.dma_semaphore, #tpu.memory_space<semaphore_mem>>) attributes {dimension_semantics = [#tpu.dimension_semantics<core_parallel>, #tpu.dimension_semantics<subcore_parallel>], iteration_bounds = array<i64: 2, 16>, scalar_prefetch = 0 : i64, scratch_operands = 10 : i64, tpu.core_type = #tpu.core_type<sc_vector_subcore>, window_params = [{transform_indices = #map}, {transform_indices = #map}, {transform_indices = #map}, {transform_indices = #map1}, {transform_indices = #map2}]} {
    %mul3A = arith.constant 2 : i32
    %mul3A_0 = arith.muli %arg1, %mul3A : i32
    %add3A = arith.addi %mul3A_0, %arg0 : i32
    %iota3A = tpu.iota {dimensions = array<i32: 0>} : vector<16xi32>
    %shift_right_arithmetic3A = arith.constant 1 : i32
    %shift_right_arithmetic3A_1 = vector.broadcast %shift_right_arithmetic3A : i32 to vector<16xi32>
    %shift_right_arithmetic3A_2 = arith.shrsi %iota3A, %shift_right_arithmetic3A_1 : vector<16xi32>
    %and3A = arith.constant 1 : i32
    %and3A_3 = vector.broadcast %and3A : i32 to vector<16xi32>
    %and3A_4 = arith.andi %iota3A, %and3A_3 : vector<16xi32>
    %scan3A = arith.constant 0 : i32
    %scan3A_5 = arith.constant 0 : i32
    %scan3A_6 = arith.constant 32 : i32
    %scan3A_7 = arith.addi %scan3A_5, %scan3A_6 : i32
    %scan3A_8 = arith.constant 1 : i32
    scf.for %scan3A_10 = %scan3A_5 to %scan3A_7 step %scan3A_8  : i32 {
      %mul3A_11 = arith.constant 32768 : i32
      %mul3A_12 = arith.muli %add3A, %mul3A_11 : i32
      %mul3A_13 = arith.constant 1024 : i32
      %mul3A_14 = arith.muli %scan3A_10, %mul3A_13 : i32
      %add3A_15 = arith.addi %mul3A_12, %mul3A_14 : i32
      "tpu.region"() ({
        %run_scoped3A_340 = tpu.sem_alloc : memref<!tpu.dma_semaphore, #tpu.memory_space<semaphore_mem>>
        %dma_start3A = tpu.memref_slice %arg2[%add3A_15] : memref<1048576xf32, #tpu.memory_space<hbm>> -> memref<1024xf32, #tpu.memory_space<hbm>>
        %dma_start3A_341 = tpu.memref_slice %arg2[%add3A_15] : memref<1048576xf32, #tpu.memory_space<hbm>> -> memref<1024xf32, #tpu.memory_space<hbm>>
        tpu.enqueue_dma source(%dma_start3A_341 : memref<1024xf32, #tpu.memory_space<hbm>>) target(%arg7 : memref<1024xf32, #tpu.memory_space<vmem>>) target_semaphore(%run_scoped3A_340 : memref<!tpu.dma_semaphore, #tpu.memory_space<semaphore_mem>>)
        %dma_wait3A = tpu.memref_slice %arg2[%add3A_15] : memref<1048576xf32, #tpu.memory_space<hbm>> -> memref<1024xf32, #tpu.memory_space<hbm>>
        %dma_wait3A_342 = tpu.memref_slice %arg2[%add3A_15] : memref<1048576xf32, #tpu.memory_space<hbm>> -> memref<1024xf32, #tpu.memory_space<hbm>>
        tpu.wait_dma2 semaphore(%run_scoped3A_340 : memref<!tpu.dma_semaphore, #tpu.memory_space<semaphore_mem>>) src(%dma_wait3A_342 : memref<1024xf32, #tpu.memory_space<hbm>>) dst(%arg7 : memref<1024xf32, #tpu.memory_space<vmem>>)
        tpu.yield
      }) : () -> ()
      "tpu.region"() ({
        %run_scoped3A_340 = tpu.sem_alloc : memref<!tpu.dma_semaphore, #tpu.memory_space<semaphore_mem>>
        %dma_start3A = tpu.memref_slice %arg3[%add3A_15] : memref<1048576xf32, #tpu.memory_space<hbm>> -> memref<1024xf32, #tpu.memory_space<hbm>>
        %dma_start3A_341 = tpu.memref_slice %arg3[%add3A_15] : memref<1048576xf32, #tpu.memory_space<hbm>> -> memref<1024xf32, #tpu.memory_space<hbm>>
        tpu.enqueue_dma source(%dma_start3A_341 : memref<1024xf32, #tpu.memory_space<hbm>>) target(%arg8 : memref<1024xf32, #tpu.memory_space<vmem>>) target_semaphore(%run_scoped3A_340 : memref<!tpu.dma_semaphore, #tpu.memory_space<semaphore_mem>>)
        %dma_wait3A = tpu.memref_slice %arg3[%add3A_15] : memref<1048576xf32, #tpu.memory_space<hbm>> -> memref<1024xf32, #tpu.memory_space<hbm>>
        %dma_wait3A_342 = tpu.memref_slice %arg3[%add3A_15] : memref<1048576xf32, #tpu.memory_space<hbm>> -> memref<1024xf32, #tpu.memory_space<hbm>>
        tpu.wait_dma2 semaphore(%run_scoped3A_340 : memref<!tpu.dma_semaphore, #tpu.memory_space<semaphore_mem>>) src(%dma_wait3A_342 : memref<1024xf32, #tpu.memory_space<hbm>>) dst(%arg8 : memref<1024xf32, #tpu.memory_space<vmem>>)
        tpu.yield
      }) : () -> ()
      "tpu.region"() ({
        %run_scoped3A_340 = tpu.sem_alloc : memref<!tpu.dma_semaphore, #tpu.memory_space<semaphore_mem>>
        %dma_start3A = tpu.memref_slice %arg4[%add3A_15] : memref<1048576xf32, #tpu.memory_space<hbm>> -> memref<1024xf32, #tpu.memory_space<hbm>>
        %dma_start3A_341 = tpu.memref_slice %arg4[%add3A_15] : memref<1048576xf32, #tpu.memory_space<hbm>> -> memref<1024xf32, #tpu.memory_space<hbm>>
        tpu.enqueue_dma source(%dma_start3A_341 : memref<1024xf32, #tpu.memory_space<hbm>>) target(%arg9 : memref<1024xf32, #tpu.memory_space<vmem>>) target_semaphore(%run_scoped3A_340 : memref<!tpu.dma_semaphore, #tpu.memory_space<semaphore_mem>>)
        %dma_wait3A = tpu.memref_slice %arg4[%add3A_15] : memref<1048576xf32, #tpu.memory_space<hbm>> -> memref<1024xf32, #tpu.memory_space<hbm>>
        %dma_wait3A_342 = tpu.memref_slice %arg4[%add3A_15] : memref<1048576xf32, #tpu.memory_space<hbm>> -> memref<1024xf32, #tpu.memory_space<hbm>>
        tpu.wait_dma2 semaphore(%run_scoped3A_340 : memref<!tpu.dma_semaphore, #tpu.memory_space<semaphore_mem>>) src(%dma_wait3A_342 : memref<1024xf32, #tpu.memory_space<hbm>>) dst(%arg9 : memref<1024xf32, #tpu.memory_space<vmem>>)
        tpu.yield
      }) : () -> ()
      %scan3A_16 = arith.constant 0 : i32
      %scan3A_17 = arith.constant 0 : i32
      %scan3A_18 = arith.constant 64 : i32
      %scan3A_19 = arith.addi %scan3A_17, %scan3A_18 : i32
      %scan3A_20 = arith.constant 1 : i32
      scf.for %scan3A_340 = %scan3A_17 to %scan3A_19 step %scan3A_20  : i32 {
        %mul3A_341 = arith.constant 16 : i32
        %mul3A_342 = arith.muli %scan3A_340, %mul3A_341 : i32
        %get3A = arith.index_cast %mul3A_342 : i32 to index
        %get3A_343 = tpu.vector_load %arg7[%get3A] {strides = array<i32>} : memref<1024xf32, #tpu.memory_space<vmem>>, vector<16xf32>,
        %max3A = arith.constant 0.000000e+00 : f32
        %max3A_344 = vector.broadcast %max3A : f32 to vector<16xf32>
        %max3A_345 = arith.maximumf %get3A_343, %max3A_344 : vector<16xf32>
        %get3A_346 = arith.index_cast %mul3A_342 : i32 to index
        %get3A_347 = tpu.vector_load %arg8[%get3A_346] {strides = array<i32>} : memref<1024xf32, #tpu.memory_space<vmem>>, vector<16xf32>,
        %max3A_348 = arith.constant 0.000000e+00 : f32
        %max3A_349 = vector.broadcast %max3A_348 : f32 to vector<16xf32>
        %max3A_350 = arith.maximumf %get3A_347, %max3A_349 : vector<16xf32>
        %get3A_351 = arith.index_cast %mul3A_342 : i32 to index
        %get3A_352 = tpu.vector_load %arg9[%get3A_351] {strides = array<i32>} : memref<1024xf32, #tpu.memory_space<vmem>>, vector<16xf32>,
        %max3A_353 = arith.constant 0.000000e+00 : f32
        %max3A_354 = vector.broadcast %max3A_353 : f32 to vector<16xf32>
        %max3A_355 = arith.maximumf %get3A_352, %max3A_354 : vector<16xf32>
        %shift_right_arithmetic3A_356 = arith.constant 3 : i32
        %shift_right_arithmetic3A_357 = arith.shrsi %scan3A_340, %shift_right_arithmetic3A_356 : i32
        %and3A_358 = arith.constant 7 : i32
        %and3A_359 = arith.andi %scan3A_340, %and3A_358 : i32
        %mul3A_360 = arith.constant 16 : i32
        %mul3A_361 = arith.muli %and3A_359, %mul3A_360 : i32
        %mul3A_362 = arith.constant 1.600000e+01 : f32
        %mul3A_363 = vector.broadcast %mul3A_362 : f32 to vector<16xf32>
        %mul3A_364 = arith.mulf %max3A_345, %mul3A_363 : vector<16xf32>
        %convert_element_type3A = arith.fptosi %mul3A_364 : vector<16xf32> to vector<16xi32>
        %min3A = arith.constant 15 : i32
        %min3A_365 = vector.broadcast %min3A : i32 to vector<16xi32>
        %min3A_366 = arith.minsi %convert_element_type3A, %min3A_365 : vector<16xi32>
        %mul3A_367 = arith.constant 1.600000e+01 : f32
        %mul3A_368 = vector.broadcast %mul3A_367 : f32 to vector<16xf32>
        %mul3A_369 = arith.mulf %max3A_350, %mul3A_368 : vector<16xf32>
        %convert_element_type3A_370 = arith.fptosi %mul3A_369 : vector<16xf32> to vector<16xi32>
        %min3A_371 = arith.constant 15 : i32
        %min3A_372 = vector.broadcast %min3A_371 : i32 to vector<16xi32>
        %min3A_373 = arith.minsi %convert_element_type3A_370, %min3A_372 : vector<16xi32>
        %mul3A_374 = arith.constant 1.600000e+01 : f32
        %mul3A_375 = vector.broadcast %mul3A_374 : f32 to vector<16xf32>
        %mul3A_376 = arith.mulf %max3A_355, %mul3A_375 : vector<16xf32>
        %convert_element_type3A_377 = arith.fptosi %mul3A_376 : vector<16xf32> to vector<16xi32>
        %min3A_378 = arith.constant 15 : i32
        %min3A_379 = vector.broadcast %min3A_378 : i32 to vector<16xi32>
        %min3A_380 = arith.minsi %convert_element_type3A_377, %min3A_379 : vector<16xi32>
        %mul3A_381 = arith.constant -1640531535 : i32
        %mul3A_382 = vector.broadcast %mul3A_381 : i32 to vector<16xi32>
        %mul3A_383 = arith.muli %min3A_373, %mul3A_382 : vector<16xi32>
        %add3A_384 = arith.addi %min3A_366, %mul3A_383 : vector<16xi32>
        %mul3A_385 = arith.constant 805459861 : i32
        %mul3A_386 = vector.broadcast %mul3A_385 : i32 to vector<16xi32>
        %mul3A_387 = arith.muli %min3A_380, %mul3A_386 : vector<16xi32>
        %add3A_388 = arith.addi %add3A_384, %mul3A_387 : vector<16xi32>
        %and3A_389 = arith.constant 524287 : i32
        %and3A_390 = vector.broadcast %and3A_389 : i32 to vector<16xi32>
        %and3A_391 = arith.andi %add3A_388, %and3A_390 : vector<16xi32>
        %shift_right_arithmetic3A_392 = arith.constant 7 : i32
        %shift_right_arithmetic3A_393 = vector.broadcast %shift_right_arithmetic3A_392 : i32 to vector<16xi32>
        %shift_right_arithmetic3A_394 = arith.shrsi %and3A_391, %shift_right_arithmetic3A_393 : vector<16xi32>
        %shift_left3A = arith.constant 8 : i32
        %shift_left3A_395 = vector.broadcast %shift_left3A : i32 to vector<16xi32>
        %shift_left3A_396 = arith.shli %shift_right_arithmetic3A_394, %shift_left3A_395 : vector<16xi32>
        %and3A_397 = arith.constant 127 : i32
        %and3A_398 = vector.broadcast %and3A_397 : i32 to vector<16xi32>
        %and3A_399 = arith.andi %and3A_391, %and3A_398 : vector<16xi32>
        %or3A = arith.ori %shift_left3A_396, %and3A_399 : vector<16xi32>
        %add3A_400 = arith.constant 0 : i32
        %add3A_401 = vector.broadcast %add3A_400 : i32 to vector<16xi32>
        %add3A_402 = arith.addi %or3A, %add3A_401 : vector<16xi32>
        %add3A_403 = arith.constant 0 : i32
        %add3A_404 = arith.addi %add3A_403, %shift_right_arithmetic3A_357 : i32
        %swap3A = arith.index_cast %add3A_404 : i32 to index
        %swap3A_405 = arith.index_cast %mul3A_361 : i32 to index
        %swap3A_406 = tpu.vector_load %arg10[%swap3A, %swap3A_405] {strides = array<i32>} : memref<128x128xi32, #tpu.memory_space<vmem>>, vector<16xi32>,
        tpu.vector_store %arg10[%swap3A, %swap3A_405], %add3A_402 {strides = array<i32>} : memref<128x128xi32, #tpu.memory_space<vmem>>, vector<16xi32>,
        %mul3A_407 = arith.constant 2.200000e+01 : f32
        %mul3A_408 = vector.broadcast %mul3A_407 : f32 to vector<16xf32>
        %mul3A_409 = arith.mulf %max3A_345, %mul3A_408 : vector<16xf32>
        %convert_element_type3A_410 = arith.fptosi %mul3A_409 : vector<16xf32> to vector<16xi32>
        %min3A_411 = arith.constant 21 : i32
        %min3A_412 = vector.broadcast %min3A_411 : i32 to vector<16xi32>
        %min3A_413 = arith.minsi %convert_element_type3A_410, %min3A_412 : vector<16xi32>
        %mul3A_414 = arith.constant 2.200000e+01 : f32
        %mul3A_415 = vector.broadcast %mul3A_414 : f32 to vector<16xf32>
        %mul3A_416 = arith.mulf %max3A_350, %mul3A_415 : vector<16xf32>
        %convert_element_type3A_417 = arith.fptosi %mul3A_416 : vector<16xf32> to vector<16xi32>
        %min3A_418 = arith.constant 21 : i32
        %min3A_419 = vector.broadcast %min3A_418 : i32 to vector<16xi32>
        %min3A_420 = arith.minsi %convert_element_type3A_417, %min3A_419 : vector<16xi32>
        %mul3A_421 = arith.constant 2.200000e+01 : f32
        %mul3A_422 = vector.broadcast %mul3A_421 : f32 to vector<16xf32>
        %mul3A_423 = arith.mulf %max3A_355, %mul3A_422 : vector<16xf32>
        %convert_element_type3A_424 = arith.fptosi %mul3A_423 : vector<16xf32> to vector<16xi32>
        %min3A_425 = arith.constant 21 : i32
        %min3A_426 = vector.broadcast %min3A_425 : i32 to vector<16xi32>
        %min3A_427 = arith.minsi %convert_element_type3A_424, %min3A_426 : vector<16xi32>
        %mul3A_428 = arith.constant -1640531535 : i32
        %mul3A_429 = vector.broadcast %mul3A_428 : i32 to vector<16xi32>
        %mul3A_430 = arith.muli %min3A_420, %mul3A_429 : vector<16xi32>
        %add3A_431 = arith.addi %min3A_413, %mul3A_430 : vector<16xi32>
        %mul3A_432 = arith.constant 805459861 : i32
        %mul3A_433 = vector.broadcast %mul3A_432 : i32 to vector<16xi32>
        %mul3A_434 = arith.muli %min3A_427, %mul3A_433 : vector<16xi32>
        %add3A_435 = arith.addi %add3A_431, %mul3A_434 : vector<16xi32>
        %and3A_436 = arith.constant 524287 : i32
        %and3A_437 = vector.broadcast %and3A_436 : i32 to vector<16xi32>
        %and3A_438 = arith.andi %add3A_435, %and3A_437 : vector<16xi32>
        %shift_right_arithmetic3A_439 = arith.constant 7 : i32
        %shift_right_arithmetic3A_440 = vector.broadcast %shift_right_arithmetic3A_439 : i32 to vector<16xi32>
        %shift_right_arithmetic3A_441 = arith.shrsi %and3A_438, %shift_right_arithmetic3A_440 : vector<16xi32>
        %shift_left3A_442 = arith.constant 8 : i32
        %shift_left3A_443 = vector.broadcast %shift_left3A_442 : i32 to vector<16xi32>
        %shift_left3A_444 = arith.shli %shift_right_arithmetic3A_441, %shift_left3A_443 : vector<16xi32>
        %and3A_445 = arith.constant 127 : i32
        %and3A_446 = vector.broadcast %and3A_445 : i32 to vector<16xi32>
        %and3A_447 = arith.andi %and3A_438, %and3A_446 : vector<16xi32>
        %or3A_448 = arith.ori %shift_left3A_444, %and3A_447 : vector<16xi32>
        %add3A_449 = arith.constant 1048576 : i32
        %add3A_450 = vector.broadcast %add3A_449 : i32 to vector<16xi32>
        %add3A_451 = arith.addi %or3A_448, %add3A_450 : vector<16xi32>
        %add3A_452 = arith.constant 8 : i32
        %add3A_453 = arith.addi %add3A_452, %shift_right_arithmetic3A_357 : i32
        %swap3A_454 = arith.index_cast %add3A_453 : i32 to index
        %swap3A_455 = arith.index_cast %mul3A_361 : i32 to index
        %swap3A_456 = tpu.vector_load %arg10[%swap3A_454, %swap3A_455] {strides = array<i32>} : memref<128x128xi32, #tpu.memory_space<vmem>>, vector<16xi32>,
        tpu.vector_store %arg10[%swap3A_454, %swap3A_455], %add3A_451 {strides = array<i32>} : memref<128x128xi32, #tpu.memory_space<vmem>>, vector<16xi32>,
        %mul3A_457 = arith.constant 3.000000e+01 : f32
        %mul3A_458 = vector.broadcast %mul3A_457 : f32 to vector<16xf32>
        %mul3A_459 = arith.mulf %max3A_345, %mul3A_458 : vector<16xf32>
        %convert_element_type3A_460 = arith.fptosi %mul3A_459 : vector<16xf32> to vector<16xi32>
        %min3A_461 = arith.constant 29 : i32
        %min3A_462 = vector.broadcast %min3A_461 : i32 to vector<16xi32>
        %min3A_463 = arith.minsi %convert_element_type3A_460, %min3A_462 : vector<16xi32>
        %mul3A_464 = arith.constant 3.000000e+01 : f32
        %mul3A_465 = vector.broadcast %mul3A_464 : f32 to vector<16xf32>
        %mul3A_466 = arith.mulf %max3A_350, %mul3A_465 : vector<16xf32>
        %convert_element_type3A_467 = arith.fptosi %mul3A_466 : vector<16xf32> to vector<16xi32>
        %min3A_468 = arith.constant 29 : i32
        %min3A_469 = vector.broadcast %min3A_468 : i32 to vector<16xi32>
        %min3A_470 = arith.minsi %convert_element_type3A_467, %min3A_469 : vector<16xi32>
        %mul3A_471 = arith.constant 3.000000e+01 : f32
        %mul3A_472 = vector.broadcast %mul3A_471 : f32 to vector<16xf32>
        %mul3A_473 = arith.mulf %max3A_355, %mul3A_472 : vector<16xf32>
        %convert_element_type3A_474 = arith.fptosi %mul3A_473 : vector<16xf32> to vector<16xi32>
        %min3A_475 = arith.constant 29 : i32
        %min3A_476 = vector.broadcast %min3A_475 : i32 to vector<16xi32>
        %min3A_477 = arith.minsi %convert_element_type3A_474, %min3A_476 : vector<16xi32>
        %mul3A_478 = arith.constant -1640531535 : i32
        %mul3A_479 = vector.broadcast %mul3A_478 : i32 to vector<16xi32>
        %mul3A_480 = arith.muli %min3A_470, %mul3A_479 : vector<16xi32>
        %add3A_481 = arith.addi %min3A_463, %mul3A_480 : vector<16xi32>
        %mul3A_482 = arith.constant 805459861 : i32
        %mul3A_483 = vector.broadcast %mul3A_482 : i32 to vector<16xi32>
        %mul3A_484 = arith.muli %min3A_477, %mul3A_483 : vector<16xi32>
        %add3A_485 = arith.addi %add3A_481, %mul3A_484 : vector<16xi32>
        %and3A_486 = arith.constant 524287 : i32
        %and3A_487 = vector.broadcast %and3A_486 : i32 to vector<16xi32>
        %and3A_488 = arith.andi %add3A_485, %and3A_487 : vector<16xi32>
        %shift_right_arithmetic3A_489 = arith.constant 7 : i32
        %shift_right_arithmetic3A_490 = vector.broadcast %shift_right_arithmetic3A_489 : i32 to vector<16xi32>
        %shift_right_arithmetic3A_491 = arith.shrsi %and3A_488, %shift_right_arithmetic3A_490 : vector<16xi32>
        %shift_left3A_492 = arith.constant 8 : i32
        %shift_left3A_493 = vector.broadcast %shift_left3A_492 : i32 to vector<16xi32>
        %shift_left3A_494 = arith.shli %shift_right_arithmetic3A_491, %shift_left3A_493 : vector<16xi32>
        %and3A_495 = arith.constant 127 : i32
        %and3A_496 = vector.broadcast %and3A_495 : i32 to vector<16xi32>
        %and3A_497 = arith.andi %and3A_488, %and3A_496 : vector<16xi32>
        %or3A_498 = arith.ori %shift_left3A_494, %and3A_497 : vector<16xi32>
        %add3A_499 = arith.constant 2097152 : i32
        %add3A_500 = vector.broadcast %add3A_499 : i32 to vector<16xi32>
        %add3A_501 = arith.addi %or3A_498, %add3A_500 : vector<16xi32>
        %add3A_502 = arith.constant 16 : i32
        %add3A_503 = arith.addi %add3A_502, %shift_right_arithmetic3A_357 : i32
        %swap3A_504 = arith.index_cast %add3A_503 : i32 to index
        %swap3A_505 = arith.index_cast %mul3A_361 : i32 to index
        %swap3A_506 = tpu.vector_load %arg10[%swap3A_504, %swap3A_505] {strides = array<i32>} : memref<128x128xi32, #tpu.memory_space<vmem>>, vector<16xi32>,
        tpu.vector_store %arg10[%swap3A_504, %swap3A_505], %add3A_501 {strides = array<i32>} : memref<128x128xi32, #tpu.memory_space<vmem>>, vector<16xi32>,
        %mul3A_507 = arith.constant 4.200000e+01 : f32
        %mul3A_508 = vector.broadcast %mul3A_507 : f32 to vector<16xf32>
        %mul3A_509 = arith.mulf %max3A_345, %mul3A_508 : vector<16xf32>
        %convert_element_type3A_510 = arith.fptosi %mul3A_509 : vector<16xf32> to vector<16xi32>
        %min3A_511 = arith.constant 41 : i32
        %min3A_512 = vector.broadcast %min3A_511 : i32 to vector<16xi32>
        %min3A_513 = arith.minsi %convert_element_type3A_510, %min3A_512 : vector<16xi32>
        %mul3A_514 = arith.constant 4.200000e+01 : f32
        %mul3A_515 = vector.broadcast %mul3A_514 : f32 to vector<16xf32>
        %mul3A_516 = arith.mulf %max3A_350, %mul3A_515 : vector<16xf32>
        %convert_element_type3A_517 = arith.fptosi %mul3A_516 : vector<16xf32> to vector<16xi32>
        %min3A_518 = arith.constant 41 : i32
        %min3A_519 = vector.broadcast %min3A_518 : i32 to vector<16xi32>
        %min3A_520 = arith.minsi %convert_element_type3A_517, %min3A_519 : vector<16xi32>
        %mul3A_521 = arith.constant 4.200000e+01 : f32
        %mul3A_522 = vector.broadcast %mul3A_521 : f32 to vector<16xf32>
        %mul3A_523 = arith.mulf %max3A_355, %mul3A_522 : vector<16xf32>
        %convert_element_type3A_524 = arith.fptosi %mul3A_523 : vector<16xf32> to vector<16xi32>
        %min3A_525 = arith.constant 41 : i32
        %min3A_526 = vector.broadcast %min3A_525 : i32 to vector<16xi32>
        %min3A_527 = arith.minsi %convert_element_type3A_524, %min3A_526 : vector<16xi32>
        %mul3A_528 = arith.constant -1640531535 : i32
        %mul3A_529 = vector.broadcast %mul3A_528 : i32 to vector<16xi32>
        %mul3A_530 = arith.muli %min3A_520, %mul3A_529 : vector<16xi32>
        %add3A_531 = arith.addi %min3A_513, %mul3A_530 : vector<16xi32>
        %mul3A_532 = arith.constant 805459861 : i32
        %mul3A_533 = vector.broadcast %mul3A_532 : i32 to vector<16xi32>
        %mul3A_534 = arith.muli %min3A_527, %mul3A_533 : vector<16xi32>
        %add3A_535 = arith.addi %add3A_531, %mul3A_534 : vector<16xi32>
        %and3A_536 = arith.constant 524287 : i32
        %and3A_537 = vector.broadcast %and3A_536 : i32 to vector<16xi32>
        %and3A_538 = arith.andi %add3A_535, %and3A_537 : vector<16xi32>
        %shift_right_arithmetic3A_539 = arith.constant 7 : i32
        %shift_right_arithmetic3A_540 = vector.broadcast %shift_right_arithmetic3A_539 : i32 to vector<16xi32>
        %shift_right_arithmetic3A_541 = arith.shrsi %and3A_538, %shift_right_arithmetic3A_540 : vector<16xi32>
        %shift_left3A_542 = arith.constant 8 : i32
        %shift_left3A_543 = vector.broadcast %shift_left3A_542 : i32 to vector<16xi32>
        %shift_left3A_544 = arith.shli %shift_right_arithmetic3A_541, %shift_left3A_543 : vector<16xi32>
        %and3A_545 = arith.constant 127 : i32
        %and3A_546 = vector.broadcast %and3A_545 : i32 to vector<16xi32>
        %and3A_547 = arith.andi %and3A_538, %and3A_546 : vector<16xi32>
        %or3A_548 = arith.ori %shift_left3A_544, %and3A_547 : vector<16xi32>
        %add3A_549 = arith.constant 3145728 : i32
        %add3A_550 = vector.broadcast %add3A_549 : i32 to vector<16xi32>
        %add3A_551 = arith.addi %or3A_548, %add3A_550 : vector<16xi32>
        %add3A_552 = arith.constant 24 : i32
        %add3A_553 = arith.addi %add3A_552, %shift_right_arithmetic3A_357 : i32
        %swap3A_554 = arith.index_cast %add3A_553 : i32 to index
        %swap3A_555 = arith.index_cast %mul3A_361 : i32 to index
        %swap3A_556 = tpu.vector_load %arg10[%swap3A_554, %swap3A_555] {strides = array<i32>} : memref<128x128xi32, #tpu.memory_space<vmem>>, vector<16xi32>,
        tpu.vector_store %arg10[%swap3A_554, %swap3A_555], %add3A_551 {strides = array<i32>} : memref<128x128xi32, #tpu.memory_space<vmem>>, vector<16xi32>,
        %mul3A_557 = arith.constant 5.800000e+01 : f32
        %mul3A_558 = vector.broadcast %mul3A_557 : f32 to vector<16xf32>
        %mul3A_559 = arith.mulf %max3A_345, %mul3A_558 : vector<16xf32>
        %convert_element_type3A_560 = arith.fptosi %mul3A_559 : vector<16xf32> to vector<16xi32>
        %min3A_561 = arith.constant 57 : i32
        %min3A_562 = vector.broadcast %min3A_561 : i32 to vector<16xi32>
        %min3A_563 = arith.minsi %convert_element_type3A_560, %min3A_562 : vector<16xi32>
        %mul3A_564 = arith.constant 5.800000e+01 : f32
        %mul3A_565 = vector.broadcast %mul3A_564 : f32 to vector<16xf32>
        %mul3A_566 = arith.mulf %max3A_350, %mul3A_565 : vector<16xf32>
        %convert_element_type3A_567 = arith.fptosi %mul3A_566 : vector<16xf32> to vector<16xi32>
        %min3A_568 = arith.constant 57 : i32
        %min3A_569 = vector.broadcast %min3A_568 : i32 to vector<16xi32>
        %min3A_570 = arith.minsi %convert_element_type3A_567, %min3A_569 : vector<16xi32>
        %mul3A_571 = arith.constant 5.800000e+01 : f32
        %mul3A_572 = vector.broadcast %mul3A_571 : f32 to vector<16xf32>
        %mul3A_573 = arith.mulf %max3A_355, %mul3A_572 : vector<16xf32>
        %convert_element_type3A_574 = arith.fptosi %mul3A_573 : vector<16xf32> to vector<16xi32>
        %min3A_575 = arith.constant 57 : i32
        %min3A_576 = vector.broadcast %min3A_575 : i32 to vector<16xi32>
        %min3A_577 = arith.minsi %convert_element_type3A_574, %min3A_576 : vector<16xi32>
        %mul3A_578 = arith.constant -1640531535 : i32
        %mul3A_579 = vector.broadcast %mul3A_578 : i32 to vector<16xi32>
        %mul3A_580 = arith.muli %min3A_570, %mul3A_579 : vector<16xi32>
        %add3A_581 = arith.addi %min3A_563, %mul3A_580 : vector<16xi32>
        %mul3A_582 = arith.constant 805459861 : i32
        %mul3A_583 = vector.broadcast %mul3A_582 : i32 to vector<16xi32>
        %mul3A_584 = arith.muli %min3A_577, %mul3A_583 : vector<16xi32>
        %add3A_585 = arith.addi %add3A_581, %mul3A_584 : vector<16xi32>
        %and3A_586 = arith.constant 524287 : i32
        %and3A_587 = vector.broadcast %and3A_586 : i32 to vector<16xi32>
        %and3A_588 = arith.andi %add3A_585, %and3A_587 : vector<16xi32>
        %shift_right_arithmetic3A_589 = arith.constant 7 : i32
        %shift_right_arithmetic3A_590 = vector.broadcast %shift_right_arithmetic3A_589 : i32 to vector<16xi32>
        %shift_right_arithmetic3A_591 = arith.shrsi %and3A_588, %shift_right_arithmetic3A_590 : vector<16xi32>
        %shift_left3A_592 = arith.constant 8 : i32
        %shift_left3A_593 = vector.broadcast %shift_left3A_592 : i32 to vector<16xi32>
        %shift_left3A_594 = arith.shli %shift_right_arithmetic3A_591, %shift_left3A_593 : vector<16xi32>
        %and3A_595 = arith.constant 127 : i32
        %and3A_596 = vector.broadcast %and3A_595 : i32 to vector<16xi32>
        %and3A_597 = arith.andi %and3A_588, %and3A_596 : vector<16xi32>
        %or3A_598 = arith.ori %shift_left3A_594, %and3A_597 : vector<16xi32>
        %add3A_599 = arith.constant 4194304 : i32
        %add3A_600 = vector.broadcast %add3A_599 : i32 to vector<16xi32>
        %add3A_601 = arith.addi %or3A_598, %add3A_600 : vector<16xi32>
        %add3A_602 = arith.constant 32 : i32
        %add3A_603 = arith.addi %add3A_602, %shift_right_arithmetic3A_357 : i32
        %swap3A_604 = arith.index_cast %add3A_603 : i32 to index
        %swap3A_605 = arith.index_cast %mul3A_361 : i32 to index
        %swap3A_606 = tpu.vector_load %arg10[%swap3A_604, %swap3A_605] {strides = array<i32>} : memref<128x128xi32, #tpu.memory_space<vmem>>, vector<16xi32>,
        tpu.vector_store %arg10[%swap3A_604, %swap3A_605], %add3A_601 {strides = array<i32>} : memref<128x128xi32, #tpu.memory_space<vmem>>, vector<16xi32>,
        %mul3A_607 = arith.constant 8.000000e+01 : f32
        %mul3A_608 = vector.broadcast %mul3A_607 : f32 to vector<16xf32>
        %mul3A_609 = arith.mulf %max3A_345, %mul3A_608 : vector<16xf32>
        %convert_element_type3A_610 = arith.fptosi %mul3A_609 : vector<16xf32> to vector<16xi32>
        %min3A_611 = arith.constant 79 : i32
        %min3A_612 = vector.broadcast %min3A_611 : i32 to vector<16xi32>
        %min3A_613 = arith.minsi %convert_element_type3A_610, %min3A_612 : vector<16xi32>
        %mul3A_614 = arith.constant 8.000000e+01 : f32
        %mul3A_615 = vector.broadcast %mul3A_614 : f32 to vector<16xf32>
        %mul3A_616 = arith.mulf %max3A_350, %mul3A_615 : vector<16xf32>
        %convert_element_type3A_617 = arith.fptosi %mul3A_616 : vector<16xf32> to vector<16xi32>
        %min3A_618 = arith.constant 79 : i32
        %min3A_619 = vector.broadcast %min3A_618 : i32 to vector<16xi32>
        %min3A_620 = arith.minsi %convert_element_type3A_617, %min3A_619 : vector<16xi32>
        %mul3A_621 = arith.constant 8.000000e+01 : f32
        %mul3A_622 = vector.broadcast %mul3A_621 : f32 to vector<16xf32>
        %mul3A_623 = arith.mulf %max3A_355, %mul3A_622 : vector<16xf32>
        %convert_element_type3A_624 = arith.fptosi %mul3A_623 : vector<16xf32> to vector<16xi32>
        %min3A_625 = arith.constant 79 : i32
        %min3A_626 = vector.broadcast %min3A_625 : i32 to vector<16xi32>
        %min3A_627 = arith.minsi %convert_element_type3A_624, %min3A_626 : vector<16xi32>
        %mul3A_628 = arith.constant -1640531535 : i32
        %mul3A_629 = vector.broadcast %mul3A_628 : i32 to vector<16xi32>
        %mul3A_630 = arith.muli %min3A_620, %mul3A_629 : vector<16xi32>
        %add3A_631 = arith.addi %min3A_613, %mul3A_630 : vector<16xi32>
        %mul3A_632 = arith.constant 805459861 : i32
        %mul3A_633 = vector.broadcast %mul3A_632 : i32 to vector<16xi32>
        %mul3A_634 = arith.muli %min3A_627, %mul3A_633 : vector<16xi32>
        %add3A_635 = arith.addi %add3A_631, %mul3A_634 : vector<16xi32>
        %and3A_636 = arith.constant 524287 : i32
        %and3A_637 = vector.broadcast %and3A_636 : i32 to vector<16xi32>
        %and3A_638 = arith.andi %add3A_635, %and3A_637 : vector<16xi32>
        %shift_right_arithmetic3A_639 = arith.constant 7 : i32
        %shift_right_arithmetic3A_640 = vector.broadcast %shift_right_arithmetic3A_639 : i32 to vector<16xi32>
        %shift_right_arithmetic3A_641 = arith.shrsi %and3A_638, %shift_right_arithmetic3A_640 : vector<16xi32>
        %shift_left3A_642 = arith.constant 8 : i32
        %shift_left3A_643 = vector.broadcast %shift_left3A_642 : i32 to vector<16xi32>
        %shift_left3A_644 = arith.shli %shift_right_arithmetic3A_641, %shift_left3A_643 : vector<16xi32>
        %and3A_645 = arith.constant 127 : i32
        %and3A_646 = vector.broadcast %and3A_645 : i32 to vector<16xi32>
        %and3A_647 = arith.andi %and3A_638, %and3A_646 : vector<16xi32>
        %or3A_648 = arith.ori %shift_left3A_644, %and3A_647 : vector<16xi32>
        %add3A_649 = arith.constant 5242880 : i32
        %add3A_650 = vector.broadcast %add3A_649 : i32 to vector<16xi32>
        %add3A_651 = arith.addi %or3A_648, %add3A_650 : vector<16xi32>
        %add3A_652 = arith.constant 40 : i32
        %add3A_653 = arith.addi %add3A_652, %shift_right_arithmetic3A_357 : i32
        %swap3A_654 = arith.index_cast %add3A_653 : i32 to index
        %swap3A_655 = arith.index_cast %mul3A_361 : i32 to index
        %swap3A_656 = tpu.vector_load %arg10[%swap3A_654, %swap3A_655] {strides = array<i32>} : memref<128x128xi32, #tpu.memory_space<vmem>>, vector<16xi32>,
        tpu.vector_store %arg10[%swap3A_654, %swap3A_655], %add3A_651 {strides = array<i32>} : memref<128x128xi32, #tpu.memory_space<vmem>>, vector<16xi32>,
        %mul3A_657 = arith.constant 1.110000e+02 : f32
        %mul3A_658 = vector.broadcast %mul3A_657 : f32 to vector<16xf32>
        %mul3A_659 = arith.mulf %max3A_345, %mul3A_658 : vector<16xf32>
        %convert_element_type3A_660 = arith.fptosi %mul3A_659 : vector<16xf32> to vector<16xi32>
        %min3A_661 = arith.constant 110 : i32
        %min3A_662 = vector.broadcast %min3A_661 : i32 to vector<16xi32>
        %min3A_663 = arith.minsi %convert_element_type3A_660, %min3A_662 : vector<16xi32>
        %mul3A_664 = arith.constant 1.110000e+02 : f32
        %mul3A_665 = vector.broadcast %mul3A_664 : f32 to vector<16xf32>
        %mul3A_666 = arith.mulf %max3A_350, %mul3A_665 : vector<16xf32>
        %convert_element_type3A_667 = arith.fptosi %mul3A_666 : vector<16xf32> to vector<16xi32>
        %min3A_668 = arith.constant 110 : i32
        %min3A_669 = vector.broadcast %min3A_668 : i32 to vector<16xi32>
        %min3A_670 = arith.minsi %convert_element_type3A_667, %min3A_669 : vector<16xi32>
        %mul3A_671 = arith.constant 1.110000e+02 : f32
        %mul3A_672 = vector.broadcast %mul3A_671 : f32 to vector<16xf32>
        %mul3A_673 = arith.mulf %max3A_355, %mul3A_672 : vector<16xf32>
        %convert_element_type3A_674 = arith.fptosi %mul3A_673 : vector<16xf32> to vector<16xi32>
        %min3A_675 = arith.constant 110 : i32
        %min3A_676 = vector.broadcast %min3A_675 : i32 to vector<16xi32>
        %min3A_677 = arith.minsi %convert_element_type3A_674, %min3A_676 : vector<16xi32>
        %mul3A_678 = arith.constant -1640531535 : i32
        %mul3A_679 = vector.broadcast %mul3A_678 : i32 to vector<16xi32>
        %mul3A_680 = arith.muli %min3A_670, %mul3A_679 : vector<16xi32>
        %add3A_681 = arith.addi %min3A_663, %mul3A_680 : vector<16xi32>
        %mul3A_682 = arith.constant 805459861 : i32
        %mul3A_683 = vector.broadcast %mul3A_682 : i32 to vector<16xi32>
        %mul3A_684 = arith.muli %min3A_677, %mul3A_683 : vector<16xi32>
        %add3A_685 = arith.addi %add3A_681, %mul3A_684 : vector<16xi32>
        %and3A_686 = arith.constant 524287 : i32
        %and3A_687 = vector.broadcast %and3A_686 : i32 to vector<16xi32>
        %and3A_688 = arith.andi %add3A_685, %and3A_687 : vector<16xi32>
        %shift_right_arithmetic3A_689 = arith.constant 7 : i32
        %shift_right_arithmetic3A_690 = vector.broadcast %shift_right_arithmetic3A_689 : i32 to vector<16xi32>
        %shift_right_arithmetic3A_691 = arith.shrsi %and3A_688, %shift_right_arithmetic3A_690 : vector<16xi32>
        %shift_left3A_692 = arith.constant 8 : i32
        %shift_left3A_693 = vector.broadcast %shift_left3A_692 : i32 to vector<16xi32>
        %shift_left3A_694 = arith.shli %shift_right_arithmetic3A_691, %shift_left3A_693 : vector<16xi32>
        %and3A_695 = arith.constant 127 : i32
        %and3A_696 = vector.broadcast %and3A_695 : i32 to vector<16xi32>
        %and3A_697 = arith.andi %and3A_688, %and3A_696 : vector<16xi32>
        %or3A_698 = arith.ori %shift_left3A_694, %and3A_697 : vector<16xi32>
        %add3A_699 = arith.constant 6291456 : i32
        %add3A_700 = vector.broadcast %add3A_699 : i32 to vector<16xi32>
        %add3A_701 = arith.addi %or3A_698, %add3A_700 : vector<16xi32>
        %add3A_702 = arith.constant 48 : i32
        %add3A_703 = arith.addi %add3A_702, %shift_right_arithmetic3A_357 : i32
        %swap3A_704 = arith.index_cast %add3A_703 : i32 to index
        %swap3A_705 = arith.index_cast %mul3A_361 : i32 to index
        %swap3A_706 = tpu.vector_load %arg10[%swap3A_704, %swap3A_705] {strides = array<i32>} : memref<128x128xi32, #tpu.memory_space<vmem>>, vector<16xi32>,
        tpu.vector_store %arg10[%swap3A_704, %swap3A_705], %add3A_701 {strides = array<i32>} : memref<128x128xi32, #tpu.memory_space<vmem>>, vector<16xi32>,
        %mul3A_707 = arith.constant 1.530000e+02 : f32
        %mul3A_708 = vector.broadcast %mul3A_707 : f32 to vector<16xf32>
        %mul3A_709 = arith.mulf %max3A_345, %mul3A_708 : vector<16xf32>
        %convert_element_type3A_710 = arith.fptosi %mul3A_709 : vector<16xf32> to vector<16xi32>
        %min3A_711 = arith.constant 152 : i32
        %min3A_712 = vector.broadcast %min3A_711 : i32 to vector<16xi32>
        %min3A_713 = arith.minsi %convert_element_type3A_710, %min3A_712 : vector<16xi32>
        %mul3A_714 = arith.constant 1.530000e+02 : f32
        %mul3A_715 = vector.broadcast %mul3A_714 : f32 to vector<16xf32>
        %mul3A_716 = arith.mulf %max3A_350, %mul3A_715 : vector<16xf32>
        %convert_element_type3A_717 = arith.fptosi %mul3A_716 : vector<16xf32> to vector<16xi32>
        %min3A_718 = arith.constant 152 : i32
        %min3A_719 = vector.broadcast %min3A_718 : i32 to vector<16xi32>
        %min3A_720 = arith.minsi %convert_element_type3A_717, %min3A_719 : vector<16xi32>
        %mul3A_721 = arith.constant 1.530000e+02 : f32
        %mul3A_722 = vector.broadcast %mul3A_721 : f32 to vector<16xf32>
        %mul3A_723 = arith.mulf %max3A_355, %mul3A_722 : vector<16xf32>
        %convert_element_type3A_724 = arith.fptosi %mul3A_723 : vector<16xf32> to vector<16xi32>
        %min3A_725 = arith.constant 152 : i32
        %min3A_726 = vector.broadcast %min3A_725 : i32 to vector<16xi32>
        %min3A_727 = arith.minsi %convert_element_type3A_724, %min3A_726 : vector<16xi32>
        %mul3A_728 = arith.constant -1640531535 : i32
        %mul3A_729 = vector.broadcast %mul3A_728 : i32 to vector<16xi32>
        %mul3A_730 = arith.muli %min3A_720, %mul3A_729 : vector<16xi32>
        %add3A_731 = arith.addi %min3A_713, %mul3A_730 : vector<16xi32>
        %mul3A_732 = arith.constant 805459861 : i32
        %mul3A_733 = vector.broadcast %mul3A_732 : i32 to vector<16xi32>
        %mul3A_734 = arith.muli %min3A_727, %mul3A_733 : vector<16xi32>
        %add3A_735 = arith.addi %add3A_731, %mul3A_734 : vector<16xi32>
        %and3A_736 = arith.constant 524287 : i32
        %and3A_737 = vector.broadcast %and3A_736 : i32 to vector<16xi32>
        %and3A_738 = arith.andi %add3A_735, %and3A_737 : vector<16xi32>
        %shift_right_arithmetic3A_739 = arith.constant 7 : i32
        %shift_right_arithmetic3A_740 = vector.broadcast %shift_right_arithmetic3A_739 : i32 to vector<16xi32>
        %shift_right_arithmetic3A_741 = arith.shrsi %and3A_738, %shift_right_arithmetic3A_740 : vector<16xi32>
        %shift_left3A_742 = arith.constant 8 : i32
        %shift_left3A_743 = vector.broadcast %shift_left3A_742 : i32 to vector<16xi32>
        %shift_left3A_744 = arith.shli %shift_right_arithmetic3A_741, %shift_left3A_743 : vector<16xi32>
        %and3A_745 = arith.constant 127 : i32
        %and3A_746 = vector.broadcast %and3A_745 : i32 to vector<16xi32>
        %and3A_747 = arith.andi %and3A_738, %and3A_746 : vector<16xi32>
        %or3A_748 = arith.ori %shift_left3A_744, %and3A_747 : vector<16xi32>
        %add3A_749 = arith.constant 7340032 : i32
        %add3A_750 = vector.broadcast %add3A_749 : i32 to vector<16xi32>
        %add3A_751 = arith.addi %or3A_748, %add3A_750 : vector<16xi32>
        %add3A_752 = arith.constant 56 : i32
        %add3A_753 = arith.addi %add3A_752, %shift_right_arithmetic3A_357 : i32
        %swap3A_754 = arith.index_cast %add3A_753 : i32 to index
        %swap3A_755 = arith.index_cast %mul3A_361 : i32 to index
        %swap3A_756 = tpu.vector_load %arg10[%swap3A_754, %swap3A_755] {strides = array<i32>} : memref<128x128xi32, #tpu.memory_space<vmem>>, vector<16xi32>,
        tpu.vector_store %arg10[%swap3A_754, %swap3A_755], %add3A_751 {strides = array<i32>} : memref<128x128xi32, #tpu.memory_space<vmem>>, vector<16xi32>,
        %mul3A_757 = arith.constant 2.120000e+02 : f32
        %mul3A_758 = vector.broadcast %mul3A_757 : f32 to vector<16xf32>
        %mul3A_759 = arith.mulf %max3A_345, %mul3A_758 : vector<16xf32>
        %convert_element_type3A_760 = arith.fptosi %mul3A_759 : vector<16xf32> to vector<16xi32>
        %min3A_761 = arith.constant 211 : i32
        %min3A_762 = vector.broadcast %min3A_761 : i32 to vector<16xi32>
        %min3A_763 = arith.minsi %convert_element_type3A_760, %min3A_762 : vector<16xi32>
        %mul3A_764 = arith.constant 2.120000e+02 : f32
        %mul3A_765 = vector.broadcast %mul3A_764 : f32 to vector<16xf32>
        %mul3A_766 = arith.mulf %max3A_350, %mul3A_765 : vector<16xf32>
        %convert_element_type3A_767 = arith.fptosi %mul3A_766 : vector<16xf32> to vector<16xi32>
        %min3A_768 = arith.constant 211 : i32
        %min3A_769 = vector.broadcast %min3A_768 : i32 to vector<16xi32>
        %min3A_770 = arith.minsi %convert_element_type3A_767, %min3A_769 : vector<16xi32>
        %mul3A_771 = arith.constant 2.120000e+02 : f32
        %mul3A_772 = vector.broadcast %mul3A_771 : f32 to vector<16xf32>
        %mul3A_773 = arith.mulf %max3A_355, %mul3A_772 : vector<16xf32>
        %convert_element_type3A_774 = arith.fptosi %mul3A_773 : vector<16xf32> to vector<16xi32>
        %min3A_775 = arith.constant 211 : i32
        %min3A_776 = vector.broadcast %min3A_775 : i32 to vector<16xi32>
        %min3A_777 = arith.minsi %convert_element_type3A_774, %min3A_776 : vector<16xi32>
        %mul3A_778 = arith.constant -1640531535 : i32
        %mul3A_779 = vector.broadcast %mul3A_778 : i32 to vector<16xi32>
        %mul3A_780 = arith.muli %min3A_770, %mul3A_779 : vector<16xi32>
        %add3A_781 = arith.addi %min3A_763, %mul3A_780 : vector<16xi32>
        %mul3A_782 = arith.constant 805459861 : i32
        %mul3A_783 = vector.broadcast %mul3A_782 : i32 to vector<16xi32>
        %mul3A_784 = arith.muli %min3A_777, %mul3A_783 : vector<16xi32>
        %add3A_785 = arith.addi %add3A_781, %mul3A_784 : vector<16xi32>
        %and3A_786 = arith.constant 524287 : i32
        %and3A_787 = vector.broadcast %and3A_786 : i32 to vector<16xi32>
        %and3A_788 = arith.andi %add3A_785, %and3A_787 : vector<16xi32>
        %shift_right_arithmetic3A_789 = arith.constant 7 : i32
        %shift_right_arithmetic3A_790 = vector.broadcast %shift_right_arithmetic3A_789 : i32 to vector<16xi32>
        %shift_right_arithmetic3A_791 = arith.shrsi %and3A_788, %shift_right_arithmetic3A_790 : vector<16xi32>
        %shift_left3A_792 = arith.constant 8 : i32
        %shift_left3A_793 = vector.broadcast %shift_left3A_792 : i32 to vector<16xi32>
        %shift_left3A_794 = arith.shli %shift_right_arithmetic3A_791, %shift_left3A_793 : vector<16xi32>
        %and3A_795 = arith.constant 127 : i32
        %and3A_796 = vector.broadcast %and3A_795 : i32 to vector<16xi32>
        %and3A_797 = arith.andi %and3A_788, %and3A_796 : vector<16xi32>
        %or3A_798 = arith.ori %shift_left3A_794, %and3A_797 : vector<16xi32>
        %add3A_799 = arith.constant 8388608 : i32
        %add3A_800 = vector.broadcast %add3A_799 : i32 to vector<16xi32>
        %add3A_801 = arith.addi %or3A_798, %add3A_800 : vector<16xi32>
        %add3A_802 = arith.constant 64 : i32
        %add3A_803 = arith.addi %add3A_802, %shift_right_arithmetic3A_357 : i32
        %swap3A_804 = arith.index_cast %add3A_803 : i32 to index
        %swap3A_805 = arith.index_cast %mul3A_361 : i32 to index
        %swap3A_806 = tpu.vector_load %arg10[%swap3A_804, %swap3A_805] {strides = array<i32>} : memref<128x128xi32, #tpu.memory_space<vmem>>, vector<16xi32>,
        tpu.vector_store %arg10[%swap3A_804, %swap3A_805], %add3A_801 {strides = array<i32>} : memref<128x128xi32, #tpu.memory_space<vmem>>, vector<16xi32>,
        %mul3A_807 = arith.constant 2.940000e+02 : f32
        %mul3A_808 = vector.broadcast %mul3A_807 : f32 to vector<16xf32>
        %mul3A_809 = arith.mulf %max3A_345, %mul3A_808 : vector<16xf32>
        %convert_element_type3A_810 = arith.fptosi %mul3A_809 : vector<16xf32> to vector<16xi32>
        %min3A_811 = arith.constant 293 : i32
        %min3A_812 = vector.broadcast %min3A_811 : i32 to vector<16xi32>
        %min3A_813 = arith.minsi %convert_element_type3A_810, %min3A_812 : vector<16xi32>
        %mul3A_814 = arith.constant 2.940000e+02 : f32
        %mul3A_815 = vector.broadcast %mul3A_814 : f32 to vector<16xf32>
        %mul3A_816 = arith.mulf %max3A_350, %mul3A_815 : vector<16xf32>
        %convert_element_type3A_817 = arith.fptosi %mul3A_816 : vector<16xf32> to vector<16xi32>
        %min3A_818 = arith.constant 293 : i32
        %min3A_819 = vector.broadcast %min3A_818 : i32 to vector<16xi32>
        %min3A_820 = arith.minsi %convert_element_type3A_817, %min3A_819 : vector<16xi32>
        %mul3A_821 = arith.constant 2.940000e+02 : f32
        %mul3A_822 = vector.broadcast %mul3A_821 : f32 to vector<16xf32>
        %mul3A_823 = arith.mulf %max3A_355, %mul3A_822 : vector<16xf32>
        %convert_element_type3A_824 = arith.fptosi %mul3A_823 : vector<16xf32> to vector<16xi32>
        %min3A_825 = arith.constant 293 : i32
        %min3A_826 = vector.broadcast %min3A_825 : i32 to vector<16xi32>
        %min3A_827 = arith.minsi %convert_element_type3A_824, %min3A_826 : vector<16xi32>
        %mul3A_828 = arith.constant -1640531535 : i32
        %mul3A_829 = vector.broadcast %mul3A_828 : i32 to vector<16xi32>
        %mul3A_830 = arith.muli %min3A_820, %mul3A_829 : vector<16xi32>
        %add3A_831 = arith.addi %min3A_813, %mul3A_830 : vector<16xi32>
        %mul3A_832 = arith.constant 805459861 : i32
        %mul3A_833 = vector.broadcast %mul3A_832 : i32 to vector<16xi32>
        %mul3A_834 = arith.muli %min3A_827, %mul3A_833 : vector<16xi32>
        %add3A_835 = arith.addi %add3A_831, %mul3A_834 : vector<16xi32>
        %and3A_836 = arith.constant 524287 : i32
        %and3A_837 = vector.broadcast %and3A_836 : i32 to vector<16xi32>
        %and3A_838 = arith.andi %add3A_835, %and3A_837 : vector<16xi32>
        %shift_right_arithmetic3A_839 = arith.constant 7 : i32
        %shift_right_arithmetic3A_840 = vector.broadcast %shift_right_arithmetic3A_839 : i32 to vector<16xi32>
        %shift_right_arithmetic3A_841 = arith.shrsi %and3A_838, %shift_right_arithmetic3A_840 : vector<16xi32>
        %shift_left3A_842 = arith.constant 8 : i32
        %shift_left3A_843 = vector.broadcast %shift_left3A_842 : i32 to vector<16xi32>
        %shift_left3A_844 = arith.shli %shift_right_arithmetic3A_841, %shift_left3A_843 : vector<16xi32>
        %and3A_845 = arith.constant 127 : i32
        %and3A_846 = vector.broadcast %and3A_845 : i32 to vector<16xi32>
        %and3A_847 = arith.andi %and3A_838, %and3A_846 : vector<16xi32>
        %or3A_848 = arith.ori %shift_left3A_844, %and3A_847 : vector<16xi32>
        %add3A_849 = arith.constant 9437184 : i32
        %add3A_850 = vector.broadcast %add3A_849 : i32 to vector<16xi32>
        %add3A_851 = arith.addi %or3A_848, %add3A_850 : vector<16xi32>
        %add3A_852 = arith.constant 72 : i32
        %add3A_853 = arith.addi %add3A_852, %shift_right_arithmetic3A_357 : i32
        %swap3A_854 = arith.index_cast %add3A_853 : i32 to index
        %swap3A_855 = arith.index_cast %mul3A_361 : i32 to index
        %swap3A_856 = tpu.vector_load %arg10[%swap3A_854, %swap3A_855] {strides = array<i32>} : memref<128x128xi32, #tpu.memory_space<vmem>>, vector<16xi32>,
        tpu.vector_store %arg10[%swap3A_854, %swap3A_855], %add3A_851 {strides = array<i32>} : memref<128x128xi32, #tpu.memory_space<vmem>>, vector<16xi32>,
        %mul3A_857 = arith.constant 4.060000e+02 : f32
        %mul3A_858 = vector.broadcast %mul3A_857 : f32 to vector<16xf32>
        %mul3A_859 = arith.mulf %max3A_345, %mul3A_858 : vector<16xf32>
        %convert_element_type3A_860 = arith.fptosi %mul3A_859 : vector<16xf32> to vector<16xi32>
        %min3A_861 = arith.constant 405 : i32
        %min3A_862 = vector.broadcast %min3A_861 : i32 to vector<16xi32>
        %min3A_863 = arith.minsi %convert_element_type3A_860, %min3A_862 : vector<16xi32>
        %mul3A_864 = arith.constant 4.060000e+02 : f32
        %mul3A_865 = vector.broadcast %mul3A_864 : f32 to vector<16xf32>
        %mul3A_866 = arith.mulf %max3A_350, %mul3A_865 : vector<16xf32>
        %convert_element_type3A_867 = arith.fptosi %mul3A_866 : vector<16xf32> to vector<16xi32>
        %min3A_868 = arith.constant 405 : i32
        %min3A_869 = vector.broadcast %min3A_868 : i32 to vector<16xi32>
        %min3A_870 = arith.minsi %convert_element_type3A_867, %min3A_869 : vector<16xi32>
        %mul3A_871 = arith.constant 4.060000e+02 : f32
        %mul3A_872 = vector.broadcast %mul3A_871 : f32 to vector<16xf32>
        %mul3A_873 = arith.mulf %max3A_355, %mul3A_872 : vector<16xf32>
        %convert_element_type3A_874 = arith.fptosi %mul3A_873 : vector<16xf32> to vector<16xi32>
        %min3A_875 = arith.constant 405 : i32
        %min3A_876 = vector.broadcast %min3A_875 : i32 to vector<16xi32>
        %min3A_877 = arith.minsi %convert_element_type3A_874, %min3A_876 : vector<16xi32>
        %mul3A_878 = arith.constant -1640531535 : i32
        %mul3A_879 = vector.broadcast %mul3A_878 : i32 to vector<16xi32>
        %mul3A_880 = arith.muli %min3A_870, %mul3A_879 : vector<16xi32>
        %add3A_881 = arith.addi %min3A_863, %mul3A_880 : vector<16xi32>
        %mul3A_882 = arith.constant 805459861 : i32
        %mul3A_883 = vector.broadcast %mul3A_882 : i32 to vector<16xi32>
        %mul3A_884 = arith.muli %min3A_877, %mul3A_883 : vector<16xi32>
        %add3A_885 = arith.addi %add3A_881, %mul3A_884 : vector<16xi32>
        %and3A_886 = arith.constant 524287 : i32
        %and3A_887 = vector.broadcast %and3A_886 : i32 to vector<16xi32>
        %and3A_888 = arith.andi %add3A_885, %and3A_887 : vector<16xi32>
        %shift_right_arithmetic3A_889 = arith.constant 7 : i32
        %shift_right_arithmetic3A_890 = vector.broadcast %shift_right_arithmetic3A_889 : i32 to vector<16xi32>
        %shift_right_arithmetic3A_891 = arith.shrsi %and3A_888, %shift_right_arithmetic3A_890 : vector<16xi32>
        %shift_left3A_892 = arith.constant 8 : i32
        %shift_left3A_893 = vector.broadcast %shift_left3A_892 : i32 to vector<16xi32>
        %shift_left3A_894 = arith.shli %shift_right_arithmetic3A_891, %shift_left3A_893 : vector<16xi32>
        %and3A_895 = arith.constant 127 : i32
        %and3A_896 = vector.broadcast %and3A_895 : i32 to vector<16xi32>
        %and3A_897 = arith.andi %and3A_888, %and3A_896 : vector<16xi32>
        %or3A_898 = arith.ori %shift_left3A_894, %and3A_897 : vector<16xi32>
        %add3A_899 = arith.constant 10485760 : i32
        %add3A_900 = vector.broadcast %add3A_899 : i32 to vector<16xi32>
        %add3A_901 = arith.addi %or3A_898, %add3A_900 : vector<16xi32>
        %add3A_902 = arith.constant 80 : i32
        %add3A_903 = arith.addi %add3A_902, %shift_right_arithmetic3A_357 : i32
        %swap3A_904 = arith.index_cast %add3A_903 : i32 to index
        %swap3A_905 = arith.index_cast %mul3A_361 : i32 to index
        %swap3A_906 = tpu.vector_load %arg10[%swap3A_904, %swap3A_905] {strides = array<i32>} : memref<128x128xi32, #tpu.memory_space<vmem>>, vector<16xi32>,
        tpu.vector_store %arg10[%swap3A_904, %swap3A_905], %add3A_901 {strides = array<i32>} : memref<128x128xi32, #tpu.memory_space<vmem>>, vector<16xi32>,
        %mul3A_907 = arith.constant 5.610000e+02 : f32
        %mul3A_908 = vector.broadcast %mul3A_907 : f32 to vector<16xf32>
        %mul3A_909 = arith.mulf %max3A_345, %mul3A_908 : vector<16xf32>
        %convert_element_type3A_910 = arith.fptosi %mul3A_909 : vector<16xf32> to vector<16xi32>
        %min3A_911 = arith.constant 560 : i32
        %min3A_912 = vector.broadcast %min3A_911 : i32 to vector<16xi32>
        %min3A_913 = arith.minsi %convert_element_type3A_910, %min3A_912 : vector<16xi32>
        %mul3A_914 = arith.constant 5.610000e+02 : f32
        %mul3A_915 = vector.broadcast %mul3A_914 : f32 to vector<16xf32>
        %mul3A_916 = arith.mulf %max3A_350, %mul3A_915 : vector<16xf32>
        %convert_element_type3A_917 = arith.fptosi %mul3A_916 : vector<16xf32> to vector<16xi32>
        %min3A_918 = arith.constant 560 : i32
        %min3A_919 = vector.broadcast %min3A_918 : i32 to vector<16xi32>
        %min3A_920 = arith.minsi %convert_element_type3A_917, %min3A_919 : vector<16xi32>
        %mul3A_921 = arith.constant 5.610000e+02 : f32
        %mul3A_922 = vector.broadcast %mul3A_921 : f32 to vector<16xf32>
        %mul3A_923 = arith.mulf %max3A_355, %mul3A_922 : vector<16xf32>
        %convert_element_type3A_924 = arith.fptosi %mul3A_923 : vector<16xf32> to vector<16xi32>
        %min3A_925 = arith.constant 560 : i32
        %min3A_926 = vector.broadcast %min3A_925 : i32 to vector<16xi32>
        %min3A_927 = arith.minsi %convert_element_type3A_924, %min3A_926 : vector<16xi32>
        %mul3A_928 = arith.constant -1640531535 : i32
        %mul3A_929 = vector.broadcast %mul3A_928 : i32 to vector<16xi32>
        %mul3A_930 = arith.muli %min3A_920, %mul3A_929 : vector<16xi32>
        %add3A_931 = arith.addi %min3A_913, %mul3A_930 : vector<16xi32>
        %mul3A_932 = arith.constant 805459861 : i32
        %mul3A_933 = vector.broadcast %mul3A_932 : i32 to vector<16xi32>
        %mul3A_934 = arith.muli %min3A_927, %mul3A_933 : vector<16xi32>
        %add3A_935 = arith.addi %add3A_931, %mul3A_934 : vector<16xi32>
        %and3A_936 = arith.constant 524287 : i32
        %and3A_937 = vector.broadcast %and3A_936 : i32 to vector<16xi32>
        %and3A_938 = arith.andi %add3A_935, %and3A_937 : vector<16xi32>
        %shift_right_arithmetic3A_939 = arith.constant 7 : i32
        %shift_right_arithmetic3A_940 = vector.broadcast %shift_right_arithmetic3A_939 : i32 to vector<16xi32>
        %shift_right_arithmetic3A_941 = arith.shrsi %and3A_938, %shift_right_arithmetic3A_940 : vector<16xi32>
        %shift_left3A_942 = arith.constant 8 : i32
        %shift_left3A_943 = vector.broadcast %shift_left3A_942 : i32 to vector<16xi32>
        %shift_left3A_944 = arith.shli %shift_right_arithmetic3A_941, %shift_left3A_943 : vector<16xi32>
        %and3A_945 = arith.constant 127 : i32
        %and3A_946 = vector.broadcast %and3A_945 : i32 to vector<16xi32>
        %and3A_947 = arith.andi %and3A_938, %and3A_946 : vector<16xi32>
        %or3A_948 = arith.ori %shift_left3A_944, %and3A_947 : vector<16xi32>
        %add3A_949 = arith.constant 11534336 : i32
        %add3A_950 = vector.broadcast %add3A_949 : i32 to vector<16xi32>
        %add3A_951 = arith.addi %or3A_948, %add3A_950 : vector<16xi32>
        %add3A_952 = arith.constant 88 : i32
        %add3A_953 = arith.addi %add3A_952, %shift_right_arithmetic3A_357 : i32
        %swap3A_954 = arith.index_cast %add3A_953 : i32 to index
        %swap3A_955 = arith.index_cast %mul3A_361 : i32 to index
        %swap3A_956 = tpu.vector_load %arg10[%swap3A_954, %swap3A_955] {strides = array<i32>} : memref<128x128xi32, #tpu.memory_space<vmem>>, vector<16xi32>,
        tpu.vector_store %arg10[%swap3A_954, %swap3A_955], %add3A_951 {strides = array<i32>} : memref<128x128xi32, #tpu.memory_space<vmem>>, vector<16xi32>,
        %mul3A_957 = arith.constant 7.760000e+02 : f32
        %mul3A_958 = vector.broadcast %mul3A_957 : f32 to vector<16xf32>
        %mul3A_959 = arith.mulf %max3A_345, %mul3A_958 : vector<16xf32>
        %convert_element_type3A_960 = arith.fptosi %mul3A_959 : vector<16xf32> to vector<16xi32>
        %min3A_961 = arith.constant 775 : i32
        %min3A_962 = vector.broadcast %min3A_961 : i32 to vector<16xi32>
        %min3A_963 = arith.minsi %convert_element_type3A_960, %min3A_962 : vector<16xi32>
        %mul3A_964 = arith.constant 7.760000e+02 : f32
        %mul3A_965 = vector.broadcast %mul3A_964 : f32 to vector<16xf32>
        %mul3A_966 = arith.mulf %max3A_350, %mul3A_965 : vector<16xf32>
        %convert_element_type3A_967 = arith.fptosi %mul3A_966 : vector<16xf32> to vector<16xi32>
        %min3A_968 = arith.constant 775 : i32
        %min3A_969 = vector.broadcast %min3A_968 : i32 to vector<16xi32>
        %min3A_970 = arith.minsi %convert_element_type3A_967, %min3A_969 : vector<16xi32>
        %mul3A_971 = arith.constant 7.760000e+02 : f32
        %mul3A_972 = vector.broadcast %mul3A_971 : f32 to vector<16xf32>
        %mul3A_973 = arith.mulf %max3A_355, %mul3A_972 : vector<16xf32>
        %convert_element_type3A_974 = arith.fptosi %mul3A_973 : vector<16xf32> to vector<16xi32>
        %min3A_975 = arith.constant 775 : i32
        %min3A_976 = vector.broadcast %min3A_975 : i32 to vector<16xi32>
        %min3A_977 = arith.minsi %convert_element_type3A_974, %min3A_976 : vector<16xi32>
        %mul3A_978 = arith.constant -1640531535 : i32
        %mul3A_979 = vector.broadcast %mul3A_978 : i32 to vector<16xi32>
        %mul3A_980 = arith.muli %min3A_970, %mul3A_979 : vector<16xi32>
        %add3A_981 = arith.addi %min3A_963, %mul3A_980 : vector<16xi32>
        %mul3A_982 = arith.constant 805459861 : i32
        %mul3A_983 = vector.broadcast %mul3A_982 : i32 to vector<16xi32>
        %mul3A_984 = arith.muli %min3A_977, %mul3A_983 : vector<16xi32>
        %add3A_985 = arith.addi %add3A_981, %mul3A_984 : vector<16xi32>
        %and3A_986 = arith.constant 524287 : i32
        %and3A_987 = vector.broadcast %and3A_986 : i32 to vector<16xi32>
        %and3A_988 = arith.andi %add3A_985, %and3A_987 : vector<16xi32>
        %shift_right_arithmetic3A_989 = arith.constant 7 : i32
        %shift_right_arithmetic3A_990 = vector.broadcast %shift_right_arithmetic3A_989 : i32 to vector<16xi32>
        %shift_right_arithmetic3A_991 = arith.shrsi %and3A_988, %shift_right_arithmetic3A_990 : vector<16xi32>
        %shift_left3A_992 = arith.constant 8 : i32
        %shift_left3A_993 = vector.broadcast %shift_left3A_992 : i32 to vector<16xi32>
        %shift_left3A_994 = arith.shli %shift_right_arithmetic3A_991, %shift_left3A_993 : vector<16xi32>
        %and3A_995 = arith.constant 127 : i32
        %and3A_996 = vector.broadcast %and3A_995 : i32 to vector<16xi32>
        %and3A_997 = arith.andi %and3A_988, %and3A_996 : vector<16xi32>
        %or3A_998 = arith.ori %shift_left3A_994, %and3A_997 : vector<16xi32>
        %add3A_999 = arith.constant 12582912 : i32
        %add3A_1000 = vector.broadcast %add3A_999 : i32 to vector<16xi32>
        %add3A_1001 = arith.addi %or3A_998, %add3A_1000 : vector<16xi32>
        %add3A_1002 = arith.constant 96 : i32
        %add3A_1003 = arith.addi %add3A_1002, %shift_right_arithmetic3A_357 : i32
        %swap3A_1004 = arith.index_cast %add3A_1003 : i32 to index
        %swap3A_1005 = arith.index_cast %mul3A_361 : i32 to index
        %swap3A_1006 = tpu.vector_load %arg10[%swap3A_1004, %swap3A_1005] {strides = array<i32>} : memref<128x128xi32, #tpu.memory_space<vmem>>, vector<16xi32>,
        tpu.vector_store %arg10[%swap3A_1004, %swap3A_1005], %add3A_1001 {strides = array<i32>} : memref<128x128xi32, #tpu.memory_space<vmem>>, vector<16xi32>,
        %mul3A_1007 = arith.constant 1.072000e+03 : f32
        %mul3A_1008 = vector.broadcast %mul3A_1007 : f32 to vector<16xf32>
        %mul3A_1009 = arith.mulf %max3A_345, %mul3A_1008 : vector<16xf32>
        %convert_element_type3A_1010 = arith.fptosi %mul3A_1009 : vector<16xf32> to vector<16xi32>
        %min3A_1011 = arith.constant 1071 : i32
        %min3A_1012 = vector.broadcast %min3A_1011 : i32 to vector<16xi32>
        %min3A_1013 = arith.minsi %convert_element_type3A_1010, %min3A_1012 : vector<16xi32>
        %mul3A_1014 = arith.constant 1.072000e+03 : f32
        %mul3A_1015 = vector.broadcast %mul3A_1014 : f32 to vector<16xf32>
        %mul3A_1016 = arith.mulf %max3A_350, %mul3A_1015 : vector<16xf32>
        %convert_element_type3A_1017 = arith.fptosi %mul3A_1016 : vector<16xf32> to vector<16xi32>
        %min3A_1018 = arith.constant 1071 : i32
        %min3A_1019 = vector.broadcast %min3A_1018 : i32 to vector<16xi32>
        %min3A_1020 = arith.minsi %convert_element_type3A_1017, %min3A_1019 : vector<16xi32>
        %mul3A_1021 = arith.constant 1.072000e+03 : f32
        %mul3A_1022 = vector.broadcast %mul3A_1021 : f32 to vector<16xf32>
        %mul3A_1023 = arith.mulf %max3A_355, %mul3A_1022 : vector<16xf32>
        %convert_element_type3A_1024 = arith.fptosi %mul3A_1023 : vector<16xf32> to vector<16xi32>
        %min3A_1025 = arith.constant 1071 : i32
        %min3A_1026 = vector.broadcast %min3A_1025 : i32 to vector<16xi32>
        %min3A_1027 = arith.minsi %convert_element_type3A_1024, %min3A_1026 : vector<16xi32>
        %mul3A_1028 = arith.constant -1640531535 : i32
        %mul3A_1029 = vector.broadcast %mul3A_1028 : i32 to vector<16xi32>
        %mul3A_1030 = arith.muli %min3A_1020, %mul3A_1029 : vector<16xi32>
        %add3A_1031 = arith.addi %min3A_1013, %mul3A_1030 : vector<16xi32>
        %mul3A_1032 = arith.constant 805459861 : i32
        %mul3A_1033 = vector.broadcast %mul3A_1032 : i32 to vector<16xi32>
        %mul3A_1034 = arith.muli %min3A_1027, %mul3A_1033 : vector<16xi32>
        %add3A_1035 = arith.addi %add3A_1031, %mul3A_1034 : vector<16xi32>
        %and3A_1036 = arith.constant 524287 : i32
        %and3A_1037 = vector.broadcast %and3A_1036 : i32 to vector<16xi32>
        %and3A_1038 = arith.andi %add3A_1035, %and3A_1037 : vector<16xi32>
        %shift_right_arithmetic3A_1039 = arith.constant 7 : i32
        %shift_right_arithmetic3A_1040 = vector.broadcast %shift_right_arithmetic3A_1039 : i32 to vector<16xi32>
        %shift_right_arithmetic3A_1041 = arith.shrsi %and3A_1038, %shift_right_arithmetic3A_1040 : vector<16xi32>
        %shift_left3A_1042 = arith.constant 8 : i32
        %shift_left3A_1043 = vector.broadcast %shift_left3A_1042 : i32 to vector<16xi32>
        %shift_left3A_1044 = arith.shli %shift_right_arithmetic3A_1041, %shift_left3A_1043 : vector<16xi32>
        %and3A_1045 = arith.constant 127 : i32
        %and3A_1046 = vector.broadcast %and3A_1045 : i32 to vector<16xi32>
        %and3A_1047 = arith.andi %and3A_1038, %and3A_1046 : vector<16xi32>
        %or3A_1048 = arith.ori %shift_left3A_1044, %and3A_1047 : vector<16xi32>
        %add3A_1049 = arith.constant 13631488 : i32
        %add3A_1050 = vector.broadcast %add3A_1049 : i32 to vector<16xi32>
        %add3A_1051 = arith.addi %or3A_1048, %add3A_1050 : vector<16xi32>
        %add3A_1052 = arith.constant 104 : i32
        %add3A_1053 = arith.addi %add3A_1052, %shift_right_arithmetic3A_357 : i32
        %swap3A_1054 = arith.index_cast %add3A_1053 : i32 to index
        %swap3A_1055 = arith.index_cast %mul3A_361 : i32 to index
        %swap3A_1056 = tpu.vector_load %arg10[%swap3A_1054, %swap3A_1055] {strides = array<i32>} : memref<128x128xi32, #tpu.memory_space<vmem>>, vector<16xi32>,
        tpu.vector_store %arg10[%swap3A_1054, %swap3A_1055], %add3A_1051 {strides = array<i32>} : memref<128x128xi32, #tpu.memory_space<vmem>>, vector<16xi32>,
        %mul3A_1057 = arith.constant 1.482000e+03 : f32
        %mul3A_1058 = vector.broadcast %mul3A_1057 : f32 to vector<16xf32>
        %mul3A_1059 = arith.mulf %max3A_345, %mul3A_1058 : vector<16xf32>
        %convert_element_type3A_1060 = arith.fptosi %mul3A_1059 : vector<16xf32> to vector<16xi32>
        %min3A_1061 = arith.constant 1481 : i32
        %min3A_1062 = vector.broadcast %min3A_1061 : i32 to vector<16xi32>
        %min3A_1063 = arith.minsi %convert_element_type3A_1060, %min3A_1062 : vector<16xi32>
        %mul3A_1064 = arith.constant 1.482000e+03 : f32
        %mul3A_1065 = vector.broadcast %mul3A_1064 : f32 to vector<16xf32>
        %mul3A_1066 = arith.mulf %max3A_350, %mul3A_1065 : vector<16xf32>
        %convert_element_type3A_1067 = arith.fptosi %mul3A_1066 : vector<16xf32> to vector<16xi32>
        %min3A_1068 = arith.constant 1481 : i32
        %min3A_1069 = vector.broadcast %min3A_1068 : i32 to vector<16xi32>
        %min3A_1070 = arith.minsi %convert_element_type3A_1067, %min3A_1069 : vector<16xi32>
        %mul3A_1071 = arith.constant 1.482000e+03 : f32
        %mul3A_1072 = vector.broadcast %mul3A_1071 : f32 to vector<16xf32>
        %mul3A_1073 = arith.mulf %max3A_355, %mul3A_1072 : vector<16xf32>
        %convert_element_type3A_1074 = arith.fptosi %mul3A_1073 : vector<16xf32> to vector<16xi32>
        %min3A_1075 = arith.constant 1481 : i32
        %min3A_1076 = vector.broadcast %min3A_1075 : i32 to vector<16xi32>
        %min3A_1077 = arith.minsi %convert_element_type3A_1074, %min3A_1076 : vector<16xi32>
        %mul3A_1078 = arith.constant -1640531535 : i32
        %mul3A_1079 = vector.broadcast %mul3A_1078 : i32 to vector<16xi32>
        %mul3A_1080 = arith.muli %min3A_1070, %mul3A_1079 : vector<16xi32>
        %add3A_1081 = arith.addi %min3A_1063, %mul3A_1080 : vector<16xi32>
        %mul3A_1082 = arith.constant 805459861 : i32
        %mul3A_1083 = vector.broadcast %mul3A_1082 : i32 to vector<16xi32>
        %mul3A_1084 = arith.muli %min3A_1077, %mul3A_1083 : vector<16xi32>
        %add3A_1085 = arith.addi %add3A_1081, %mul3A_1084 : vector<16xi32>
        %and3A_1086 = arith.constant 524287 : i32
        %and3A_1087 = vector.broadcast %and3A_1086 : i32 to vector<16xi32>
        %and3A_1088 = arith.andi %add3A_1085, %and3A_1087 : vector<16xi32>
        %shift_right_arithmetic3A_1089 = arith.constant 7 : i32
        %shift_right_arithmetic3A_1090 = vector.broadcast %shift_right_arithmetic3A_1089 : i32 to vector<16xi32>
        %shift_right_arithmetic3A_1091 = arith.shrsi %and3A_1088, %shift_right_arithmetic3A_1090 : vector<16xi32>
        %shift_left3A_1092 = arith.constant 8 : i32
        %shift_left3A_1093 = vector.broadcast %shift_left3A_1092 : i32 to vector<16xi32>
        %shift_left3A_1094 = arith.shli %shift_right_arithmetic3A_1091, %shift_left3A_1093 : vector<16xi32>
        %and3A_1095 = arith.constant 127 : i32
        %and3A_1096 = vector.broadcast %and3A_1095 : i32 to vector<16xi32>
        %and3A_1097 = arith.andi %and3A_1088, %and3A_1096 : vector<16xi32>
        %or3A_1098 = arith.ori %shift_left3A_1094, %and3A_1097 : vector<16xi32>
        %add3A_1099 = arith.constant 14680064 : i32
        %add3A_1100 = vector.broadcast %add3A_1099 : i32 to vector<16xi32>
        %add3A_1101 = arith.addi %or3A_1098, %add3A_1100 : vector<16xi32>
        %add3A_1102 = arith.constant 112 : i32
        %add3A_1103 = arith.addi %add3A_1102, %shift_right_arithmetic3A_357 : i32
        %swap3A_1104 = arith.index_cast %add3A_1103 : i32 to index
        %swap3A_1105 = arith.index_cast %mul3A_361 : i32 to index
        %swap3A_1106 = tpu.vector_load %arg10[%swap3A_1104, %swap3A_1105] {strides = array<i32>} : memref<128x128xi32, #tpu.memory_space<vmem>>, vector<16xi32>,
        tpu.vector_store %arg10[%swap3A_1104, %swap3A_1105], %add3A_1101 {strides = array<i32>} : memref<128x128xi32, #tpu.memory_space<vmem>>, vector<16xi32>,
        %mul3A_1107 = arith.constant 2.047000e+03 : f32
        %mul3A_1108 = vector.broadcast %mul3A_1107 : f32 to vector<16xf32>
        %mul3A_1109 = arith.mulf %max3A_345, %mul3A_1108 : vector<16xf32>
        %convert_element_type3A_1110 = arith.fptosi %mul3A_1109 : vector<16xf32> to vector<16xi32>
        %min3A_1111 = arith.constant 2046 : i32
        %min3A_1112 = vector.broadcast %min3A_1111 : i32 to vector<16xi32>
        %min3A_1113 = arith.minsi %convert_element_type3A_1110, %min3A_1112 : vector<16xi32>
        %mul3A_1114 = arith.constant 2.047000e+03 : f32
        %mul3A_1115 = vector.broadcast %mul3A_1114 : f32 to vector<16xf32>
        %mul3A_1116 = arith.mulf %max3A_350, %mul3A_1115 : vector<16xf32>
        %convert_element_type3A_1117 = arith.fptosi %mul3A_1116 : vector<16xf32> to vector<16xi32>
        %min3A_1118 = arith.constant 2046 : i32
        %min3A_1119 = vector.broadcast %min3A_1118 : i32 to vector<16xi32>
        %min3A_1120 = arith.minsi %convert_element_type3A_1117, %min3A_1119 : vector<16xi32>
        %mul3A_1121 = arith.constant 2.047000e+03 : f32
        %mul3A_1122 = vector.broadcast %mul3A_1121 : f32 to vector<16xf32>
        %mul3A_1123 = arith.mulf %max3A_355, %mul3A_1122 : vector<16xf32>
        %convert_element_type3A_1124 = arith.fptosi %mul3A_1123 : vector<16xf32> to vector<16xi32>
        %min3A_1125 = arith.constant 2046 : i32
        %min3A_1126 = vector.broadcast %min3A_1125 : i32 to vector<16xi32>
        %min3A_1127 = arith.minsi %convert_element_type3A_1124, %min3A_1126 : vector<16xi32>
        %mul3A_1128 = arith.constant -1640531535 : i32
        %mul3A_1129 = vector.broadcast %mul3A_1128 : i32 to vector<16xi32>
        %mul3A_1130 = arith.muli %min3A_1120, %mul3A_1129 : vector<16xi32>
        %add3A_1131 = arith.addi %min3A_1113, %mul3A_1130 : vector<16xi32>
        %mul3A_1132 = arith.constant 805459861 : i32
        %mul3A_1133 = vector.broadcast %mul3A_1132 : i32 to vector<16xi32>
        %mul3A_1134 = arith.muli %min3A_1127, %mul3A_1133 : vector<16xi32>
        %add3A_1135 = arith.addi %add3A_1131, %mul3A_1134 : vector<16xi32>
        %and3A_1136 = arith.constant 524287 : i32
        %and3A_1137 = vector.broadcast %and3A_1136 : i32 to vector<16xi32>
        %and3A_1138 = arith.andi %add3A_1135, %and3A_1137 : vector<16xi32>
        %shift_right_arithmetic3A_1139 = arith.constant 7 : i32
        %shift_right_arithmetic3A_1140 = vector.broadcast %shift_right_arithmetic3A_1139 : i32 to vector<16xi32>
        %shift_right_arithmetic3A_1141 = arith.shrsi %and3A_1138, %shift_right_arithmetic3A_1140 : vector<16xi32>
        %shift_left3A_1142 = arith.constant 8 : i32
        %shift_left3A_1143 = vector.broadcast %shift_left3A_1142 : i32 to vector<16xi32>
        %shift_left3A_1144 = arith.shli %shift_right_arithmetic3A_1141, %shift_left3A_1143 : vector<16xi32>
        %and3A_1145 = arith.constant 127 : i32
        %and3A_1146 = vector.broadcast %and3A_1145 : i32 to vector<16xi32>
        %and3A_1147 = arith.andi %and3A_1138, %and3A_1146 : vector<16xi32>
        %or3A_1148 = arith.ori %shift_left3A_1144, %and3A_1147 : vector<16xi32>
        %add3A_1149 = arith.constant 15728640 : i32
        %add3A_1150 = vector.broadcast %add3A_1149 : i32 to vector<16xi32>
        %add3A_1151 = arith.addi %or3A_1148, %add3A_1150 : vector<16xi32>
        %add3A_1152 = arith.constant 120 : i32
        %add3A_1153 = arith.addi %add3A_1152, %shift_right_arithmetic3A_357 : i32
        %swap3A_1154 = arith.index_cast %add3A_1153 : i32 to index
        %swap3A_1155 = arith.index_cast %mul3A_361 : i32 to index
        %swap3A_1156 = tpu.vector_load %arg10[%swap3A_1154, %swap3A_1155] {strides = array<i32>} : memref<128x128xi32, #tpu.memory_space<vmem>>, vector<16xi32>,
        tpu.vector_store %arg10[%swap3A_1154, %swap3A_1155], %add3A_1151 {strides = array<i32>} : memref<128x128xi32, #tpu.memory_space<vmem>>, vector<16xi32>,
      }
      %scan3A_21 = arith.constant 64 : i32
      %scan3A_22 = arith.constant 0 : i32
      %scan3A_23 = arith.constant 0 : i32
      %scan3A_24 = arith.constant 1024 : i32
      %scan3A_25 = arith.addi %scan3A_23, %scan3A_24 : i32
      %scan3A_26 = arith.constant 1 : i32
      scf.for %scan3A_340 = %scan3A_23 to %scan3A_25 step %scan3A_26  : i32 {
        %shift_right_arithmetic3A_341 = arith.constant 3 : i32
        %shift_right_arithmetic3A_342 = arith.shrsi %scan3A_340, %shift_right_arithmetic3A_341 : i32
        %and3A_343 = arith.constant 7 : i32
        %and3A_344 = arith.andi %scan3A_340, %and3A_343 : i32
        %mul3A_345 = arith.constant 16 : i32
        %mul3A_346 = arith.muli %and3A_344, %mul3A_345 : i32
        %get3A = arith.index_cast %shift_right_arithmetic3A_342 : i32 to index
        %get3A_347 = arith.index_cast %mul3A_346 : i32 to index
        %get3A_348 = tpu.vector_load %arg10[%get3A, %get3A_347] {strides = array<i32>} : memref<128x128xi32, #tpu.memory_space<vmem>>, vector<16xi32>,
        %shift_right_arithmetic3A_349 = arith.constant 3 : i32
        %shift_right_arithmetic3A_350 = vector.broadcast %shift_right_arithmetic3A_349 : i32 to vector<16xi32>
        %shift_right_arithmetic3A_351 = arith.shrsi %get3A_348, %shift_right_arithmetic3A_350 : vector<16xi32>
        %swap3A = arith.index_cast %shift_right_arithmetic3A_342 : i32 to index
        %swap3A_352 = arith.index_cast %mul3A_346 : i32 to index
        %swap3A_353 = tpu.vector_load %arg11[%swap3A, %swap3A_352] {strides = array<i32>} : memref<128x128xi32, #tpu.memory_space<vmem>>, vector<16xi32>,
        tpu.vector_store %arg11[%swap3A, %swap3A_352], %shift_right_arithmetic3A_351 {strides = array<i32>} : memref<128x128xi32, #tpu.memory_space<vmem>>, vector<16xi32>,
        %add3A_354 = arith.constant 16 : i32
        %add3A_355 = vector.broadcast %add3A_354 : i32 to vector<16xi32>
        %add3A_356 = arith.addi %shift_right_arithmetic3A_351, %add3A_355 : vector<16xi32>
        %swap3A_357 = arith.index_cast %shift_right_arithmetic3A_342 : i32 to index
        %swap3A_358 = arith.index_cast %mul3A_346 : i32 to index
        %swap3A_359 = tpu.vector_load %arg12[%swap3A_357, %swap3A_358] {strides = array<i32>} : memref<128x128xi32, #tpu.memory_space<vmem>>, vector<16xi32>,
        tpu.vector_store %arg12[%swap3A_357, %swap3A_358], %add3A_356 {strides = array<i32>} : memref<128x128xi32, #tpu.memory_space<vmem>>, vector<16xi32>,
      }
      %scan3A_27 = arith.constant 1024 : i32
      %scan3A_28 = arith.constant 0 : i32
      %scan3A_29 = arith.constant 0 : i32
      %scan3A_30 = arith.constant 8 : i32
      %scan3A_31 = arith.addi %scan3A_29, %scan3A_30 : i32
      %scan3A_32 = arith.constant 1 : i32
      scf.for %scan3A_340 = %scan3A_29 to %scan3A_31 step %scan3A_32  : i32 {
        %add3A_341 = arith.constant 0 : i32
        %add3A_342 = arith.addi %add3A_341, %scan3A_340 : i32
        %dma_start3A = arith.constant 0 : i32
        %dma_start3A_343 = arith.constant 0 : i32
        %dma_start3A_344 = arith.constant 0 : i32
        %dma_start3A_345 = arith.constant 0 : i32
        %dma_start3A_346 = tpu.memref_slice %arg13[%dma_start3A, %dma_start3A_343, %scan3A_340, %dma_start3A_344, %dma_start3A_345] : memref<2x2x8x128x8xf32, #tpu.memory_space<vmem>> -> memref<1x1x1x128x8xf32, #tpu.memory_space<vmem>>
        %dma_start3A_347 = tpu.memref_squeeze %dma_start3A_346 : memref<1x1x1x128x8xf32, #tpu.memory_space<vmem>> -> memref<128x8xf32, #tpu.memory_space<vmem>>
        %dma_start3A_348 = arith.constant 0 : i32
        %dma_start3A_349 = tpu.memref_slice %arg11[%add3A_342, %dma_start3A_348] : memref<128x128xi32, #tpu.memory_space<vmem>> -> memref<1x128xi32, #tpu.memory_space<vmem>>
        %dma_start3A_350 = tpu.memref_squeeze %dma_start3A_349 : memref<1x128xi32, #tpu.memory_space<vmem>> -> memref<128xi32, #tpu.memory_space<vmem>>
        %dma_start3A_351 = arith.constant 0 : i32
        %dma_start3A_352 = arith.constant 0 : i32
        %dma_start3A_353 = tpu.memref_slice %arg5[%dma_start3A_351, %dma_start3A_352] : memref<2097152x8xf32, #tpu.memory_space<hbm>> -> memref<2097152x8xf32, #tpu.memory_space<hbm>>
        tpu.enqueue_indirect_dma source(%dma_start3A_353 : memref<2097152x8xf32, #tpu.memory_space<hbm>>) target(%dma_start3A_347 : memref<128x8xf32, #tpu.memory_space<vmem>>) offsets(%dma_start3A_350 : memref<128xi32, #tpu.memory_space<vmem>>) semaphore(%arg15 : memref<!tpu.dma_semaphore, #tpu.memory_space<semaphore_mem>>)
        %dma_start3A_354 = arith.constant 0 : i32
        %dma_start3A_355 = arith.constant 1 : i32
        %dma_start3A_356 = arith.constant 0 : i32
        %dma_start3A_357 = arith.constant 0 : i32
        %dma_start3A_358 = tpu.memref_slice %arg13[%dma_start3A_354, %dma_start3A_355, %scan3A_340, %dma_start3A_356, %dma_start3A_357] : memref<2x2x8x128x8xf32, #tpu.memory_space<vmem>> -> memref<1x1x1x128x8xf32, #tpu.memory_space<vmem>>
        %dma_start3A_359 = tpu.memref_squeeze %dma_start3A_358 : memref<1x1x1x128x8xf32, #tpu.memory_space<vmem>> -> memref<128x8xf32, #tpu.memory_space<vmem>>
        %dma_start3A_360 = arith.constant 0 : i32
        %dma_start3A_361 = tpu.memref_slice %arg12[%add3A_342, %dma_start3A_360] : memref<128x128xi32, #tpu.memory_space<vmem>> -> memref<1x128xi32, #tpu.memory_space<vmem>>
        %dma_start3A_362 = tpu.memref_squeeze %dma_start3A_361 : memref<1x128xi32, #tpu.memory_space<vmem>> -> memref<128xi32, #tpu.memory_space<vmem>>
        %dma_start3A_363 = arith.constant 0 : i32
        %dma_start3A_364 = arith.constant 0 : i32
        %dma_start3A_365 = tpu.memref_slice %arg5[%dma_start3A_363, %dma_start3A_364] : memref<2097152x8xf32, #tpu.memory_space<hbm>> -> memref<2097152x8xf32, #tpu.memory_space<hbm>>
        tpu.enqueue_indirect_dma source(%dma_start3A_365 : memref<2097152x8xf32, #tpu.memory_space<hbm>>) target(%dma_start3A_359 : memref<128x8xf32, #tpu.memory_space<vmem>>) offsets(%dma_start3A_362 : memref<128xi32, #tpu.memory_space<vmem>>) semaphore(%arg15 : memref<!tpu.dma_semaphore, #tpu.memory_space<semaphore_mem>>)
      }
      %scan3A_33 = arith.constant 8 : i32
      %scan3A_34 = arith.constant 0 : i32
      %scan3A_35 = arith.constant 0 : i32
      %scan3A_36 = arith.constant 8 : i32
      %scan3A_37 = arith.addi %scan3A_35, %scan3A_36 : i32
      %scan3A_38 = arith.constant 1 : i32
      scf.for %scan3A_340 = %scan3A_35 to %scan3A_37 step %scan3A_38  : i32 {
        %add3A_341 = arith.constant 8 : i32
        %add3A_342 = arith.addi %add3A_341, %scan3A_340 : i32
        %dma_start3A = arith.constant 1 : i32
        %dma_start3A_343 = arith.constant 0 : i32
        %dma_start3A_344 = arith.constant 0 : i32
        %dma_start3A_345 = arith.constant 0 : i32
        %dma_start3A_346 = tpu.memref_slice %arg13[%dma_start3A, %dma_start3A_343, %scan3A_340, %dma_start3A_344, %dma_start3A_345] : memref<2x2x8x128x8xf32, #tpu.memory_space<vmem>> -> memref<1x1x1x128x8xf32, #tpu.memory_space<vmem>>
        %dma_start3A_347 = tpu.memref_squeeze %dma_start3A_346 : memref<1x1x1x128x8xf32, #tpu.memory_space<vmem>> -> memref<128x8xf32, #tpu.memory_space<vmem>>
        %dma_start3A_348 = arith.constant 0 : i32
        %dma_start3A_349 = tpu.memref_slice %arg11[%add3A_342, %dma_start3A_348] : memref<128x128xi32, #tpu.memory_space<vmem>> -> memref<1x128xi32, #tpu.memory_space<vmem>>
        %dma_start3A_350 = tpu.memref_squeeze %dma_start3A_349 : memref<1x128xi32, #tpu.memory_space<vmem>> -> memref<128xi32, #tpu.memory_space<vmem>>
        %dma_start3A_351 = arith.constant 0 : i32
        %dma_start3A_352 = arith.constant 0 : i32
        %dma_start3A_353 = tpu.memref_slice %arg5[%dma_start3A_351, %dma_start3A_352] : memref<2097152x8xf32, #tpu.memory_space<hbm>> -> memref<2097152x8xf32, #tpu.memory_space<hbm>>
        tpu.enqueue_indirect_dma source(%dma_start3A_353 : memref<2097152x8xf32, #tpu.memory_space<hbm>>) target(%dma_start3A_347 : memref<128x8xf32, #tpu.memory_space<vmem>>) offsets(%dma_start3A_350 : memref<128xi32, #tpu.memory_space<vmem>>) semaphore(%arg16 : memref<!tpu.dma_semaphore, #tpu.memory_space<semaphore_mem>>)
        %dma_start3A_354 = arith.constant 1 : i32
        %dma_start3A_355 = arith.constant 1 : i32
        %dma_start3A_356 = arith.constant 0 : i32
        %dma_start3A_357 = arith.constant 0 : i32
        %dma_start3A_358 = tpu.memref_slice %arg13[%dma_start3A_354, %dma_start3A_355, %scan3A_340, %dma_start3A_356, %dma_start3A_357] : memref<2x2x8x128x8xf32, #tpu.memory_space<vmem>> -> memref<1x1x1x128x8xf32, #tpu.memory_space<vmem>>
        %dma_start3A_359 = tpu.memref_squeeze %dma_start3A_358 : memref<1x1x1x128x8xf32, #tpu.memory_space<vmem>> -> memref<128x8xf32, #tpu.memory_space<vmem>>
        %dma_start3A_360 = arith.constant 0 : i32
        %dma_start3A_361 = tpu.memref_slice %arg12[%add3A_342, %dma_start3A_360] : memref<128x128xi32, #tpu.memory_space<vmem>> -> memref<1x128xi32, #tpu.memory_space<vmem>>
        %dma_start3A_362 = tpu.memref_squeeze %dma_start3A_361 : memref<1x128xi32, #tpu.memory_space<vmem>> -> memref<128xi32, #tpu.memory_space<vmem>>
        %dma_start3A_363 = arith.constant 0 : i32
        %dma_start3A_364 = arith.constant 0 : i32
        %dma_start3A_365 = tpu.memref_slice %arg5[%dma_start3A_363, %dma_start3A_364] : memref<2097152x8xf32, #tpu.memory_space<hbm>> -> memref<2097152x8xf32, #tpu.memory_space<hbm>>
        tpu.enqueue_indirect_dma source(%dma_start3A_365 : memref<2097152x8xf32, #tpu.memory_space<hbm>>) target(%dma_start3A_359 : memref<128x8xf32, #tpu.memory_space<vmem>>) offsets(%dma_start3A_362 : memref<128xi32, #tpu.memory_space<vmem>>) semaphore(%arg16 : memref<!tpu.dma_semaphore, #tpu.memory_space<semaphore_mem>>)
      }
      %scan3A_39 = arith.constant 8 : i32
      %scan3A_40 = arith.constant 0 : i32
      %scan3A_41 = arith.constant 0 : i32
      %scan3A_42 = arith.constant 8 : i32
      %scan3A_43 = arith.addi %scan3A_41, %scan3A_42 : i32
      %scan3A_44 = arith.constant 1 : i32
      scf.for %scan3A_340 = %scan3A_41 to %scan3A_43 step %scan3A_44  : i32 {
        %add3A_341 = arith.constant 0 : i32
        %add3A_342 = arith.addi %add3A_341, %scan3A_340 : i32
        %dma_wait3A = arith.constant 0 : i32
        %dma_wait3A_343 = arith.constant 0 : i32
        %dma_wait3A_344 = arith.constant 0 : i32
        %dma_wait3A_345 = arith.constant 0 : i32
        %dma_wait3A_346 = tpu.memref_slice %arg13[%dma_wait3A, %dma_wait3A_343, %scan3A_340, %dma_wait3A_344, %dma_wait3A_345] : memref<2x2x8x128x8xf32, #tpu.memory_space<vmem>> -> memref<1x1x1x128x8xf32, #tpu.memory_space<vmem>>
        %dma_wait3A_347 = tpu.memref_squeeze %dma_wait3A_346 : memref<1x1x1x128x8xf32, #tpu.memory_space<vmem>> -> memref<128x8xf32, #tpu.memory_space<vmem>>
        %dma_wait3A_348 = arith.constant 0 : i32
        %dma_wait3A_349 = tpu.memref_slice %arg11[%add3A_342, %dma_wait3A_348] : memref<128x128xi32, #tpu.memory_space<vmem>> -> memref<1x128xi32, #tpu.memory_space<vmem>>
        %dma_wait3A_350 = tpu.memref_squeeze %dma_wait3A_349 : memref<1x128xi32, #tpu.memory_space<vmem>> -> memref<128xi32, #tpu.memory_space<vmem>>
        %dma_wait3A_351 = arith.constant 0 : i32
        %dma_wait3A_352 = arith.constant 0 : i32
        %dma_wait3A_353 = tpu.memref_slice %arg5[%dma_wait3A_351, %dma_wait3A_352] : memref<2097152x8xf32, #tpu.memory_space<hbm>> -> memref<2097152x8xf32, #tpu.memory_space<hbm>>
        tpu.wait_indirect_dma semaphore(%arg15 : memref<!tpu.dma_semaphore, #tpu.memory_space<semaphore_mem>>) src(%dma_wait3A_353 : memref<2097152x8xf32, #tpu.memory_space<hbm>>) dst(%dma_wait3A_347 : memref<128x8xf32, #tpu.memory_space<vmem>>)
        %dma_wait3A_354 = arith.constant 0 : i32
        %dma_wait3A_355 = arith.constant 1 : i32
        %dma_wait3A_356 = arith.constant 0 : i32
        %dma_wait3A_357 = arith.constant 0 : i32
        %dma_wait3A_358 = tpu.memref_slice %arg13[%dma_wait3A_354, %dma_wait3A_355, %scan3A_340, %dma_wait3A_356, %dma_wait3A_357] : memref<2x2x8x128x8xf32, #tpu.memory_space<vmem>> -> memref<1x1x1x128x8xf32, #tpu.memory_space<vmem>>
        %dma_wait3A_359 = tpu.memref_squeeze %dma_wait3A_358 : memref<1x1x1x128x8xf32, #tpu.memory_space<vmem>> -> memref<128x8xf32, #tpu.memory_space<vmem>>
        %dma_wait3A_360 = arith.constant 0 : i32
        %dma_wait3A_361 = tpu.memref_slice %arg12[%add3A_342, %dma_wait3A_360] : memref<128x128xi32, #tpu.memory_space<vmem>> -> memref<1x128xi32, #tpu.memory_space<vmem>>
        %dma_wait3A_362 = tpu.memref_squeeze %dma_wait3A_361 : memref<1x128xi32, #tpu.memory_space<vmem>> -> memref<128xi32, #tpu.memory_space<vmem>>
        %dma_wait3A_363 = arith.constant 0 : i32
        %dma_wait3A_364 = arith.constant 0 : i32
        %dma_wait3A_365 = tpu.memref_slice %arg5[%dma_wait3A_363, %dma_wait3A_364] : memref<2097152x8xf32, #tpu.memory_space<hbm>> -> memref<2097152x8xf32, #tpu.memory_space<hbm>>
        tpu.wait_indirect_dma semaphore(%arg15 : memref<!tpu.dma_semaphore, #tpu.memory_space<semaphore_mem>>) src(%dma_wait3A_365 : memref<2097152x8xf32, #tpu.memory_space<hbm>>) dst(%dma_wait3A_359 : memref<128x8xf32, #tpu.memory_space<vmem>>)
      }
      %scan3A_45 = arith.constant 8 : i32
      %scan3A_46 = arith.constant 0 : i32
      %scan3A_47 = arith.constant 0 : i32
      %scan3A_48 = arith.constant 128 : i32
      %scan3A_49 = arith.addi %scan3A_47, %scan3A_48 : i32
      %scan3A_50 = arith.constant 1 : i32
      scf.for %scan3A_340 = %scan3A_47 to %scan3A_49 step %scan3A_50  : i32 {
        %shift_right_arithmetic3A_341 = arith.constant 4 : i32
        %shift_right_arithmetic3A_342 = arith.shrsi %scan3A_340, %shift_right_arithmetic3A_341 : i32
        %and3A_343 = arith.constant 15 : i32
        %and3A_344 = arith.andi %scan3A_340, %and3A_343 : i32
        %mul3A_345 = arith.constant 8 : i32
        %mul3A_346 = arith.muli %and3A_344, %mul3A_345 : i32
        %add3A_347 = arith.constant 0 : i32
        %add3A_348 = arith.addi %add3A_347, %shift_right_arithmetic3A_342 : i32
        %broadcast_in_dim3A = vector.broadcast %add3A_348 : i32 to vector<16xi32>
        %broadcast_in_dim3A_349 = vector.broadcast %shift_right_arithmetic3A_342 : i32 to vector<16xi32>
        %add3A_350 = vector.broadcast %mul3A_346 : i32 to vector<16xi32>
        %add3A_351 = arith.addi %add3A_350, %shift_right_arithmetic3A_2 : vector<16xi32>
        %gather3A = tpu.vector_load_idx %arg10[%broadcast_in_dim3A, %add3A_351] : memref<128x128xi32, #tpu.memory_space<vmem>>[vector<16xi32>, vector<16xi32>], vector<16xi32>,
        %and3A_352 = arith.constant 7 : i32
        %and3A_353 = vector.broadcast %and3A_352 : i32 to vector<16xi32>
        %and3A_354 = arith.andi %gather3A, %and3A_353 : vector<16xi32>
        %broadcast_in_dim3A_355 = arith.constant 0 : i32
        %broadcast_in_dim3A_356 = vector.broadcast %broadcast_in_dim3A_355 : i32 to vector<16xi32>
        %add3A_357 = vector.broadcast %mul3A_346 : i32 to vector<16xi32>
        %add3A_358 = arith.addi %add3A_357, %shift_right_arithmetic3A_2 : vector<16xi32>
        %gather3A_359 = tpu.vector_load_idx %arg13[%broadcast_in_dim3A_356, %and3A_4, %broadcast_in_dim3A_349, %add3A_358, %and3A_354] : memref<2x2x8x128x8xf32, #tpu.memory_space<vmem>>[vector<16xi32>, vector<16xi32>, vector<16xi32>, vector<16xi32>, vector<16xi32>], vector<16xf32>,
        %add3A_360 = arith.constant 0 : i32
        %add3A_361 = vector.broadcast %add3A_360 : i32 to vector<16xi32>
        %add3A_362 = arith.addi %add3A_361, %and3A_4 : vector<16xi32>
        %shift_right_arithmetic3A_363 = arith.constant 3 : i32
        %shift_right_arithmetic3A_364 = vector.broadcast %shift_right_arithmetic3A_363 : i32 to vector<16xi32>
        %shift_right_arithmetic3A_365 = arith.shrsi %add3A_362, %shift_right_arithmetic3A_364 : vector<16xi32>
        %and3A_366 = arith.constant 7 : i32
        %and3A_367 = vector.broadcast %and3A_366 : i32 to vector<16xi32>
        %and3A_368 = arith.andi %add3A_362, %and3A_367 : vector<16xi32>
        %add3A_369 = vector.broadcast %mul3A_346 : i32 to vector<16xi32>
        %add3A_370 = arith.addi %add3A_369, %shift_right_arithmetic3A_2 : vector<16xi32>
        tpu.vector_store_idx %arg14[%shift_right_arithmetic3A_365, %broadcast_in_dim3A_349, %and3A_368, %add3A_370], %gather3A_359 : memref<4x8x8x128xf32, #tpu.memory_space<vmem>>[vector<16xi32>, vector<16xi32>, vector<16xi32>, vector<16xi32>], vector<16xf32>,
      }
      %scan3A_51 = arith.constant 128 : i32
      %scan3A_52 = arith.constant 0 : i32
      %scan3A_53 = arith.constant 0 : i32
      %scan3A_54 = arith.constant 8 : i32
      %scan3A_55 = arith.addi %scan3A_53, %scan3A_54 : i32
      %scan3A_56 = arith.constant 1 : i32
      scf.for %scan3A_340 = %scan3A_53 to %scan3A_55 step %scan3A_56  : i32 {
        %add3A_341 = arith.constant 16 : i32
        %add3A_342 = arith.addi %add3A_341, %scan3A_340 : i32
        %dma_start3A = arith.constant 0 : i32
        %dma_start3A_343 = arith.constant 0 : i32
        %dma_start3A_344 = arith.constant 0 : i32
        %dma_start3A_345 = arith.constant 0 : i32
        %dma_start3A_346 = tpu.memref_slice %arg13[%dma_start3A, %dma_start3A_343, %scan3A_340, %dma_start3A_344, %dma_start3A_345] : memref<2x2x8x128x8xf32, #tpu.memory_space<vmem>> -> memref<1x1x1x128x8xf32, #tpu.memory_space<vmem>>
        %dma_start3A_347 = tpu.memref_squeeze %dma_start3A_346 : memref<1x1x1x128x8xf32, #tpu.memory_space<vmem>> -> memref<128x8xf32, #tpu.memory_space<vmem>>
        %dma_start3A_348 = arith.constant 0 : i32
        %dma_start3A_349 = tpu.memref_slice %arg11[%add3A_342, %dma_start3A_348] : memref<128x128xi32, #tpu.memory_space<vmem>> -> memref<1x128xi32, #tpu.memory_space<vmem>>
        %dma_start3A_350 = tpu.memref_squeeze %dma_start3A_349 : memref<1x128xi32, #tpu.memory_space<vmem>> -> memref<128xi32, #tpu.memory_space<vmem>>
        %dma_start3A_351 = arith.constant 0 : i32
        %dma_start3A_352 = arith.constant 0 : i32
        %dma_start3A_353 = tpu.memref_slice %arg5[%dma_start3A_351, %dma_start3A_352] : memref<2097152x8xf32, #tpu.memory_space<hbm>> -> memref<2097152x8xf32, #tpu.memory_space<hbm>>
        tpu.enqueue_indirect_dma source(%dma_start3A_353 : memref<2097152x8xf32, #tpu.memory_space<hbm>>) target(%dma_start3A_347 : memref<128x8xf32, #tpu.memory_space<vmem>>) offsets(%dma_start3A_350 : memref<128xi32, #tpu.memory_space<vmem>>) semaphore(%arg15 : memref<!tpu.dma_semaphore, #tpu.memory_space<semaphore_mem>>)
        %dma_start3A_354 = arith.constant 0 : i32
        %dma_start3A_355 = arith.constant 1 : i32
        %dma_start3A_356 = arith.constant 0 : i32
        %dma_start3A_357 = arith.constant 0 : i32
        %dma_start3A_358 = tpu.memref_slice %arg13[%dma_start3A_354, %dma_start3A_355, %scan3A_340, %dma_start3A_356, %dma_start3A_357] : memref<2x2x8x128x8xf32, #tpu.memory_space<vmem>> -> memref<1x1x1x128x8xf32, #tpu.memory_space<vmem>>
        %dma_start3A_359 = tpu.memref_squeeze %dma_start3A_358 : memref<1x1x1x128x8xf32, #tpu.memory_space<vmem>> -> memref<128x8xf32, #tpu.memory_space<vmem>>
        %dma_start3A_360 = arith.constant 0 : i32
        %dma_start3A_361 = tpu.memref_slice %arg12[%add3A_342, %dma_start3A_360] : memref<128x128xi32, #tpu.memory_space<vmem>> -> memref<1x128xi32, #tpu.memory_space<vmem>>
        %dma_start3A_362 = tpu.memref_squeeze %dma_start3A_361 : memref<1x128xi32, #tpu.memory_space<vmem>> -> memref<128xi32, #tpu.memory_space<vmem>>
        %dma_start3A_363 = arith.constant 0 : i32
        %dma_start3A_364 = arith.constant 0 : i32
        %dma_start3A_365 = tpu.memref_slice %arg5[%dma_start3A_363, %dma_start3A_364] : memref<2097152x8xf32, #tpu.memory_space<hbm>> -> memref<2097152x8xf32, #tpu.memory_space<hbm>>
        tpu.enqueue_indirect_dma source(%dma_start3A_365 : memref<2097152x8xf32, #tpu.memory_space<hbm>>) target(%dma_start3A_359 : memref<128x8xf32, #tpu.memory_space<vmem>>) offsets(%dma_start3A_362 : memref<128xi32, #tpu.memory_space<vmem>>) semaphore(%arg15 : memref<!tpu.dma_semaphore, #tpu.memory_space<semaphore_mem>>)
      }
      %scan3A_57 = arith.constant 8 : i32
      %scan3A_58 = arith.constant 0 : i32
      %scan3A_59 = arith.constant 0 : i32
      %scan3A_60 = arith.constant 8 : i32
      %scan3A_61 = arith.addi %scan3A_59, %scan3A_60 : i32
      %scan3A_62 = arith.constant 1 : i32
      scf.for %scan3A_340 = %scan3A_59 to %scan3A_61 step %scan3A_62  : i32 {
        %add3A_341 = arith.constant 8 : i32
        %add3A_342 = arith.addi %add3A_341, %scan3A_340 : i32
        %dma_wait3A = arith.constant 1 : i32
        %dma_wait3A_343 = arith.constant 0 : i32
        %dma_wait3A_344 = arith.constant 0 : i32
        %dma_wait3A_345 = arith.constant 0 : i32
        %dma_wait3A_346 = tpu.memref_slice %arg13[%dma_wait3A, %dma_wait3A_343, %scan3A_340, %dma_wait3A_344, %dma_wait3A_345] : memref<2x2x8x128x8xf32, #tpu.memory_space<vmem>> -> memref<1x1x1x128x8xf32, #tpu.memory_space<vmem>>
        %dma_wait3A_347 = tpu.memref_squeeze %dma_wait3A_346 : memref<1x1x1x128x8xf32, #tpu.memory_space<vmem>> -> memref<128x8xf32, #tpu.memory_space<vmem>>
        %dma_wait3A_348 = arith.constant 0 : i32
        %dma_wait3A_349 = tpu.memref_slice %arg11[%add3A_342, %dma_wait3A_348] : memref<128x128xi32, #tpu.memory_space<vmem>> -> memref<1x128xi32, #tpu.memory_space<vmem>>
        %dma_wait3A_350 = tpu.memref_squeeze %dma_wait3A_349 : memref<1x128xi32, #tpu.memory_space<vmem>> -> memref<128xi32, #tpu.memory_space<vmem>>
        %dma_wait3A_351 = arith.constant 0 : i32
        %dma_wait3A_352 = arith.constant 0 : i32
        %dma_wait3A_353 = tpu.memref_slice %arg5[%dma_wait3A_351, %dma_wait3A_352] : memref<2097152x8xf32, #tpu.memory_space<hbm>> -> memref<2097152x8xf32, #tpu.memory_space<hbm>>
        tpu.wait_indirect_dma semaphore(%arg16 : memref<!tpu.dma_semaphore, #tpu.memory_space<semaphore_mem>>) src(%dma_wait3A_353 : memref<2097152x8xf32, #tpu.memory_space<hbm>>) dst(%dma_wait3A_347 : memref<128x8xf32, #tpu.memory_space<vmem>>)
        %dma_wait3A_354 = arith.constant 1 : i32
        %dma_wait3A_355 = arith.constant 1 : i32
        %dma_wait3A_356 = arith.constant 0 : i32
        %dma_wait3A_357 = arith.constant 0 : i32
        %dma_wait3A_358 = tpu.memref_slice %arg13[%dma_wait3A_354, %dma_wait3A_355, %scan3A_340, %dma_wait3A_356, %dma_wait3A_357] : memref<2x2x8x128x8xf32, #tpu.memory_space<vmem>> -> memref<1x1x1x128x8xf32, #tpu.memory_space<vmem>>
        %dma_wait3A_359 = tpu.memref_squeeze %dma_wait3A_358 : memref<1x1x1x128x8xf32, #tpu.memory_space<vmem>> -> memref<128x8xf32, #tpu.memory_space<vmem>>
        %dma_wait3A_360 = arith.constant 0 : i32
        %dma_wait3A_361 = tpu.memref_slice %arg12[%add3A_342, %dma_wait3A_360] : memref<128x128xi32, #tpu.memory_space<vmem>> -> memref<1x128xi32, #tpu.memory_space<vmem>>
        %dma_wait3A_362 = tpu.memref_squeeze %dma_wait3A_361 : memref<1x128xi32, #tpu.memory_space<vmem>> -> memref<128xi32, #tpu.memory_space<vmem>>
        %dma_wait3A_363 = arith.constant 0 : i32
        %dma_wait3A_364 = arith.constant 0 : i32
        %dma_wait3A_365 = tpu.memref_slice %arg5[%dma_wait3A_363, %dma_wait3A_364] : memref<2097152x8xf32, #tpu.memory_space<hbm>> -> memref<2097152x8xf32, #tpu.memory_space<hbm>>
        tpu.wait_indirect_dma semaphore(%arg16 : memref<!tpu.dma_semaphore, #tpu.memory_space<semaphore_mem>>) src(%dma_wait3A_365 : memref<2097152x8xf32, #tpu.memory_space<hbm>>) dst(%dma_wait3A_359 : memref<128x8xf32, #tpu.memory_space<vmem>>)
      }
      %scan3A_63 = arith.constant 8 : i32
      %scan3A_64 = arith.constant 0 : i32
      %scan3A_65 = arith.constant 0 : i32
      %scan3A_66 = arith.constant 128 : i32
      %scan3A_67 = arith.addi %scan3A_65, %scan3A_66 : i32
      %scan3A_68 = arith.constant 1 : i32
      scf.for %scan3A_340 = %scan3A_65 to %scan3A_67 step %scan3A_68  : i32 {
        %shift_right_arithmetic3A_341 = arith.constant 4 : i32
        %shift_right_arithmetic3A_342 = arith.shrsi %scan3A_340, %shift_right_arithmetic3A_341 : i32
        %and3A_343 = arith.constant 15 : i32
        %and3A_344 = arith.andi %scan3A_340, %and3A_343 : i32
        %mul3A_345 = arith.constant 8 : i32
        %mul3A_346 = arith.muli %and3A_344, %mul3A_345 : i32
        %add3A_347 = arith.constant 8 : i32
        %add3A_348 = arith.addi %add3A_347, %shift_right_arithmetic3A_342 : i32
        %broadcast_in_dim3A = vector.broadcast %add3A_348 : i32 to vector<16xi32>
        %broadcast_in_dim3A_349 = vector.broadcast %shift_right_arithmetic3A_342 : i32 to vector<16xi32>
        %add3A_350 = vector.broadcast %mul3A_346 : i32 to vector<16xi32>
        %add3A_351 = arith.addi %add3A_350, %shift_right_arithmetic3A_2 : vector<16xi32>
        %gather3A = tpu.vector_load_idx %arg10[%broadcast_in_dim3A, %add3A_351] : memref<128x128xi32, #tpu.memory_space<vmem>>[vector<16xi32>, vector<16xi32>], vector<16xi32>,
        %and3A_352 = arith.constant 7 : i32
        %and3A_353 = vector.broadcast %and3A_352 : i32 to vector<16xi32>
        %and3A_354 = arith.andi %gather3A, %and3A_353 : vector<16xi32>
        %broadcast_in_dim3A_355 = arith.constant 1 : i32
        %broadcast_in_dim3A_356 = vector.broadcast %broadcast_in_dim3A_355 : i32 to vector<16xi32>
        %add3A_357 = vector.broadcast %mul3A_346 : i32 to vector<16xi32>
        %add3A_358 = arith.addi %add3A_357, %shift_right_arithmetic3A_2 : vector<16xi32>
        %gather3A_359 = tpu.vector_load_idx %arg13[%broadcast_in_dim3A_356, %and3A_4, %broadcast_in_dim3A_349, %add3A_358, %and3A_354] : memref<2x2x8x128x8xf32, #tpu.memory_space<vmem>>[vector<16xi32>, vector<16xi32>, vector<16xi32>, vector<16xi32>, vector<16xi32>], vector<16xf32>,
        %add3A_360 = arith.constant 2 : i32
        %add3A_361 = vector.broadcast %add3A_360 : i32 to vector<16xi32>
        %add3A_362 = arith.addi %add3A_361, %and3A_4 : vector<16xi32>
        %shift_right_arithmetic3A_363 = arith.constant 3 : i32
        %shift_right_arithmetic3A_364 = vector.broadcast %shift_right_arithmetic3A_363 : i32 to vector<16xi32>
        %shift_right_arithmetic3A_365 = arith.shrsi %add3A_362, %shift_right_arithmetic3A_364 : vector<16xi32>
        %and3A_366 = arith.constant 7 : i32
        %and3A_367 = vector.broadcast %and3A_366 : i32 to vector<16xi32>
        %and3A_368 = arith.andi %add3A_362, %and3A_367 : vector<16xi32>
        %add3A_369 = vector.broadcast %mul3A_346 : i32 to vector<16xi32>
        %add3A_370 = arith.addi %add3A_369, %shift_right_arithmetic3A_2 : vector<16xi32>
        tpu.vector_store_idx %arg14[%shift_right_arithmetic3A_365, %broadcast_in_dim3A_349, %and3A_368, %add3A_370], %gather3A_359 : memref<4x8x8x128xf32, #tpu.memory_space<vmem>>[vector<16xi32>, vector<16xi32>, vector<16xi32>, vector<16xi32>], vector<16xf32>,
      }
      %scan3A_69 = arith.constant 128 : i32
      %scan3A_70 = arith.constant 0 : i32
      %scan3A_71 = arith.constant 0 : i32
      %scan3A_72 = arith.constant 8 : i32
      %scan3A_73 = arith.addi %scan3A_71, %scan3A_72 : i32
      %scan3A_74 = arith.constant 1 : i32
      scf.for %scan3A_340 = %scan3A_71 to %scan3A_73 step %scan3A_74  : i32 {
        %add3A_341 = arith.constant 24 : i32
        %add3A_342 = arith.addi %add3A_341, %scan3A_340 : i32
        %dma_start3A = arith.constant 1 : i32
        %dma_start3A_343 = arith.constant 0 : i32
        %dma_start3A_344 = arith.constant 0 : i32
        %dma_start3A_345 = arith.constant 0 : i32
        %dma_start3A_346 = tpu.memref_slice %arg13[%dma_start3A, %dma_start3A_343, %scan3A_340, %dma_start3A_344, %dma_start3A_345] : memref<2x2x8x128x8xf32, #tpu.memory_space<vmem>> -> memref<1x1x1x128x8xf32, #tpu.memory_space<vmem>>
        %dma_start3A_347 = tpu.memref_squeeze %dma_start3A_346 : memref<1x1x1x128x8xf32, #tpu.memory_space<vmem>> -> memref<128x8xf32, #tpu.memory_space<vmem>>
        %dma_start3A_348 = arith.constant 0 : i32
        %dma_start3A_349 = tpu.memref_slice %arg11[%add3A_342, %dma_start3A_348] : memref<128x128xi32, #tpu.memory_space<vmem>> -> memref<1x128xi32, #tpu.memory_space<vmem>>
        %dma_start3A_350 = tpu.memref_squeeze %dma_start3A_349 : memref<1x128xi32, #tpu.memory_space<vmem>> -> memref<128xi32, #tpu.memory_space<vmem>>
        %dma_start3A_351 = arith.constant 0 : i32
        %dma_start3A_352 = arith.constant 0 : i32
        %dma_start3A_353 = tpu.memref_slice %arg5[%dma_start3A_351, %dma_start3A_352] : memref<2097152x8xf32, #tpu.memory_space<hbm>> -> memref<2097152x8xf32, #tpu.memory_space<hbm>>
        tpu.enqueue_indirect_dma source(%dma_start3A_353 : memref<2097152x8xf32, #tpu.memory_space<hbm>>) target(%dma_start3A_347 : memref<128x8xf32, #tpu.memory_space<vmem>>) offsets(%dma_start3A_350 : memref<128xi32, #tpu.memory_space<vmem>>) semaphore(%arg16 : memref<!tpu.dma_semaphore, #tpu.memory_space<semaphore_mem>>)
        %dma_start3A_354 = arith.constant 1 : i32
        %dma_start3A_355 = arith.constant 1 : i32
        %dma_start3A_356 = arith.constant 0 : i32
        %dma_start3A_357 = arith.constant 0 : i32
        %dma_start3A_358 = tpu.memref_slice %arg13[%dma_start3A_354, %dma_start3A_355, %scan3A_340, %dma_start3A_356, %dma_start3A_357] : memref<2x2x8x128x8xf32, #tpu.memory_space<vmem>> -> memref<1x1x1x128x8xf32, #tpu.memory_space<vmem>>
        %dma_start3A_359 = tpu.memref_squeeze %dma_start3A_358 : memref<1x1x1x128x8xf32, #tpu.memory_space<vmem>> -> memref<128x8xf32, #tpu.memory_space<vmem>>
        %dma_start3A_360 = arith.constant 0 : i32
        %dma_start3A_361 = tpu.memref_slice %arg12[%add3A_342, %dma_start3A_360] : memref<128x128xi32, #tpu.memory_space<vmem>> -> memref<1x128xi32, #tpu.memory_space<vmem>>
        %dma_start3A_362 = tpu.memref_squeeze %dma_start3A_361 : memref<1x128xi32, #tpu.memory_space<vmem>> -> memref<128xi32, #tpu.memory_space<vmem>>
        %dma_start3A_363 = arith.constant 0 : i32
        %dma_start3A_364 = arith.constant 0 : i32
        %dma_start3A_365 = tpu.memref_slice %arg5[%dma_start3A_363, %dma_start3A_364] : memref<2097152x8xf32, #tpu.memory_space<hbm>> -> memref<2097152x8xf32, #tpu.memory_space<hbm>>
        tpu.enqueue_indirect_dma source(%dma_start3A_365 : memref<2097152x8xf32, #tpu.memory_space<hbm>>) target(%dma_start3A_359 : memref<128x8xf32, #tpu.memory_space<vmem>>) offsets(%dma_start3A_362 : memref<128xi32, #tpu.memory_space<vmem>>) semaphore(%arg16 : memref<!tpu.dma_semaphore, #tpu.memory_space<semaphore_mem>>)
      }
      %scan3A_75 = arith.constant 8 : i32
      %scan3A_76 = arith.constant 0 : i32
      %scan3A_77 = arith.constant 0 : i32
      %scan3A_78 = arith.constant 8 : i32
      %scan3A_79 = arith.addi %scan3A_77, %scan3A_78 : i32
      %scan3A_80 = arith.constant 1 : i32
      scf.for %scan3A_340 = %scan3A_77 to %scan3A_79 step %scan3A_80  : i32 {
        %add3A_341 = arith.constant 16 : i32
        %add3A_342 = arith.addi %add3A_341, %scan3A_340 : i32
        %dma_wait3A = arith.constant 0 : i32
        %dma_wait3A_343 = arith.constant 0 : i32
        %dma_wait3A_344 = arith.constant 0 : i32
        %dma_wait3A_345 = arith.constant 0 : i32
        %dma_wait3A_346 = tpu.memref_slice %arg13[%dma_wait3A, %dma_wait3A_343, %scan3A_340, %dma_wait3A_344, %dma_wait3A_345] : memref<2x2x8x128x8xf32, #tpu.memory_space<vmem>> -> memref<1x1x1x128x8xf32, #tpu.memory_space<vmem>>
        %dma_wait3A_347 = tpu.memref_squeeze %dma_wait3A_346 : memref<1x1x1x128x8xf32, #tpu.memory_space<vmem>> -> memref<128x8xf32, #tpu.memory_space<vmem>>
        %dma_wait3A_348 = arith.constant 0 : i32
        %dma_wait3A_349 = tpu.memref_slice %arg11[%add3A_342, %dma_wait3A_348] : memref<128x128xi32, #tpu.memory_space<vmem>> -> memref<1x128xi32, #tpu.memory_space<vmem>>
        %dma_wait3A_350 = tpu.memref_squeeze %dma_wait3A_349 : memref<1x128xi32, #tpu.memory_space<vmem>> -> memref<128xi32, #tpu.memory_space<vmem>>
        %dma_wait3A_351 = arith.constant 0 : i32
        %dma_wait3A_352 = arith.constant 0 : i32
        %dma_wait3A_353 = tpu.memref_slice %arg5[%dma_wait3A_351, %dma_wait3A_352] : memref<2097152x8xf32, #tpu.memory_space<hbm>> -> memref<2097152x8xf32, #tpu.memory_space<hbm>>
        tpu.wait_indirect_dma semaphore(%arg15 : memref<!tpu.dma_semaphore, #tpu.memory_space<semaphore_mem>>) src(%dma_wait3A_353 : memref<2097152x8xf32, #tpu.memory_space<hbm>>) dst(%dma_wait3A_347 : memref<128x8xf32, #tpu.memory_space<vmem>>)
        %dma_wait3A_354 = arith.constant 0 : i32
        %dma_wait3A_355 = arith.constant 1 : i32
        %dma_wait3A_356 = arith.constant 0 : i32
        %dma_wait3A_357 = arith.constant 0 : i32
        %dma_wait3A_358 = tpu.memref_slice %arg13[%dma_wait3A_354, %dma_wait3A_355, %scan3A_340, %dma_wait3A_356, %dma_wait3A_357] : memref<2x2x8x128x8xf32, #tpu.memory_space<vmem>> -> memref<1x1x1x128x8xf32, #tpu.memory_space<vmem>>
        %dma_wait3A_359 = tpu.memref_squeeze %dma_wait3A_358 : memref<1x1x1x128x8xf32, #tpu.memory_space<vmem>> -> memref<128x8xf32, #tpu.memory_space<vmem>>
        %dma_wait3A_360 = arith.constant 0 : i32
        %dma_wait3A_361 = tpu.memref_slice %arg12[%add3A_342, %dma_wait3A_360] : memref<128x128xi32, #tpu.memory_space<vmem>> -> memref<1x128xi32, #tpu.memory_space<vmem>>
        %dma_wait3A_362 = tpu.memref_squeeze %dma_wait3A_361 : memref<1x128xi32, #tpu.memory_space<vmem>> -> memref<128xi32, #tpu.memory_space<vmem>>
        %dma_wait3A_363 = arith.constant 0 : i32
        %dma_wait3A_364 = arith.constant 0 : i32
        %dma_wait3A_365 = tpu.memref_slice %arg5[%dma_wait3A_363, %dma_wait3A_364] : memref<2097152x8xf32, #tpu.memory_space<hbm>> -> memref<2097152x8xf32, #tpu.memory_space<hbm>>
        tpu.wait_indirect_dma semaphore(%arg15 : memref<!tpu.dma_semaphore, #tpu.memory_space<semaphore_mem>>) src(%dma_wait3A_365 : memref<2097152x8xf32, #tpu.memory_space<hbm>>) dst(%dma_wait3A_359 : memref<128x8xf32, #tpu.memory_space<vmem>>)
      }
      %scan3A_81 = arith.constant 8 : i32
      %scan3A_82 = arith.constant 0 : i32
      %scan3A_83 = arith.constant 0 : i32
      %scan3A_84 = arith.constant 128 : i32
      %scan3A_85 = arith.addi %scan3A_83, %scan3A_84 : i32
      %scan3A_86 = arith.constant 1 : i32
      scf.for %scan3A_340 = %scan3A_83 to %scan3A_85 step %scan3A_86  : i32 {
        %shift_right_arithmetic3A_341 = arith.constant 4 : i32
        %shift_right_arithmetic3A_342 = arith.shrsi %scan3A_340, %shift_right_arithmetic3A_341 : i32
        %and3A_343 = arith.constant 15 : i32
        %and3A_344 = arith.andi %scan3A_340, %and3A_343 : i32
        %mul3A_345 = arith.constant 8 : i32
        %mul3A_346 = arith.muli %and3A_344, %mul3A_345 : i32
        %add3A_347 = arith.constant 16 : i32
        %add3A_348 = arith.addi %add3A_347, %shift_right_arithmetic3A_342 : i32
        %broadcast_in_dim3A = vector.broadcast %add3A_348 : i32 to vector<16xi32>
        %broadcast_in_dim3A_349 = vector.broadcast %shift_right_arithmetic3A_342 : i32 to vector<16xi32>
        %add3A_350 = vector.broadcast %mul3A_346 : i32 to vector<16xi32>
        %add3A_351 = arith.addi %add3A_350, %shift_right_arithmetic3A_2 : vector<16xi32>
        %gather3A = tpu.vector_load_idx %arg10[%broadcast_in_dim3A, %add3A_351] : memref<128x128xi32, #tpu.memory_space<vmem>>[vector<16xi32>, vector<16xi32>], vector<16xi32>,
        %and3A_352 = arith.constant 7 : i32
        %and3A_353 = vector.broadcast %and3A_352 : i32 to vector<16xi32>
        %and3A_354 = arith.andi %gather3A, %and3A_353 : vector<16xi32>
        %broadcast_in_dim3A_355 = arith.constant 0 : i32
        %broadcast_in_dim3A_356 = vector.broadcast %broadcast_in_dim3A_355 : i32 to vector<16xi32>
        %add3A_357 = vector.broadcast %mul3A_346 : i32 to vector<16xi32>
        %add3A_358 = arith.addi %add3A_357, %shift_right_arithmetic3A_2 : vector<16xi32>
        %gather3A_359 = tpu.vector_load_idx %arg13[%broadcast_in_dim3A_356, %and3A_4, %broadcast_in_dim3A_349, %add3A_358, %and3A_354] : memref<2x2x8x128x8xf32, #tpu.memory_space<vmem>>[vector<16xi32>, vector<16xi32>, vector<16xi32>, vector<16xi32>, vector<16xi32>], vector<16xf32>,
        %add3A_360 = arith.constant 4 : i32
        %add3A_361 = vector.broadcast %add3A_360 : i32 to vector<16xi32>
        %add3A_362 = arith.addi %add3A_361, %and3A_4 : vector<16xi32>
        %shift_right_arithmetic3A_363 = arith.constant 3 : i32
        %shift_right_arithmetic3A_364 = vector.broadcast %shift_right_arithmetic3A_363 : i32 to vector<16xi32>
        %shift_right_arithmetic3A_365 = arith.shrsi %add3A_362, %shift_right_arithmetic3A_364 : vector<16xi32>
        %and3A_366 = arith.constant 7 : i32
        %and3A_367 = vector.broadcast %and3A_366 : i32 to vector<16xi32>
        %and3A_368 = arith.andi %add3A_362, %and3A_367 : vector<16xi32>
        %add3A_369 = vector.broadcast %mul3A_346 : i32 to vector<16xi32>
        %add3A_370 = arith.addi %add3A_369, %shift_right_arithmetic3A_2 : vector<16xi32>
        tpu.vector_store_idx %arg14[%shift_right_arithmetic3A_365, %broadcast_in_dim3A_349, %and3A_368, %add3A_370], %gather3A_359 : memref<4x8x8x128xf32, #tpu.memory_space<vmem>>[vector<16xi32>, vector<16xi32>, vector<16xi32>, vector<16xi32>], vector<16xf32>,
      }
      %scan3A_87 = arith.constant 128 : i32
      %scan3A_88 = arith.constant 0 : i32
      %scan3A_89 = arith.constant 0 : i32
      %scan3A_90 = arith.constant 8 : i32
      %scan3A_91 = arith.addi %scan3A_89, %scan3A_90 : i32
      %scan3A_92 = arith.constant 1 : i32
      scf.for %scan3A_340 = %scan3A_89 to %scan3A_91 step %scan3A_92  : i32 {
        %add3A_341 = arith.constant 32 : i32
        %add3A_342 = arith.addi %add3A_341, %scan3A_340 : i32
        %dma_start3A = arith.constant 0 : i32
        %dma_start3A_343 = arith.constant 0 : i32
        %dma_start3A_344 = arith.constant 0 : i32
        %dma_start3A_345 = arith.constant 0 : i32
        %dma_start3A_346 = tpu.memref_slice %arg13[%dma_start3A, %dma_start3A_343, %scan3A_340, %dma_start3A_344, %dma_start3A_345] : memref<2x2x8x128x8xf32, #tpu.memory_space<vmem>> -> memref<1x1x1x128x8xf32, #tpu.memory_space<vmem>>
        %dma_start3A_347 = tpu.memref_squeeze %dma_start3A_346 : memref<1x1x1x128x8xf32, #tpu.memory_space<vmem>> -> memref<128x8xf32, #tpu.memory_space<vmem>>
        %dma_start3A_348 = arith.constant 0 : i32
        %dma_start3A_349 = tpu.memref_slice %arg11[%add3A_342, %dma_start3A_348] : memref<128x128xi32, #tpu.memory_space<vmem>> -> memref<1x128xi32, #tpu.memory_space<vmem>>
        %dma_start3A_350 = tpu.memref_squeeze %dma_start3A_349 : memref<1x128xi32, #tpu.memory_space<vmem>> -> memref<128xi32, #tpu.memory_space<vmem>>
        %dma_start3A_351 = arith.constant 0 : i32
        %dma_start3A_352 = arith.constant 0 : i32
        %dma_start3A_353 = tpu.memref_slice %arg5[%dma_start3A_351, %dma_start3A_352] : memref<2097152x8xf32, #tpu.memory_space<hbm>> -> memref<2097152x8xf32, #tpu.memory_space<hbm>>
        tpu.enqueue_indirect_dma source(%dma_start3A_353 : memref<2097152x8xf32, #tpu.memory_space<hbm>>) target(%dma_start3A_347 : memref<128x8xf32, #tpu.memory_space<vmem>>) offsets(%dma_start3A_350 : memref<128xi32, #tpu.memory_space<vmem>>) semaphore(%arg15 : memref<!tpu.dma_semaphore, #tpu.memory_space<semaphore_mem>>)
        %dma_start3A_354 = arith.constant 0 : i32
        %dma_start3A_355 = arith.constant 1 : i32
        %dma_start3A_356 = arith.constant 0 : i32
        %dma_start3A_357 = arith.constant 0 : i32
        %dma_start3A_358 = tpu.memref_slice %arg13[%dma_start3A_354, %dma_start3A_355, %scan3A_340, %dma_start3A_356, %dma_start3A_357] : memref<2x2x8x128x8xf32, #tpu.memory_space<vmem>> -> memref<1x1x1x128x8xf32, #tpu.memory_space<vmem>>
        %dma_start3A_359 = tpu.memref_squeeze %dma_start3A_358 : memref<1x1x1x128x8xf32, #tpu.memory_space<vmem>> -> memref<128x8xf32, #tpu.memory_space<vmem>>
        %dma_start3A_360 = arith.constant 0 : i32
        %dma_start3A_361 = tpu.memref_slice %arg12[%add3A_342, %dma_start3A_360] : memref<128x128xi32, #tpu.memory_space<vmem>> -> memref<1x128xi32, #tpu.memory_space<vmem>>
        %dma_start3A_362 = tpu.memref_squeeze %dma_start3A_361 : memref<1x128xi32, #tpu.memory_space<vmem>> -> memref<128xi32, #tpu.memory_space<vmem>>
        %dma_start3A_363 = arith.constant 0 : i32
        %dma_start3A_364 = arith.constant 0 : i32
        %dma_start3A_365 = tpu.memref_slice %arg5[%dma_start3A_363, %dma_start3A_364] : memref<2097152x8xf32, #tpu.memory_space<hbm>> -> memref<2097152x8xf32, #tpu.memory_space<hbm>>
        tpu.enqueue_indirect_dma source(%dma_start3A_365 : memref<2097152x8xf32, #tpu.memory_space<hbm>>) target(%dma_start3A_359 : memref<128x8xf32, #tpu.memory_space<vmem>>) offsets(%dma_start3A_362 : memref<128xi32, #tpu.memory_space<vmem>>) semaphore(%arg15 : memref<!tpu.dma_semaphore, #tpu.memory_space<semaphore_mem>>)
      }
      %scan3A_93 = arith.constant 8 : i32
      %scan3A_94 = arith.constant 0 : i32
      %scan3A_95 = arith.constant 0 : i32
      %scan3A_96 = arith.constant 8 : i32
      %scan3A_97 = arith.addi %scan3A_95, %scan3A_96 : i32
      %scan3A_98 = arith.constant 1 : i32
      scf.for %scan3A_340 = %scan3A_95 to %scan3A_97 step %scan3A_98  : i32 {
        %add3A_341 = arith.constant 24 : i32
        %add3A_342 = arith.addi %add3A_341, %scan3A_340 : i32
        %dma_wait3A = arith.constant 1 : i32
        %dma_wait3A_343 = arith.constant 0 : i32
        %dma_wait3A_344 = arith.constant 0 : i32
        %dma_wait3A_345 = arith.constant 0 : i32
        %dma_wait3A_346 = tpu.memref_slice %arg13[%dma_wait3A, %dma_wait3A_343, %scan3A_340, %dma_wait3A_344, %dma_wait3A_345] : memref<2x2x8x128x8xf32, #tpu.memory_space<vmem>> -> memref<1x1x1x128x8xf32, #tpu.memory_space<vmem>>
        %dma_wait3A_347 = tpu.memref_squeeze %dma_wait3A_346 : memref<1x1x1x128x8xf32, #tpu.memory_space<vmem>> -> memref<128x8xf32, #tpu.memory_space<vmem>>
        %dma_wait3A_348 = arith.constant 0 : i32
        %dma_wait3A_349 = tpu.memref_slice %arg11[%add3A_342, %dma_wait3A_348] : memref<128x128xi32, #tpu.memory_space<vmem>> -> memref<1x128xi32, #tpu.memory_space<vmem>>
        %dma_wait3A_350 = tpu.memref_squeeze %dma_wait3A_349 : memref<1x128xi32, #tpu.memory_space<vmem>> -> memref<128xi32, #tpu.memory_space<vmem>>
        %dma_wait3A_351 = arith.constant 0 : i32
        %dma_wait3A_352 = arith.constant 0 : i32
        %dma_wait3A_353 = tpu.memref_slice %arg5[%dma_wait3A_351, %dma_wait3A_352] : memref<2097152x8xf32, #tpu.memory_space<hbm>> -> memref<2097152x8xf32, #tpu.memory_space<hbm>>
        tpu.wait_indirect_dma semaphore(%arg16 : memref<!tpu.dma_semaphore, #tpu.memory_space<semaphore_mem>>) src(%dma_wait3A_353 : memref<2097152x8xf32, #tpu.memory_space<hbm>>) dst(%dma_wait3A_347 : memref<128x8xf32, #tpu.memory_space<vmem>>)
        %dma_wait3A_354 = arith.constant 1 : i32
        %dma_wait3A_355 = arith.constant 1 : i32
        %dma_wait3A_356 = arith.constant 0 : i32
        %dma_wait3A_357 = arith.constant 0 : i32
        %dma_wait3A_358 = tpu.memref_slice %arg13[%dma_wait3A_354, %dma_wait3A_355, %scan3A_340, %dma_wait3A_356, %dma_wait3A_357] : memref<2x2x8x128x8xf32, #tpu.memory_space<vmem>> -> memref<1x1x1x128x8xf32, #tpu.memory_space<vmem>>
        %dma_wait3A_359 = tpu.memref_squeeze %dma_wait3A_358 : memref<1x1x1x128x8xf32, #tpu.memory_space<vmem>> -> memref<128x8xf32, #tpu.memory_space<vmem>>
        %dma_wait3A_360 = arith.constant 0 : i32
        %dma_wait3A_361 = tpu.memref_slice %arg12[%add3A_342, %dma_wait3A_360] : memref<128x128xi32, #tpu.memory_space<vmem>> -> memref<1x128xi32, #tpu.memory_space<vmem>>
        %dma_wait3A_362 = tpu.memref_squeeze %dma_wait3A_361 : memref<1x128xi32, #tpu.memory_space<vmem>> -> memref<128xi32, #tpu.memory_space<vmem>>
        %dma_wait3A_363 = arith.constant 0 : i32
        %dma_wait3A_364 = arith.constant 0 : i32
        %dma_wait3A_365 = tpu.memref_slice %arg5[%dma_wait3A_363, %dma_wait3A_364] : memref<2097152x8xf32, #tpu.memory_space<hbm>> -> memref<2097152x8xf32, #tpu.memory_space<hbm>>
        tpu.wait_indirect_dma semaphore(%arg16 : memref<!tpu.dma_semaphore, #tpu.memory_space<semaphore_mem>>) src(%dma_wait3A_365 : memref<2097152x8xf32, #tpu.memory_space<hbm>>) dst(%dma_wait3A_359 : memref<128x8xf32, #tpu.memory_space<vmem>>)
      }
      %scan3A_99 = arith.constant 8 : i32
      %scan3A_100 = arith.constant 0 : i32
      %scan3A_101 = arith.constant 0 : i32
      %scan3A_102 = arith.constant 128 : i32
      %scan3A_103 = arith.addi %scan3A_101, %scan3A_102 : i32
      %scan3A_104 = arith.constant 1 : i32
      scf.for %scan3A_340 = %scan3A_101 to %scan3A_103 step %scan3A_104  : i32 {
        %shift_right_arithmetic3A_341 = arith.constant 4 : i32
        %shift_right_arithmetic3A_342 = arith.shrsi %scan3A_340, %shift_right_arithmetic3A_341 : i32
        %and3A_343 = arith.constant 15 : i32
        %and3A_344 = arith.andi %scan3A_340, %and3A_343 : i32
        %mul3A_345 = arith.constant 8 : i32
        %mul3A_346 = arith.muli %and3A_344, %mul3A_345 : i32
        %add3A_347 = arith.constant 24 : i32
        %add3A_348 = arith.addi %add3A_347, %shift_right_arithmetic3A_342 : i32
        %broadcast_in_dim3A = vector.broadcast %add3A_348 : i32 to vector<16xi32>
        %broadcast_in_dim3A_349 = vector.broadcast %shift_right_arithmetic3A_342 : i32 to vector<16xi32>
        %add3A_350 = vector.broadcast %mul3A_346 : i32 to vector<16xi32>
        %add3A_351 = arith.addi %add3A_350, %shift_right_arithmetic3A_2 : vector<16xi32>
        %gather3A = tpu.vector_load_idx %arg10[%broadcast_in_dim3A, %add3A_351] : memref<128x128xi32, #tpu.memory_space<vmem>>[vector<16xi32>, vector<16xi32>], vector<16xi32>,
        %and3A_352 = arith.constant 7 : i32
        %and3A_353 = vector.broadcast %and3A_352 : i32 to vector<16xi32>
        %and3A_354 = arith.andi %gather3A, %and3A_353 : vector<16xi32>
        %broadcast_in_dim3A_355 = arith.constant 1 : i32
        %broadcast_in_dim3A_356 = vector.broadcast %broadcast_in_dim3A_355 : i32 to vector<16xi32>
        %add3A_357 = vector.broadcast %mul3A_346 : i32 to vector<16xi32>
        %add3A_358 = arith.addi %add3A_357, %shift_right_arithmetic3A_2 : vector<16xi32>
        %gather3A_359 = tpu.vector_load_idx %arg13[%broadcast_in_dim3A_356, %and3A_4, %broadcast_in_dim3A_349, %add3A_358, %and3A_354] : memref<2x2x8x128x8xf32, #tpu.memory_space<vmem>>[vector<16xi32>, vector<16xi32>, vector<16xi32>, vector<16xi32>, vector<16xi32>], vector<16xf32>,
        %add3A_360 = arith.constant 6 : i32
        %add3A_361 = vector.broadcast %add3A_360 : i32 to vector<16xi32>
        %add3A_362 = arith.addi %add3A_361, %and3A_4 : vector<16xi32>
        %shift_right_arithmetic3A_363 = arith.constant 3 : i32
        %shift_right_arithmetic3A_364 = vector.broadcast %shift_right_arithmetic3A_363 : i32 to vector<16xi32>
        %shift_right_arithmetic3A_365 = arith.shrsi %add3A_362, %shift_right_arithmetic3A_364 : vector<16xi32>
        %and3A_366 = arith.constant 7 : i32
        %and3A_367 = vector.broadcast %and3A_366 : i32 to vector<16xi32>
        %and3A_368 = arith.andi %add3A_362, %and3A_367 : vector<16xi32>
        %add3A_369 = vector.broadcast %mul3A_346 : i32 to vector<16xi32>
        %add3A_370 = arith.addi %add3A_369, %shift_right_arithmetic3A_2 : vector<16xi32>
        tpu.vector_store_idx %arg14[%shift_right_arithmetic3A_365, %broadcast_in_dim3A_349, %and3A_368, %add3A_370], %gather3A_359 : memref<4x8x8x128xf32, #tpu.memory_space<vmem>>[vector<16xi32>, vector<16xi32>, vector<16xi32>, vector<16xi32>], vector<16xf32>,
      }
      %scan3A_105 = arith.constant 128 : i32
      %scan3A_106 = arith.constant 0 : i32
      %scan3A_107 = arith.constant 0 : i32
      %scan3A_108 = arith.constant 8 : i32
      %scan3A_109 = arith.addi %scan3A_107, %scan3A_108 : i32
      %scan3A_110 = arith.constant 1 : i32
      scf.for %scan3A_340 = %scan3A_107 to %scan3A_109 step %scan3A_110  : i32 {
        %add3A_341 = arith.constant 40 : i32
        %add3A_342 = arith.addi %add3A_341, %scan3A_340 : i32
        %dma_start3A = arith.constant 1 : i32
        %dma_start3A_343 = arith.constant 0 : i32
        %dma_start3A_344 = arith.constant 0 : i32
        %dma_start3A_345 = arith.constant 0 : i32
        %dma_start3A_346 = tpu.memref_slice %arg13[%dma_start3A, %dma_start3A_343, %scan3A_340, %dma_start3A_344, %dma_start3A_345] : memref<2x2x8x128x8xf32, #tpu.memory_space<vmem>> -> memref<1x1x1x128x8xf32, #tpu.memory_space<vmem>>
        %dma_start3A_347 = tpu.memref_squeeze %dma_start3A_346 : memref<1x1x1x128x8xf32, #tpu.memory_space<vmem>> -> memref<128x8xf32, #tpu.memory_space<vmem>>
        %dma_start3A_348 = arith.constant 0 : i32
        %dma_start3A_349 = tpu.memref_slice %arg11[%add3A_342, %dma_start3A_348] : memref<128x128xi32, #tpu.memory_space<vmem>> -> memref<1x128xi32, #tpu.memory_space<vmem>>
        %dma_start3A_350 = tpu.memref_squeeze %dma_start3A_349 : memref<1x128xi32, #tpu.memory_space<vmem>> -> memref<128xi32, #tpu.memory_space<vmem>>
        %dma_start3A_351 = arith.constant 0 : i32
        %dma_start3A_352 = arith.constant 0 : i32
        %dma_start3A_353 = tpu.memref_slice %arg5[%dma_start3A_351, %dma_start3A_352] : memref<2097152x8xf32, #tpu.memory_space<hbm>> -> memref<2097152x8xf32, #tpu.memory_space<hbm>>
        tpu.enqueue_indirect_dma source(%dma_start3A_353 : memref<2097152x8xf32, #tpu.memory_space<hbm>>) target(%dma_start3A_347 : memref<128x8xf32, #tpu.memory_space<vmem>>) offsets(%dma_start3A_350 : memref<128xi32, #tpu.memory_space<vmem>>) semaphore(%arg16 : memref<!tpu.dma_semaphore, #tpu.memory_space<semaphore_mem>>)
        %dma_start3A_354 = arith.constant 1 : i32
        %dma_start3A_355 = arith.constant 1 : i32
        %dma_start3A_356 = arith.constant 0 : i32
        %dma_start3A_357 = arith.constant 0 : i32
        %dma_start3A_358 = tpu.memref_slice %arg13[%dma_start3A_354, %dma_start3A_355, %scan3A_340, %dma_start3A_356, %dma_start3A_357] : memref<2x2x8x128x8xf32, #tpu.memory_space<vmem>> -> memref<1x1x1x128x8xf32, #tpu.memory_space<vmem>>
        %dma_start3A_359 = tpu.memref_squeeze %dma_start3A_358 : memref<1x1x1x128x8xf32, #tpu.memory_space<vmem>> -> memref<128x8xf32, #tpu.memory_space<vmem>>
        %dma_start3A_360 = arith.constant 0 : i32
        %dma_start3A_361 = tpu.memref_slice %arg12[%add3A_342, %dma_start3A_360] : memref<128x128xi32, #tpu.memory_space<vmem>> -> memref<1x128xi32, #tpu.memory_space<vmem>>
        %dma_start3A_362 = tpu.memref_squeeze %dma_start3A_361 : memref<1x128xi32, #tpu.memory_space<vmem>> -> memref<128xi32, #tpu.memory_space<vmem>>
        %dma_start3A_363 = arith.constant 0 : i32
        %dma_start3A_364 = arith.constant 0 : i32
        %dma_start3A_365 = tpu.memref_slice %arg5[%dma_start3A_363, %dma_start3A_364] : memref<2097152x8xf32, #tpu.memory_space<hbm>> -> memref<2097152x8xf32, #tpu.memory_space<hbm>>
        tpu.enqueue_indirect_dma source(%dma_start3A_365 : memref<2097152x8xf32, #tpu.memory_space<hbm>>) target(%dma_start3A_359 : memref<128x8xf32, #tpu.memory_space<vmem>>) offsets(%dma_start3A_362 : memref<128xi32, #tpu.memory_space<vmem>>) semaphore(%arg16 : memref<!tpu.dma_semaphore, #tpu.memory_space<semaphore_mem>>)
      }
      %scan3A_111 = arith.constant 8 : i32
      %scan3A_112 = arith.constant 0 : i32
      %scan3A_113 = arith.constant 0 : i32
      %scan3A_114 = arith.constant 8 : i32
      %scan3A_115 = arith.addi %scan3A_113, %scan3A_114 : i32
      %scan3A_116 = arith.constant 1 : i32
      scf.for %scan3A_340 = %scan3A_113 to %scan3A_115 step %scan3A_116  : i32 {
        %add3A_341 = arith.constant 32 : i32
        %add3A_342 = arith.addi %add3A_341, %scan3A_340 : i32
        %dma_wait3A = arith.constant 0 : i32
        %dma_wait3A_343 = arith.constant 0 : i32
        %dma_wait3A_344 = arith.constant 0 : i32
        %dma_wait3A_345 = arith.constant 0 : i32
        %dma_wait3A_346 = tpu.memref_slice %arg13[%dma_wait3A, %dma_wait3A_343, %scan3A_340, %dma_wait3A_344, %dma_wait3A_345] : memref<2x2x8x128x8xf32, #tpu.memory_space<vmem>> -> memref<1x1x1x128x8xf32, #tpu.memory_space<vmem>>
        %dma_wait3A_347 = tpu.memref_squeeze %dma_wait3A_346 : memref<1x1x1x128x8xf32, #tpu.memory_space<vmem>> -> memref<128x8xf32, #tpu.memory_space<vmem>>
        %dma_wait3A_348 = arith.constant 0 : i32
        %dma_wait3A_349 = tpu.memref_slice %arg11[%add3A_342, %dma_wait3A_348] : memref<128x128xi32, #tpu.memory_space<vmem>> -> memref<1x128xi32, #tpu.memory_space<vmem>>
        %dma_wait3A_350 = tpu.memref_squeeze %dma_wait3A_349 : memref<1x128xi32, #tpu.memory_space<vmem>> -> memref<128xi32, #tpu.memory_space<vmem>>
        %dma_wait3A_351 = arith.constant 0 : i32
        %dma_wait3A_352 = arith.constant 0 : i32
        %dma_wait3A_353 = tpu.memref_slice %arg5[%dma_wait3A_351, %dma_wait3A_352] : memref<2097152x8xf32, #tpu.memory_space<hbm>> -> memref<2097152x8xf32, #tpu.memory_space<hbm>>
        tpu.wait_indirect_dma semaphore(%arg15 : memref<!tpu.dma_semaphore, #tpu.memory_space<semaphore_mem>>) src(%dma_wait3A_353 : memref<2097152x8xf32, #tpu.memory_space<hbm>>) dst(%dma_wait3A_347 : memref<128x8xf32, #tpu.memory_space<vmem>>)
        %dma_wait3A_354 = arith.constant 0 : i32
        %dma_wait3A_355 = arith.constant 1 : i32
        %dma_wait3A_356 = arith.constant 0 : i32
        %dma_wait3A_357 = arith.constant 0 : i32
        %dma_wait3A_358 = tpu.memref_slice %arg13[%dma_wait3A_354, %dma_wait3A_355, %scan3A_340, %dma_wait3A_356, %dma_wait3A_357] : memref<2x2x8x128x8xf32, #tpu.memory_space<vmem>> -> memref<1x1x1x128x8xf32, #tpu.memory_space<vmem>>
        %dma_wait3A_359 = tpu.memref_squeeze %dma_wait3A_358 : memref<1x1x1x128x8xf32, #tpu.memory_space<vmem>> -> memref<128x8xf32, #tpu.memory_space<vmem>>
        %dma_wait3A_360 = arith.constant 0 : i32
        %dma_wait3A_361 = tpu.memref_slice %arg12[%add3A_342, %dma_wait3A_360] : memref<128x128xi32, #tpu.memory_space<vmem>> -> memref<1x128xi32, #tpu.memory_space<vmem>>
        %dma_wait3A_362 = tpu.memref_squeeze %dma_wait3A_361 : memref<1x128xi32, #tpu.memory_space<vmem>> -> memref<128xi32, #tpu.memory_space<vmem>>
        %dma_wait3A_363 = arith.constant 0 : i32
        %dma_wait3A_364 = arith.constant 0 : i32
        %dma_wait3A_365 = tpu.memref_slice %arg5[%dma_wait3A_363, %dma_wait3A_364] : memref<2097152x8xf32, #tpu.memory_space<hbm>> -> memref<2097152x8xf32, #tpu.memory_space<hbm>>
        tpu.wait_indirect_dma semaphore(%arg15 : memref<!tpu.dma_semaphore, #tpu.memory_space<semaphore_mem>>) src(%dma_wait3A_365 : memref<2097152x8xf32, #tpu.memory_space<hbm>>) dst(%dma_wait3A_359 : memref<128x8xf32, #tpu.memory_space<vmem>>)
      }
      %scan3A_117 = arith.constant 8 : i32
      %scan3A_118 = arith.constant 0 : i32
      %scan3A_119 = arith.constant 0 : i32
      %scan3A_120 = arith.constant 128 : i32
      %scan3A_121 = arith.addi %scan3A_119, %scan3A_120 : i32
      %scan3A_122 = arith.constant 1 : i32
      scf.for %scan3A_340 = %scan3A_119 to %scan3A_121 step %scan3A_122  : i32 {
        %shift_right_arithmetic3A_341 = arith.constant 4 : i32
        %shift_right_arithmetic3A_342 = arith.shrsi %scan3A_340, %shift_right_arithmetic3A_341 : i32
        %and3A_343 = arith.constant 15 : i32
        %and3A_344 = arith.andi %scan3A_340, %and3A_343 : i32
        %mul3A_345 = arith.constant 8 : i32
        %mul3A_346 = arith.muli %and3A_344, %mul3A_345 : i32
        %add3A_347 = arith.constant 32 : i32
        %add3A_348 = arith.addi %add3A_347, %shift_right_arithmetic3A_342 : i32
        %broadcast_in_dim3A = vector.broadcast %add3A_348 : i32 to vector<16xi32>
        %broadcast_in_dim3A_349 = vector.broadcast %shift_right_arithmetic3A_342 : i32 to vector<16xi32>
        %add3A_350 = vector.broadcast %mul3A_346 : i32 to vector<16xi32>
        %add3A_351 = arith.addi %add3A_350, %shift_right_arithmetic3A_2 : vector<16xi32>
        %gather3A = tpu.vector_load_idx %arg10[%broadcast_in_dim3A, %add3A_351] : memref<128x128xi32, #tpu.memory_space<vmem>>[vector<16xi32>, vector<16xi32>], vector<16xi32>,
        %and3A_352 = arith.constant 7 : i32
        %and3A_353 = vector.broadcast %and3A_352 : i32 to vector<16xi32>
        %and3A_354 = arith.andi %gather3A, %and3A_353 : vector<16xi32>
        %broadcast_in_dim3A_355 = arith.constant 0 : i32
        %broadcast_in_dim3A_356 = vector.broadcast %broadcast_in_dim3A_355 : i32 to vector<16xi32>
        %add3A_357 = vector.broadcast %mul3A_346 : i32 to vector<16xi32>
        %add3A_358 = arith.addi %add3A_357, %shift_right_arithmetic3A_2 : vector<16xi32>
        %gather3A_359 = tpu.vector_load_idx %arg13[%broadcast_in_dim3A_356, %and3A_4, %broadcast_in_dim3A_349, %add3A_358, %and3A_354] : memref<2x2x8x128x8xf32, #tpu.memory_space<vmem>>[vector<16xi32>, vector<16xi32>, vector<16xi32>, vector<16xi32>, vector<16xi32>], vector<16xf32>,
        %add3A_360 = arith.constant 8 : i32
        %add3A_361 = vector.broadcast %add3A_360 : i32 to vector<16xi32>
        %add3A_362 = arith.addi %add3A_361, %and3A_4 : vector<16xi32>
        %shift_right_arithmetic3A_363 = arith.constant 3 : i32
        %shift_right_arithmetic3A_364 = vector.broadcast %shift_right_arithmetic3A_363 : i32 to vector<16xi32>
        %shift_right_arithmetic3A_365 = arith.shrsi %add3A_362, %shift_right_arithmetic3A_364 : vector<16xi32>
        %and3A_366 = arith.constant 7 : i32
        %and3A_367 = vector.broadcast %and3A_366 : i32 to vector<16xi32>
        %and3A_368 = arith.andi %add3A_362, %and3A_367 : vector<16xi32>
        %add3A_369 = vector.broadcast %mul3A_346 : i32 to vector<16xi32>
        %add3A_370 = arith.addi %add3A_369, %shift_right_arithmetic3A_2 : vector<16xi32>
        tpu.vector_store_idx %arg14[%shift_right_arithmetic3A_365, %broadcast_in_dim3A_349, %and3A_368, %add3A_370], %gather3A_359 : memref<4x8x8x128xf32, #tpu.memory_space<vmem>>[vector<16xi32>, vector<16xi32>, vector<16xi32>, vector<16xi32>], vector<16xf32>,
      }
      %scan3A_123 = arith.constant 128 : i32
      %scan3A_124 = arith.constant 0 : i32
      %scan3A_125 = arith.constant 0 : i32
      %scan3A_126 = arith.constant 8 : i32
      %scan3A_127 = arith.addi %scan3A_125, %scan3A_126 : i32
      %scan3A_128 = arith.constant 1 : i32
      scf.for %scan3A_340 = %scan3A_125 to %scan3A_127 step %scan3A_128  : i32 {
        %add3A_341 = arith.constant 48 : i32
        %add3A_342 = arith.addi %add3A_341, %scan3A_340 : i32
        %dma_start3A = arith.constant 0 : i32
        %dma_start3A_343 = arith.constant 0 : i32
        %dma_start3A_344 = arith.constant 0 : i32
        %dma_start3A_345 = arith.constant 0 : i32
        %dma_start3A_346 = tpu.memref_slice %arg13[%dma_start3A, %dma_start3A_343, %scan3A_340, %dma_start3A_344, %dma_start3A_345] : memref<2x2x8x128x8xf32, #tpu.memory_space<vmem>> -> memref<1x1x1x128x8xf32, #tpu.memory_space<vmem>>
        %dma_start3A_347 = tpu.memref_squeeze %dma_start3A_346 : memref<1x1x1x128x8xf32, #tpu.memory_space<vmem>> -> memref<128x8xf32, #tpu.memory_space<vmem>>
        %dma_start3A_348 = arith.constant 0 : i32
        %dma_start3A_349 = tpu.memref_slice %arg11[%add3A_342, %dma_start3A_348] : memref<128x128xi32, #tpu.memory_space<vmem>> -> memref<1x128xi32, #tpu.memory_space<vmem>>
        %dma_start3A_350 = tpu.memref_squeeze %dma_start3A_349 : memref<1x128xi32, #tpu.memory_space<vmem>> -> memref<128xi32, #tpu.memory_space<vmem>>
        %dma_start3A_351 = arith.constant 0 : i32
        %dma_start3A_352 = arith.constant 0 : i32
        %dma_start3A_353 = tpu.memref_slice %arg5[%dma_start3A_351, %dma_start3A_352] : memref<2097152x8xf32, #tpu.memory_space<hbm>> -> memref<2097152x8xf32, #tpu.memory_space<hbm>>
        tpu.enqueue_indirect_dma source(%dma_start3A_353 : memref<2097152x8xf32, #tpu.memory_space<hbm>>) target(%dma_start3A_347 : memref<128x8xf32, #tpu.memory_space<vmem>>) offsets(%dma_start3A_350 : memref<128xi32, #tpu.memory_space<vmem>>) semaphore(%arg15 : memref<!tpu.dma_semaphore, #tpu.memory_space<semaphore_mem>>)
        %dma_start3A_354 = arith.constant 0 : i32
        %dma_start3A_355 = arith.constant 1 : i32
        %dma_start3A_356 = arith.constant 0 : i32
        %dma_start3A_357 = arith.constant 0 : i32
        %dma_start3A_358 = tpu.memref_slice %arg13[%dma_start3A_354, %dma_start3A_355, %scan3A_340, %dma_start3A_356, %dma_start3A_357] : memref<2x2x8x128x8xf32, #tpu.memory_space<vmem>> -> memref<1x1x1x128x8xf32, #tpu.memory_space<vmem>>
        %dma_start3A_359 = tpu.memref_squeeze %dma_start3A_358 : memref<1x1x1x128x8xf32, #tpu.memory_space<vmem>> -> memref<128x8xf32, #tpu.memory_space<vmem>>
        %dma_start3A_360 = arith.constant 0 : i32
        %dma_start3A_361 = tpu.memref_slice %arg12[%add3A_342, %dma_start3A_360] : memref<128x128xi32, #tpu.memory_space<vmem>> -> memref<1x128xi32, #tpu.memory_space<vmem>>
        %dma_start3A_362 = tpu.memref_squeeze %dma_start3A_361 : memref<1x128xi32, #tpu.memory_space<vmem>> -> memref<128xi32, #tpu.memory_space<vmem>>
        %dma_start3A_363 = arith.constant 0 : i32
        %dma_start3A_364 = arith.constant 0 : i32
        %dma_start3A_365 = tpu.memref_slice %arg5[%dma_start3A_363, %dma_start3A_364] : memref<2097152x8xf32, #tpu.memory_space<hbm>> -> memref<2097152x8xf32, #tpu.memory_space<hbm>>
        tpu.enqueue_indirect_dma source(%dma_start3A_365 : memref<2097152x8xf32, #tpu.memory_space<hbm>>) target(%dma_start3A_359 : memref<128x8xf32, #tpu.memory_space<vmem>>) offsets(%dma_start3A_362 : memref<128xi32, #tpu.memory_space<vmem>>) semaphore(%arg15 : memref<!tpu.dma_semaphore, #tpu.memory_space<semaphore_mem>>)
      }
      %scan3A_129 = arith.constant 8 : i32
      %scan3A_130 = arith.constant 0 : i32
      %scan3A_131 = arith.constant 0 : i32
      %scan3A_132 = arith.constant 8 : i32
      %scan3A_133 = arith.addi %scan3A_131, %scan3A_132 : i32
      %scan3A_134 = arith.constant 1 : i32
      scf.for %scan3A_340 = %scan3A_131 to %scan3A_133 step %scan3A_134  : i32 {
        %add3A_341 = arith.constant 40 : i32
        %add3A_342 = arith.addi %add3A_341, %scan3A_340 : i32
        %dma_wait3A = arith.constant 1 : i32
        %dma_wait3A_343 = arith.constant 0 : i32
        %dma_wait3A_344 = arith.constant 0 : i32
        %dma_wait3A_345 = arith.constant 0 : i32
        %dma_wait3A_346 = tpu.memref_slice %arg13[%dma_wait3A, %dma_wait3A_343, %scan3A_340, %dma_wait3A_344, %dma_wait3A_345] : memref<2x2x8x128x8xf32, #tpu.memory_space<vmem>> -> memref<1x1x1x128x8xf32, #tpu.memory_space<vmem>>
        %dma_wait3A_347 = tpu.memref_squeeze %dma_wait3A_346 : memref<1x1x1x128x8xf32, #tpu.memory_space<vmem>> -> memref<128x8xf32, #tpu.memory_space<vmem>>
        %dma_wait3A_348 = arith.constant 0 : i32
        %dma_wait3A_349 = tpu.memref_slice %arg11[%add3A_342, %dma_wait3A_348] : memref<128x128xi32, #tpu.memory_space<vmem>> -> memref<1x128xi32, #tpu.memory_space<vmem>>
        %dma_wait3A_350 = tpu.memref_squeeze %dma_wait3A_349 : memref<1x128xi32, #tpu.memory_space<vmem>> -> memref<128xi32, #tpu.memory_space<vmem>>
        %dma_wait3A_351 = arith.constant 0 : i32
        %dma_wait3A_352 = arith.constant 0 : i32
        %dma_wait3A_353 = tpu.memref_slice %arg5[%dma_wait3A_351, %dma_wait3A_352] : memref<2097152x8xf32, #tpu.memory_space<hbm>> -> memref<2097152x8xf32, #tpu.memory_space<hbm>>
        tpu.wait_indirect_dma semaphore(%arg16 : memref<!tpu.dma_semaphore, #tpu.memory_space<semaphore_mem>>) src(%dma_wait3A_353 : memref<2097152x8xf32, #tpu.memory_space<hbm>>) dst(%dma_wait3A_347 : memref<128x8xf32, #tpu.memory_space<vmem>>)
        %dma_wait3A_354 = arith.constant 1 : i32
        %dma_wait3A_355 = arith.constant 1 : i32
        %dma_wait3A_356 = arith.constant 0 : i32
        %dma_wait3A_357 = arith.constant 0 : i32
        %dma_wait3A_358 = tpu.memref_slice %arg13[%dma_wait3A_354, %dma_wait3A_355, %scan3A_340, %dma_wait3A_356, %dma_wait3A_357] : memref<2x2x8x128x8xf32, #tpu.memory_space<vmem>> -> memref<1x1x1x128x8xf32, #tpu.memory_space<vmem>>
        %dma_wait3A_359 = tpu.memref_squeeze %dma_wait3A_358 : memref<1x1x1x128x8xf32, #tpu.memory_space<vmem>> -> memref<128x8xf32, #tpu.memory_space<vmem>>
        %dma_wait3A_360 = arith.constant 0 : i32
        %dma_wait3A_361 = tpu.memref_slice %arg12[%add3A_342, %dma_wait3A_360] : memref<128x128xi32, #tpu.memory_space<vmem>> -> memref<1x128xi32, #tpu.memory_space<vmem>>
        %dma_wait3A_362 = tpu.memref_squeeze %dma_wait3A_361 : memref<1x128xi32, #tpu.memory_space<vmem>> -> memref<128xi32, #tpu.memory_space<vmem>>
        %dma_wait3A_363 = arith.constant 0 : i32
        %dma_wait3A_364 = arith.constant 0 : i32
        %dma_wait3A_365 = tpu.memref_slice %arg5[%dma_wait3A_363, %dma_wait3A_364] : memref<2097152x8xf32, #tpu.memory_space<hbm>> -> memref<2097152x8xf32, #tpu.memory_space<hbm>>
        tpu.wait_indirect_dma semaphore(%arg16 : memref<!tpu.dma_semaphore, #tpu.memory_space<semaphore_mem>>) src(%dma_wait3A_365 : memref<2097152x8xf32, #tpu.memory_space<hbm>>) dst(%dma_wait3A_359 : memref<128x8xf32, #tpu.memory_space<vmem>>)
      }
      %scan3A_135 = arith.constant 8 : i32
      %scan3A_136 = arith.constant 0 : i32
      %scan3A_137 = arith.constant 0 : i32
      %scan3A_138 = arith.constant 128 : i32
      %scan3A_139 = arith.addi %scan3A_137, %scan3A_138 : i32
      %scan3A_140 = arith.constant 1 : i32
      scf.for %scan3A_340 = %scan3A_137 to %scan3A_139 step %scan3A_140  : i32 {
        %shift_right_arithmetic3A_341 = arith.constant 4 : i32
        %shift_right_arithmetic3A_342 = arith.shrsi %scan3A_340, %shift_right_arithmetic3A_341 : i32
        %and3A_343 = arith.constant 15 : i32
        %and3A_344 = arith.andi %scan3A_340, %and3A_343 : i32
        %mul3A_345 = arith.constant 8 : i32
        %mul3A_346 = arith.muli %and3A_344, %mul3A_345 : i32
        %add3A_347 = arith.constant 40 : i32
        %add3A_348 = arith.addi %add3A_347, %shift_right_arithmetic3A_342 : i32
        %broadcast_in_dim3A = vector.broadcast %add3A_348 : i32 to vector<16xi32>
        %broadcast_in_dim3A_349 = vector.broadcast %shift_right_arithmetic3A_342 : i32 to vector<16xi32>
        %add3A_350 = vector.broadcast %mul3A_346 : i32 to vector<16xi32>
        %add3A_351 = arith.addi %add3A_350, %shift_right_arithmetic3A_2 : vector<16xi32>
        %gather3A = tpu.vector_load_idx %arg10[%broadcast_in_dim3A, %add3A_351] : memref<128x128xi32, #tpu.memory_space<vmem>>[vector<16xi32>, vector<16xi32>], vector<16xi32>,
        %and3A_352 = arith.constant 7 : i32
        %and3A_353 = vector.broadcast %and3A_352 : i32 to vector<16xi32>
        %and3A_354 = arith.andi %gather3A, %and3A_353 : vector<16xi32>
        %broadcast_in_dim3A_355 = arith.constant 1 : i32
        %broadcast_in_dim3A_356 = vector.broadcast %broadcast_in_dim3A_355 : i32 to vector<16xi32>
        %add3A_357 = vector.broadcast %mul3A_346 : i32 to vector<16xi32>
        %add3A_358 = arith.addi %add3A_357, %shift_right_arithmetic3A_2 : vector<16xi32>
        %gather3A_359 = tpu.vector_load_idx %arg13[%broadcast_in_dim3A_356, %and3A_4, %broadcast_in_dim3A_349, %add3A_358, %and3A_354] : memref<2x2x8x128x8xf32, #tpu.memory_space<vmem>>[vector<16xi32>, vector<16xi32>, vector<16xi32>, vector<16xi32>, vector<16xi32>], vector<16xf32>,
        %add3A_360 = arith.constant 10 : i32
        %add3A_361 = vector.broadcast %add3A_360 : i32 to vector<16xi32>
        %add3A_362 = arith.addi %add3A_361, %and3A_4 : vector<16xi32>
        %shift_right_arithmetic3A_363 = arith.constant 3 : i32
        %shift_right_arithmetic3A_364 = vector.broadcast %shift_right_arithmetic3A_363 : i32 to vector<16xi32>
        %shift_right_arithmetic3A_365 = arith.shrsi %add3A_362, %shift_right_arithmetic3A_364 : vector<16xi32>
        %and3A_366 = arith.constant 7 : i32
        %and3A_367 = vector.broadcast %and3A_366 : i32 to vector<16xi32>
        %and3A_368 = arith.andi %add3A_362, %and3A_367 : vector<16xi32>
        %add3A_369 = vector.broadcast %mul3A_346 : i32 to vector<16xi32>
        %add3A_370 = arith.addi %add3A_369, %shift_right_arithmetic3A_2 : vector<16xi32>
        tpu.vector_store_idx %arg14[%shift_right_arithmetic3A_365, %broadcast_in_dim3A_349, %and3A_368, %add3A_370], %gather3A_359 : memref<4x8x8x128xf32, #tpu.memory_space<vmem>>[vector<16xi32>, vector<16xi32>, vector<16xi32>, vector<16xi32>], vector<16xf32>,
      }
      %scan3A_141 = arith.constant 128 : i32
      %scan3A_142 = arith.constant 0 : i32
      %scan3A_143 = arith.constant 0 : i32
      %scan3A_144 = arith.constant 8 : i32
      %scan3A_145 = arith.addi %scan3A_143, %scan3A_144 : i32
      %scan3A_146 = arith.constant 1 : i32
      scf.for %scan3A_340 = %scan3A_143 to %scan3A_145 step %scan3A_146  : i32 {
        %add3A_341 = arith.constant 56 : i32
        %add3A_342 = arith.addi %add3A_341, %scan3A_340 : i32
        %dma_start3A = arith.constant 1 : i32
        %dma_start3A_343 = arith.constant 0 : i32
        %dma_start3A_344 = arith.constant 0 : i32
        %dma_start3A_345 = arith.constant 0 : i32
        %dma_start3A_346 = tpu.memref_slice %arg13[%dma_start3A, %dma_start3A_343, %scan3A_340, %dma_start3A_344, %dma_start3A_345] : memref<2x2x8x128x8xf32, #tpu.memory_space<vmem>> -> memref<1x1x1x128x8xf32, #tpu.memory_space<vmem>>
        %dma_start3A_347 = tpu.memref_squeeze %dma_start3A_346 : memref<1x1x1x128x8xf32, #tpu.memory_space<vmem>> -> memref<128x8xf32, #tpu.memory_space<vmem>>
        %dma_start3A_348 = arith.constant 0 : i32
        %dma_start3A_349 = tpu.memref_slice %arg11[%add3A_342, %dma_start3A_348] : memref<128x128xi32, #tpu.memory_space<vmem>> -> memref<1x128xi32, #tpu.memory_space<vmem>>
        %dma_start3A_350 = tpu.memref_squeeze %dma_start3A_349 : memref<1x128xi32, #tpu.memory_space<vmem>> -> memref<128xi32, #tpu.memory_space<vmem>>
        %dma_start3A_351 = arith.constant 0 : i32
        %dma_start3A_352 = arith.constant 0 : i32
        %dma_start3A_353 = tpu.memref_slice %arg5[%dma_start3A_351, %dma_start3A_352] : memref<2097152x8xf32, #tpu.memory_space<hbm>> -> memref<2097152x8xf32, #tpu.memory_space<hbm>>
        tpu.enqueue_indirect_dma source(%dma_start3A_353 : memref<2097152x8xf32, #tpu.memory_space<hbm>>) target(%dma_start3A_347 : memref<128x8xf32, #tpu.memory_space<vmem>>) offsets(%dma_start3A_350 : memref<128xi32, #tpu.memory_space<vmem>>) semaphore(%arg16 : memref<!tpu.dma_semaphore, #tpu.memory_space<semaphore_mem>>)
        %dma_start3A_354 = arith.constant 1 : i32
        %dma_start3A_355 = arith.constant 1 : i32
        %dma_start3A_356 = arith.constant 0 : i32
        %dma_start3A_357 = arith.constant 0 : i32
        %dma_start3A_358 = tpu.memref_slice %arg13[%dma_start3A_354, %dma_start3A_355, %scan3A_340, %dma_start3A_356, %dma_start3A_357] : memref<2x2x8x128x8xf32, #tpu.memory_space<vmem>> -> memref<1x1x1x128x8xf32, #tpu.memory_space<vmem>>
        %dma_start3A_359 = tpu.memref_squeeze %dma_start3A_358 : memref<1x1x1x128x8xf32, #tpu.memory_space<vmem>> -> memref<128x8xf32, #tpu.memory_space<vmem>>
        %dma_start3A_360 = arith.constant 0 : i32
        %dma_start3A_361 = tpu.memref_slice %arg12[%add3A_342, %dma_start3A_360] : memref<128x128xi32, #tpu.memory_space<vmem>> -> memref<1x128xi32, #tpu.memory_space<vmem>>
        %dma_start3A_362 = tpu.memref_squeeze %dma_start3A_361 : memref<1x128xi32, #tpu.memory_space<vmem>> -> memref<128xi32, #tpu.memory_space<vmem>>
        %dma_start3A_363 = arith.constant 0 : i32
        %dma_start3A_364 = arith.constant 0 : i32
        %dma_start3A_365 = tpu.memref_slice %arg5[%dma_start3A_363, %dma_start3A_364] : memref<2097152x8xf32, #tpu.memory_space<hbm>> -> memref<2097152x8xf32, #tpu.memory_space<hbm>>
        tpu.enqueue_indirect_dma source(%dma_start3A_365 : memref<2097152x8xf32, #tpu.memory_space<hbm>>) target(%dma_start3A_359 : memref<128x8xf32, #tpu.memory_space<vmem>>) offsets(%dma_start3A_362 : memref<128xi32, #tpu.memory_space<vmem>>) semaphore(%arg16 : memref<!tpu.dma_semaphore, #tpu.memory_space<semaphore_mem>>)
      }
      %scan3A_147 = arith.constant 8 : i32
      %scan3A_148 = arith.constant 0 : i32
      %scan3A_149 = arith.constant 0 : i32
      %scan3A_150 = arith.constant 8 : i32
      %scan3A_151 = arith.addi %scan3A_149, %scan3A_150 : i32
      %scan3A_152 = arith.constant 1 : i32
      scf.for %scan3A_340 = %scan3A_149 to %scan3A_151 step %scan3A_152  : i32 {
        %add3A_341 = arith.constant 48 : i32
        %add3A_342 = arith.addi %add3A_341, %scan3A_340 : i32
        %dma_wait3A = arith.constant 0 : i32
        %dma_wait3A_343 = arith.constant 0 : i32
        %dma_wait3A_344 = arith.constant 0 : i32
        %dma_wait3A_345 = arith.constant 0 : i32
        %dma_wait3A_346 = tpu.memref_slice %arg13[%dma_wait3A, %dma_wait3A_343, %scan3A_340, %dma_wait3A_344, %dma_wait3A_345] : memref<2x2x8x128x8xf32, #tpu.memory_space<vmem>> -> memref<1x1x1x128x8xf32, #tpu.memory_space<vmem>>
        %dma_wait3A_347 = tpu.memref_squeeze %dma_wait3A_346 : memref<1x1x1x128x8xf32, #tpu.memory_space<vmem>> -> memref<128x8xf32, #tpu.memory_space<vmem>>
        %dma_wait3A_348 = arith.constant 0 : i32
        %dma_wait3A_349 = tpu.memref_slice %arg11[%add3A_342, %dma_wait3A_348] : memref<128x128xi32, #tpu.memory_space<vmem>> -> memref<1x128xi32, #tpu.memory_space<vmem>>
        %dma_wait3A_350 = tpu.memref_squeeze %dma_wait3A_349 : memref<1x128xi32, #tpu.memory_space<vmem>> -> memref<128xi32, #tpu.memory_space<vmem>>
        %dma_wait3A_351 = arith.constant 0 : i32
        %dma_wait3A_352 = arith.constant 0 : i32
        %dma_wait3A_353 = tpu.memref_slice %arg5[%dma_wait3A_351, %dma_wait3A_352] : memref<2097152x8xf32, #tpu.memory_space<hbm>> -> memref<2097152x8xf32, #tpu.memory_space<hbm>>
        tpu.wait_indirect_dma semaphore(%arg15 : memref<!tpu.dma_semaphore, #tpu.memory_space<semaphore_mem>>) src(%dma_wait3A_353 : memref<2097152x8xf32, #tpu.memory_space<hbm>>) dst(%dma_wait3A_347 : memref<128x8xf32, #tpu.memory_space<vmem>>)
        %dma_wait3A_354 = arith.constant 0 : i32
        %dma_wait3A_355 = arith.constant 1 : i32
        %dma_wait3A_356 = arith.constant 0 : i32
        %dma_wait3A_357 = arith.constant 0 : i32
        %dma_wait3A_358 = tpu.memref_slice %arg13[%dma_wait3A_354, %dma_wait3A_355, %scan3A_340, %dma_wait3A_356, %dma_wait3A_357] : memref<2x2x8x128x8xf32, #tpu.memory_space<vmem>> -> memref<1x1x1x128x8xf32, #tpu.memory_space<vmem>>
        %dma_wait3A_359 = tpu.memref_squeeze %dma_wait3A_358 : memref<1x1x1x128x8xf32, #tpu.memory_space<vmem>> -> memref<128x8xf32, #tpu.memory_space<vmem>>
        %dma_wait3A_360 = arith.constant 0 : i32
        %dma_wait3A_361 = tpu.memref_slice %arg12[%add3A_342, %dma_wait3A_360] : memref<128x128xi32, #tpu.memory_space<vmem>> -> memref<1x128xi32, #tpu.memory_space<vmem>>
        %dma_wait3A_362 = tpu.memref_squeeze %dma_wait3A_361 : memref<1x128xi32, #tpu.memory_space<vmem>> -> memref<128xi32, #tpu.memory_space<vmem>>
        %dma_wait3A_363 = arith.constant 0 : i32
        %dma_wait3A_364 = arith.constant 0 : i32
        %dma_wait3A_365 = tpu.memref_slice %arg5[%dma_wait3A_363, %dma_wait3A_364] : memref<2097152x8xf32, #tpu.memory_space<hbm>> -> memref<2097152x8xf32, #tpu.memory_space<hbm>>
        tpu.wait_indirect_dma semaphore(%arg15 : memref<!tpu.dma_semaphore, #tpu.memory_space<semaphore_mem>>) src(%dma_wait3A_365 : memref<2097152x8xf32, #tpu.memory_space<hbm>>) dst(%dma_wait3A_359 : memref<128x8xf32, #tpu.memory_space<vmem>>)
      }
      %scan3A_153 = arith.constant 8 : i32
      %scan3A_154 = arith.constant 0 : i32
      %scan3A_155 = arith.constant 0 : i32
      %scan3A_156 = arith.constant 128 : i32
      %scan3A_157 = arith.addi %scan3A_155, %scan3A_156 : i32
      %scan3A_158 = arith.constant 1 : i32
      scf.for %scan3A_340 = %scan3A_155 to %scan3A_157 step %scan3A_158  : i32 {
        %shift_right_arithmetic3A_341 = arith.constant 4 : i32
        %shift_right_arithmetic3A_342 = arith.shrsi %scan3A_340, %shift_right_arithmetic3A_341 : i32
        %and3A_343 = arith.constant 15 : i32
        %and3A_344 = arith.andi %scan3A_340, %and3A_343 : i32
        %mul3A_345 = arith.constant 8 : i32
        %mul3A_346 = arith.muli %and3A_344, %mul3A_345 : i32
        %add3A_347 = arith.constant 48 : i32
        %add3A_348 = arith.addi %add3A_347, %shift_right_arithmetic3A_342 : i32
        %broadcast_in_dim3A = vector.broadcast %add3A_348 : i32 to vector<16xi32>
        %broadcast_in_dim3A_349 = vector.broadcast %shift_right_arithmetic3A_342 : i32 to vector<16xi32>
        %add3A_350 = vector.broadcast %mul3A_346 : i32 to vector<16xi32>
        %add3A_351 = arith.addi %add3A_350, %shift_right_arithmetic3A_2 : vector<16xi32>
        %gather3A = tpu.vector_load_idx %arg10[%broadcast_in_dim3A, %add3A_351] : memref<128x128xi32, #tpu.memory_space<vmem>>[vector<16xi32>, vector<16xi32>], vector<16xi32>,
        %and3A_352 = arith.constant 7 : i32
        %and3A_353 = vector.broadcast %and3A_352 : i32 to vector<16xi32>
        %and3A_354 = arith.andi %gather3A, %and3A_353 : vector<16xi32>
        %broadcast_in_dim3A_355 = arith.constant 0 : i32
        %broadcast_in_dim3A_356 = vector.broadcast %broadcast_in_dim3A_355 : i32 to vector<16xi32>
        %add3A_357 = vector.broadcast %mul3A_346 : i32 to vector<16xi32>
        %add3A_358 = arith.addi %add3A_357, %shift_right_arithmetic3A_2 : vector<16xi32>
        %gather3A_359 = tpu.vector_load_idx %arg13[%broadcast_in_dim3A_356, %and3A_4, %broadcast_in_dim3A_349, %add3A_358, %and3A_354] : memref<2x2x8x128x8xf32, #tpu.memory_space<vmem>>[vector<16xi32>, vector<16xi32>, vector<16xi32>, vector<16xi32>, vector<16xi32>], vector<16xf32>,
        %add3A_360 = arith.constant 12 : i32
        %add3A_361 = vector.broadcast %add3A_360 : i32 to vector<16xi32>
        %add3A_362 = arith.addi %add3A_361, %and3A_4 : vector<16xi32>
        %shift_right_arithmetic3A_363 = arith.constant 3 : i32
        %shift_right_arithmetic3A_364 = vector.broadcast %shift_right_arithmetic3A_363 : i32 to vector<16xi32>
        %shift_right_arithmetic3A_365 = arith.shrsi %add3A_362, %shift_right_arithmetic3A_364 : vector<16xi32>
        %and3A_366 = arith.constant 7 : i32
        %and3A_367 = vector.broadcast %and3A_366 : i32 to vector<16xi32>
        %and3A_368 = arith.andi %add3A_362, %and3A_367 : vector<16xi32>
        %add3A_369 = vector.broadcast %mul3A_346 : i32 to vector<16xi32>
        %add3A_370 = arith.addi %add3A_369, %shift_right_arithmetic3A_2 : vector<16xi32>
        tpu.vector_store_idx %arg14[%shift_right_arithmetic3A_365, %broadcast_in_dim3A_349, %and3A_368, %add3A_370], %gather3A_359 : memref<4x8x8x128xf32, #tpu.memory_space<vmem>>[vector<16xi32>, vector<16xi32>, vector<16xi32>, vector<16xi32>], vector<16xf32>,
      }
      %scan3A_159 = arith.constant 128 : i32
      %scan3A_160 = arith.constant 0 : i32
      %scan3A_161 = arith.constant 0 : i32
      %scan3A_162 = arith.constant 8 : i32
      %scan3A_163 = arith.addi %scan3A_161, %scan3A_162 : i32
      %scan3A_164 = arith.constant 1 : i32
      scf.for %scan3A_340 = %scan3A_161 to %scan3A_163 step %scan3A_164  : i32 {
        %add3A_341 = arith.constant 64 : i32
        %add3A_342 = arith.addi %add3A_341, %scan3A_340 : i32
        %dma_start3A = arith.constant 0 : i32
        %dma_start3A_343 = arith.constant 0 : i32
        %dma_start3A_344 = arith.constant 0 : i32
        %dma_start3A_345 = arith.constant 0 : i32
        %dma_start3A_346 = tpu.memref_slice %arg13[%dma_start3A, %dma_start3A_343, %scan3A_340, %dma_start3A_344, %dma_start3A_345] : memref<2x2x8x128x8xf32, #tpu.memory_space<vmem>> -> memref<1x1x1x128x8xf32, #tpu.memory_space<vmem>>
        %dma_start3A_347 = tpu.memref_squeeze %dma_start3A_346 : memref<1x1x1x128x8xf32, #tpu.memory_space<vmem>> -> memref<128x8xf32, #tpu.memory_space<vmem>>
        %dma_start3A_348 = arith.constant 0 : i32
        %dma_start3A_349 = tpu.memref_slice %arg11[%add3A_342, %dma_start3A_348] : memref<128x128xi32, #tpu.memory_space<vmem>> -> memref<1x128xi32, #tpu.memory_space<vmem>>
        %dma_start3A_350 = tpu.memref_squeeze %dma_start3A_349 : memref<1x128xi32, #tpu.memory_space<vmem>> -> memref<128xi32, #tpu.memory_space<vmem>>
        %dma_start3A_351 = arith.constant 0 : i32
        %dma_start3A_352 = arith.constant 0 : i32
        %dma_start3A_353 = tpu.memref_slice %arg5[%dma_start3A_351, %dma_start3A_352] : memref<2097152x8xf32, #tpu.memory_space<hbm>> -> memref<2097152x8xf32, #tpu.memory_space<hbm>>
        tpu.enqueue_indirect_dma source(%dma_start3A_353 : memref<2097152x8xf32, #tpu.memory_space<hbm>>) target(%dma_start3A_347 : memref<128x8xf32, #tpu.memory_space<vmem>>) offsets(%dma_start3A_350 : memref<128xi32, #tpu.memory_space<vmem>>) semaphore(%arg15 : memref<!tpu.dma_semaphore, #tpu.memory_space<semaphore_mem>>)
        %dma_start3A_354 = arith.constant 0 : i32
        %dma_start3A_355 = arith.constant 1 : i32
        %dma_start3A_356 = arith.constant 0 : i32
        %dma_start3A_357 = arith.constant 0 : i32
        %dma_start3A_358 = tpu.memref_slice %arg13[%dma_start3A_354, %dma_start3A_355, %scan3A_340, %dma_start3A_356, %dma_start3A_357] : memref<2x2x8x128x8xf32, #tpu.memory_space<vmem>> -> memref<1x1x1x128x8xf32, #tpu.memory_space<vmem>>
        %dma_start3A_359 = tpu.memref_squeeze %dma_start3A_358 : memref<1x1x1x128x8xf32, #tpu.memory_space<vmem>> -> memref<128x8xf32, #tpu.memory_space<vmem>>
        %dma_start3A_360 = arith.constant 0 : i32
        %dma_start3A_361 = tpu.memref_slice %arg12[%add3A_342, %dma_start3A_360] : memref<128x128xi32, #tpu.memory_space<vmem>> -> memref<1x128xi32, #tpu.memory_space<vmem>>
        %dma_start3A_362 = tpu.memref_squeeze %dma_start3A_361 : memref<1x128xi32, #tpu.memory_space<vmem>> -> memref<128xi32, #tpu.memory_space<vmem>>
        %dma_start3A_363 = arith.constant 0 : i32
        %dma_start3A_364 = arith.constant 0 : i32
        %dma_start3A_365 = tpu.memref_slice %arg5[%dma_start3A_363, %dma_start3A_364] : memref<2097152x8xf32, #tpu.memory_space<hbm>> -> memref<2097152x8xf32, #tpu.memory_space<hbm>>
        tpu.enqueue_indirect_dma source(%dma_start3A_365 : memref<2097152x8xf32, #tpu.memory_space<hbm>>) target(%dma_start3A_359 : memref<128x8xf32, #tpu.memory_space<vmem>>) offsets(%dma_start3A_362 : memref<128xi32, #tpu.memory_space<vmem>>) semaphore(%arg15 : memref<!tpu.dma_semaphore, #tpu.memory_space<semaphore_mem>>)
      }
      %scan3A_165 = arith.constant 8 : i32
      %scan3A_166 = arith.constant 0 : i32
      %scan3A_167 = arith.constant 0 : i32
      %scan3A_168 = arith.constant 8 : i32
      %scan3A_169 = arith.addi %scan3A_167, %scan3A_168 : i32
      %scan3A_170 = arith.constant 1 : i32
      scf.for %scan3A_340 = %scan3A_167 to %scan3A_169 step %scan3A_170  : i32 {
        %add3A_341 = arith.constant 56 : i32
        %add3A_342 = arith.addi %add3A_341, %scan3A_340 : i32
        %dma_wait3A = arith.constant 1 : i32
        %dma_wait3A_343 = arith.constant 0 : i32
        %dma_wait3A_344 = arith.constant 0 : i32
        %dma_wait3A_345 = arith.constant 0 : i32
        %dma_wait3A_346 = tpu.memref_slice %arg13[%dma_wait3A, %dma_wait3A_343, %scan3A_340, %dma_wait3A_344, %dma_wait3A_345] : memref<2x2x8x128x8xf32, #tpu.memory_space<vmem>> -> memref<1x1x1x128x8xf32, #tpu.memory_space<vmem>>
        %dma_wait3A_347 = tpu.memref_squeeze %dma_wait3A_346 : memref<1x1x1x128x8xf32, #tpu.memory_space<vmem>> -> memref<128x8xf32, #tpu.memory_space<vmem>>
        %dma_wait3A_348 = arith.constant 0 : i32
        %dma_wait3A_349 = tpu.memref_slice %arg11[%add3A_342, %dma_wait3A_348] : memref<128x128xi32, #tpu.memory_space<vmem>> -> memref<1x128xi32, #tpu.memory_space<vmem>>
        %dma_wait3A_350 = tpu.memref_squeeze %dma_wait3A_349 : memref<1x128xi32, #tpu.memory_space<vmem>> -> memref<128xi32, #tpu.memory_space<vmem>>
        %dma_wait3A_351 = arith.constant 0 : i32
        %dma_wait3A_352 = arith.constant 0 : i32
        %dma_wait3A_353 = tpu.memref_slice %arg5[%dma_wait3A_351, %dma_wait3A_352] : memref<2097152x8xf32, #tpu.memory_space<hbm>> -> memref<2097152x8xf32, #tpu.memory_space<hbm>>
        tpu.wait_indirect_dma semaphore(%arg16 : memref<!tpu.dma_semaphore, #tpu.memory_space<semaphore_mem>>) src(%dma_wait3A_353 : memref<2097152x8xf32, #tpu.memory_space<hbm>>) dst(%dma_wait3A_347 : memref<128x8xf32, #tpu.memory_space<vmem>>)
        %dma_wait3A_354 = arith.constant 1 : i32
        %dma_wait3A_355 = arith.constant 1 : i32
        %dma_wait3A_356 = arith.constant 0 : i32
        %dma_wait3A_357 = arith.constant 0 : i32
        %dma_wait3A_358 = tpu.memref_slice %arg13[%dma_wait3A_354, %dma_wait3A_355, %scan3A_340, %dma_wait3A_356, %dma_wait3A_357] : memref<2x2x8x128x8xf32, #tpu.memory_space<vmem>> -> memref<1x1x1x128x8xf32, #tpu.memory_space<vmem>>
        %dma_wait3A_359 = tpu.memref_squeeze %dma_wait3A_358 : memref<1x1x1x128x8xf32, #tpu.memory_space<vmem>> -> memref<128x8xf32, #tpu.memory_space<vmem>>
        %dma_wait3A_360 = arith.constant 0 : i32
        %dma_wait3A_361 = tpu.memref_slice %arg12[%add3A_342, %dma_wait3A_360] : memref<128x128xi32, #tpu.memory_space<vmem>> -> memref<1x128xi32, #tpu.memory_space<vmem>>
        %dma_wait3A_362 = tpu.memref_squeeze %dma_wait3A_361 : memref<1x128xi32, #tpu.memory_space<vmem>> -> memref<128xi32, #tpu.memory_space<vmem>>
        %dma_wait3A_363 = arith.constant 0 : i32
        %dma_wait3A_364 = arith.constant 0 : i32
        %dma_wait3A_365 = tpu.memref_slice %arg5[%dma_wait3A_363, %dma_wait3A_364] : memref<2097152x8xf32, #tpu.memory_space<hbm>> -> memref<2097152x8xf32, #tpu.memory_space<hbm>>
        tpu.wait_indirect_dma semaphore(%arg16 : memref<!tpu.dma_semaphore, #tpu.memory_space<semaphore_mem>>) src(%dma_wait3A_365 : memref<2097152x8xf32, #tpu.memory_space<hbm>>) dst(%dma_wait3A_359 : memref<128x8xf32, #tpu.memory_space<vmem>>)
      }
      %scan3A_171 = arith.constant 8 : i32
      %scan3A_172 = arith.constant 0 : i32
      %scan3A_173 = arith.constant 0 : i32
      %scan3A_174 = arith.constant 128 : i32
      %scan3A_175 = arith.addi %scan3A_173, %scan3A_174 : i32
      %scan3A_176 = arith.constant 1 : i32
      scf.for %scan3A_340 = %scan3A_173 to %scan3A_175 step %scan3A_176  : i32 {
        %shift_right_arithmetic3A_341 = arith.constant 4 : i32
        %shift_right_arithmetic3A_342 = arith.shrsi %scan3A_340, %shift_right_arithmetic3A_341 : i32
        %and3A_343 = arith.constant 15 : i32
        %and3A_344 = arith.andi %scan3A_340, %and3A_343 : i32
        %mul3A_345 = arith.constant 8 : i32
        %mul3A_346 = arith.muli %and3A_344, %mul3A_345 : i32
        %add3A_347 = arith.constant 56 : i32
        %add3A_348 = arith.addi %add3A_347, %shift_right_arithmetic3A_342 : i32
        %broadcast_in_dim3A = vector.broadcast %add3A_348 : i32 to vector<16xi32>
        %broadcast_in_dim3A_349 = vector.broadcast %shift_right_arithmetic3A_342 : i32 to vector<16xi32>
        %add3A_350 = vector.broadcast %mul3A_346 : i32 to vector<16xi32>
        %add3A_351 = arith.addi %add3A_350, %shift_right_arithmetic3A_2 : vector<16xi32>
        %gather3A = tpu.vector_load_idx %arg10[%broadcast_in_dim3A, %add3A_351] : memref<128x128xi32, #tpu.memory_space<vmem>>[vector<16xi32>, vector<16xi32>], vector<16xi32>,
        %and3A_352 = arith.constant 7 : i32
        %and3A_353 = vector.broadcast %and3A_352 : i32 to vector<16xi32>
        %and3A_354 = arith.andi %gather3A, %and3A_353 : vector<16xi32>
        %broadcast_in_dim3A_355 = arith.constant 1 : i32
        %broadcast_in_dim3A_356 = vector.broadcast %broadcast_in_dim3A_355 : i32 to vector<16xi32>
        %add3A_357 = vector.broadcast %mul3A_346 : i32 to vector<16xi32>
        %add3A_358 = arith.addi %add3A_357, %shift_right_arithmetic3A_2 : vector<16xi32>
        %gather3A_359 = tpu.vector_load_idx %arg13[%broadcast_in_dim3A_356, %and3A_4, %broadcast_in_dim3A_349, %add3A_358, %and3A_354] : memref<2x2x8x128x8xf32, #tpu.memory_space<vmem>>[vector<16xi32>, vector<16xi32>, vector<16xi32>, vector<16xi32>, vector<16xi32>], vector<16xf32>,
        %add3A_360 = arith.constant 14 : i32
        %add3A_361 = vector.broadcast %add3A_360 : i32 to vector<16xi32>
        %add3A_362 = arith.addi %add3A_361, %and3A_4 : vector<16xi32>
        %shift_right_arithmetic3A_363 = arith.constant 3 : i32
        %shift_right_arithmetic3A_364 = vector.broadcast %shift_right_arithmetic3A_363 : i32 to vector<16xi32>
        %shift_right_arithmetic3A_365 = arith.shrsi %add3A_362, %shift_right_arithmetic3A_364 : vector<16xi32>
        %and3A_366 = arith.constant 7 : i32
        %and3A_367 = vector.broadcast %and3A_366 : i32 to vector<16xi32>
        %and3A_368 = arith.andi %add3A_362, %and3A_367 : vector<16xi32>
        %add3A_369 = vector.broadcast %mul3A_346 : i32 to vector<16xi32>
        %add3A_370 = arith.addi %add3A_369, %shift_right_arithmetic3A_2 : vector<16xi32>
        tpu.vector_store_idx %arg14[%shift_right_arithmetic3A_365, %broadcast_in_dim3A_349, %and3A_368, %add3A_370], %gather3A_359 : memref<4x8x8x128xf32, #tpu.memory_space<vmem>>[vector<16xi32>, vector<16xi32>, vector<16xi32>, vector<16xi32>], vector<16xf32>,
      }
      %scan3A_177 = arith.constant 128 : i32
      %scan3A_178 = arith.constant 0 : i32
      %scan3A_179 = arith.constant 0 : i32
      %scan3A_180 = arith.constant 8 : i32
      %scan3A_181 = arith.addi %scan3A_179, %scan3A_180 : i32
      %scan3A_182 = arith.constant 1 : i32
      scf.for %scan3A_340 = %scan3A_179 to %scan3A_181 step %scan3A_182  : i32 {
        %add3A_341 = arith.constant 72 : i32
        %add3A_342 = arith.addi %add3A_341, %scan3A_340 : i32
        %dma_start3A = arith.constant 1 : i32
        %dma_start3A_343 = arith.constant 0 : i32
        %dma_start3A_344 = arith.constant 0 : i32
        %dma_start3A_345 = arith.constant 0 : i32
        %dma_start3A_346 = tpu.memref_slice %arg13[%dma_start3A, %dma_start3A_343, %scan3A_340, %dma_start3A_344, %dma_start3A_345] : memref<2x2x8x128x8xf32, #tpu.memory_space<vmem>> -> memref<1x1x1x128x8xf32, #tpu.memory_space<vmem>>
        %dma_start3A_347 = tpu.memref_squeeze %dma_start3A_346 : memref<1x1x1x128x8xf32, #tpu.memory_space<vmem>> -> memref<128x8xf32, #tpu.memory_space<vmem>>
        %dma_start3A_348 = arith.constant 0 : i32
        %dma_start3A_349 = tpu.memref_slice %arg11[%add3A_342, %dma_start3A_348] : memref<128x128xi32, #tpu.memory_space<vmem>> -> memref<1x128xi32, #tpu.memory_space<vmem>>
        %dma_start3A_350 = tpu.memref_squeeze %dma_start3A_349 : memref<1x128xi32, #tpu.memory_space<vmem>> -> memref<128xi32, #tpu.memory_space<vmem>>
        %dma_start3A_351 = arith.constant 0 : i32
        %dma_start3A_352 = arith.constant 0 : i32
        %dma_start3A_353 = tpu.memref_slice %arg5[%dma_start3A_351, %dma_start3A_352] : memref<2097152x8xf32, #tpu.memory_space<hbm>> -> memref<2097152x8xf32, #tpu.memory_space<hbm>>
        tpu.enqueue_indirect_dma source(%dma_start3A_353 : memref<2097152x8xf32, #tpu.memory_space<hbm>>) target(%dma_start3A_347 : memref<128x8xf32, #tpu.memory_space<vmem>>) offsets(%dma_start3A_350 : memref<128xi32, #tpu.memory_space<vmem>>) semaphore(%arg16 : memref<!tpu.dma_semaphore, #tpu.memory_space<semaphore_mem>>)
        %dma_start3A_354 = arith.constant 1 : i32
        %dma_start3A_355 = arith.constant 1 : i32
        %dma_start3A_356 = arith.constant 0 : i32
        %dma_start3A_357 = arith.constant 0 : i32
        %dma_start3A_358 = tpu.memref_slice %arg13[%dma_start3A_354, %dma_start3A_355, %scan3A_340, %dma_start3A_356, %dma_start3A_357] : memref<2x2x8x128x8xf32, #tpu.memory_space<vmem>> -> memref<1x1x1x128x8xf32, #tpu.memory_space<vmem>>
        %dma_start3A_359 = tpu.memref_squeeze %dma_start3A_358 : memref<1x1x1x128x8xf32, #tpu.memory_space<vmem>> -> memref<128x8xf32, #tpu.memory_space<vmem>>
        %dma_start3A_360 = arith.constant 0 : i32
        %dma_start3A_361 = tpu.memref_slice %arg12[%add3A_342, %dma_start3A_360] : memref<128x128xi32, #tpu.memory_space<vmem>> -> memref<1x128xi32, #tpu.memory_space<vmem>>
        %dma_start3A_362 = tpu.memref_squeeze %dma_start3A_361 : memref<1x128xi32, #tpu.memory_space<vmem>> -> memref<128xi32, #tpu.memory_space<vmem>>
        %dma_start3A_363 = arith.constant 0 : i32
        %dma_start3A_364 = arith.constant 0 : i32
        %dma_start3A_365 = tpu.memref_slice %arg5[%dma_start3A_363, %dma_start3A_364] : memref<2097152x8xf32, #tpu.memory_space<hbm>> -> memref<2097152x8xf32, #tpu.memory_space<hbm>>
        tpu.enqueue_indirect_dma source(%dma_start3A_365 : memref<2097152x8xf32, #tpu.memory_space<hbm>>) target(%dma_start3A_359 : memref<128x8xf32, #tpu.memory_space<vmem>>) offsets(%dma_start3A_362 : memref<128xi32, #tpu.memory_space<vmem>>) semaphore(%arg16 : memref<!tpu.dma_semaphore, #tpu.memory_space<semaphore_mem>>)
      }
      %scan3A_183 = arith.constant 8 : i32
      %scan3A_184 = arith.constant 0 : i32
      %scan3A_185 = arith.constant 0 : i32
      %scan3A_186 = arith.constant 8 : i32
      %scan3A_187 = arith.addi %scan3A_185, %scan3A_186 : i32
      %scan3A_188 = arith.constant 1 : i32
      scf.for %scan3A_340 = %scan3A_185 to %scan3A_187 step %scan3A_188  : i32 {
        %add3A_341 = arith.constant 64 : i32
        %add3A_342 = arith.addi %add3A_341, %scan3A_340 : i32
        %dma_wait3A = arith.constant 0 : i32
        %dma_wait3A_343 = arith.constant 0 : i32
        %dma_wait3A_344 = arith.constant 0 : i32
        %dma_wait3A_345 = arith.constant 0 : i32
        %dma_wait3A_346 = tpu.memref_slice %arg13[%dma_wait3A, %dma_wait3A_343, %scan3A_340, %dma_wait3A_344, %dma_wait3A_345] : memref<2x2x8x128x8xf32, #tpu.memory_space<vmem>> -> memref<1x1x1x128x8xf32, #tpu.memory_space<vmem>>
        %dma_wait3A_347 = tpu.memref_squeeze %dma_wait3A_346 : memref<1x1x1x128x8xf32, #tpu.memory_space<vmem>> -> memref<128x8xf32, #tpu.memory_space<vmem>>
        %dma_wait3A_348 = arith.constant 0 : i32
        %dma_wait3A_349 = tpu.memref_slice %arg11[%add3A_342, %dma_wait3A_348] : memref<128x128xi32, #tpu.memory_space<vmem>> -> memref<1x128xi32, #tpu.memory_space<vmem>>
        %dma_wait3A_350 = tpu.memref_squeeze %dma_wait3A_349 : memref<1x128xi32, #tpu.memory_space<vmem>> -> memref<128xi32, #tpu.memory_space<vmem>>
        %dma_wait3A_351 = arith.constant 0 : i32
        %dma_wait3A_352 = arith.constant 0 : i32
        %dma_wait3A_353 = tpu.memref_slice %arg5[%dma_wait3A_351, %dma_wait3A_352] : memref<2097152x8xf32, #tpu.memory_space<hbm>> -> memref<2097152x8xf32, #tpu.memory_space<hbm>>
        tpu.wait_indirect_dma semaphore(%arg15 : memref<!tpu.dma_semaphore, #tpu.memory_space<semaphore_mem>>) src(%dma_wait3A_353 : memref<2097152x8xf32, #tpu.memory_space<hbm>>) dst(%dma_wait3A_347 : memref<128x8xf32, #tpu.memory_space<vmem>>)
        %dma_wait3A_354 = arith.constant 0 : i32
        %dma_wait3A_355 = arith.constant 1 : i32
        %dma_wait3A_356 = arith.constant 0 : i32
        %dma_wait3A_357 = arith.constant 0 : i32
        %dma_wait3A_358 = tpu.memref_slice %arg13[%dma_wait3A_354, %dma_wait3A_355, %scan3A_340, %dma_wait3A_356, %dma_wait3A_357] : memref<2x2x8x128x8xf32, #tpu.memory_space<vmem>> -> memref<1x1x1x128x8xf32, #tpu.memory_space<vmem>>
        %dma_wait3A_359 = tpu.memref_squeeze %dma_wait3A_358 : memref<1x1x1x128x8xf32, #tpu.memory_space<vmem>> -> memref<128x8xf32, #tpu.memory_space<vmem>>
        %dma_wait3A_360 = arith.constant 0 : i32
        %dma_wait3A_361 = tpu.memref_slice %arg12[%add3A_342, %dma_wait3A_360] : memref<128x128xi32, #tpu.memory_space<vmem>> -> memref<1x128xi32, #tpu.memory_space<vmem>>
        %dma_wait3A_362 = tpu.memref_squeeze %dma_wait3A_361 : memref<1x128xi32, #tpu.memory_space<vmem>> -> memref<128xi32, #tpu.memory_space<vmem>>
        %dma_wait3A_363 = arith.constant 0 : i32
        %dma_wait3A_364 = arith.constant 0 : i32
        %dma_wait3A_365 = tpu.memref_slice %arg5[%dma_wait3A_363, %dma_wait3A_364] : memref<2097152x8xf32, #tpu.memory_space<hbm>> -> memref<2097152x8xf32, #tpu.memory_space<hbm>>
        tpu.wait_indirect_dma semaphore(%arg15 : memref<!tpu.dma_semaphore, #tpu.memory_space<semaphore_mem>>) src(%dma_wait3A_365 : memref<2097152x8xf32, #tpu.memory_space<hbm>>) dst(%dma_wait3A_359 : memref<128x8xf32, #tpu.memory_space<vmem>>)
      }
      %scan3A_189 = arith.constant 8 : i32
      %scan3A_190 = arith.constant 0 : i32
      %scan3A_191 = arith.constant 0 : i32
      %scan3A_192 = arith.constant 128 : i32
      %scan3A_193 = arith.addi %scan3A_191, %scan3A_192 : i32
      %scan3A_194 = arith.constant 1 : i32
      scf.for %scan3A_340 = %scan3A_191 to %scan3A_193 step %scan3A_194  : i32 {
        %shift_right_arithmetic3A_341 = arith.constant 4 : i32
        %shift_right_arithmetic3A_342 = arith.shrsi %scan3A_340, %shift_right_arithmetic3A_341 : i32
        %and3A_343 = arith.constant 15 : i32
        %and3A_344 = arith.andi %scan3A_340, %and3A_343 : i32
        %mul3A_345 = arith.constant 8 : i32
        %mul3A_346 = arith.muli %and3A_344, %mul3A_345 : i32
        %add3A_347 = arith.constant 64 : i32
        %add3A_348 = arith.addi %add3A_347, %shift_right_arithmetic3A_342 : i32
        %broadcast_in_dim3A = vector.broadcast %add3A_348 : i32 to vector<16xi32>
        %broadcast_in_dim3A_349 = vector.broadcast %shift_right_arithmetic3A_342 : i32 to vector<16xi32>
        %add3A_350 = vector.broadcast %mul3A_346 : i32 to vector<16xi32>
        %add3A_351 = arith.addi %add3A_350, %shift_right_arithmetic3A_2 : vector<16xi32>
        %gather3A = tpu.vector_load_idx %arg10[%broadcast_in_dim3A, %add3A_351] : memref<128x128xi32, #tpu.memory_space<vmem>>[vector<16xi32>, vector<16xi32>], vector<16xi32>,
        %and3A_352 = arith.constant 7 : i32
        %and3A_353 = vector.broadcast %and3A_352 : i32 to vector<16xi32>
        %and3A_354 = arith.andi %gather3A, %and3A_353 : vector<16xi32>
        %broadcast_in_dim3A_355 = arith.constant 0 : i32
        %broadcast_in_dim3A_356 = vector.broadcast %broadcast_in_dim3A_355 : i32 to vector<16xi32>
        %add3A_357 = vector.broadcast %mul3A_346 : i32 to vector<16xi32>
        %add3A_358 = arith.addi %add3A_357, %shift_right_arithmetic3A_2 : vector<16xi32>
        %gather3A_359 = tpu.vector_load_idx %arg13[%broadcast_in_dim3A_356, %and3A_4, %broadcast_in_dim3A_349, %add3A_358, %and3A_354] : memref<2x2x8x128x8xf32, #tpu.memory_space<vmem>>[vector<16xi32>, vector<16xi32>, vector<16xi32>, vector<16xi32>, vector<16xi32>], vector<16xf32>,
        %add3A_360 = arith.constant 16 : i32
        %add3A_361 = vector.broadcast %add3A_360 : i32 to vector<16xi32>
        %add3A_362 = arith.addi %add3A_361, %and3A_4 : vector<16xi32>
        %shift_right_arithmetic3A_363 = arith.constant 3 : i32
        %shift_right_arithmetic3A_364 = vector.broadcast %shift_right_arithmetic3A_363 : i32 to vector<16xi32>
        %shift_right_arithmetic3A_365 = arith.shrsi %add3A_362, %shift_right_arithmetic3A_364 : vector<16xi32>
        %and3A_366 = arith.constant 7 : i32
        %and3A_367 = vector.broadcast %and3A_366 : i32 to vector<16xi32>
        %and3A_368 = arith.andi %add3A_362, %and3A_367 : vector<16xi32>
        %add3A_369 = vector.broadcast %mul3A_346 : i32 to vector<16xi32>
        %add3A_370 = arith.addi %add3A_369, %shift_right_arithmetic3A_2 : vector<16xi32>
        tpu.vector_store_idx %arg14[%shift_right_arithmetic3A_365, %broadcast_in_dim3A_349, %and3A_368, %add3A_370], %gather3A_359 : memref<4x8x8x128xf32, #tpu.memory_space<vmem>>[vector<16xi32>, vector<16xi32>, vector<16xi32>, vector<16xi32>], vector<16xf32>,
      }
      %scan3A_195 = arith.constant 128 : i32
      %scan3A_196 = arith.constant 0 : i32
      %scan3A_197 = arith.constant 0 : i32
      %scan3A_198 = arith.constant 8 : i32
      %scan3A_199 = arith.addi %scan3A_197, %scan3A_198 : i32
      %scan3A_200 = arith.constant 1 : i32
      scf.for %scan3A_340 = %scan3A_197 to %scan3A_199 step %scan3A_200  : i32 {
        %add3A_341 = arith.constant 80 : i32
        %add3A_342 = arith.addi %add3A_341, %scan3A_340 : i32
        %dma_start3A = arith.constant 0 : i32
        %dma_start3A_343 = arith.constant 0 : i32
        %dma_start3A_344 = arith.constant 0 : i32
        %dma_start3A_345 = arith.constant 0 : i32
        %dma_start3A_346 = tpu.memref_slice %arg13[%dma_start3A, %dma_start3A_343, %scan3A_340, %dma_start3A_344, %dma_start3A_345] : memref<2x2x8x128x8xf32, #tpu.memory_space<vmem>> -> memref<1x1x1x128x8xf32, #tpu.memory_space<vmem>>
        %dma_start3A_347 = tpu.memref_squeeze %dma_start3A_346 : memref<1x1x1x128x8xf32, #tpu.memory_space<vmem>> -> memref<128x8xf32, #tpu.memory_space<vmem>>
        %dma_start3A_348 = arith.constant 0 : i32
        %dma_start3A_349 = tpu.memref_slice %arg11[%add3A_342, %dma_start3A_348] : memref<128x128xi32, #tpu.memory_space<vmem>> -> memref<1x128xi32, #tpu.memory_space<vmem>>
        %dma_start3A_350 = tpu.memref_squeeze %dma_start3A_349 : memref<1x128xi32, #tpu.memory_space<vmem>> -> memref<128xi32, #tpu.memory_space<vmem>>
        %dma_start3A_351 = arith.constant 0 : i32
        %dma_start3A_352 = arith.constant 0 : i32
        %dma_start3A_353 = tpu.memref_slice %arg5[%dma_start3A_351, %dma_start3A_352] : memref<2097152x8xf32, #tpu.memory_space<hbm>> -> memref<2097152x8xf32, #tpu.memory_space<hbm>>
        tpu.enqueue_indirect_dma source(%dma_start3A_353 : memref<2097152x8xf32, #tpu.memory_space<hbm>>) target(%dma_start3A_347 : memref<128x8xf32, #tpu.memory_space<vmem>>) offsets(%dma_start3A_350 : memref<128xi32, #tpu.memory_space<vmem>>) semaphore(%arg15 : memref<!tpu.dma_semaphore, #tpu.memory_space<semaphore_mem>>)
        %dma_start3A_354 = arith.constant 0 : i32
        %dma_start3A_355 = arith.constant 1 : i32
        %dma_start3A_356 = arith.constant 0 : i32
        %dma_start3A_357 = arith.constant 0 : i32
        %dma_start3A_358 = tpu.memref_slice %arg13[%dma_start3A_354, %dma_start3A_355, %scan3A_340, %dma_start3A_356, %dma_start3A_357] : memref<2x2x8x128x8xf32, #tpu.memory_space<vmem>> -> memref<1x1x1x128x8xf32, #tpu.memory_space<vmem>>
        %dma_start3A_359 = tpu.memref_squeeze %dma_start3A_358 : memref<1x1x1x128x8xf32, #tpu.memory_space<vmem>> -> memref<128x8xf32, #tpu.memory_space<vmem>>
        %dma_start3A_360 = arith.constant 0 : i32
        %dma_start3A_361 = tpu.memref_slice %arg12[%add3A_342, %dma_start3A_360] : memref<128x128xi32, #tpu.memory_space<vmem>> -> memref<1x128xi32, #tpu.memory_space<vmem>>
        %dma_start3A_362 = tpu.memref_squeeze %dma_start3A_361 : memref<1x128xi32, #tpu.memory_space<vmem>> -> memref<128xi32, #tpu.memory_space<vmem>>
        %dma_start3A_363 = arith.constant 0 : i32
        %dma_start3A_364 = arith.constant 0 : i32
        %dma_start3A_365 = tpu.memref_slice %arg5[%dma_start3A_363, %dma_start3A_364] : memref<2097152x8xf32, #tpu.memory_space<hbm>> -> memref<2097152x8xf32, #tpu.memory_space<hbm>>
        tpu.enqueue_indirect_dma source(%dma_start3A_365 : memref<2097152x8xf32, #tpu.memory_space<hbm>>) target(%dma_start3A_359 : memref<128x8xf32, #tpu.memory_space<vmem>>) offsets(%dma_start3A_362 : memref<128xi32, #tpu.memory_space<vmem>>) semaphore(%arg15 : memref<!tpu.dma_semaphore, #tpu.memory_space<semaphore_mem>>)
      }
      %scan3A_201 = arith.constant 8 : i32
      %scan3A_202 = arith.constant 0 : i32
      %scan3A_203 = arith.constant 0 : i32
      %scan3A_204 = arith.constant 8 : i32
      %scan3A_205 = arith.addi %scan3A_203, %scan3A_204 : i32
      %scan3A_206 = arith.constant 1 : i32
      scf.for %scan3A_340 = %scan3A_203 to %scan3A_205 step %scan3A_206  : i32 {
        %add3A_341 = arith.constant 72 : i32
        %add3A_342 = arith.addi %add3A_341, %scan3A_340 : i32
        %dma_wait3A = arith.constant 1 : i32
        %dma_wait3A_343 = arith.constant 0 : i32
        %dma_wait3A_344 = arith.constant 0 : i32
        %dma_wait3A_345 = arith.constant 0 : i32
        %dma_wait3A_346 = tpu.memref_slice %arg13[%dma_wait3A, %dma_wait3A_343, %scan3A_340, %dma_wait3A_344, %dma_wait3A_345] : memref<2x2x8x128x8xf32, #tpu.memory_space<vmem>> -> memref<1x1x1x128x8xf32, #tpu.memory_space<vmem>>
        %dma_wait3A_347 = tpu.memref_squeeze %dma_wait3A_346 : memref<1x1x1x128x8xf32, #tpu.memory_space<vmem>> -> memref<128x8xf32, #tpu.memory_space<vmem>>
        %dma_wait3A_348 = arith.constant 0 : i32
        %dma_wait3A_349 = tpu.memref_slice %arg11[%add3A_342, %dma_wait3A_348] : memref<128x128xi32, #tpu.memory_space<vmem>> -> memref<1x128xi32, #tpu.memory_space<vmem>>
        %dma_wait3A_350 = tpu.memref_squeeze %dma_wait3A_349 : memref<1x128xi32, #tpu.memory_space<vmem>> -> memref<128xi32, #tpu.memory_space<vmem>>
        %dma_wait3A_351 = arith.constant 0 : i32
        %dma_wait3A_352 = arith.constant 0 : i32
        %dma_wait3A_353 = tpu.memref_slice %arg5[%dma_wait3A_351, %dma_wait3A_352] : memref<2097152x8xf32, #tpu.memory_space<hbm>> -> memref<2097152x8xf32, #tpu.memory_space<hbm>>
        tpu.wait_indirect_dma semaphore(%arg16 : memref<!tpu.dma_semaphore, #tpu.memory_space<semaphore_mem>>) src(%dma_wait3A_353 : memref<2097152x8xf32, #tpu.memory_space<hbm>>) dst(%dma_wait3A_347 : memref<128x8xf32, #tpu.memory_space<vmem>>)
        %dma_wait3A_354 = arith.constant 1 : i32
        %dma_wait3A_355 = arith.constant 1 : i32
        %dma_wait3A_356 = arith.constant 0 : i32
        %dma_wait3A_357 = arith.constant 0 : i32
        %dma_wait3A_358 = tpu.memref_slice %arg13[%dma_wait3A_354, %dma_wait3A_355, %scan3A_340, %dma_wait3A_356, %dma_wait3A_357] : memref<2x2x8x128x8xf32, #tpu.memory_space<vmem>> -> memref<1x1x1x128x8xf32, #tpu.memory_space<vmem>>
        %dma_wait3A_359 = tpu.memref_squeeze %dma_wait3A_358 : memref<1x1x1x128x8xf32, #tpu.memory_space<vmem>> -> memref<128x8xf32, #tpu.memory_space<vmem>>
        %dma_wait3A_360 = arith.constant 0 : i32
        %dma_wait3A_361 = tpu.memref_slice %arg12[%add3A_342, %dma_wait3A_360] : memref<128x128xi32, #tpu.memory_space<vmem>> -> memref<1x128xi32, #tpu.memory_space<vmem>>
        %dma_wait3A_362 = tpu.memref_squeeze %dma_wait3A_361 : memref<1x128xi32, #tpu.memory_space<vmem>> -> memref<128xi32, #tpu.memory_space<vmem>>
        %dma_wait3A_363 = arith.constant 0 : i32
        %dma_wait3A_364 = arith.constant 0 : i32
        %dma_wait3A_365 = tpu.memref_slice %arg5[%dma_wait3A_363, %dma_wait3A_364] : memref<2097152x8xf32, #tpu.memory_space<hbm>> -> memref<2097152x8xf32, #tpu.memory_space<hbm>>
        tpu.wait_indirect_dma semaphore(%arg16 : memref<!tpu.dma_semaphore, #tpu.memory_space<semaphore_mem>>) src(%dma_wait3A_365 : memref<2097152x8xf32, #tpu.memory_space<hbm>>) dst(%dma_wait3A_359 : memref<128x8xf32, #tpu.memory_space<vmem>>)
      }
      %scan3A_207 = arith.constant 8 : i32
      %scan3A_208 = arith.constant 0 : i32
      %scan3A_209 = arith.constant 0 : i32
      %scan3A_210 = arith.constant 128 : i32
      %scan3A_211 = arith.addi %scan3A_209, %scan3A_210 : i32
      %scan3A_212 = arith.constant 1 : i32
      scf.for %scan3A_340 = %scan3A_209 to %scan3A_211 step %scan3A_212  : i32 {
        %shift_right_arithmetic3A_341 = arith.constant 4 : i32
        %shift_right_arithmetic3A_342 = arith.shrsi %scan3A_340, %shift_right_arithmetic3A_341 : i32
        %and3A_343 = arith.constant 15 : i32
        %and3A_344 = arith.andi %scan3A_340, %and3A_343 : i32
        %mul3A_345 = arith.constant 8 : i32
        %mul3A_346 = arith.muli %and3A_344, %mul3A_345 : i32
        %add3A_347 = arith.constant 72 : i32
        %add3A_348 = arith.addi %add3A_347, %shift_right_arithmetic3A_342 : i32
        %broadcast_in_dim3A = vector.broadcast %add3A_348 : i32 to vector<16xi32>
        %broadcast_in_dim3A_349 = vector.broadcast %shift_right_arithmetic3A_342 : i32 to vector<16xi32>
        %add3A_350 = vector.broadcast %mul3A_346 : i32 to vector<16xi32>
        %add3A_351 = arith.addi %add3A_350, %shift_right_arithmetic3A_2 : vector<16xi32>
        %gather3A = tpu.vector_load_idx %arg10[%broadcast_in_dim3A, %add3A_351] : memref<128x128xi32, #tpu.memory_space<vmem>>[vector<16xi32>, vector<16xi32>], vector<16xi32>,
        %and3A_352 = arith.constant 7 : i32
        %and3A_353 = vector.broadcast %and3A_352 : i32 to vector<16xi32>
        %and3A_354 = arith.andi %gather3A, %and3A_353 : vector<16xi32>
        %broadcast_in_dim3A_355 = arith.constant 1 : i32
        %broadcast_in_dim3A_356 = vector.broadcast %broadcast_in_dim3A_355 : i32 to vector<16xi32>
        %add3A_357 = vector.broadcast %mul3A_346 : i32 to vector<16xi32>
        %add3A_358 = arith.addi %add3A_357, %shift_right_arithmetic3A_2 : vector<16xi32>
        %gather3A_359 = tpu.vector_load_idx %arg13[%broadcast_in_dim3A_356, %and3A_4, %broadcast_in_dim3A_349, %add3A_358, %and3A_354] : memref<2x2x8x128x8xf32, #tpu.memory_space<vmem>>[vector<16xi32>, vector<16xi32>, vector<16xi32>, vector<16xi32>, vector<16xi32>], vector<16xf32>,
        %add3A_360 = arith.constant 18 : i32
        %add3A_361 = vector.broadcast %add3A_360 : i32 to vector<16xi32>
        %add3A_362 = arith.addi %add3A_361, %and3A_4 : vector<16xi32>
        %shift_right_arithmetic3A_363 = arith.constant 3 : i32
        %shift_right_arithmetic3A_364 = vector.broadcast %shift_right_arithmetic3A_363 : i32 to vector<16xi32>
        %shift_right_arithmetic3A_365 = arith.shrsi %add3A_362, %shift_right_arithmetic3A_364 : vector<16xi32>
        %and3A_366 = arith.constant 7 : i32
        %and3A_367 = vector.broadcast %and3A_366 : i32 to vector<16xi32>
        %and3A_368 = arith.andi %add3A_362, %and3A_367 : vector<16xi32>
        %add3A_369 = vector.broadcast %mul3A_346 : i32 to vector<16xi32>
        %add3A_370 = arith.addi %add3A_369, %shift_right_arithmetic3A_2 : vector<16xi32>
        tpu.vector_store_idx %arg14[%shift_right_arithmetic3A_365, %broadcast_in_dim3A_349, %and3A_368, %add3A_370], %gather3A_359 : memref<4x8x8x128xf32, #tpu.memory_space<vmem>>[vector<16xi32>, vector<16xi32>, vector<16xi32>, vector<16xi32>], vector<16xf32>,
      }
      %scan3A_213 = arith.constant 128 : i32
      %scan3A_214 = arith.constant 0 : i32
      %scan3A_215 = arith.constant 0 : i32
      %scan3A_216 = arith.constant 8 : i32
      %scan3A_217 = arith.addi %scan3A_215, %scan3A_216 : i32
      %scan3A_218 = arith.constant 1 : i32
      scf.for %scan3A_340 = %scan3A_215 to %scan3A_217 step %scan3A_218  : i32 {
        %add3A_341 = arith.constant 88 : i32
        %add3A_342 = arith.addi %add3A_341, %scan3A_340 : i32
        %dma_start3A = arith.constant 1 : i32
        %dma_start3A_343 = arith.constant 0 : i32
        %dma_start3A_344 = arith.constant 0 : i32
        %dma_start3A_345 = arith.constant 0 : i32
        %dma_start3A_346 = tpu.memref_slice %arg13[%dma_start3A, %dma_start3A_343, %scan3A_340, %dma_start3A_344, %dma_start3A_345] : memref<2x2x8x128x8xf32, #tpu.memory_space<vmem>> -> memref<1x1x1x128x8xf32, #tpu.memory_space<vmem>>
        %dma_start3A_347 = tpu.memref_squeeze %dma_start3A_346 : memref<1x1x1x128x8xf32, #tpu.memory_space<vmem>> -> memref<128x8xf32, #tpu.memory_space<vmem>>
        %dma_start3A_348 = arith.constant 0 : i32
        %dma_start3A_349 = tpu.memref_slice %arg11[%add3A_342, %dma_start3A_348] : memref<128x128xi32, #tpu.memory_space<vmem>> -> memref<1x128xi32, #tpu.memory_space<vmem>>
        %dma_start3A_350 = tpu.memref_squeeze %dma_start3A_349 : memref<1x128xi32, #tpu.memory_space<vmem>> -> memref<128xi32, #tpu.memory_space<vmem>>
        %dma_start3A_351 = arith.constant 0 : i32
        %dma_start3A_352 = arith.constant 0 : i32
        %dma_start3A_353 = tpu.memref_slice %arg5[%dma_start3A_351, %dma_start3A_352] : memref<2097152x8xf32, #tpu.memory_space<hbm>> -> memref<2097152x8xf32, #tpu.memory_space<hbm>>
        tpu.enqueue_indirect_dma source(%dma_start3A_353 : memref<2097152x8xf32, #tpu.memory_space<hbm>>) target(%dma_start3A_347 : memref<128x8xf32, #tpu.memory_space<vmem>>) offsets(%dma_start3A_350 : memref<128xi32, #tpu.memory_space<vmem>>) semaphore(%arg16 : memref<!tpu.dma_semaphore, #tpu.memory_space<semaphore_mem>>)
        %dma_start3A_354 = arith.constant 1 : i32
        %dma_start3A_355 = arith.constant 1 : i32
        %dma_start3A_356 = arith.constant 0 : i32
        %dma_start3A_357 = arith.constant 0 : i32
        %dma_start3A_358 = tpu.memref_slice %arg13[%dma_start3A_354, %dma_start3A_355, %scan3A_340, %dma_start3A_356, %dma_start3A_357] : memref<2x2x8x128x8xf32, #tpu.memory_space<vmem>> -> memref<1x1x1x128x8xf32, #tpu.memory_space<vmem>>
        %dma_start3A_359 = tpu.memref_squeeze %dma_start3A_358 : memref<1x1x1x128x8xf32, #tpu.memory_space<vmem>> -> memref<128x8xf32, #tpu.memory_space<vmem>>
        %dma_start3A_360 = arith.constant 0 : i32
        %dma_start3A_361 = tpu.memref_slice %arg12[%add3A_342, %dma_start3A_360] : memref<128x128xi32, #tpu.memory_space<vmem>> -> memref<1x128xi32, #tpu.memory_space<vmem>>
        %dma_start3A_362 = tpu.memref_squeeze %dma_start3A_361 : memref<1x128xi32, #tpu.memory_space<vmem>> -> memref<128xi32, #tpu.memory_space<vmem>>
        %dma_start3A_363 = arith.constant 0 : i32
        %dma_start3A_364 = arith.constant 0 : i32
        %dma_start3A_365 = tpu.memref_slice %arg5[%dma_start3A_363, %dma_start3A_364] : memref<2097152x8xf32, #tpu.memory_space<hbm>> -> memref<2097152x8xf32, #tpu.memory_space<hbm>>
        tpu.enqueue_indirect_dma source(%dma_start3A_365 : memref<2097152x8xf32, #tpu.memory_space<hbm>>) target(%dma_start3A_359 : memref<128x8xf32, #tpu.memory_space<vmem>>) offsets(%dma_start3A_362 : memref<128xi32, #tpu.memory_space<vmem>>) semaphore(%arg16 : memref<!tpu.dma_semaphore, #tpu.memory_space<semaphore_mem>>)
      }
      %scan3A_219 = arith.constant 8 : i32
      %scan3A_220 = arith.constant 0 : i32
      %scan3A_221 = arith.constant 0 : i32
      %scan3A_222 = arith.constant 8 : i32
      %scan3A_223 = arith.addi %scan3A_221, %scan3A_222 : i32
      %scan3A_224 = arith.constant 1 : i32
      scf.for %scan3A_340 = %scan3A_221 to %scan3A_223 step %scan3A_224  : i32 {
        %add3A_341 = arith.constant 80 : i32
        %add3A_342 = arith.addi %add3A_341, %scan3A_340 : i32
        %dma_wait3A = arith.constant 0 : i32
        %dma_wait3A_343 = arith.constant 0 : i32
        %dma_wait3A_344 = arith.constant 0 : i32
        %dma_wait3A_345 = arith.constant 0 : i32
        %dma_wait3A_346 = tpu.memref_slice %arg13[%dma_wait3A, %dma_wait3A_343, %scan3A_340, %dma_wait3A_344, %dma_wait3A_345] : memref<2x2x8x128x8xf32, #tpu.memory_space<vmem>> -> memref<1x1x1x128x8xf32, #tpu.memory_space<vmem>>
        %dma_wait3A_347 = tpu.memref_squeeze %dma_wait3A_346 : memref<1x1x1x128x8xf32, #tpu.memory_space<vmem>> -> memref<128x8xf32, #tpu.memory_space<vmem>>
        %dma_wait3A_348 = arith.constant 0 : i32
        %dma_wait3A_349 = tpu.memref_slice %arg11[%add3A_342, %dma_wait3A_348] : memref<128x128xi32, #tpu.memory_space<vmem>> -> memref<1x128xi32, #tpu.memory_space<vmem>>
        %dma_wait3A_350 = tpu.memref_squeeze %dma_wait3A_349 : memref<1x128xi32, #tpu.memory_space<vmem>> -> memref<128xi32, #tpu.memory_space<vmem>>
        %dma_wait3A_351 = arith.constant 0 : i32
        %dma_wait3A_352 = arith.constant 0 : i32
        %dma_wait3A_353 = tpu.memref_slice %arg5[%dma_wait3A_351, %dma_wait3A_352] : memref<2097152x8xf32, #tpu.memory_space<hbm>> -> memref<2097152x8xf32, #tpu.memory_space<hbm>>
        tpu.wait_indirect_dma semaphore(%arg15 : memref<!tpu.dma_semaphore, #tpu.memory_space<semaphore_mem>>) src(%dma_wait3A_353 : memref<2097152x8xf32, #tpu.memory_space<hbm>>) dst(%dma_wait3A_347 : memref<128x8xf32, #tpu.memory_space<vmem>>)
        %dma_wait3A_354 = arith.constant 0 : i32
        %dma_wait3A_355 = arith.constant 1 : i32
        %dma_wait3A_356 = arith.constant 0 : i32
        %dma_wait3A_357 = arith.constant 0 : i32
        %dma_wait3A_358 = tpu.memref_slice %arg13[%dma_wait3A_354, %dma_wait3A_355, %scan3A_340, %dma_wait3A_356, %dma_wait3A_357] : memref<2x2x8x128x8xf32, #tpu.memory_space<vmem>> -> memref<1x1x1x128x8xf32, #tpu.memory_space<vmem>>
        %dma_wait3A_359 = tpu.memref_squeeze %dma_wait3A_358 : memref<1x1x1x128x8xf32, #tpu.memory_space<vmem>> -> memref<128x8xf32, #tpu.memory_space<vmem>>
        %dma_wait3A_360 = arith.constant 0 : i32
        %dma_wait3A_361 = tpu.memref_slice %arg12[%add3A_342, %dma_wait3A_360] : memref<128x128xi32, #tpu.memory_space<vmem>> -> memref<1x128xi32, #tpu.memory_space<vmem>>
        %dma_wait3A_362 = tpu.memref_squeeze %dma_wait3A_361 : memref<1x128xi32, #tpu.memory_space<vmem>> -> memref<128xi32, #tpu.memory_space<vmem>>
        %dma_wait3A_363 = arith.constant 0 : i32
        %dma_wait3A_364 = arith.constant 0 : i32
        %dma_wait3A_365 = tpu.memref_slice %arg5[%dma_wait3A_363, %dma_wait3A_364] : memref<2097152x8xf32, #tpu.memory_space<hbm>> -> memref<2097152x8xf32, #tpu.memory_space<hbm>>
        tpu.wait_indirect_dma semaphore(%arg15 : memref<!tpu.dma_semaphore, #tpu.memory_space<semaphore_mem>>) src(%dma_wait3A_365 : memref<2097152x8xf32, #tpu.memory_space<hbm>>) dst(%dma_wait3A_359 : memref<128x8xf32, #tpu.memory_space<vmem>>)
      }
      %scan3A_225 = arith.constant 8 : i32
      %scan3A_226 = arith.constant 0 : i32
      %scan3A_227 = arith.constant 0 : i32
      %scan3A_228 = arith.constant 128 : i32
      %scan3A_229 = arith.addi %scan3A_227, %scan3A_228 : i32
      %scan3A_230 = arith.constant 1 : i32
      scf.for %scan3A_340 = %scan3A_227 to %scan3A_229 step %scan3A_230  : i32 {
        %shift_right_arithmetic3A_341 = arith.constant 4 : i32
        %shift_right_arithmetic3A_342 = arith.shrsi %scan3A_340, %shift_right_arithmetic3A_341 : i32
        %and3A_343 = arith.constant 15 : i32
        %and3A_344 = arith.andi %scan3A_340, %and3A_343 : i32
        %mul3A_345 = arith.constant 8 : i32
        %mul3A_346 = arith.muli %and3A_344, %mul3A_345 : i32
        %add3A_347 = arith.constant 80 : i32
        %add3A_348 = arith.addi %add3A_347, %shift_right_arithmetic3A_342 : i32
        %broadcast_in_dim3A = vector.broadcast %add3A_348 : i32 to vector<16xi32>
        %broadcast_in_dim3A_349 = vector.broadcast %shift_right_arithmetic3A_342 : i32 to vector<16xi32>
        %add3A_350 = vector.broadcast %mul3A_346 : i32 to vector<16xi32>
        %add3A_351 = arith.addi %add3A_350, %shift_right_arithmetic3A_2 : vector<16xi32>
        %gather3A = tpu.vector_load_idx %arg10[%broadcast_in_dim3A, %add3A_351] : memref<128x128xi32, #tpu.memory_space<vmem>>[vector<16xi32>, vector<16xi32>], vector<16xi32>,
        %and3A_352 = arith.constant 7 : i32
        %and3A_353 = vector.broadcast %and3A_352 : i32 to vector<16xi32>
        %and3A_354 = arith.andi %gather3A, %and3A_353 : vector<16xi32>
        %broadcast_in_dim3A_355 = arith.constant 0 : i32
        %broadcast_in_dim3A_356 = vector.broadcast %broadcast_in_dim3A_355 : i32 to vector<16xi32>
        %add3A_357 = vector.broadcast %mul3A_346 : i32 to vector<16xi32>
        %add3A_358 = arith.addi %add3A_357, %shift_right_arithmetic3A_2 : vector<16xi32>
        %gather3A_359 = tpu.vector_load_idx %arg13[%broadcast_in_dim3A_356, %and3A_4, %broadcast_in_dim3A_349, %add3A_358, %and3A_354] : memref<2x2x8x128x8xf32, #tpu.memory_space<vmem>>[vector<16xi32>, vector<16xi32>, vector<16xi32>, vector<16xi32>, vector<16xi32>], vector<16xf32>,
        %add3A_360 = arith.constant 20 : i32
        %add3A_361 = vector.broadcast %add3A_360 : i32 to vector<16xi32>
        %add3A_362 = arith.addi %add3A_361, %and3A_4 : vector<16xi32>
        %shift_right_arithmetic3A_363 = arith.constant 3 : i32
        %shift_right_arithmetic3A_364 = vector.broadcast %shift_right_arithmetic3A_363 : i32 to vector<16xi32>
        %shift_right_arithmetic3A_365 = arith.shrsi %add3A_362, %shift_right_arithmetic3A_364 : vector<16xi32>
        %and3A_366 = arith.constant 7 : i32
        %and3A_367 = vector.broadcast %and3A_366 : i32 to vector<16xi32>
        %and3A_368 = arith.andi %add3A_362, %and3A_367 : vector<16xi32>
        %add3A_369 = vector.broadcast %mul3A_346 : i32 to vector<16xi32>
        %add3A_370 = arith.addi %add3A_369, %shift_right_arithmetic3A_2 : vector<16xi32>
        tpu.vector_store_idx %arg14[%shift_right_arithmetic3A_365, %broadcast_in_dim3A_349, %and3A_368, %add3A_370], %gather3A_359 : memref<4x8x8x128xf32, #tpu.memory_space<vmem>>[vector<16xi32>, vector<16xi32>, vector<16xi32>, vector<16xi32>], vector<16xf32>,
      }
      %scan3A_231 = arith.constant 128 : i32
      %scan3A_232 = arith.constant 0 : i32
      %scan3A_233 = arith.constant 0 : i32
      %scan3A_234 = arith.constant 8 : i32
      %scan3A_235 = arith.addi %scan3A_233, %scan3A_234 : i32
      %scan3A_236 = arith.constant 1 : i32
      scf.for %scan3A_340 = %scan3A_233 to %scan3A_235 step %scan3A_236  : i32 {
        %add3A_341 = arith.constant 96 : i32
        %add3A_342 = arith.addi %add3A_341, %scan3A_340 : i32
        %dma_start3A = arith.constant 0 : i32
        %dma_start3A_343 = arith.constant 0 : i32
        %dma_start3A_344 = arith.constant 0 : i32
        %dma_start3A_345 = arith.constant 0 : i32
        %dma_start3A_346 = tpu.memref_slice %arg13[%dma_start3A, %dma_start3A_343, %scan3A_340, %dma_start3A_344, %dma_start3A_345] : memref<2x2x8x128x8xf32, #tpu.memory_space<vmem>> -> memref<1x1x1x128x8xf32, #tpu.memory_space<vmem>>
        %dma_start3A_347 = tpu.memref_squeeze %dma_start3A_346 : memref<1x1x1x128x8xf32, #tpu.memory_space<vmem>> -> memref<128x8xf32, #tpu.memory_space<vmem>>
        %dma_start3A_348 = arith.constant 0 : i32
        %dma_start3A_349 = tpu.memref_slice %arg11[%add3A_342, %dma_start3A_348] : memref<128x128xi32, #tpu.memory_space<vmem>> -> memref<1x128xi32, #tpu.memory_space<vmem>>
        %dma_start3A_350 = tpu.memref_squeeze %dma_start3A_349 : memref<1x128xi32, #tpu.memory_space<vmem>> -> memref<128xi32, #tpu.memory_space<vmem>>
        %dma_start3A_351 = arith.constant 0 : i32
        %dma_start3A_352 = arith.constant 0 : i32
        %dma_start3A_353 = tpu.memref_slice %arg5[%dma_start3A_351, %dma_start3A_352] : memref<2097152x8xf32, #tpu.memory_space<hbm>> -> memref<2097152x8xf32, #tpu.memory_space<hbm>>
        tpu.enqueue_indirect_dma source(%dma_start3A_353 : memref<2097152x8xf32, #tpu.memory_space<hbm>>) target(%dma_start3A_347 : memref<128x8xf32, #tpu.memory_space<vmem>>) offsets(%dma_start3A_350 : memref<128xi32, #tpu.memory_space<vmem>>) semaphore(%arg15 : memref<!tpu.dma_semaphore, #tpu.memory_space<semaphore_mem>>)
        %dma_start3A_354 = arith.constant 0 : i32
        %dma_start3A_355 = arith.constant 1 : i32
        %dma_start3A_356 = arith.constant 0 : i32
        %dma_start3A_357 = arith.constant 0 : i32
        %dma_start3A_358 = tpu.memref_slice %arg13[%dma_start3A_354, %dma_start3A_355, %scan3A_340, %dma_start3A_356, %dma_start3A_357] : memref<2x2x8x128x8xf32, #tpu.memory_space<vmem>> -> memref<1x1x1x128x8xf32, #tpu.memory_space<vmem>>
        %dma_start3A_359 = tpu.memref_squeeze %dma_start3A_358 : memref<1x1x1x128x8xf32, #tpu.memory_space<vmem>> -> memref<128x8xf32, #tpu.memory_space<vmem>>
        %dma_start3A_360 = arith.constant 0 : i32
        %dma_start3A_361 = tpu.memref_slice %arg12[%add3A_342, %dma_start3A_360] : memref<128x128xi32, #tpu.memory_space<vmem>> -> memref<1x128xi32, #tpu.memory_space<vmem>>
        %dma_start3A_362 = tpu.memref_squeeze %dma_start3A_361 : memref<1x128xi32, #tpu.memory_space<vmem>> -> memref<128xi32, #tpu.memory_space<vmem>>
        %dma_start3A_363 = arith.constant 0 : i32
        %dma_start3A_364 = arith.constant 0 : i32
        %dma_start3A_365 = tpu.memref_slice %arg5[%dma_start3A_363, %dma_start3A_364] : memref<2097152x8xf32, #tpu.memory_space<hbm>> -> memref<2097152x8xf32, #tpu.memory_space<hbm>>
        tpu.enqueue_indirect_dma source(%dma_start3A_365 : memref<2097152x8xf32, #tpu.memory_space<hbm>>) target(%dma_start3A_359 : memref<128x8xf32, #tpu.memory_space<vmem>>) offsets(%dma_start3A_362 : memref<128xi32, #tpu.memory_space<vmem>>) semaphore(%arg15 : memref<!tpu.dma_semaphore, #tpu.memory_space<semaphore_mem>>)
      }
      %scan3A_237 = arith.constant 8 : i32
      %scan3A_238 = arith.constant 0 : i32
      %scan3A_239 = arith.constant 0 : i32
      %scan3A_240 = arith.constant 8 : i32
      %scan3A_241 = arith.addi %scan3A_239, %scan3A_240 : i32
      %scan3A_242 = arith.constant 1 : i32
      scf.for %scan3A_340 = %scan3A_239 to %scan3A_241 step %scan3A_242  : i32 {
        %add3A_341 = arith.constant 88 : i32
        %add3A_342 = arith.addi %add3A_341, %scan3A_340 : i32
        %dma_wait3A = arith.constant 1 : i32
        %dma_wait3A_343 = arith.constant 0 : i32
        %dma_wait3A_344 = arith.constant 0 : i32
        %dma_wait3A_345 = arith.constant 0 : i32
        %dma_wait3A_346 = tpu.memref_slice %arg13[%dma_wait3A, %dma_wait3A_343, %scan3A_340, %dma_wait3A_344, %dma_wait3A_345] : memref<2x2x8x128x8xf32, #tpu.memory_space<vmem>> -> memref<1x1x1x128x8xf32, #tpu.memory_space<vmem>>
        %dma_wait3A_347 = tpu.memref_squeeze %dma_wait3A_346 : memref<1x1x1x128x8xf32, #tpu.memory_space<vmem>> -> memref<128x8xf32, #tpu.memory_space<vmem>>
        %dma_wait3A_348 = arith.constant 0 : i32
        %dma_wait3A_349 = tpu.memref_slice %arg11[%add3A_342, %dma_wait3A_348] : memref<128x128xi32, #tpu.memory_space<vmem>> -> memref<1x128xi32, #tpu.memory_space<vmem>>
        %dma_wait3A_350 = tpu.memref_squeeze %dma_wait3A_349 : memref<1x128xi32, #tpu.memory_space<vmem>> -> memref<128xi32, #tpu.memory_space<vmem>>
        %dma_wait3A_351 = arith.constant 0 : i32
        %dma_wait3A_352 = arith.constant 0 : i32
        %dma_wait3A_353 = tpu.memref_slice %arg5[%dma_wait3A_351, %dma_wait3A_352] : memref<2097152x8xf32, #tpu.memory_space<hbm>> -> memref<2097152x8xf32, #tpu.memory_space<hbm>>
        tpu.wait_indirect_dma semaphore(%arg16 : memref<!tpu.dma_semaphore, #tpu.memory_space<semaphore_mem>>) src(%dma_wait3A_353 : memref<2097152x8xf32, #tpu.memory_space<hbm>>) dst(%dma_wait3A_347 : memref<128x8xf32, #tpu.memory_space<vmem>>)
        %dma_wait3A_354 = arith.constant 1 : i32
        %dma_wait3A_355 = arith.constant 1 : i32
        %dma_wait3A_356 = arith.constant 0 : i32
        %dma_wait3A_357 = arith.constant 0 : i32
        %dma_wait3A_358 = tpu.memref_slice %arg13[%dma_wait3A_354, %dma_wait3A_355, %scan3A_340, %dma_wait3A_356, %dma_wait3A_357] : memref<2x2x8x128x8xf32, #tpu.memory_space<vmem>> -> memref<1x1x1x128x8xf32, #tpu.memory_space<vmem>>
        %dma_wait3A_359 = tpu.memref_squeeze %dma_wait3A_358 : memref<1x1x1x128x8xf32, #tpu.memory_space<vmem>> -> memref<128x8xf32, #tpu.memory_space<vmem>>
        %dma_wait3A_360 = arith.constant 0 : i32
        %dma_wait3A_361 = tpu.memref_slice %arg12[%add3A_342, %dma_wait3A_360] : memref<128x128xi32, #tpu.memory_space<vmem>> -> memref<1x128xi32, #tpu.memory_space<vmem>>
        %dma_wait3A_362 = tpu.memref_squeeze %dma_wait3A_361 : memref<1x128xi32, #tpu.memory_space<vmem>> -> memref<128xi32, #tpu.memory_space<vmem>>
        %dma_wait3A_363 = arith.constant 0 : i32
        %dma_wait3A_364 = arith.constant 0 : i32
        %dma_wait3A_365 = tpu.memref_slice %arg5[%dma_wait3A_363, %dma_wait3A_364] : memref<2097152x8xf32, #tpu.memory_space<hbm>> -> memref<2097152x8xf32, #tpu.memory_space<hbm>>
        tpu.wait_indirect_dma semaphore(%arg16 : memref<!tpu.dma_semaphore, #tpu.memory_space<semaphore_mem>>) src(%dma_wait3A_365 : memref<2097152x8xf32, #tpu.memory_space<hbm>>) dst(%dma_wait3A_359 : memref<128x8xf32, #tpu.memory_space<vmem>>)
      }
      %scan3A_243 = arith.constant 8 : i32
      %scan3A_244 = arith.constant 0 : i32
      %scan3A_245 = arith.constant 0 : i32
      %scan3A_246 = arith.constant 128 : i32
      %scan3A_247 = arith.addi %scan3A_245, %scan3A_246 : i32
      %scan3A_248 = arith.constant 1 : i32
      scf.for %scan3A_340 = %scan3A_245 to %scan3A_247 step %scan3A_248  : i32 {
        %shift_right_arithmetic3A_341 = arith.constant 4 : i32
        %shift_right_arithmetic3A_342 = arith.shrsi %scan3A_340, %shift_right_arithmetic3A_341 : i32
        %and3A_343 = arith.constant 15 : i32
        %and3A_344 = arith.andi %scan3A_340, %and3A_343 : i32
        %mul3A_345 = arith.constant 8 : i32
        %mul3A_346 = arith.muli %and3A_344, %mul3A_345 : i32
        %add3A_347 = arith.constant 88 : i32
        %add3A_348 = arith.addi %add3A_347, %shift_right_arithmetic3A_342 : i32
        %broadcast_in_dim3A = vector.broadcast %add3A_348 : i32 to vector<16xi32>
        %broadcast_in_dim3A_349 = vector.broadcast %shift_right_arithmetic3A_342 : i32 to vector<16xi32>
        %add3A_350 = vector.broadcast %mul3A_346 : i32 to vector<16xi32>
        %add3A_351 = arith.addi %add3A_350, %shift_right_arithmetic3A_2 : vector<16xi32>
        %gather3A = tpu.vector_load_idx %arg10[%broadcast_in_dim3A, %add3A_351] : memref<128x128xi32, #tpu.memory_space<vmem>>[vector<16xi32>, vector<16xi32>], vector<16xi32>,
        %and3A_352 = arith.constant 7 : i32
        %and3A_353 = vector.broadcast %and3A_352 : i32 to vector<16xi32>
        %and3A_354 = arith.andi %gather3A, %and3A_353 : vector<16xi32>
        %broadcast_in_dim3A_355 = arith.constant 1 : i32
        %broadcast_in_dim3A_356 = vector.broadcast %broadcast_in_dim3A_355 : i32 to vector<16xi32>
        %add3A_357 = vector.broadcast %mul3A_346 : i32 to vector<16xi32>
        %add3A_358 = arith.addi %add3A_357, %shift_right_arithmetic3A_2 : vector<16xi32>
        %gather3A_359 = tpu.vector_load_idx %arg13[%broadcast_in_dim3A_356, %and3A_4, %broadcast_in_dim3A_349, %add3A_358, %and3A_354] : memref<2x2x8x128x8xf32, #tpu.memory_space<vmem>>[vector<16xi32>, vector<16xi32>, vector<16xi32>, vector<16xi32>, vector<16xi32>], vector<16xf32>,
        %add3A_360 = arith.constant 22 : i32
        %add3A_361 = vector.broadcast %add3A_360 : i32 to vector<16xi32>
        %add3A_362 = arith.addi %add3A_361, %and3A_4 : vector<16xi32>
        %shift_right_arithmetic3A_363 = arith.constant 3 : i32
        %shift_right_arithmetic3A_364 = vector.broadcast %shift_right_arithmetic3A_363 : i32 to vector<16xi32>
        %shift_right_arithmetic3A_365 = arith.shrsi %add3A_362, %shift_right_arithmetic3A_364 : vector<16xi32>
        %and3A_366 = arith.constant 7 : i32
        %and3A_367 = vector.broadcast %and3A_366 : i32 to vector<16xi32>
        %and3A_368 = arith.andi %add3A_362, %and3A_367 : vector<16xi32>
        %add3A_369 = vector.broadcast %mul3A_346 : i32 to vector<16xi32>
        %add3A_370 = arith.addi %add3A_369, %shift_right_arithmetic3A_2 : vector<16xi32>
        tpu.vector_store_idx %arg14[%shift_right_arithmetic3A_365, %broadcast_in_dim3A_349, %and3A_368, %add3A_370], %gather3A_359 : memref<4x8x8x128xf32, #tpu.memory_space<vmem>>[vector<16xi32>, vector<16xi32>, vector<16xi32>, vector<16xi32>], vector<16xf32>,
      }
      %scan3A_249 = arith.constant 128 : i32
      %scan3A_250 = arith.constant 0 : i32
      %scan3A_251 = arith.constant 0 : i32
      %scan3A_252 = arith.constant 8 : i32
      %scan3A_253 = arith.addi %scan3A_251, %scan3A_252 : i32
      %scan3A_254 = arith.constant 1 : i32
      scf.for %scan3A_340 = %scan3A_251 to %scan3A_253 step %scan3A_254  : i32 {
        %add3A_341 = arith.constant 104 : i32
        %add3A_342 = arith.addi %add3A_341, %scan3A_340 : i32
        %dma_start3A = arith.constant 1 : i32
        %dma_start3A_343 = arith.constant 0 : i32
        %dma_start3A_344 = arith.constant 0 : i32
        %dma_start3A_345 = arith.constant 0 : i32
        %dma_start3A_346 = tpu.memref_slice %arg13[%dma_start3A, %dma_start3A_343, %scan3A_340, %dma_start3A_344, %dma_start3A_345] : memref<2x2x8x128x8xf32, #tpu.memory_space<vmem>> -> memref<1x1x1x128x8xf32, #tpu.memory_space<vmem>>
        %dma_start3A_347 = tpu.memref_squeeze %dma_start3A_346 : memref<1x1x1x128x8xf32, #tpu.memory_space<vmem>> -> memref<128x8xf32, #tpu.memory_space<vmem>>
        %dma_start3A_348 = arith.constant 0 : i32
        %dma_start3A_349 = tpu.memref_slice %arg11[%add3A_342, %dma_start3A_348] : memref<128x128xi32, #tpu.memory_space<vmem>> -> memref<1x128xi32, #tpu.memory_space<vmem>>
        %dma_start3A_350 = tpu.memref_squeeze %dma_start3A_349 : memref<1x128xi32, #tpu.memory_space<vmem>> -> memref<128xi32, #tpu.memory_space<vmem>>
        %dma_start3A_351 = arith.constant 0 : i32
        %dma_start3A_352 = arith.constant 0 : i32
        %dma_start3A_353 = tpu.memref_slice %arg5[%dma_start3A_351, %dma_start3A_352] : memref<2097152x8xf32, #tpu.memory_space<hbm>> -> memref<2097152x8xf32, #tpu.memory_space<hbm>>
        tpu.enqueue_indirect_dma source(%dma_start3A_353 : memref<2097152x8xf32, #tpu.memory_space<hbm>>) target(%dma_start3A_347 : memref<128x8xf32, #tpu.memory_space<vmem>>) offsets(%dma_start3A_350 : memref<128xi32, #tpu.memory_space<vmem>>) semaphore(%arg16 : memref<!tpu.dma_semaphore, #tpu.memory_space<semaphore_mem>>)
        %dma_start3A_354 = arith.constant 1 : i32
        %dma_start3A_355 = arith.constant 1 : i32
        %dma_start3A_356 = arith.constant 0 : i32
        %dma_start3A_357 = arith.constant 0 : i32
        %dma_start3A_358 = tpu.memref_slice %arg13[%dma_start3A_354, %dma_start3A_355, %scan3A_340, %dma_start3A_356, %dma_start3A_357] : memref<2x2x8x128x8xf32, #tpu.memory_space<vmem>> -> memref<1x1x1x128x8xf32, #tpu.memory_space<vmem>>
        %dma_start3A_359 = tpu.memref_squeeze %dma_start3A_358 : memref<1x1x1x128x8xf32, #tpu.memory_space<vmem>> -> memref<128x8xf32, #tpu.memory_space<vmem>>
        %dma_start3A_360 = arith.constant 0 : i32
        %dma_start3A_361 = tpu.memref_slice %arg12[%add3A_342, %dma_start3A_360] : memref<128x128xi32, #tpu.memory_space<vmem>> -> memref<1x128xi32, #tpu.memory_space<vmem>>
        %dma_start3A_362 = tpu.memref_squeeze %dma_start3A_361 : memref<1x128xi32, #tpu.memory_space<vmem>> -> memref<128xi32, #tpu.memory_space<vmem>>
        %dma_start3A_363 = arith.constant 0 : i32
        %dma_start3A_364 = arith.constant 0 : i32
        %dma_start3A_365 = tpu.memref_slice %arg5[%dma_start3A_363, %dma_start3A_364] : memref<2097152x8xf32, #tpu.memory_space<hbm>> -> memref<2097152x8xf32, #tpu.memory_space<hbm>>
        tpu.enqueue_indirect_dma source(%dma_start3A_365 : memref<2097152x8xf32, #tpu.memory_space<hbm>>) target(%dma_start3A_359 : memref<128x8xf32, #tpu.memory_space<vmem>>) offsets(%dma_start3A_362 : memref<128xi32, #tpu.memory_space<vmem>>) semaphore(%arg16 : memref<!tpu.dma_semaphore, #tpu.memory_space<semaphore_mem>>)
      }
      %scan3A_255 = arith.constant 8 : i32
      %scan3A_256 = arith.constant 0 : i32
      %scan3A_257 = arith.constant 0 : i32
      %scan3A_258 = arith.constant 8 : i32
      %scan3A_259 = arith.addi %scan3A_257, %scan3A_258 : i32
      %scan3A_260 = arith.constant 1 : i32
      scf.for %scan3A_340 = %scan3A_257 to %scan3A_259 step %scan3A_260  : i32 {
        %add3A_341 = arith.constant 96 : i32
        %add3A_342 = arith.addi %add3A_341, %scan3A_340 : i32
        %dma_wait3A = arith.constant 0 : i32
        %dma_wait3A_343 = arith.constant 0 : i32
        %dma_wait3A_344 = arith.constant 0 : i32
        %dma_wait3A_345 = arith.constant 0 : i32
        %dma_wait3A_346 = tpu.memref_slice %arg13[%dma_wait3A, %dma_wait3A_343, %scan3A_340, %dma_wait3A_344, %dma_wait3A_345] : memref<2x2x8x128x8xf32, #tpu.memory_space<vmem>> -> memref<1x1x1x128x8xf32, #tpu.memory_space<vmem>>
        %dma_wait3A_347 = tpu.memref_squeeze %dma_wait3A_346 : memref<1x1x1x128x8xf32, #tpu.memory_space<vmem>> -> memref<128x8xf32, #tpu.memory_space<vmem>>
        %dma_wait3A_348 = arith.constant 0 : i32
        %dma_wait3A_349 = tpu.memref_slice %arg11[%add3A_342, %dma_wait3A_348] : memref<128x128xi32, #tpu.memory_space<vmem>> -> memref<1x128xi32, #tpu.memory_space<vmem>>
        %dma_wait3A_350 = tpu.memref_squeeze %dma_wait3A_349 : memref<1x128xi32, #tpu.memory_space<vmem>> -> memref<128xi32, #tpu.memory_space<vmem>>
        %dma_wait3A_351 = arith.constant 0 : i32
        %dma_wait3A_352 = arith.constant 0 : i32
        %dma_wait3A_353 = tpu.memref_slice %arg5[%dma_wait3A_351, %dma_wait3A_352] : memref<2097152x8xf32, #tpu.memory_space<hbm>> -> memref<2097152x8xf32, #tpu.memory_space<hbm>>
        tpu.wait_indirect_dma semaphore(%arg15 : memref<!tpu.dma_semaphore, #tpu.memory_space<semaphore_mem>>) src(%dma_wait3A_353 : memref<2097152x8xf32, #tpu.memory_space<hbm>>) dst(%dma_wait3A_347 : memref<128x8xf32, #tpu.memory_space<vmem>>)
        %dma_wait3A_354 = arith.constant 0 : i32
        %dma_wait3A_355 = arith.constant 1 : i32
        %dma_wait3A_356 = arith.constant 0 : i32
        %dma_wait3A_357 = arith.constant 0 : i32
        %dma_wait3A_358 = tpu.memref_slice %arg13[%dma_wait3A_354, %dma_wait3A_355, %scan3A_340, %dma_wait3A_356, %dma_wait3A_357] : memref<2x2x8x128x8xf32, #tpu.memory_space<vmem>> -> memref<1x1x1x128x8xf32, #tpu.memory_space<vmem>>
        %dma_wait3A_359 = tpu.memref_squeeze %dma_wait3A_358 : memref<1x1x1x128x8xf32, #tpu.memory_space<vmem>> -> memref<128x8xf32, #tpu.memory_space<vmem>>
        %dma_wait3A_360 = arith.constant 0 : i32
        %dma_wait3A_361 = tpu.memref_slice %arg12[%add3A_342, %dma_wait3A_360] : memref<128x128xi32, #tpu.memory_space<vmem>> -> memref<1x128xi32, #tpu.memory_space<vmem>>
        %dma_wait3A_362 = tpu.memref_squeeze %dma_wait3A_361 : memref<1x128xi32, #tpu.memory_space<vmem>> -> memref<128xi32, #tpu.memory_space<vmem>>
        %dma_wait3A_363 = arith.constant 0 : i32
        %dma_wait3A_364 = arith.constant 0 : i32
        %dma_wait3A_365 = tpu.memref_slice %arg5[%dma_wait3A_363, %dma_wait3A_364] : memref<2097152x8xf32, #tpu.memory_space<hbm>> -> memref<2097152x8xf32, #tpu.memory_space<hbm>>
        tpu.wait_indirect_dma semaphore(%arg15 : memref<!tpu.dma_semaphore, #tpu.memory_space<semaphore_mem>>) src(%dma_wait3A_365 : memref<2097152x8xf32, #tpu.memory_space<hbm>>) dst(%dma_wait3A_359 : memref<128x8xf32, #tpu.memory_space<vmem>>)
      }
      %scan3A_261 = arith.constant 8 : i32
      %scan3A_262 = arith.constant 0 : i32
      %scan3A_263 = arith.constant 0 : i32
      %scan3A_264 = arith.constant 128 : i32
      %scan3A_265 = arith.addi %scan3A_263, %scan3A_264 : i32
      %scan3A_266 = arith.constant 1 : i32
      scf.for %scan3A_340 = %scan3A_263 to %scan3A_265 step %scan3A_266  : i32 {
        %shift_right_arithmetic3A_341 = arith.constant 4 : i32
        %shift_right_arithmetic3A_342 = arith.shrsi %scan3A_340, %shift_right_arithmetic3A_341 : i32
        %and3A_343 = arith.constant 15 : i32
        %and3A_344 = arith.andi %scan3A_340, %and3A_343 : i32
        %mul3A_345 = arith.constant 8 : i32
        %mul3A_346 = arith.muli %and3A_344, %mul3A_345 : i32
        %add3A_347 = arith.constant 96 : i32
        %add3A_348 = arith.addi %add3A_347, %shift_right_arithmetic3A_342 : i32
        %broadcast_in_dim3A = vector.broadcast %add3A_348 : i32 to vector<16xi32>
        %broadcast_in_dim3A_349 = vector.broadcast %shift_right_arithmetic3A_342 : i32 to vector<16xi32>
        %add3A_350 = vector.broadcast %mul3A_346 : i32 to vector<16xi32>
        %add3A_351 = arith.addi %add3A_350, %shift_right_arithmetic3A_2 : vector<16xi32>
        %gather3A = tpu.vector_load_idx %arg10[%broadcast_in_dim3A, %add3A_351] : memref<128x128xi32, #tpu.memory_space<vmem>>[vector<16xi32>, vector<16xi32>], vector<16xi32>,
        %and3A_352 = arith.constant 7 : i32
        %and3A_353 = vector.broadcast %and3A_352 : i32 to vector<16xi32>
        %and3A_354 = arith.andi %gather3A, %and3A_353 : vector<16xi32>
        %broadcast_in_dim3A_355 = arith.constant 0 : i32
        %broadcast_in_dim3A_356 = vector.broadcast %broadcast_in_dim3A_355 : i32 to vector<16xi32>
        %add3A_357 = vector.broadcast %mul3A_346 : i32 to vector<16xi32>
        %add3A_358 = arith.addi %add3A_357, %shift_right_arithmetic3A_2 : vector<16xi32>
        %gather3A_359 = tpu.vector_load_idx %arg13[%broadcast_in_dim3A_356, %and3A_4, %broadcast_in_dim3A_349, %add3A_358, %and3A_354] : memref<2x2x8x128x8xf32, #tpu.memory_space<vmem>>[vector<16xi32>, vector<16xi32>, vector<16xi32>, vector<16xi32>, vector<16xi32>], vector<16xf32>,
        %add3A_360 = arith.constant 24 : i32
        %add3A_361 = vector.broadcast %add3A_360 : i32 to vector<16xi32>
        %add3A_362 = arith.addi %add3A_361, %and3A_4 : vector<16xi32>
        %shift_right_arithmetic3A_363 = arith.constant 3 : i32
        %shift_right_arithmetic3A_364 = vector.broadcast %shift_right_arithmetic3A_363 : i32 to vector<16xi32>
        %shift_right_arithmetic3A_365 = arith.shrsi %add3A_362, %shift_right_arithmetic3A_364 : vector<16xi32>
        %and3A_366 = arith.constant 7 : i32
        %and3A_367 = vector.broadcast %and3A_366 : i32 to vector<16xi32>
        %and3A_368 = arith.andi %add3A_362, %and3A_367 : vector<16xi32>
        %add3A_369 = vector.broadcast %mul3A_346 : i32 to vector<16xi32>
        %add3A_370 = arith.addi %add3A_369, %shift_right_arithmetic3A_2 : vector<16xi32>
        tpu.vector_store_idx %arg14[%shift_right_arithmetic3A_365, %broadcast_in_dim3A_349, %and3A_368, %add3A_370], %gather3A_359 : memref<4x8x8x128xf32, #tpu.memory_space<vmem>>[vector<16xi32>, vector<16xi32>, vector<16xi32>, vector<16xi32>], vector<16xf32>,
      }
      %scan3A_267 = arith.constant 128 : i32
      %scan3A_268 = arith.constant 0 : i32
      %scan3A_269 = arith.constant 0 : i32
      %scan3A_270 = arith.constant 8 : i32
      %scan3A_271 = arith.addi %scan3A_269, %scan3A_270 : i32
      %scan3A_272 = arith.constant 1 : i32
      scf.for %scan3A_340 = %scan3A_269 to %scan3A_271 step %scan3A_272  : i32 {
        %add3A_341 = arith.constant 112 : i32
        %add3A_342 = arith.addi %add3A_341, %scan3A_340 : i32
        %dma_start3A = arith.constant 0 : i32
        %dma_start3A_343 = arith.constant 0 : i32
        %dma_start3A_344 = arith.constant 0 : i32
        %dma_start3A_345 = arith.constant 0 : i32
        %dma_start3A_346 = tpu.memref_slice %arg13[%dma_start3A, %dma_start3A_343, %scan3A_340, %dma_start3A_344, %dma_start3A_345] : memref<2x2x8x128x8xf32, #tpu.memory_space<vmem>> -> memref<1x1x1x128x8xf32, #tpu.memory_space<vmem>>
        %dma_start3A_347 = tpu.memref_squeeze %dma_start3A_346 : memref<1x1x1x128x8xf32, #tpu.memory_space<vmem>> -> memref<128x8xf32, #tpu.memory_space<vmem>>
        %dma_start3A_348 = arith.constant 0 : i32
        %dma_start3A_349 = tpu.memref_slice %arg11[%add3A_342, %dma_start3A_348] : memref<128x128xi32, #tpu.memory_space<vmem>> -> memref<1x128xi32, #tpu.memory_space<vmem>>
        %dma_start3A_350 = tpu.memref_squeeze %dma_start3A_349 : memref<1x128xi32, #tpu.memory_space<vmem>> -> memref<128xi32, #tpu.memory_space<vmem>>
        %dma_start3A_351 = arith.constant 0 : i32
        %dma_start3A_352 = arith.constant 0 : i32
        %dma_start3A_353 = tpu.memref_slice %arg5[%dma_start3A_351, %dma_start3A_352] : memref<2097152x8xf32, #tpu.memory_space<hbm>> -> memref<2097152x8xf32, #tpu.memory_space<hbm>>
        tpu.enqueue_indirect_dma source(%dma_start3A_353 : memref<2097152x8xf32, #tpu.memory_space<hbm>>) target(%dma_start3A_347 : memref<128x8xf32, #tpu.memory_space<vmem>>) offsets(%dma_start3A_350 : memref<128xi32, #tpu.memory_space<vmem>>) semaphore(%arg15 : memref<!tpu.dma_semaphore, #tpu.memory_space<semaphore_mem>>)
        %dma_start3A_354 = arith.constant 0 : i32
        %dma_start3A_355 = arith.constant 1 : i32
        %dma_start3A_356 = arith.constant 0 : i32
        %dma_start3A_357 = arith.constant 0 : i32
        %dma_start3A_358 = tpu.memref_slice %arg13[%dma_start3A_354, %dma_start3A_355, %scan3A_340, %dma_start3A_356, %dma_start3A_357] : memref<2x2x8x128x8xf32, #tpu.memory_space<vmem>> -> memref<1x1x1x128x8xf32, #tpu.memory_space<vmem>>
        %dma_start3A_359 = tpu.memref_squeeze %dma_start3A_358 : memref<1x1x1x128x8xf32, #tpu.memory_space<vmem>> -> memref<128x8xf32, #tpu.memory_space<vmem>>
        %dma_start3A_360 = arith.constant 0 : i32
        %dma_start3A_361 = tpu.memref_slice %arg12[%add3A_342, %dma_start3A_360] : memref<128x128xi32, #tpu.memory_space<vmem>> -> memref<1x128xi32, #tpu.memory_space<vmem>>
        %dma_start3A_362 = tpu.memref_squeeze %dma_start3A_361 : memref<1x128xi32, #tpu.memory_space<vmem>> -> memref<128xi32, #tpu.memory_space<vmem>>
        %dma_start3A_363 = arith.constant 0 : i32
        %dma_start3A_364 = arith.constant 0 : i32
        %dma_start3A_365 = tpu.memref_slice %arg5[%dma_start3A_363, %dma_start3A_364] : memref<2097152x8xf32, #tpu.memory_space<hbm>> -> memref<2097152x8xf32, #tpu.memory_space<hbm>>
        tpu.enqueue_indirect_dma source(%dma_start3A_365 : memref<2097152x8xf32, #tpu.memory_space<hbm>>) target(%dma_start3A_359 : memref<128x8xf32, #tpu.memory_space<vmem>>) offsets(%dma_start3A_362 : memref<128xi32, #tpu.memory_space<vmem>>) semaphore(%arg15 : memref<!tpu.dma_semaphore, #tpu.memory_space<semaphore_mem>>)
      }
      %scan3A_273 = arith.constant 8 : i32
      %scan3A_274 = arith.constant 0 : i32
      %scan3A_275 = arith.constant 0 : i32
      %scan3A_276 = arith.constant 8 : i32
      %scan3A_277 = arith.addi %scan3A_275, %scan3A_276 : i32
      %scan3A_278 = arith.constant 1 : i32
      scf.for %scan3A_340 = %scan3A_275 to %scan3A_277 step %scan3A_278  : i32 {
        %add3A_341 = arith.constant 104 : i32
        %add3A_342 = arith.addi %add3A_341, %scan3A_340 : i32
        %dma_wait3A = arith.constant 1 : i32
        %dma_wait3A_343 = arith.constant 0 : i32
        %dma_wait3A_344 = arith.constant 0 : i32
        %dma_wait3A_345 = arith.constant 0 : i32
        %dma_wait3A_346 = tpu.memref_slice %arg13[%dma_wait3A, %dma_wait3A_343, %scan3A_340, %dma_wait3A_344, %dma_wait3A_345] : memref<2x2x8x128x8xf32, #tpu.memory_space<vmem>> -> memref<1x1x1x128x8xf32, #tpu.memory_space<vmem>>
        %dma_wait3A_347 = tpu.memref_squeeze %dma_wait3A_346 : memref<1x1x1x128x8xf32, #tpu.memory_space<vmem>> -> memref<128x8xf32, #tpu.memory_space<vmem>>
        %dma_wait3A_348 = arith.constant 0 : i32
        %dma_wait3A_349 = tpu.memref_slice %arg11[%add3A_342, %dma_wait3A_348] : memref<128x128xi32, #tpu.memory_space<vmem>> -> memref<1x128xi32, #tpu.memory_space<vmem>>
        %dma_wait3A_350 = tpu.memref_squeeze %dma_wait3A_349 : memref<1x128xi32, #tpu.memory_space<vmem>> -> memref<128xi32, #tpu.memory_space<vmem>>
        %dma_wait3A_351 = arith.constant 0 : i32
        %dma_wait3A_352 = arith.constant 0 : i32
        %dma_wait3A_353 = tpu.memref_slice %arg5[%dma_wait3A_351, %dma_wait3A_352] : memref<2097152x8xf32, #tpu.memory_space<hbm>> -> memref<2097152x8xf32, #tpu.memory_space<hbm>>
        tpu.wait_indirect_dma semaphore(%arg16 : memref<!tpu.dma_semaphore, #tpu.memory_space<semaphore_mem>>) src(%dma_wait3A_353 : memref<2097152x8xf32, #tpu.memory_space<hbm>>) dst(%dma_wait3A_347 : memref<128x8xf32, #tpu.memory_space<vmem>>)
        %dma_wait3A_354 = arith.constant 1 : i32
        %dma_wait3A_355 = arith.constant 1 : i32
        %dma_wait3A_356 = arith.constant 0 : i32
        %dma_wait3A_357 = arith.constant 0 : i32
        %dma_wait3A_358 = tpu.memref_slice %arg13[%dma_wait3A_354, %dma_wait3A_355, %scan3A_340, %dma_wait3A_356, %dma_wait3A_357] : memref<2x2x8x128x8xf32, #tpu.memory_space<vmem>> -> memref<1x1x1x128x8xf32, #tpu.memory_space<vmem>>
        %dma_wait3A_359 = tpu.memref_squeeze %dma_wait3A_358 : memref<1x1x1x128x8xf32, #tpu.memory_space<vmem>> -> memref<128x8xf32, #tpu.memory_space<vmem>>
        %dma_wait3A_360 = arith.constant 0 : i32
        %dma_wait3A_361 = tpu.memref_slice %arg12[%add3A_342, %dma_wait3A_360] : memref<128x128xi32, #tpu.memory_space<vmem>> -> memref<1x128xi32, #tpu.memory_space<vmem>>
        %dma_wait3A_362 = tpu.memref_squeeze %dma_wait3A_361 : memref<1x128xi32, #tpu.memory_space<vmem>> -> memref<128xi32, #tpu.memory_space<vmem>>
        %dma_wait3A_363 = arith.constant 0 : i32
        %dma_wait3A_364 = arith.constant 0 : i32
        %dma_wait3A_365 = tpu.memref_slice %arg5[%dma_wait3A_363, %dma_wait3A_364] : memref<2097152x8xf32, #tpu.memory_space<hbm>> -> memref<2097152x8xf32, #tpu.memory_space<hbm>>
        tpu.wait_indirect_dma semaphore(%arg16 : memref<!tpu.dma_semaphore, #tpu.memory_space<semaphore_mem>>) src(%dma_wait3A_365 : memref<2097152x8xf32, #tpu.memory_space<hbm>>) dst(%dma_wait3A_359 : memref<128x8xf32, #tpu.memory_space<vmem>>)
      }
      %scan3A_279 = arith.constant 8 : i32
      %scan3A_280 = arith.constant 0 : i32
      %scan3A_281 = arith.constant 0 : i32
      %scan3A_282 = arith.constant 128 : i32
      %scan3A_283 = arith.addi %scan3A_281, %scan3A_282 : i32
      %scan3A_284 = arith.constant 1 : i32
      scf.for %scan3A_340 = %scan3A_281 to %scan3A_283 step %scan3A_284  : i32 {
        %shift_right_arithmetic3A_341 = arith.constant 4 : i32
        %shift_right_arithmetic3A_342 = arith.shrsi %scan3A_340, %shift_right_arithmetic3A_341 : i32
        %and3A_343 = arith.constant 15 : i32
        %and3A_344 = arith.andi %scan3A_340, %and3A_343 : i32
        %mul3A_345 = arith.constant 8 : i32
        %mul3A_346 = arith.muli %and3A_344, %mul3A_345 : i32
        %add3A_347 = arith.constant 104 : i32
        %add3A_348 = arith.addi %add3A_347, %shift_right_arithmetic3A_342 : i32
        %broadcast_in_dim3A = vector.broadcast %add3A_348 : i32 to vector<16xi32>
        %broadcast_in_dim3A_349 = vector.broadcast %shift_right_arithmetic3A_342 : i32 to vector<16xi32>
        %add3A_350 = vector.broadcast %mul3A_346 : i32 to vector<16xi32>
        %add3A_351 = arith.addi %add3A_350, %shift_right_arithmetic3A_2 : vector<16xi32>
        %gather3A = tpu.vector_load_idx %arg10[%broadcast_in_dim3A, %add3A_351] : memref<128x128xi32, #tpu.memory_space<vmem>>[vector<16xi32>, vector<16xi32>], vector<16xi32>,
        %and3A_352 = arith.constant 7 : i32
        %and3A_353 = vector.broadcast %and3A_352 : i32 to vector<16xi32>
        %and3A_354 = arith.andi %gather3A, %and3A_353 : vector<16xi32>
        %broadcast_in_dim3A_355 = arith.constant 1 : i32
        %broadcast_in_dim3A_356 = vector.broadcast %broadcast_in_dim3A_355 : i32 to vector<16xi32>
        %add3A_357 = vector.broadcast %mul3A_346 : i32 to vector<16xi32>
        %add3A_358 = arith.addi %add3A_357, %shift_right_arithmetic3A_2 : vector<16xi32>
        %gather3A_359 = tpu.vector_load_idx %arg13[%broadcast_in_dim3A_356, %and3A_4, %broadcast_in_dim3A_349, %add3A_358, %and3A_354] : memref<2x2x8x128x8xf32, #tpu.memory_space<vmem>>[vector<16xi32>, vector<16xi32>, vector<16xi32>, vector<16xi32>, vector<16xi32>], vector<16xf32>,
        %add3A_360 = arith.constant 26 : i32
        %add3A_361 = vector.broadcast %add3A_360 : i32 to vector<16xi32>
        %add3A_362 = arith.addi %add3A_361, %and3A_4 : vector<16xi32>
        %shift_right_arithmetic3A_363 = arith.constant 3 : i32
        %shift_right_arithmetic3A_364 = vector.broadcast %shift_right_arithmetic3A_363 : i32 to vector<16xi32>
        %shift_right_arithmetic3A_365 = arith.shrsi %add3A_362, %shift_right_arithmetic3A_364 : vector<16xi32>
        %and3A_366 = arith.constant 7 : i32
        %and3A_367 = vector.broadcast %and3A_366 : i32 to vector<16xi32>
        %and3A_368 = arith.andi %add3A_362, %and3A_367 : vector<16xi32>
        %add3A_369 = vector.broadcast %mul3A_346 : i32 to vector<16xi32>
        %add3A_370 = arith.addi %add3A_369, %shift_right_arithmetic3A_2 : vector<16xi32>
        tpu.vector_store_idx %arg14[%shift_right_arithmetic3A_365, %broadcast_in_dim3A_349, %and3A_368, %add3A_370], %gather3A_359 : memref<4x8x8x128xf32, #tpu.memory_space<vmem>>[vector<16xi32>, vector<16xi32>, vector<16xi32>, vector<16xi32>], vector<16xf32>,
      }
      %scan3A_285 = arith.constant 128 : i32
      %scan3A_286 = arith.constant 0 : i32
      %scan3A_287 = arith.constant 0 : i32
      %scan3A_288 = arith.constant 8 : i32
      %scan3A_289 = arith.addi %scan3A_287, %scan3A_288 : i32
      %scan3A_290 = arith.constant 1 : i32
      scf.for %scan3A_340 = %scan3A_287 to %scan3A_289 step %scan3A_290  : i32 {
        %add3A_341 = arith.constant 120 : i32
        %add3A_342 = arith.addi %add3A_341, %scan3A_340 : i32
        %dma_start3A = arith.constant 1 : i32
        %dma_start3A_343 = arith.constant 0 : i32
        %dma_start3A_344 = arith.constant 0 : i32
        %dma_start3A_345 = arith.constant 0 : i32
        %dma_start3A_346 = tpu.memref_slice %arg13[%dma_start3A, %dma_start3A_343, %scan3A_340, %dma_start3A_344, %dma_start3A_345] : memref<2x2x8x128x8xf32, #tpu.memory_space<vmem>> -> memref<1x1x1x128x8xf32, #tpu.memory_space<vmem>>
        %dma_start3A_347 = tpu.memref_squeeze %dma_start3A_346 : memref<1x1x1x128x8xf32, #tpu.memory_space<vmem>> -> memref<128x8xf32, #tpu.memory_space<vmem>>
        %dma_start3A_348 = arith.constant 0 : i32
        %dma_start3A_349 = tpu.memref_slice %arg11[%add3A_342, %dma_start3A_348] : memref<128x128xi32, #tpu.memory_space<vmem>> -> memref<1x128xi32, #tpu.memory_space<vmem>>
        %dma_start3A_350 = tpu.memref_squeeze %dma_start3A_349 : memref<1x128xi32, #tpu.memory_space<vmem>> -> memref<128xi32, #tpu.memory_space<vmem>>
        %dma_start3A_351 = arith.constant 0 : i32
        %dma_start3A_352 = arith.constant 0 : i32
        %dma_start3A_353 = tpu.memref_slice %arg5[%dma_start3A_351, %dma_start3A_352] : memref<2097152x8xf32, #tpu.memory_space<hbm>> -> memref<2097152x8xf32, #tpu.memory_space<hbm>>
        tpu.enqueue_indirect_dma source(%dma_start3A_353 : memref<2097152x8xf32, #tpu.memory_space<hbm>>) target(%dma_start3A_347 : memref<128x8xf32, #tpu.memory_space<vmem>>) offsets(%dma_start3A_350 : memref<128xi32, #tpu.memory_space<vmem>>) semaphore(%arg16 : memref<!tpu.dma_semaphore, #tpu.memory_space<semaphore_mem>>)
        %dma_start3A_354 = arith.constant 1 : i32
        %dma_start3A_355 = arith.constant 1 : i32
        %dma_start3A_356 = arith.constant 0 : i32
        %dma_start3A_357 = arith.constant 0 : i32
        %dma_start3A_358 = tpu.memref_slice %arg13[%dma_start3A_354, %dma_start3A_355, %scan3A_340, %dma_start3A_356, %dma_start3A_357] : memref<2x2x8x128x8xf32, #tpu.memory_space<vmem>> -> memref<1x1x1x128x8xf32, #tpu.memory_space<vmem>>
        %dma_start3A_359 = tpu.memref_squeeze %dma_start3A_358 : memref<1x1x1x128x8xf32, #tpu.memory_space<vmem>> -> memref<128x8xf32, #tpu.memory_space<vmem>>
        %dma_start3A_360 = arith.constant 0 : i32
        %dma_start3A_361 = tpu.memref_slice %arg12[%add3A_342, %dma_start3A_360] : memref<128x128xi32, #tpu.memory_space<vmem>> -> memref<1x128xi32, #tpu.memory_space<vmem>>
        %dma_start3A_362 = tpu.memref_squeeze %dma_start3A_361 : memref<1x128xi32, #tpu.memory_space<vmem>> -> memref<128xi32, #tpu.memory_space<vmem>>
        %dma_start3A_363 = arith.constant 0 : i32
        %dma_start3A_364 = arith.constant 0 : i32
        %dma_start3A_365 = tpu.memref_slice %arg5[%dma_start3A_363, %dma_start3A_364] : memref<2097152x8xf32, #tpu.memory_space<hbm>> -> memref<2097152x8xf32, #tpu.memory_space<hbm>>
        tpu.enqueue_indirect_dma source(%dma_start3A_365 : memref<2097152x8xf32, #tpu.memory_space<hbm>>) target(%dma_start3A_359 : memref<128x8xf32, #tpu.memory_space<vmem>>) offsets(%dma_start3A_362 : memref<128xi32, #tpu.memory_space<vmem>>) semaphore(%arg16 : memref<!tpu.dma_semaphore, #tpu.memory_space<semaphore_mem>>)
      }
      %scan3A_291 = arith.constant 8 : i32
      %scan3A_292 = arith.constant 0 : i32
      %scan3A_293 = arith.constant 0 : i32
      %scan3A_294 = arith.constant 8 : i32
      %scan3A_295 = arith.addi %scan3A_293, %scan3A_294 : i32
      %scan3A_296 = arith.constant 1 : i32
      scf.for %scan3A_340 = %scan3A_293 to %scan3A_295 step %scan3A_296  : i32 {
        %add3A_341 = arith.constant 112 : i32
        %add3A_342 = arith.addi %add3A_341, %scan3A_340 : i32
        %dma_wait3A = arith.constant 0 : i32
        %dma_wait3A_343 = arith.constant 0 : i32
        %dma_wait3A_344 = arith.constant 0 : i32
        %dma_wait3A_345 = arith.constant 0 : i32
        %dma_wait3A_346 = tpu.memref_slice %arg13[%dma_wait3A, %dma_wait3A_343, %scan3A_340, %dma_wait3A_344, %dma_wait3A_345] : memref<2x2x8x128x8xf32, #tpu.memory_space<vmem>> -> memref<1x1x1x128x8xf32, #tpu.memory_space<vmem>>
        %dma_wait3A_347 = tpu.memref_squeeze %dma_wait3A_346 : memref<1x1x1x128x8xf32, #tpu.memory_space<vmem>> -> memref<128x8xf32, #tpu.memory_space<vmem>>
        %dma_wait3A_348 = arith.constant 0 : i32
        %dma_wait3A_349 = tpu.memref_slice %arg11[%add3A_342, %dma_wait3A_348] : memref<128x128xi32, #tpu.memory_space<vmem>> -> memref<1x128xi32, #tpu.memory_space<vmem>>
        %dma_wait3A_350 = tpu.memref_squeeze %dma_wait3A_349 : memref<1x128xi32, #tpu.memory_space<vmem>> -> memref<128xi32, #tpu.memory_space<vmem>>
        %dma_wait3A_351 = arith.constant 0 : i32
        %dma_wait3A_352 = arith.constant 0 : i32
        %dma_wait3A_353 = tpu.memref_slice %arg5[%dma_wait3A_351, %dma_wait3A_352] : memref<2097152x8xf32, #tpu.memory_space<hbm>> -> memref<2097152x8xf32, #tpu.memory_space<hbm>>
        tpu.wait_indirect_dma semaphore(%arg15 : memref<!tpu.dma_semaphore, #tpu.memory_space<semaphore_mem>>) src(%dma_wait3A_353 : memref<2097152x8xf32, #tpu.memory_space<hbm>>) dst(%dma_wait3A_347 : memref<128x8xf32, #tpu.memory_space<vmem>>)
        %dma_wait3A_354 = arith.constant 0 : i32
        %dma_wait3A_355 = arith.constant 1 : i32
        %dma_wait3A_356 = arith.constant 0 : i32
        %dma_wait3A_357 = arith.constant 0 : i32
        %dma_wait3A_358 = tpu.memref_slice %arg13[%dma_wait3A_354, %dma_wait3A_355, %scan3A_340, %dma_wait3A_356, %dma_wait3A_357] : memref<2x2x8x128x8xf32, #tpu.memory_space<vmem>> -> memref<1x1x1x128x8xf32, #tpu.memory_space<vmem>>
        %dma_wait3A_359 = tpu.memref_squeeze %dma_wait3A_358 : memref<1x1x1x128x8xf32, #tpu.memory_space<vmem>> -> memref<128x8xf32, #tpu.memory_space<vmem>>
        %dma_wait3A_360 = arith.constant 0 : i32
        %dma_wait3A_361 = tpu.memref_slice %arg12[%add3A_342, %dma_wait3A_360] : memref<128x128xi32, #tpu.memory_space<vmem>> -> memref<1x128xi32, #tpu.memory_space<vmem>>
        %dma_wait3A_362 = tpu.memref_squeeze %dma_wait3A_361 : memref<1x128xi32, #tpu.memory_space<vmem>> -> memref<128xi32, #tpu.memory_space<vmem>>
        %dma_wait3A_363 = arith.constant 0 : i32
        %dma_wait3A_364 = arith.constant 0 : i32
        %dma_wait3A_365 = tpu.memref_slice %arg5[%dma_wait3A_363, %dma_wait3A_364] : memref<2097152x8xf32, #tpu.memory_space<hbm>> -> memref<2097152x8xf32, #tpu.memory_space<hbm>>
        tpu.wait_indirect_dma semaphore(%arg15 : memref<!tpu.dma_semaphore, #tpu.memory_space<semaphore_mem>>) src(%dma_wait3A_365 : memref<2097152x8xf32, #tpu.memory_space<hbm>>) dst(%dma_wait3A_359 : memref<128x8xf32, #tpu.memory_space<vmem>>)
      }
      %scan3A_297 = arith.constant 8 : i32
      %scan3A_298 = arith.constant 0 : i32
      %scan3A_299 = arith.constant 0 : i32
      %scan3A_300 = arith.constant 128 : i32
      %scan3A_301 = arith.addi %scan3A_299, %scan3A_300 : i32
      %scan3A_302 = arith.constant 1 : i32
      scf.for %scan3A_340 = %scan3A_299 to %scan3A_301 step %scan3A_302  : i32 {
        %shift_right_arithmetic3A_341 = arith.constant 4 : i32
        %shift_right_arithmetic3A_342 = arith.shrsi %scan3A_340, %shift_right_arithmetic3A_341 : i32
        %and3A_343 = arith.constant 15 : i32
        %and3A_344 = arith.andi %scan3A_340, %and3A_343 : i32
        %mul3A_345 = arith.constant 8 : i32
        %mul3A_346 = arith.muli %and3A_344, %mul3A_345 : i32
        %add3A_347 = arith.constant 112 : i32
        %add3A_348 = arith.addi %add3A_347, %shift_right_arithmetic3A_342 : i32
        %broadcast_in_dim3A = vector.broadcast %add3A_348 : i32 to vector<16xi32>
        %broadcast_in_dim3A_349 = vector.broadcast %shift_right_arithmetic3A_342 : i32 to vector<16xi32>
        %add3A_350 = vector.broadcast %mul3A_346 : i32 to vector<16xi32>
        %add3A_351 = arith.addi %add3A_350, %shift_right_arithmetic3A_2 : vector<16xi32>
        %gather3A = tpu.vector_load_idx %arg10[%broadcast_in_dim3A, %add3A_351] : memref<128x128xi32, #tpu.memory_space<vmem>>[vector<16xi32>, vector<16xi32>], vector<16xi32>,
        %and3A_352 = arith.constant 7 : i32
        %and3A_353 = vector.broadcast %and3A_352 : i32 to vector<16xi32>
        %and3A_354 = arith.andi %gather3A, %and3A_353 : vector<16xi32>
        %broadcast_in_dim3A_355 = arith.constant 0 : i32
        %broadcast_in_dim3A_356 = vector.broadcast %broadcast_in_dim3A_355 : i32 to vector<16xi32>
        %add3A_357 = vector.broadcast %mul3A_346 : i32 to vector<16xi32>
        %add3A_358 = arith.addi %add3A_357, %shift_right_arithmetic3A_2 : vector<16xi32>
        %gather3A_359 = tpu.vector_load_idx %arg13[%broadcast_in_dim3A_356, %and3A_4, %broadcast_in_dim3A_349, %add3A_358, %and3A_354] : memref<2x2x8x128x8xf32, #tpu.memory_space<vmem>>[vector<16xi32>, vector<16xi32>, vector<16xi32>, vector<16xi32>, vector<16xi32>], vector<16xf32>,
        %add3A_360 = arith.constant 28 : i32
        %add3A_361 = vector.broadcast %add3A_360 : i32 to vector<16xi32>
        %add3A_362 = arith.addi %add3A_361, %and3A_4 : vector<16xi32>
        %shift_right_arithmetic3A_363 = arith.constant 3 : i32
        %shift_right_arithmetic3A_364 = vector.broadcast %shift_right_arithmetic3A_363 : i32 to vector<16xi32>
        %shift_right_arithmetic3A_365 = arith.shrsi %add3A_362, %shift_right_arithmetic3A_364 : vector<16xi32>
        %and3A_366 = arith.constant 7 : i32
        %and3A_367 = vector.broadcast %and3A_366 : i32 to vector<16xi32>
        %and3A_368 = arith.andi %add3A_362, %and3A_367 : vector<16xi32>
        %add3A_369 = vector.broadcast %mul3A_346 : i32 to vector<16xi32>
        %add3A_370 = arith.addi %add3A_369, %shift_right_arithmetic3A_2 : vector<16xi32>
        tpu.vector_store_idx %arg14[%shift_right_arithmetic3A_365, %broadcast_in_dim3A_349, %and3A_368, %add3A_370], %gather3A_359 : memref<4x8x8x128xf32, #tpu.memory_space<vmem>>[vector<16xi32>, vector<16xi32>, vector<16xi32>, vector<16xi32>], vector<16xf32>,
      }
      %scan3A_303 = arith.constant 128 : i32
      %scan3A_304 = arith.constant 0 : i32
      %scan3A_305 = arith.constant 0 : i32
      %scan3A_306 = arith.constant 8 : i32
      %scan3A_307 = arith.addi %scan3A_305, %scan3A_306 : i32
      %scan3A_308 = arith.constant 1 : i32
      scf.for %scan3A_340 = %scan3A_305 to %scan3A_307 step %scan3A_308  : i32 {
        %add3A_341 = arith.constant 120 : i32
        %add3A_342 = arith.addi %add3A_341, %scan3A_340 : i32
        %dma_wait3A = arith.constant 1 : i32
        %dma_wait3A_343 = arith.constant 0 : i32
        %dma_wait3A_344 = arith.constant 0 : i32
        %dma_wait3A_345 = arith.constant 0 : i32
        %dma_wait3A_346 = tpu.memref_slice %arg13[%dma_wait3A, %dma_wait3A_343, %scan3A_340, %dma_wait3A_344, %dma_wait3A_345] : memref<2x2x8x128x8xf32, #tpu.memory_space<vmem>> -> memref<1x1x1x128x8xf32, #tpu.memory_space<vmem>>
        %dma_wait3A_347 = tpu.memref_squeeze %dma_wait3A_346 : memref<1x1x1x128x8xf32, #tpu.memory_space<vmem>> -> memref<128x8xf32, #tpu.memory_space<vmem>>
        %dma_wait3A_348 = arith.constant 0 : i32
        %dma_wait3A_349 = tpu.memref_slice %arg11[%add3A_342, %dma_wait3A_348] : memref<128x128xi32, #tpu.memory_space<vmem>> -> memref<1x128xi32, #tpu.memory_space<vmem>>
        %dma_wait3A_350 = tpu.memref_squeeze %dma_wait3A_349 : memref<1x128xi32, #tpu.memory_space<vmem>> -> memref<128xi32, #tpu.memory_space<vmem>>
        %dma_wait3A_351 = arith.constant 0 : i32
        %dma_wait3A_352 = arith.constant 0 : i32
        %dma_wait3A_353 = tpu.memref_slice %arg5[%dma_wait3A_351, %dma_wait3A_352] : memref<2097152x8xf32, #tpu.memory_space<hbm>> -> memref<2097152x8xf32, #tpu.memory_space<hbm>>
        tpu.wait_indirect_dma semaphore(%arg16 : memref<!tpu.dma_semaphore, #tpu.memory_space<semaphore_mem>>) src(%dma_wait3A_353 : memref<2097152x8xf32, #tpu.memory_space<hbm>>) dst(%dma_wait3A_347 : memref<128x8xf32, #tpu.memory_space<vmem>>)
        %dma_wait3A_354 = arith.constant 1 : i32
        %dma_wait3A_355 = arith.constant 1 : i32
        %dma_wait3A_356 = arith.constant 0 : i32
        %dma_wait3A_357 = arith.constant 0 : i32
        %dma_wait3A_358 = tpu.memref_slice %arg13[%dma_wait3A_354, %dma_wait3A_355, %scan3A_340, %dma_wait3A_356, %dma_wait3A_357] : memref<2x2x8x128x8xf32, #tpu.memory_space<vmem>> -> memref<1x1x1x128x8xf32, #tpu.memory_space<vmem>>
        %dma_wait3A_359 = tpu.memref_squeeze %dma_wait3A_358 : memref<1x1x1x128x8xf32, #tpu.memory_space<vmem>> -> memref<128x8xf32, #tpu.memory_space<vmem>>
        %dma_wait3A_360 = arith.constant 0 : i32
        %dma_wait3A_361 = tpu.memref_slice %arg12[%add3A_342, %dma_wait3A_360] : memref<128x128xi32, #tpu.memory_space<vmem>> -> memref<1x128xi32, #tpu.memory_space<vmem>>
        %dma_wait3A_362 = tpu.memref_squeeze %dma_wait3A_361 : memref<1x128xi32, #tpu.memory_space<vmem>> -> memref<128xi32, #tpu.memory_space<vmem>>
        %dma_wait3A_363 = arith.constant 0 : i32
        %dma_wait3A_364 = arith.constant 0 : i32
        %dma_wait3A_365 = tpu.memref_slice %arg5[%dma_wait3A_363, %dma_wait3A_364] : memref<2097152x8xf32, #tpu.memory_space<hbm>> -> memref<2097152x8xf32, #tpu.memory_space<hbm>>
        tpu.wait_indirect_dma semaphore(%arg16 : memref<!tpu.dma_semaphore, #tpu.memory_space<semaphore_mem>>) src(%dma_wait3A_365 : memref<2097152x8xf32, #tpu.memory_space<hbm>>) dst(%dma_wait3A_359 : memref<128x8xf32, #tpu.memory_space<vmem>>)
      }
      %scan3A_309 = arith.constant 8 : i32
      %scan3A_310 = arith.constant 0 : i32
      %scan3A_311 = arith.constant 0 : i32
      %scan3A_312 = arith.constant 128 : i32
      %scan3A_313 = arith.addi %scan3A_311, %scan3A_312 : i32
      %scan3A_314 = arith.constant 1 : i32
      scf.for %scan3A_340 = %scan3A_311 to %scan3A_313 step %scan3A_314  : i32 {
        %shift_right_arithmetic3A_341 = arith.constant 4 : i32
        %shift_right_arithmetic3A_342 = arith.shrsi %scan3A_340, %shift_right_arithmetic3A_341 : i32
        %and3A_343 = arith.constant 15 : i32
        %and3A_344 = arith.andi %scan3A_340, %and3A_343 : i32
        %mul3A_345 = arith.constant 8 : i32
        %mul3A_346 = arith.muli %and3A_344, %mul3A_345 : i32
        %add3A_347 = arith.constant 120 : i32
        %add3A_348 = arith.addi %add3A_347, %shift_right_arithmetic3A_342 : i32
        %broadcast_in_dim3A = vector.broadcast %add3A_348 : i32 to vector<16xi32>
        %broadcast_in_dim3A_349 = vector.broadcast %shift_right_arithmetic3A_342 : i32 to vector<16xi32>
        %add3A_350 = vector.broadcast %mul3A_346 : i32 to vector<16xi32>
        %add3A_351 = arith.addi %add3A_350, %shift_right_arithmetic3A_2 : vector<16xi32>
        %gather3A = tpu.vector_load_idx %arg10[%broadcast_in_dim3A, %add3A_351] : memref<128x128xi32, #tpu.memory_space<vmem>>[vector<16xi32>, vector<16xi32>], vector<16xi32>,
        %and3A_352 = arith.constant 7 : i32
        %and3A_353 = vector.broadcast %and3A_352 : i32 to vector<16xi32>
        %and3A_354 = arith.andi %gather3A, %and3A_353 : vector<16xi32>
        %broadcast_in_dim3A_355 = arith.constant 1 : i32
        %broadcast_in_dim3A_356 = vector.broadcast %broadcast_in_dim3A_355 : i32 to vector<16xi32>
        %add3A_357 = vector.broadcast %mul3A_346 : i32 to vector<16xi32>
        %add3A_358 = arith.addi %add3A_357, %shift_right_arithmetic3A_2 : vector<16xi32>
        %gather3A_359 = tpu.vector_load_idx %arg13[%broadcast_in_dim3A_356, %and3A_4, %broadcast_in_dim3A_349, %add3A_358, %and3A_354] : memref<2x2x8x128x8xf32, #tpu.memory_space<vmem>>[vector<16xi32>, vector<16xi32>, vector<16xi32>, vector<16xi32>, vector<16xi32>], vector<16xf32>,
        %add3A_360 = arith.constant 30 : i32
        %add3A_361 = vector.broadcast %add3A_360 : i32 to vector<16xi32>
        %add3A_362 = arith.addi %add3A_361, %and3A_4 : vector<16xi32>
        %shift_right_arithmetic3A_363 = arith.constant 3 : i32
        %shift_right_arithmetic3A_364 = vector.broadcast %shift_right_arithmetic3A_363 : i32 to vector<16xi32>
        %shift_right_arithmetic3A_365 = arith.shrsi %add3A_362, %shift_right_arithmetic3A_364 : vector<16xi32>
        %and3A_366 = arith.constant 7 : i32
        %and3A_367 = vector.broadcast %and3A_366 : i32 to vector<16xi32>
        %and3A_368 = arith.andi %add3A_362, %and3A_367 : vector<16xi32>
        %add3A_369 = vector.broadcast %mul3A_346 : i32 to vector<16xi32>
        %add3A_370 = arith.addi %add3A_369, %shift_right_arithmetic3A_2 : vector<16xi32>
        tpu.vector_store_idx %arg14[%shift_right_arithmetic3A_365, %broadcast_in_dim3A_349, %and3A_368, %add3A_370], %gather3A_359 : memref<4x8x8x128xf32, #tpu.memory_space<vmem>>[vector<16xi32>, vector<16xi32>, vector<16xi32>, vector<16xi32>], vector<16xf32>,
      }
      %scan3A_315 = arith.constant 128 : i32
      %jit3A = arith.constant 128 : i32
      %div3A = arith.divsi %add3A_15, %jit3A : i32
      %sign3A = arith.constant 0 : i32
      %sign3A_316 = arith.cmpi sgt, %add3A_15, %sign3A : i32
      %sign3A_317 = arith.extui %sign3A_316 : i1 to i32
      %sign3A_318 = arith.constant 0 : i32
      %sign3A_319 = arith.cmpi slt, %add3A_15, %sign3A_318 : i32
      %sign3A_320 = arith.extui %sign3A_319 : i1 to i32
      %sign3A_321 = arith.subi %sign3A_317, %sign3A_320 : i32
      %sign3A_322 = arith.constant 0 : i32
      %sign3A_323 = arith.cmpi sgt, %jit3A, %sign3A_322 : i32
      %sign3A_324 = arith.extui %sign3A_323 : i1 to i32
      %sign3A_325 = arith.constant 0 : i32
      %sign3A_326 = arith.cmpi slt, %jit3A, %sign3A_325 : i32
      %sign3A_327 = arith.extui %sign3A_326 : i1 to i32
      %sign3A_328 = arith.subi %sign3A_324, %sign3A_327 : i32
      %ne3A = arith.cmpi ne, %sign3A_321, %sign3A_328 : i32
      %rem3A = arith.remsi %add3A_15, %jit3A : i32
      %ne3A_329 = arith.constant 0 : i32
      %ne3A_330 = arith.cmpi ne, %rem3A, %ne3A_329 : i32
      %and3A_331 = arith.andi %ne3A, %ne3A_330 : i1
      %sub3A = arith.constant 1 : i32
      %sub3A_332 = arith.subi %div3A, %sub3A : i32
      %select_n3A = arith.select %and3A_331, %sub3A_332, %div3A : i32
      %run_scoped3A = arith.constant 0 : i32
      %run_scoped3A_333 = arith.constant 0 : i32
      "tpu.region"() ({
        %run_scoped3A_340 = tpu.sem_alloc : memref<!tpu.dma_semaphore, #tpu.memory_space<semaphore_mem>>
        %dma_start3A = arith.constant 0 : i32
        %dma_start3A_341 = arith.constant 0 : i32
        %dma_start3A_342 = arith.constant 0 : i32
        %dma_start3A_343 = tpu.memref_slice %arg14[%run_scoped3A, %dma_start3A, %dma_start3A_341, %dma_start3A_342] : memref<4x8x8x128xf32, #tpu.memory_space<vmem>> -> memref<1x8x8x128xf32, #tpu.memory_space<vmem>>
        %dma_start3A_344 = tpu.memref_squeeze %dma_start3A_343 : memref<1x8x8x128xf32, #tpu.memory_space<vmem>> -> memref<8x8x128xf32, #tpu.memory_space<vmem>>
        %dma_start3A_345 = arith.constant 0 : i32
        %dma_start3A_346 = arith.constant 0 : i32
        %dma_start3A_347 = tpu.memref_slice %arg6[%run_scoped3A_333, %select_n3A, %dma_start3A_345, %dma_start3A_346] : memref<4x8192x8x128xf32, #tpu.memory_space<hbm>> -> memref<1x8x8x128xf32, #tpu.memory_space<hbm>>
        %dma_start3A_348 = tpu.memref_squeeze %dma_start3A_347 : memref<1x8x8x128xf32, #tpu.memory_space<hbm>> -> memref<8x8x128xf32, #tpu.memory_space<hbm>>
        %dma_start3A_349 = arith.constant 0 : i32
        %dma_start3A_350 = arith.constant 0 : i32
        %dma_start3A_351 = tpu.memref_slice %arg6[%run_scoped3A_333, %select_n3A, %dma_start3A_349, %dma_start3A_350] : memref<4x8192x8x128xf32, #tpu.memory_space<hbm>> -> memref<1x8x8x128xf32, #tpu.memory_space<hbm>>
        %dma_start3A_352 = tpu.memref_squeeze %dma_start3A_351 : memref<1x8x8x128xf32, #tpu.memory_space<hbm>> -> memref<8x8x128xf32, #tpu.memory_space<hbm>>
        %dma_start3A_353 = arith.constant 0 : i32
        %dma_start3A_354 = arith.constant 0 : i32
        %dma_start3A_355 = arith.constant 0 : i32
        %dma_start3A_356 = tpu.memref_slice %arg14[%run_scoped3A, %dma_start3A_353, %dma_start3A_354, %dma_start3A_355] : memref<4x8x8x128xf32, #tpu.memory_space<vmem>> -> memref<1x8x8x128xf32, #tpu.memory_space<vmem>>
        %dma_start3A_357 = tpu.memref_squeeze %dma_start3A_356 : memref<1x8x8x128xf32, #tpu.memory_space<vmem>> -> memref<8x8x128xf32, #tpu.memory_space<vmem>>
        tpu.enqueue_dma source(%dma_start3A_357 : memref<8x8x128xf32, #tpu.memory_space<vmem>>) target(%dma_start3A_352 : memref<8x8x128xf32, #tpu.memory_space<hbm>>) target_semaphore(%run_scoped3A_340 : memref<!tpu.dma_semaphore, #tpu.memory_space<semaphore_mem>>)
        %dma_wait3A = arith.constant 0 : i32
        %dma_wait3A_358 = arith.constant 0 : i32
        %dma_wait3A_359 = arith.constant 0 : i32
        %dma_wait3A_360 = tpu.memref_slice %arg14[%run_scoped3A, %dma_wait3A, %dma_wait3A_358, %dma_wait3A_359] : memref<4x8x8x128xf32, #tpu.memory_space<vmem>> -> memref<1x8x8x128xf32, #tpu.memory_space<vmem>>
        %dma_wait3A_361 = tpu.memref_squeeze %dma_wait3A_360 : memref<1x8x8x128xf32, #tpu.memory_space<vmem>> -> memref<8x8x128xf32, #tpu.memory_space<vmem>>
        %dma_wait3A_362 = arith.constant 0 : i32
        %dma_wait3A_363 = arith.constant 0 : i32
        %dma_wait3A_364 = tpu.memref_slice %arg6[%run_scoped3A_333, %select_n3A, %dma_wait3A_362, %dma_wait3A_363] : memref<4x8192x8x128xf32, #tpu.memory_space<hbm>> -> memref<1x8x8x128xf32, #tpu.memory_space<hbm>>
        %dma_wait3A_365 = tpu.memref_squeeze %dma_wait3A_364 : memref<1x8x8x128xf32, #tpu.memory_space<hbm>> -> memref<8x8x128xf32, #tpu.memory_space<hbm>>
        %dma_wait3A_366 = arith.constant 0 : i32
        %dma_wait3A_367 = arith.constant 0 : i32
        %dma_wait3A_368 = tpu.memref_slice %arg6[%run_scoped3A_333, %select_n3A, %dma_wait3A_366, %dma_wait3A_367] : memref<4x8192x8x128xf32, #tpu.memory_space<hbm>> -> memref<1x8x8x128xf32, #tpu.memory_space<hbm>>
        %dma_wait3A_369 = tpu.memref_squeeze %dma_wait3A_368 : memref<1x8x8x128xf32, #tpu.memory_space<hbm>> -> memref<8x8x128xf32, #tpu.memory_space<hbm>>
        %dma_wait3A_370 = arith.constant 0 : i32
        %dma_wait3A_371 = arith.constant 0 : i32
        %dma_wait3A_372 = arith.constant 0 : i32
        %dma_wait3A_373 = tpu.memref_slice %arg14[%run_scoped3A, %dma_wait3A_370, %dma_wait3A_371, %dma_wait3A_372] : memref<4x8x8x128xf32, #tpu.memory_space<vmem>> -> memref<1x8x8x128xf32, #tpu.memory_space<vmem>>
        %dma_wait3A_374 = tpu.memref_squeeze %dma_wait3A_373 : memref<1x8x8x128xf32, #tpu.memory_space<vmem>> -> memref<8x8x128xf32, #tpu.memory_space<vmem>>
        tpu.wait_dma2 semaphore(%run_scoped3A_340 : memref<!tpu.dma_semaphore, #tpu.memory_space<semaphore_mem>>) src(%dma_wait3A_374 : memref<8x8x128xf32, #tpu.memory_space<vmem>>) dst(%dma_wait3A_369 : memref<8x8x128xf32, #tpu.memory_space<hbm>>)
        tpu.yield
      }) : () -> ()
      %run_scoped3A_334 = arith.constant 1 : i32
      %run_scoped3A_335 = arith.constant 1 : i32
      "tpu.region"() ({
        %run_scoped3A_340 = tpu.sem_alloc : memref<!tpu.dma_semaphore, #tpu.memory_space<semaphore_mem>>
        %dma_start3A = arith.constant 0 : i32
        %dma_start3A_341 = arith.constant 0 : i32
        %dma_start3A_342 = arith.constant 0 : i32
        %dma_start3A_343 = tpu.memref_slice %arg14[%run_scoped3A_334, %dma_start3A, %dma_start3A_341, %dma_start3A_342] : memref<4x8x8x128xf32, #tpu.memory_space<vmem>> -> memref<1x8x8x128xf32, #tpu.memory_space<vmem>>
        %dma_start3A_344 = tpu.memref_squeeze %dma_start3A_343 : memref<1x8x8x128xf32, #tpu.memory_space<vmem>> -> memref<8x8x128xf32, #tpu.memory_space<vmem>>
        %dma_start3A_345 = arith.constant 0 : i32
        %dma_start3A_346 = arith.constant 0 : i32
        %dma_start3A_347 = tpu.memref_slice %arg6[%run_scoped3A_335, %select_n3A, %dma_start3A_345, %dma_start3A_346] : memref<4x8192x8x128xf32, #tpu.memory_space<hbm>> -> memref<1x8x8x128xf32, #tpu.memory_space<hbm>>
        %dma_start3A_348 = tpu.memref_squeeze %dma_start3A_347 : memref<1x8x8x128xf32, #tpu.memory_space<hbm>> -> memref<8x8x128xf32, #tpu.memory_space<hbm>>
        %dma_start3A_349 = arith.constant 0 : i32
        %dma_start3A_350 = arith.constant 0 : i32
        %dma_start3A_351 = tpu.memref_slice %arg6[%run_scoped3A_335, %select_n3A, %dma_start3A_349, %dma_start3A_350] : memref<4x8192x8x128xf32, #tpu.memory_space<hbm>> -> memref<1x8x8x128xf32, #tpu.memory_space<hbm>>
        %dma_start3A_352 = tpu.memref_squeeze %dma_start3A_351 : memref<1x8x8x128xf32, #tpu.memory_space<hbm>> -> memref<8x8x128xf32, #tpu.memory_space<hbm>>
        %dma_start3A_353 = arith.constant 0 : i32
        %dma_start3A_354 = arith.constant 0 : i32
        %dma_start3A_355 = arith.constant 0 : i32
        %dma_start3A_356 = tpu.memref_slice %arg14[%run_scoped3A_334, %dma_start3A_353, %dma_start3A_354, %dma_start3A_355] : memref<4x8x8x128xf32, #tpu.memory_space<vmem>> -> memref<1x8x8x128xf32, #tpu.memory_space<vmem>>
        %dma_start3A_357 = tpu.memref_squeeze %dma_start3A_356 : memref<1x8x8x128xf32, #tpu.memory_space<vmem>> -> memref<8x8x128xf32, #tpu.memory_space<vmem>>
        tpu.enqueue_dma source(%dma_start3A_357 : memref<8x8x128xf32, #tpu.memory_space<vmem>>) target(%dma_start3A_352 : memref<8x8x128xf32, #tpu.memory_space<hbm>>) target_semaphore(%run_scoped3A_340 : memref<!tpu.dma_semaphore, #tpu.memory_space<semaphore_mem>>)
        %dma_wait3A = arith.constant 0 : i32
        %dma_wait3A_358 = arith.constant 0 : i32
        %dma_wait3A_359 = arith.constant 0 : i32
        %dma_wait3A_360 = tpu.memref_slice %arg14[%run_scoped3A_334, %dma_wait3A, %dma_wait3A_358, %dma_wait3A_359] : memref<4x8x8x128xf32, #tpu.memory_space<vmem>> -> memref<1x8x8x128xf32, #tpu.memory_space<vmem>>
        %dma_wait3A_361 = tpu.memref_squeeze %dma_wait3A_360 : memref<1x8x8x128xf32, #tpu.memory_space<vmem>> -> memref<8x8x128xf32, #tpu.memory_space<vmem>>
        %dma_wait3A_362 = arith.constant 0 : i32
        %dma_wait3A_363 = arith.constant 0 : i32
        %dma_wait3A_364 = tpu.memref_slice %arg6[%run_scoped3A_335, %select_n3A, %dma_wait3A_362, %dma_wait3A_363] : memref<4x8192x8x128xf32, #tpu.memory_space<hbm>> -> memref<1x8x8x128xf32, #tpu.memory_space<hbm>>
        %dma_wait3A_365 = tpu.memref_squeeze %dma_wait3A_364 : memref<1x8x8x128xf32, #tpu.memory_space<hbm>> -> memref<8x8x128xf32, #tpu.memory_space<hbm>>
        %dma_wait3A_366 = arith.constant 0 : i32
        %dma_wait3A_367 = arith.constant 0 : i32
        %dma_wait3A_368 = tpu.memref_slice %arg6[%run_scoped3A_335, %select_n3A, %dma_wait3A_366, %dma_wait3A_367] : memref<4x8192x8x128xf32, #tpu.memory_space<hbm>> -> memref<1x8x8x128xf32, #tpu.memory_space<hbm>>
        %dma_wait3A_369 = tpu.memref_squeeze %dma_wait3A_368 : memref<1x8x8x128xf32, #tpu.memory_space<hbm>> -> memref<8x8x128xf32, #tpu.memory_space<hbm>>
        %dma_wait3A_370 = arith.constant 0 : i32
        %dma_wait3A_371 = arith.constant 0 : i32
        %dma_wait3A_372 = arith.constant 0 : i32
        %dma_wait3A_373 = tpu.memref_slice %arg14[%run_scoped3A_334, %dma_wait3A_370, %dma_wait3A_371, %dma_wait3A_372] : memref<4x8x8x128xf32, #tpu.memory_space<vmem>> -> memref<1x8x8x128xf32, #tpu.memory_space<vmem>>
        %dma_wait3A_374 = tpu.memref_squeeze %dma_wait3A_373 : memref<1x8x8x128xf32, #tpu.memory_space<vmem>> -> memref<8x8x128xf32, #tpu.memory_space<vmem>>
        tpu.wait_dma2 semaphore(%run_scoped3A_340 : memref<!tpu.dma_semaphore, #tpu.memory_space<semaphore_mem>>) src(%dma_wait3A_374 : memref<8x8x128xf32, #tpu.memory_space<vmem>>) dst(%dma_wait3A_369 : memref<8x8x128xf32, #tpu.memory_space<hbm>>)
        tpu.yield
      }) : () -> ()
      %run_scoped3A_336 = arith.constant 2 : i32
      %run_scoped3A_337 = arith.constant 2 : i32
      "tpu.region"() ({
        %run_scoped3A_340 = tpu.sem_alloc : memref<!tpu.dma_semaphore, #tpu.memory_space<semaphore_mem>>
        %dma_start3A = arith.constant 0 : i32
        %dma_start3A_341 = arith.constant 0 : i32
        %dma_start3A_342 = arith.constant 0 : i32
        %dma_start3A_343 = tpu.memref_slice %arg14[%run_scoped3A_336, %dma_start3A, %dma_start3A_341, %dma_start3A_342] : memref<4x8x8x128xf32, #tpu.memory_space<vmem>> -> memref<1x8x8x128xf32, #tpu.memory_space<vmem>>
        %dma_start3A_344 = tpu.memref_squeeze %dma_start3A_343 : memref<1x8x8x128xf32, #tpu.memory_space<vmem>> -> memref<8x8x128xf32, #tpu.memory_space<vmem>>
        %dma_start3A_345 = arith.constant 0 : i32
        %dma_start3A_346 = arith.constant 0 : i32
        %dma_start3A_347 = tpu.memref_slice %arg6[%run_scoped3A_337, %select_n3A, %dma_start3A_345, %dma_start3A_346] : memref<4x8192x8x128xf32, #tpu.memory_space<hbm>> -> memref<1x8x8x128xf32, #tpu.memory_space<hbm>>
        %dma_start3A_348 = tpu.memref_squeeze %dma_start3A_347 : memref<1x8x8x128xf32, #tpu.memory_space<hbm>> -> memref<8x8x128xf32, #tpu.memory_space<hbm>>
        %dma_start3A_349 = arith.constant 0 : i32
        %dma_start3A_350 = arith.constant 0 : i32
        %dma_start3A_351 = tpu.memref_slice %arg6[%run_scoped3A_337, %select_n3A, %dma_start3A_349, %dma_start3A_350] : memref<4x8192x8x128xf32, #tpu.memory_space<hbm>> -> memref<1x8x8x128xf32, #tpu.memory_space<hbm>>
        %dma_start3A_352 = tpu.memref_squeeze %dma_start3A_351 : memref<1x8x8x128xf32, #tpu.memory_space<hbm>> -> memref<8x8x128xf32, #tpu.memory_space<hbm>>
        %dma_start3A_353 = arith.constant 0 : i32
        %dma_start3A_354 = arith.constant 0 : i32
        %dma_start3A_355 = arith.constant 0 : i32
        %dma_start3A_356 = tpu.memref_slice %arg14[%run_scoped3A_336, %dma_start3A_353, %dma_start3A_354, %dma_start3A_355] : memref<4x8x8x128xf32, #tpu.memory_space<vmem>> -> memref<1x8x8x128xf32, #tpu.memory_space<vmem>>
        %dma_start3A_357 = tpu.memref_squeeze %dma_start3A_356 : memref<1x8x8x128xf32, #tpu.memory_space<vmem>> -> memref<8x8x128xf32, #tpu.memory_space<vmem>>
        tpu.enqueue_dma source(%dma_start3A_357 : memref<8x8x128xf32, #tpu.memory_space<vmem>>) target(%dma_start3A_352 : memref<8x8x128xf32, #tpu.memory_space<hbm>>) target_semaphore(%run_scoped3A_340 : memref<!tpu.dma_semaphore, #tpu.memory_space<semaphore_mem>>)
        %dma_wait3A = arith.constant 0 : i32
        %dma_wait3A_358 = arith.constant 0 : i32
        %dma_wait3A_359 = arith.constant 0 : i32
        %dma_wait3A_360 = tpu.memref_slice %arg14[%run_scoped3A_336, %dma_wait3A, %dma_wait3A_358, %dma_wait3A_359] : memref<4x8x8x128xf32, #tpu.memory_space<vmem>> -> memref<1x8x8x128xf32, #tpu.memory_space<vmem>>
        %dma_wait3A_361 = tpu.memref_squeeze %dma_wait3A_360 : memref<1x8x8x128xf32, #tpu.memory_space<vmem>> -> memref<8x8x128xf32, #tpu.memory_space<vmem>>
        %dma_wait3A_362 = arith.constant 0 : i32
        %dma_wait3A_363 = arith.constant 0 : i32
        %dma_wait3A_364 = tpu.memref_slice %arg6[%run_scoped3A_337, %select_n3A, %dma_wait3A_362, %dma_wait3A_363] : memref<4x8192x8x128xf32, #tpu.memory_space<hbm>> -> memref<1x8x8x128xf32, #tpu.memory_space<hbm>>
        %dma_wait3A_365 = tpu.memref_squeeze %dma_wait3A_364 : memref<1x8x8x128xf32, #tpu.memory_space<hbm>> -> memref<8x8x128xf32, #tpu.memory_space<hbm>>
        %dma_wait3A_366 = arith.constant 0 : i32
        %dma_wait3A_367 = arith.constant 0 : i32
        %dma_wait3A_368 = tpu.memref_slice %arg6[%run_scoped3A_337, %select_n3A, %dma_wait3A_366, %dma_wait3A_367] : memref<4x8192x8x128xf32, #tpu.memory_space<hbm>> -> memref<1x8x8x128xf32, #tpu.memory_space<hbm>>
        %dma_wait3A_369 = tpu.memref_squeeze %dma_wait3A_368 : memref<1x8x8x128xf32, #tpu.memory_space<hbm>> -> memref<8x8x128xf32, #tpu.memory_space<hbm>>
        %dma_wait3A_370 = arith.constant 0 : i32
        %dma_wait3A_371 = arith.constant 0 : i32
        %dma_wait3A_372 = arith.constant 0 : i32
        %dma_wait3A_373 = tpu.memref_slice %arg14[%run_scoped3A_336, %dma_wait3A_370, %dma_wait3A_371, %dma_wait3A_372] : memref<4x8x8x128xf32, #tpu.memory_space<vmem>> -> memref<1x8x8x128xf32, #tpu.memory_space<vmem>>
        %dma_wait3A_374 = tpu.memref_squeeze %dma_wait3A_373 : memref<1x8x8x128xf32, #tpu.memory_space<vmem>> -> memref<8x8x128xf32, #tpu.memory_space<vmem>>
        tpu.wait_dma2 semaphore(%run_scoped3A_340 : memref<!tpu.dma_semaphore, #tpu.memory_space<semaphore_mem>>) src(%dma_wait3A_374 : memref<8x8x128xf32, #tpu.memory_space<vmem>>) dst(%dma_wait3A_369 : memref<8x8x128xf32, #tpu.memory_space<hbm>>)
        tpu.yield
      }) : () -> ()
      %run_scoped3A_338 = arith.constant 3 : i32
      %run_scoped3A_339 = arith.constant 3 : i32
      "tpu.region"() ({
        %run_scoped3A_340 = tpu.sem_alloc : memref<!tpu.dma_semaphore, #tpu.memory_space<semaphore_mem>>
        %dma_start3A = arith.constant 0 : i32
        %dma_start3A_341 = arith.constant 0 : i32
        %dma_start3A_342 = arith.constant 0 : i32
        %dma_start3A_343 = tpu.memref_slice %arg14[%run_scoped3A_338, %dma_start3A, %dma_start3A_341, %dma_start3A_342] : memref<4x8x8x128xf32, #tpu.memory_space<vmem>> -> memref<1x8x8x128xf32, #tpu.memory_space<vmem>>
        %dma_start3A_344 = tpu.memref_squeeze %dma_start3A_343 : memref<1x8x8x128xf32, #tpu.memory_space<vmem>> -> memref<8x8x128xf32, #tpu.memory_space<vmem>>
        %dma_start3A_345 = arith.constant 0 : i32
        %dma_start3A_346 = arith.constant 0 : i32
        %dma_start3A_347 = tpu.memref_slice %arg6[%run_scoped3A_339, %select_n3A, %dma_start3A_345, %dma_start3A_346] : memref<4x8192x8x128xf32, #tpu.memory_space<hbm>> -> memref<1x8x8x128xf32, #tpu.memory_space<hbm>>
        %dma_start3A_348 = tpu.memref_squeeze %dma_start3A_347 : memref<1x8x8x128xf32, #tpu.memory_space<hbm>> -> memref<8x8x128xf32, #tpu.memory_space<hbm>>
        %dma_start3A_349 = arith.constant 0 : i32
        %dma_start3A_350 = arith.constant 0 : i32
        %dma_start3A_351 = tpu.memref_slice %arg6[%run_scoped3A_339, %select_n3A, %dma_start3A_349, %dma_start3A_350] : memref<4x8192x8x128xf32, #tpu.memory_space<hbm>> -> memref<1x8x8x128xf32, #tpu.memory_space<hbm>>
        %dma_start3A_352 = tpu.memref_squeeze %dma_start3A_351 : memref<1x8x8x128xf32, #tpu.memory_space<hbm>> -> memref<8x8x128xf32, #tpu.memory_space<hbm>>
        %dma_start3A_353 = arith.constant 0 : i32
        %dma_start3A_354 = arith.constant 0 : i32
        %dma_start3A_355 = arith.constant 0 : i32
        %dma_start3A_356 = tpu.memref_slice %arg14[%run_scoped3A_338, %dma_start3A_353, %dma_start3A_354, %dma_start3A_355] : memref<4x8x8x128xf32, #tpu.memory_space<vmem>> -> memref<1x8x8x128xf32, #tpu.memory_space<vmem>>
        %dma_start3A_357 = tpu.memref_squeeze %dma_start3A_356 : memref<1x8x8x128xf32, #tpu.memory_space<vmem>> -> memref<8x8x128xf32, #tpu.memory_space<vmem>>
        tpu.enqueue_dma source(%dma_start3A_357 : memref<8x8x128xf32, #tpu.memory_space<vmem>>) target(%dma_start3A_352 : memref<8x8x128xf32, #tpu.memory_space<hbm>>) target_semaphore(%run_scoped3A_340 : memref<!tpu.dma_semaphore, #tpu.memory_space<semaphore_mem>>)
        %dma_wait3A = arith.constant 0 : i32
        %dma_wait3A_358 = arith.constant 0 : i32
        %dma_wait3A_359 = arith.constant 0 : i32
        %dma_wait3A_360 = tpu.memref_slice %arg14[%run_scoped3A_338, %dma_wait3A, %dma_wait3A_358, %dma_wait3A_359] : memref<4x8x8x128xf32, #tpu.memory_space<vmem>> -> memref<1x8x8x128xf32, #tpu.memory_space<vmem>>
        %dma_wait3A_361 = tpu.memref_squeeze %dma_wait3A_360 : memref<1x8x8x128xf32, #tpu.memory_space<vmem>> -> memref<8x8x128xf32, #tpu.memory_space<vmem>>
        %dma_wait3A_362 = arith.constant 0 : i32
        %dma_wait3A_363 = arith.constant 0 : i32
        %dma_wait3A_364 = tpu.memref_slice %arg6[%run_scoped3A_339, %select_n3A, %dma_wait3A_362, %dma_wait3A_363] : memref<4x8192x8x128xf32, #tpu.memory_space<hbm>> -> memref<1x8x8x128xf32, #tpu.memory_space<hbm>>
        %dma_wait3A_365 = tpu.memref_squeeze %dma_wait3A_364 : memref<1x8x8x128xf32, #tpu.memory_space<hbm>> -> memref<8x8x128xf32, #tpu.memory_space<hbm>>
        %dma_wait3A_366 = arith.constant 0 : i32
        %dma_wait3A_367 = arith.constant 0 : i32
        %dma_wait3A_368 = tpu.memref_slice %arg6[%run_scoped3A_339, %select_n3A, %dma_wait3A_366, %dma_wait3A_367] : memref<4x8192x8x128xf32, #tpu.memory_space<hbm>> -> memref<1x8x8x128xf32, #tpu.memory_space<hbm>>
        %dma_wait3A_369 = tpu.memref_squeeze %dma_wait3A_368 : memref<1x8x8x128xf32, #tpu.memory_space<hbm>> -> memref<8x8x128xf32, #tpu.memory_space<hbm>>
        %dma_wait3A_370 = arith.constant 0 : i32
        %dma_wait3A_371 = arith.constant 0 : i32
        %dma_wait3A_372 = arith.constant 0 : i32
        %dma_wait3A_373 = tpu.memref_slice %arg14[%run_scoped3A_338, %dma_wait3A_370, %dma_wait3A_371, %dma_wait3A_372] : memref<4x8x8x128xf32, #tpu.memory_space<vmem>> -> memref<1x8x8x128xf32, #tpu.memory_space<vmem>>
        %dma_wait3A_374 = tpu.memref_squeeze %dma_wait3A_373 : memref<1x8x8x128xf32, #tpu.memory_space<vmem>> -> memref<8x8x128xf32, #tpu.memory_space<vmem>>
        tpu.wait_dma2 semaphore(%run_scoped3A_340 : memref<!tpu.dma_semaphore, #tpu.memory_space<semaphore_mem>>) src(%dma_wait3A_374 : memref<8x8x128xf32, #tpu.memory_space<vmem>>) dst(%dma_wait3A_369 : memref<8x8x128xf32, #tpu.memory_space<hbm>>)
        tpu.yield
      }) : () -> ()
    }
    %scan3A_9 = arith.constant 32 : i32
    return
  }
}

</mosaic_0001>

<sc_bundles>
// kernel: kernel.3.cloned.1.call-start
scs
__scs_entry_jumppad:
0x0: {  	(pc) =	sbr.rel $0x88, $3  }
0x1: {  	(tag) =	ssettag $0x0;
	lr =	simm.s32 $0x1  }
0x2: {  	[smem:$0x3F9F] =	sst lr;
	_ =	strace $0xD0000000  }
0x3: {  	_ = 	snop  }
0x4: {  	_ = 	snop  }
0x5: {  	_ = 	snop  }
0x6: {  	_ = 	snop  }
0x7: {  	_ = 	snop  }
__scs_overlays_trampoline_lowered:
0x8: {  	[smem:$0x3FAE] =	sst s0  }
0x9: {  	[smem:$0x3FAF] =	sst s1  }
0xa: {  	[smem:$0x3FB0] =	sst s2  }
0xb: {  	[smem:$0x3FB1] =	sst s3  }
0xc: {  	[smem:$0x3FB2] =	sst s4  }
0xd: {  	[smem:$0x3FB3] =	sst s5  }
0xe: {  	[smem:$0x3FB4] =	sst s6  }
0xf: {  	[smem:$0x3FB5] =	sst s7  }
0x10: {  	[smem:$0x3FB6] =	sst s8  }
0x11: {  	[smem:$0x3FB7] =	sst s9;
	s0 =	simm.s32 @!p0 $0x0  }
0x12: {  	s1 =	sld [smem:$0x3F9D];
	s0 =	simm.s32 @p0 $0x1  }
0x13: {  	[smem:$0x3FB8] =	sst s0;
	s0 =	simm.s32 @!p1 $0x0  }
0x14: {  	s2 =	sld [smem:$0x3F9C];
	s0 =	simm.s32 @p1 $0x1  }
0x15: {  	[smem:$0x3FB9] =	sst s0;
	s0 =	simm.s32 @!p2 $0x0  }
0x16: {  	s3 =	sld [smem:$0x3FDB];
	s0 =	simm.s32 @p2 $0x1  }
0x17: {  	s4 =	simm.s32 $0x1BF5;
	[smem:$0x3FBB] =	sst s0  }
0x18: {  	s0 =	sld [smem:$0x3F9E];
	_ =	swait.ge [sflag:s4], $0x0  }
0x19: {  	s7 =	sld [smem:$0x3F9F]  }
0x1a: {  	s8 =	sadd.s32 $0xFFFFE003, lr  }
0x1b: {  	s9 =	sadd.s32 $0xFFFFFEF7, lr;
	s5 =	simm.s32 $0xFFFFFFFF;
	p2 =	slt.u32 s8, $0xFFFFF086  }
0x1c: {  	p1 =	slt.u32 s9, $0xF7A;
	s5 =	simm.s32 @!p2 $0x0  }
0x1d: {  	s5 =	simm.s32 @p1 $0x1;
	p0 =	seq.s32 s7, s2  }
0x1e: {  	s7 =	smul.u32 @!p0 $0xF7A, s2;
	p2 =	seq.s32 @!p0 s5, $0x0  }
0x1f: {  	s9 =	smul.u32 $0xF7A, s1;
	s8 =	simm.s32 @!p0 $0x1BF5;
	p2 =	por !p2, p0  }
0x20: {  	[sflag:s8] =	ssyncset.s32 @!p0 $0xFFFFF086;
	s6 =	sadd.s32 @!p0 s3, s7;
	s7 =	simm.s32 @!p0 $0x108  }
0x21: {  	s3 =	sadd.s32 s3, s9;
	s6 =	sadd.s32 @!p0 $0x88, s6;
	s7 =	simm.s32 @p2 $0x1082  }
0x22: {  	[simem:s7], [sflag:s8] =	dma.local @!p0 [hbm:s6], $0xF7A  }
0x23: {  	s9 =	sor.u32 $0xD0000000, s2;
	s6 =	simm.s32 $0x108;
	_ =	swait.ge @!p0 [sflag:s8], $0x0  }
0x24: {  	s3 =	sadd.s32 $0x88, s3;
	s6 =	simm.s32 @!p1 $0x1082;
	[sflag:s4] =	ssyncset.s32 $0xFFFFF086  }
0x25: {  	[simem:s6], [sflag:s4] =	dma.local [hbm:s3], $0xF7A  }
0x26: {  	[smem:$0x3F9F] =	sst s1;
	(tag) =	ssettag s2;
	_ =	strace s9  }
0x27: {  	s1 =	sld [smem:$0x3FAF]  }
0x28: {  	s2 =	sld [smem:$0x3FB0]  }
0x29: {  	s4 =	sld [smem:$0x3FB2]  }
0x2a: {  	p0 =	seq.s32 s5, $0x0;
	s5 =	sld [smem:$0x3FB3]  }
0x2b: {  	s6 =	sld [smem:$0x3FB4]  }
0x2c: {  	s7 =	sld [smem:$0x3FB5]  }
0x2d: {  	s3 =	simm.s32 $0x108;
	s8 =	sld [smem:$0x3FB6]  }
0x2e: {  	s3 =	simm.s32 @!p0 $0x1082;
	s9 =	sld [smem:$0x3FB7]  }
0x2f: {  	lr =	sadd.s32 s0, s3;
	s0 =	sld [smem:$0x3FAE]  }
0x30: {  	s3 =	sld [smem:$0x3FB1]  }
0x31: {  	[smem:$0x3FBA] =	sst s10  }
0x32: {  	s10 =	sld [smem:$0x3FB8];
	_ =	sdelay $0x3  }
0x33: {  	p0 =	seq.s32 s10, $0x1;
	s10 =	sld [smem:$0x3FBA];
	_ =	sdelay $0x3  }
0x34: {  	[smem:$0x3FBA] =	sst s10  }
0x35: {  	s10 =	sld [smem:$0x3FB9];
	_ =	sdelay $0x3  }
0x36: {  	p1 =	seq.s32 s10, $0x1;
	s10 =	sld [smem:$0x3FBA];
	_ =	sdelay $0x3  }
0x37: {  	[smem:$0x3FBA] =	sst s10  }
0x38: {  	s10 =	sld [smem:$0x3FBB]  }
0x39: {  	_ = 	snop;
	(pc) =	sbr.ind lr, $3  }
0x3a: {  	_ = 	snop  }
0x3b: {  	_ = 	snop  }
0x3c: {  	p2 =	seq.s32 s10, $0x1;
	s10 =	sld [smem:$0x3FBA]  }
0x3d: {  	_ =	shalt  }
0x3e: {  	_ =	shalt  }
0x3f: {  	_ =	shalt  }
0x40: {  	_ =	shalt  }
0x41: {  	_ =	shalt  }
0x42: {  	_ =	shalt  }
0x43: {  	_ =	shalt  }
0x44: {  	_ =	shalt  }
0x45: {  	_ =	shalt  }
0x46: {  	_ =	shalt  }
0x47: {  	_ =	shalt  }
0x48: {  	_ =	shalt  }
0x49: {  	_ =	shalt  }
0x4a: {  	_ =	shalt  }
0x4b: {  	_ =	shalt  }
0x4c: {  	_ =	shalt  }
0x4d: {  	_ =	shalt  }
0x4e: {  	_ =	shalt  }
0x4f: {  	_ =	shalt  }
0x50: {  	_ =	shalt  }
0x51: {  	_ =	shalt  }
0x52: {  	_ =	shalt  }
0x53: {  	_ =	shalt  }
0x54: {  	_ =	shalt  }
0x55: {  	_ =	shalt  }
0x56: {  	_ =	shalt  }
0x57: {  	_ =	shalt  }
0x58: {  	_ =	shalt  }
0x59: {  	_ =	shalt  }
0x5a: {  	_ =	shalt  }
0x5b: {  	_ =	shalt  }
0x5c: {  	_ =	shalt  }
0x5d: {  	_ =	shalt  }
0x5e: {  	_ =	shalt  }
0x5f: {  	_ =	shalt  }
0x60: {  	_ =	shalt  }
0x61: {  	_ =	shalt  }
0x62: {  	_ =	shalt  }
0x63: {  	_ =	shalt  }
0x64: {  	_ =	shalt  }
0x65: {  	_ =	shalt  }
0x66: {  	_ =	shalt  }
0x67: {  	_ =	shalt  }
0x68: {  	_ =	shalt  }
0x69: {  	_ =	shalt  }
0x6a: {  	_ =	shalt  }
0x6b: {  	_ =	shalt  }
0x6c: {  	_ =	shalt  }
0x6d: {  	_ =	shalt  }
0x6e: {  	_ =	shalt  }
0x6f: {  	_ =	shalt  }
0x70: {  	_ =	shalt  }
0x71: {  	_ =	shalt  }
0x72: {  	_ =	shalt  }
0x73: {  	_ =	shalt  }
0x74: {  	_ =	shalt  }
0x75: {  	_ =	shalt  }
0x76: {  	_ =	shalt  }
0x77: {  	_ =	shalt  }
0x78: {  	_ =	shalt  }
0x79: {  	_ =	shalt  }
0x7a: {  	_ =	shalt  }
0x7b: {  	_ =	shalt  }
0x7c: {  	_ =	shalt  }
0x7d: {  	_ =	shalt  }
0x7e: {  	_ =	shalt  }
0x7f: {  	_ =	shalt  }
0x80: {  	_ =	shalt  }
0x81: {  	_ =	shalt  }
0x82: {  	_ =	shalt  }
0x83: {  	_ =	shalt  }
0x84: {  	_ =	shalt  }
0x85: {  	_ =	shalt  }
0x86: {  	_ =	shalt  }
0x87: {  	_ =	shalt  }
.Lfunc_end0:
.L_simem_size_0:
called_computation_lowered:
.L_overlay_start_0:
0x88: {  	s2 =	sld [smem:$0x3FD9]  }
0x89: {  	s3 =	sld [smem:$0x3FFE];
	_ =	sdelay $0x1  }
0x8a: {  	s1 =	srdreg.scid  }
0x8b: {  	s0 =	sand.u32 $0x1, s1  }
0x8c: {  	s17 =	sshll.u32 s0, $0xA;
	s2 =	sadd.s32 s3, s2  }
0x8d: {  	s2 =	sadd.s32 s2, s17  }
0x8e: {  	[smem:$0x3FC6] =	sst s2  }
0x8f: {  	_ = 	snop  }
0x90: {  	s2 =	sld [smem:$0x3FC8]  }
0x91: {  	s18 =	sld [smem:$0x3FD0];
	(tm) =	ssettm $0x1  }
0x92: {  	s4 =	sld [smem:$0x3FFB];
	_ =	sdelay $0x3  }
0x93: {  	_ =	strace s4  }
0x94: {  	s4 =	sld [smem:$0x3FFC];
	_ =	sdelay $0x3  }
0x95: {  	_ =	strace s4  }
0x96: {  	s4 =	sld [smem:$0x3FFD];
	_ =	sdelay $0x3  }
0x97: {  	_ =	strace s4  }
0x98: {  	_ =	strace $0x8FFFFFFF  }
0x99: {  	s19 =	sld [smem:$0x3FDB];
	_ =	sdelay $0x1  }
0x9a: {  	s5 =	simm.s32 $_scs_section_size  }
0x9b: {  	s6 =	simm.s32 $_size__tile_overlayer_lowered;
	s7 =	simm.s32 $_tile_overlayer_lowered  }
0x9c: {  	s22 =	simm.s32 $0x1BFF;
	s21 =	sshll.u32 s7, $0x1;
	s4 =	sadd.s32 s5, s19  }
0x9d: {  	s8 =	simm.s32 $0x0;
	s20 =	sshll.u32 s6, $0x1;
	s6 =	sadd.s32 s21, s4  }
0x9e: {  	[timem:s8], [sflag:s22] =	dma.local [hbm:s6], s20  }
0x9f: {  	_ =	swait.ge [sflag:s22], s20  }
0xa0: {  	s5 =	ssub.s32 $0x0, s20;
	[sflag:s22] =	ssyncset.done $0x0  }
0xa1: {  	[sflag:s22] =	ssyncadd.s32 s5;
	_ =	sdelay $0x1  }
0xa2: {  	s23 =	simm.s32 $0x1B8B  }
0xa3: {  	_ =	swait.ge [sflag:s23], $0x1  }
0xa4: {  	[sflag:s23] =	ssyncset.done $0x0  }
0xa5: {  	s25 =	simm.s32 $0x1B8E;
	s24 =	sld [smem:$0x3FFE];
	[sflag:s23] =	ssyncadd.s32 $0xFFFFFFFF  }
0xa6: {  	s26 =	simm.s32 $execute0_lowered;
	[smem:$0x3FD2] =	sst s25  }
0xa7: {  	s6 =	sshll.u32 s26, $0x1;
	_ =	strace $0x80000046;
	[dreg:$0x1] =	wrdreg $0xFFFFFFFF  }
0xa8: {  	s28 =	simm.s32 $_size_execute0_lowered;
	s4 =	sadd.s32 s4, s6;
	[dreg:$0x0] =	wrdreg $0x0  }
0xa9: {  	s6 =	sshll.u32 s28, $0x1;
	[dreg:$0x2] =	wrdreg s4  }
0xaa: {  	[dreg:$0x3] =	wrdreg s6  }
0xab: {  	[dreg:$0x4] =	wrdreg $0xC0  }
0xac: {  	_ =	task [dreg:s8], $0x5FFFF  }
0xad: {  	[dreg:$0x1] =	wrdreg $0xFFFFFFFF  }
0xae: {  	[dreg:$0x0] =	wrdreg $0x60  }
0xaf: {  	[dreg:$0x2] =	wrdreg s24  }
0xb0: {  	[dreg:$0x3] =	wrdreg s2  }
0xb1: {  	[dreg:$0x4] =	wrdreg s18  }
0xb2: {  	[dreg:$0x5] =	wrdreg $0x9  }
0xb3: {  	_ =	task.clear_ibuf [dreg:s8], $0x6FFFF;
	_ =	strace $0x90000046  }
0xb4: {  	s29 =	simm.s32 $0x9;
	_ =	strace $0x80000048  }
0xb5: {  	_ =	swait.ge [sflag:s29], $0x1  }
0xb6: {  	[sflag:s29] =	ssyncadd.s32 $0xFFFFFFFF  }
0xb7: {  	_ =	strace $0x90000048  }
0xb8: {  	_ =	sfence  }
0xb9: {  	s30 =	sld [smem:$0x0];
	_ =	sdelay $0x2  }
0xba: {  	s31 =	sshll.u32 s1, $0xD;
	s1 =	sshrl.u32 s1, $0x2  }
0xbb: {  	s3 =	sand.u32 $0x4000, s31;
	s1 =	sadd.s32 s1, s30  }
0xbc: {  	s0 =	sor.u32 s3, s0;
	s1 =	sshll.u32 s1, $0x11  }
0xbd: {  	s0 =	sor.u32 s1, s0  }
0xbe: {  	s0 =	sadd.s32 $0x8F2B, s0  }
0xbf: {  	[sflag:s0] =	ssyncadd.remote.s32 $0x1  }
0xc0: {  	_ =	sfence.sel $0xFFFF  }
0xc1: {  	[dreg:$0x0] =	wrdreg $0xFFFFFFFF;
	(pc) =	sbr.abs _section_cstart, $3  }
0xc2: {  	[dreg:$0x1] =	wrdreg $0xFFFFFFFF  }
0xc3: {  	_ =	task.clear_ibuf [dreg:s8], $0x2FFFF;
	_ =	strace $0x9FFFFFFF  }
0xc4: {  	(tm) =	ssettm $0x7FFFFFFF  }
0xc5: {  	_ =	shalt  }
tec
execute0_lowered:
.L_overlay_start_1:
0x0: {  	(tag) =	ssettag $0x1  }
0x1: {  	v0 =	vimm.s32 $0x85058404;
	v1 =	vimm.s32 $0x87078606  }
0x2: {  	vm0 =	vcmask $0x1F10;
	v2 =	vimm.s32 $0x83038202;
	v3 =	vimm.s32 $0x81018000  }
0x3: {  	v4 =	vimm.s32 $0x187;
	vm1 =	vcmask $0x300;
	vm2 =	vcmask $0x704  }
0x4: {  	vm3 =	vcmask $0xB08;
	vm4 =	vcmask $0xF0C;
	vm5 =	vcmask $0x1310  }
0x5: {  	vm6 =	vcmask $0x1714;
	vm7 =	vcmask $0x1F1C;
	vm8 =	vcmask $0x2320  }
0x6: {  	vm9 =	vcmask $0x2724;
	vm10 =	vcmask $0x2B28;
	vm11 =	vcmask $0x2F2C  }
0x7: {  	vm12 =	vcmask $0x3330;
	vm13 =	vcmask $0x3734;
	vm14 =	vcmask $0x3B38  }
0x8: {  	v5 =	vimm.s32 $0x2087;
	v6 =	vimm.s32 $0x2187;
	v7 =	vimm.s32 $0x2287  }
0x9: {  	v8 =	vimm.s32 $0x2387;
	v9 =	vimm.s32 $0x4087;
	v10 =	vimm.s32 $0x4187  }
0xa: {  	v11 =	vimm.s32 $0x4287;
	v12 =	vimm.s32 $0x4387;
	v13 =	vimm.s32 $0x6087  }
0xb: {  	v14 =	vimm.s32 $0x6187;
	v15 =	vimm.s32 $0x6287;
	v16 =	vimm.s32 $0x6387  }
0xc: {  	v0 =	vunpack.c.0.s8.s32 v0;
	v1 =	vunpack.c.0.s8.s32 v1;
	v3 =	vunpack.c.0.s8.s32 v3  }
0xd: {  	v4 =	vsel vm1, $0x100, v4;
	v2 =	vunpack.c.0.s8.s32 v2;
	v5 =	vsel vm1, $0x2000, v5  }
0xe: {  	v6 =	vsel vm1, $0x2100, v6;
	v7 =	vsel vm1, $0x2200, v7;
	v8 =	vsel vm1, $0x2300, v8  }
0xf: {  	v9 =	vsel vm1, $0x4000, v9;
	v10 =	vsel vm1, $0x4100, v10;
	v11 =	vsel vm1, $0x4200, v11  }
0x10: {  	v12 =	vsel vm1, $0x4300, v12;
	v13 =	vsel vm1, $0x6000, v13;
	v14 =	vsel vm1, $0x6100, v14  }
0x11: {  	v15 =	vsel vm1, $0x6200, v15;
	v16 =	vsel vm1, $0x6300, v16;
	v4 =	vsel vm2, $0x180, v4  }
0x12: {  	v5 =	vsel vm2, $0x2080, v5;
	v6 =	vsel vm2, $0x2180, v6;
	v7 =	vsel vm2, $0x2280, v7  }
0x13: {  	v8 =	vsel vm2, $0x2380, v8;
	v9 =	vsel vm2, $0x4080, v9;
	v10 =	vsel vm2, $0x4180, v10  }
0x14: {  	v11 =	vsel vm2, $0x4280, v11;
	v12 =	vsel vm2, $0x4380, v12;
	v13 =	vsel vm2, $0x6080, v13  }
0x15: {  	v14 =	vsel vm2, $0x6180, v14;
	v15 =	vsel vm2, $0x6280, v15;
	v16 =	vsel vm2, $0x6380, v16  }
0x16: {  	v0 =	vsel vm0, v1, v0;
	v1 =	vsel vm3, $0x101, v4;
	v2 =	vsel vm0, v2, v3  }
0x17: {  	vm0 =	vcmask $0x1B18;
	v4 =	vimm.s32 $0x387;
	v5 =	vsel vm3, $0x2001, v5  }
0x18: {  	v6 =	vsel vm3, $0x2101, v6;
	v7 =	vsel vm3, $0x2201, v7;
	v8 =	vsel vm3, $0x2301, v8  }
0x19: {  	v9 =	vsel vm3, $0x4001, v9;
	v10 =	vsel vm3, $0x4101, v10;
	v11 =	vsel vm3, $0x4201, v11  }
0x1a: {  	v12 =	vsel vm3, $0x4301, v12;
	v13 =	vsel vm3, $0x6001, v13;
	v14 =	vsel vm3, $0x6101, v14  }
0x1b: {  	v15 =	vsel vm3, $0x6201, v15;
	v16 =	vsel vm3, $0x6301, v16;
	v1 =	vsel vm4, $0x181, v1  }
0x1c: {  	v2 =	vcombine.low v2, v0;
	v4 =	vsel vm1, $0x300, v4;
	v5 =	vsel vm4, $0x2081, v5  }
0x1d: {  	v6 =	vsel vm4, $0x2181, v6;
	v7 =	vsel vm4, $0x2281, v7;
	v8 =	vsel vm4, $0x2381, v8  }
0x1e: {  	v9 =	vsel vm4, $0x4081, v9;
	v10 =	vsel vm4, $0x4181, v10;
	v11 =	vsel vm4, $0x4281, v11  }
0x1f: {  	v12 =	vsel vm4, $0x4381, v12;
	v13 =	vsel vm4, $0x6081, v13;
	v14 =	vsel vm4, $0x6181, v14  }
0x20: {  	v15 =	vsel vm4, $0x6281, v15;
	v16 =	vsel vm4, $0x6381, v16;
	v0 =	vsel vm5, $0x102, v1  }
0x21: {  	v4 =	vsel vm2, $0x380, v4;
	v5 =	vsel vm5, $0x2002, v5;
	v6 =	vsel vm5, $0x2102, v6  }
0x22: {  	v7 =	vsel vm5, $0x2202, v7;
	v8 =	vsel vm5, $0x2302, v8;
	v9 =	vsel vm5, $0x4002, v9  }
0x23: {  	v10 =	vsel vm5, $0x4102, v10;
	v11 =	vsel vm5, $0x4202, v11;
	v12 =	vsel vm5, $0x4302, v12  }
0x24: {  	v13 =	vsel vm5, $0x6002, v13;
	v14 =	vsel vm5, $0x6102, v14;
	v15 =	vsel vm5, $0x6202, v15  }
0x25: {  	v16 =	vsel vm5, $0x6302, v16;
	v3 =	vsel vm6, $0x182, v0;
	v0 =	vlaneseq.u32  }
0x26: {  	v1 =	vand.u32 $0xFF, v2;
	v4 =	vsel vm3, $0x301, v4;
	v5 =	vsel vm6, $0x2082, v5  }
0x27: {  	v6 =	vsel vm6, $0x2182, v6;
	v7 =	vsel vm6, $0x2282, v7;
	v8 =	vsel vm6, $0x2382, v8  }
0x28: {  	v9 =	vsel vm6, $0x4082, v9;
	v10 =	vsel vm6, $0x4182, v10;
	v11 =	vsel vm6, $0x4282, v11  }
0x29: {  	v12 =	vsel vm6, $0x4382, v12;
	v13 =	vsel vm6, $0x6082, v13;
	v14 =	vsel vm6, $0x6182, v14  }
0x2a: {  	v15 =	vsel vm6, $0x6282, v15;
	v16 =	vsel vm6, $0x6382, v16;
	v2 =	vsel vm0, $0x103, v3  }
0x2b: {  	v3 =	vimm.s32 $0x287;
	v4 =	vsel vm4, $0x381, v4;
	v5 =	vsel vm0, $0x2003, v5  }
0x2c: {  	v6 =	vsel vm0, $0x2103, v6;
	v7 =	vsel vm0, $0x2203, v7;
	v8 =	vsel vm0, $0x2303, v8  }
0x2d: {  	v9 =	vsel vm0, $0x4003, v9;
	v10 =	vsel vm0, $0x4103, v10;
	v11 =	vsel vm0, $0x4203, v11  }
0x2e: {  	v12 =	vsel vm0, $0x4303, v12;
	v13 =	vsel vm0, $0x6003, v13;
	v14 =	vsel vm0, $0x6103, v14  }
0x2f: {  	v15 =	vsel vm0, $0x6203, v15;
	v16 =	vsel vm0, $0x6303, v16;
	v2 =	vsel vm7, $0x183, v2  }
0x30: {  	v3 =	vsel vm1, $0x200, v3;
	v4 =	vsel vm5, $0x302, v4;
	v5 =	vsel vm7, $0x2083, v5  }
0x31: {  	v6 =	vsel vm7, $0x2183, v6;
	v7 =	vsel vm7, $0x2283, v7;
	v8 =	vsel vm7, $0x2383, v8  }
0x32: {  	v9 =	vsel vm7, $0x4083, v9;
	v10 =	vsel vm7, $0x4183, v10;
	v11 =	vsel vm7, $0x4283, v11  }
0x33: {  	v12 =	vsel vm7, $0x4383, v12;
	v13 =	vsel vm7, $0x6083, v13;
	v14 =	vsel vm7, $0x6183, v14  }
0x34: {  	v15 =	vsel vm7, $0x6283, v15;
	v16 =	vsel vm7, $0x6383, v16;
	v3 =	vsel vm2, $0x280, v3  }
0x35: {  	v2 =	vsel vm8, $0x104, v2;
	v4 =	vsel vm6, $0x382, v4;
	v5 =	vsel vm8, $0x2004, v5  }
0x36: {  	v6 =	vsel vm8, $0x2104, v6;
	v7 =	vsel vm8, $0x2204, v7;
	v8 =	vsel vm8, $0x2304, v8  }
0x37: {  	v9 =	vsel vm8, $0x4004, v9;
	v10 =	vsel vm8, $0x4104, v10;
	v11 =	vsel vm8, $0x4204, v11  }
0x38: {  	v12 =	vsel vm8, $0x4304, v12;
	v13 =	vsel vm8, $0x6004, v13;
	v14 =	vsel vm8, $0x6104, v14  }
0x39: {  	v15 =	vsel vm8, $0x6204, v15;
	v16 =	vsel vm8, $0x6304, v16;
	v3 =	vsel vm3, $0x201, v3  }
0x3a: {  	v2 =	vsel vm9, $0x184, v2;
	v4 =	vsel vm0, $0x303, v4;
	v5 =	vsel vm9, $0x2084, v5  }
0x3b: {  	v6 =	vsel vm9, $0x2184, v6;
	v7 =	vsel vm9, $0x2284, v7;
	v8 =	vsel vm9, $0x2384, v8  }
0x3c: {  	v9 =	vsel vm9, $0x4084, v9;
	v10 =	vsel vm9, $0x4184, v10;
	v11 =	vsel vm9, $0x4284, v11  }
0x3d: {  	v12 =	vsel vm9, $0x4384, v12;
	v13 =	vsel vm9, $0x6084, v13;
	v14 =	vsel vm9, $0x6184, v14  }
0x3e: {  	v15 =	vsel vm9, $0x6284, v15;
	v16 =	vsel vm9, $0x6384, v16;
	v3 =	vsel vm4, $0x281, v3  }
0x3f: {  	v2 =	vsel vm10, $0x105, v2;
	v4 =	vsel vm7, $0x383, v4;
	v5 =	vsel vm10, $0x2005, v5  }
0x40: {  	v6 =	vsel vm10, $0x2105, v6;
	v7 =	vsel vm10, $0x2205, v7;
	v8 =	vsel vm10, $0x2305, v8  }
0x41: {  	v9 =	vsel vm10, $0x4005, v9;
	v10 =	vsel vm10, $0x4105, v10;
	v11 =	vsel vm10, $0x4205, v11  }
0x42: {  	v12 =	vsel vm10, $0x4305, v12;
	v13 =	vsel vm10, $0x6005, v13;
	v14 =	vsel vm10, $0x6105, v14  }
0x43: {  	v15 =	vsel vm10, $0x6205, v15;
	v16 =	vsel vm10, $0x6305, v16;
	v3 =	vsel vm5, $0x202, v3  }
0x44: {  	v2 =	vsel vm11, $0x185, v2;
	v4 =	vsel vm8, $0x304, v4;
	v5 =	vsel vm11, $0x2085, v5  }
0x45: {  	v6 =	vsel vm11, $0x2185, v6;
	v7 =	vsel vm11, $0x2285, v7;
	v8 =	vsel vm11, $0x2385, v8  }
0x46: {  	v9 =	vsel vm11, $0x4085, v9;
	v10 =	vsel vm11, $0x4185, v10;
	v11 =	vsel vm11, $0x4285, v11  }
0x47: {  	v12 =	vsel vm11, $0x4385, v12;
	v13 =	vsel vm11, $0x6085, v13;
	v14 =	vsel vm11, $0x6185, v14  }
0x48: {  	s0 =	rddreg [dreg:$0x0];
	v15 =	vsel vm11, $0x6285, v15;
	v16 =	vsel vm11, $0x6385, v16;
	v3 =	vsel vm6, $0x282, v3  }
0x49: {  	s1 =	rddreg [dreg:$0x1];
	v4 =	vsel vm9, $0x384, v4;
	v2 =	vsel vm12, $0x106, v2;
	v5 =	vsel vm12, $0x2006, v5  }
0x4a: {  	s5 =	rddreg [dreg:$0x2];
	s2 =	simm.s32 $0x0;
	v6 =	vsel vm12, $0x2106, v6;
	v7 =	vsel vm12, $0x2206, v7;
	v8 =	vsel vm12, $0x2306, v8  }
0x4b: {  	s22 =	srdreg.scid;
	s4 =	stileid.u32;
	s13 =	simm.s32 $0x3;
	v9 =	vsel vm12, $0x4006, v9;
	v10 =	vsel vm12, $0x4106, v10;
	v11 =	vsel vm12, $0x4206, v11  }
0x4c: {  	s16 =	simm.s32 $0x80;
	s18 =	simm.s32 $0xCC00;
	s12 =	simm.s32 $0x11000;
	v12 =	vsel vm12, $0x4306, v12;
	v13 =	vsel vm12, $0x6006, v13;
	v14 =	vsel vm12, $0x6106, v14  }
0x4d: {  	s6 =	simm.s32 $0x13400;
	s7 =	simm.s32 $0x11800;
	s8 =	simm.s32 $0x13800;
	v15 =	vsel vm12, $0x6206, v15;
	v16 =	vsel vm12, $0x6306, v16;
	v3 =	vsel vm0, $0x203, v3  }
0x4e: {  	s9 =	simm.s32 $0x11C00;
	s10 =	simm.s32 $0x13C00;
	s11 =	simm.s32 $0x12000;
	v4 =	vsel vm10, $0x305, v4;
	v2 =	vsel vm13, $0x186, v2;
	v5 =	vsel vm13, $0x2086, v5  }
0x4f: {  	s20 =	simm.s32 $0x12400;
	s29 =	simm.s32 $0x1;
	s31 =	simm.s32 $0xC00;
	v6 =	vsel vm13, $0x2186, v6;
	v7 =	vsel vm13, $0x2286, v7;
	v8 =	vsel vm13, $0x2386, v8  }
0x50: {  	s14 =	simm.s32 $0x0;
	[smem:$0x7FF] =	sst s2;
	s3 =	sadd.s32 $0x40600, s0;
	v9 =	vsel vm13, $0x4086, v9;
	v10 =	vsel vm13, $0x4186, v10;
	v11 =	vsel vm13, $0x4286, v11  }
0x51: {  	s23 =	sadd.s32 $0x20600, s0;
	_ =	strace $0x80000047;
	[dreg:$0x4] =	wrdreg s3;
	v12 =	vsel vm13, $0x4386, v12;
	v13 =	vsel vm13, $0x6086, v13;
	v14 =	vsel vm13, $0x6186, v14  }
0x52: {  	s2 =	sand.u32 $0x1, s22;
	s0 =	sadd.s32 $0x600, s0;
	[dreg:$0x5] =	wrdreg s23;
	v15 =	vsel vm13, $0x6286, v15;
	v16 =	vsel vm13, $0x6386, v16;
	v3 =	vsel vm7, $0x283, v3  }
0x53: {  	s4 =	sshll.u32 s4, $0x10;
	s26 =	sadd.s32 $0x100000, s5;
	[dreg:$0x6] =	wrdreg s0;
	v4 =	vsel vm11, $0x385, v4;
	v2 =	vsel vm14, $0x107, v2;
	v5 =	vsel vm14, $0x2007, v5  }
0x54: {  	s28 =	sadd.s32 $0x200000, s5;
	s30 =	sadd.s32 $0x300000, s5;
	[dreg:$0x8] =	wrdreg s26;
	v6 =	vsel vm14, $0x2107, v6;
	v7 =	vsel vm14, $0x2207, v7;
	v3 =	vsel vm8, $0x204, v3  }
0x55: {  	s5 =	simm.s32 $0x11400;
	s22 =	simm.s32 $0x14400;
	[dreg:$0x9] =	wrdreg s28;
	v8 =	vsel vm14, $0x2307, v8;
	v9 =	vsel vm14, $0x4007, v9;
	v3 =	vsel vm9, $0x284, v3  }
0x56: {  	s24 =	ssub.s32 $0x2, s2;
	s2 =	sshll.u32 s2, $0xF;
	[dreg:$0xa] =	wrdreg s30;
	v10 =	vsel vm14, $0x4107, v10;
	v11 =	vsel vm14, $0x4207, v11;
	v3 =	vsel vm10, $0x205, v3  }
0x57: {  	s3 =	simm.s32 $0x14000;
	s26 =	simm.s32 $0x14800;
	s25 =	sshrl.u32 s24, $0x1;
	v12 =	vsel vm14, $0x4307, v12;
	v13 =	vsel vm14, $0x6007, v13;
	v3 =	vsel vm11, $0x285, v3  }
0x58: {  	s2 =	sor.u32 s2, s4;
	s4 =	simm.s32 $0x14C00;
	s0 =	ssub.s32 s24, s25;
	v14 =	vsel vm14, $0x6107, v14;
	v4 =	vsel vm12, $0x306, v4;
	v3 =	vsel vm12, $0x206, v3  }
0x59: {  	[dreg:$0x7] =	wrdreg s2;
	s25 =	simm.s32 $0x13000;
	s0 =	smax.u32 s0, $0x1;
	v15 =	vsel vm14, $0x6207, v15;
	v4 =	vsel vm13, $0x386, v4;
	v3 =	vsel vm13, $0x286, v3  }
0x5a: {  	s24 =	simm.s32 $0x12800;
	s2 =	simm.s32 $0x2;
	[dreg:$0xb] =	wrdreg s0;
	v16 =	vsel vm14, $0x6307, v16;
	v4 =	vsel vm14, $0x307, v4;
	v3 =	vsel vm14, $0x207, v3  }
.LBB2_1:
0x5b: {  	[dreg:$0xc] =	wrdreg s14;
	s15 =	simm.s32 $0x0  }
.LBB2_2:
0x5c: {  	s0 =	sshll.u32 s15, $0xA;
	s14 =	rddreg [dreg:$0x7]  }
0x5d: {  	s19 =	sadd.s32 s14, s0  }
0x5e: {  	s30 =	rddreg [dreg:$0x4];
	s0 =	sshrl.u32 s19, $0x3  }
0x5f: {  	s23 =	simm.s32 $0x0;
	s14 =	sadd.s32 s30, s0  }
0x60: {  	[tilespmem:s23], [sflag:$0x3] =	stream.linear.gather [hbm4b:s14+s23], $0x400, $0x38;
	[tilespmem:$0x1CC00] =	vst v63  }
0x61: {  	_ =	swait.ge [sflag:s13], $0x400  }
0x62: {  	[sflag:s13] =	ssyncset.done $0x0;
	s17 =	rddreg [dreg:$0x5]  }
0x63: {  	[sflag:s13] =	ssyncadd.s32 $0xFFFFFC00;
	s14 =	sadd.s32 s17, s0;
	s17 =	simm.s32 $0x400  }
0x64: {  	[tilespmem:s17], [sflag:$0x3] =	stream.linear.gather [hbm4b:s14+s23], $0x400, $0x38;
	[tilespmem:$0x1CC00] =	vst v63  }
0x65: {  	_ =	swait.ge [sflag:s13], $0x400  }
0x66: {  	[sflag:s13] =	ssyncset.done $0x0;
	s21 =	rddreg [dreg:$0x6]  }
0x67: {  	s30 =	simm.s32 $0x800;
	[sflag:s13] =	ssyncadd.s32 $0xFFFFFC00;
	s0 =	sadd.s32 s21, s0  }
0x68: {  	[tilespmem:s30], [sflag:$0x3] =	stream.linear.gather [hbm4b:s0+s23], $0x400, $0x38;
	[tilespmem:$0x1CC00] =	vst v63  }
0x69: {  	_ =	swait.ge [sflag:s13], $0x400  }
0x6a: {  	[sflag:s13] =	ssyncset.done $0x0  }
0x6b: {  	s28 =	simm.s32 $0x0;
	[sflag:s13] =	ssyncadd.s32 $0xFFFFFC00  }
.LBB2_3:
0x6c: {  	s0 =	sshra.s32 s28, $0x2  }
0x6d: {  	v17 =	vld [tilespmem:s0+$0x0]  }
0x6e: {  	v19 =	vld [tilespmem:s0+$0x400]  }
0x6f: {  	v20 =	vld [tilespmem:s0+$0x800];
	_ =	sdelay $0x3  }
0x70: {  	v18 =	vmax.f32 v17, $0.0e+00;
	v19 =	vmax.f32 v19, $0.0e+00  }
0x71: {  	v17 =	vmax.f32 v20, $0.0e+00;
	v21 =	vmul.f32 $1.600000000e+01, v18;
	v38 =	vmul.f32 $1.600000000e+01, v19  }
0x72: {  	v22 =	vmul.f32 $1.600000000e+01, v17;
	v23 =	vmul.f32 $2.200000000e+01, v19  }
0x73: {  	v24 =	vmul.f32 $2.200000000e+01, v17;
	v25 =	vmul.f32 $2.200000000e+01, v18  }
0x74: {  	v40 =	vmul.f32 $3.000000000e+01, v19;
	v41 =	vmul.f32 $3.000000000e+01, v17  }
0x75: {  	v42 =	vmul.f32 $3.000000000e+01, v18;
	v45 =	vmul.f32 $4.200000000e+01, v18  }
0x76: {  	v46 =	vmul.f32 $4.200000000e+01, v19;
	v48 =	vmul.f32 $4.200000000e+01, v17  }
0x77: {  	v27 =	vmul.f32 $5.800000000e+01, v19;
	v52 =	vmul.f32 $5.800000000e+01, v17  }
0x78: {  	v28 =	vmul.f32 $5.800000000e+01, v18;
	v54 =	vmul.f32 $8.000000000e+01, v19  }
0x79: {  	v55 =	vmul.f32 $8.000000000e+01, v17;
	v56 =	vmul.f32 $8.000000000e+01, v18  }
0x7a: {  	v60 =	vmul.f32 $1.110000000e+02, v18;
	v61 =	vmul.f32 $1.110000000e+02, v19  }
0x7b: {  	v63 =	vmul.f32 $1.110000000e+02, v17;
	v35 =	vmul.f32 $1.530000000e+02, v19  }
0x7c: {  	v36 =	vmul.f32 $1.530000000e+02, v17;
	v31 =	vmul.f32 $1.530000000e+02, v18  }
0x7d: {  	v37 =	vtrunc.f32 v21;
	v21 =	vtrunc.f32 v38  }
0x7e: {  	v22 =	vtrunc.f32 v22;
	v23 =	vtrunc.f32 v23  }
0x7f: {  	v24 =	vtrunc.f32 v24;
	v39 =	vtrunc.f32 v25  }
0x80: {  	v25 =	vtrunc.f32 v40;
	v47 =	vtrunc.f32 v45  }
0x81: {  	v50 =	vtrunc.f32 v46;
	v27 =	vtrunc.f32 v27  }
0x82: {  	v53 =	vtrunc.f32 v28;
	v28 =	vtrunc.f32 v54  }
0x83: {  	v57 =	vtrunc.f32 v56;
	v62 =	vtrunc.f32 v60  }
0x84: {  	v33 =	vtrunc.f32 v61;
	v38 =	vmul.f32 $2.120000000e+02, v19  }
0x85: {  	v40 =	vmul.f32 $2.120000000e+02, v18;
	v45 =	vmul.f32 $2.940000000e+02, v19  }
0x86: {  	v61 =	vmul.f32 $7.760000000e+02, v18;
	v20 =	vcvt.f32.s32 v37  }
0x87: {  	v21 =	vcvt.f32.s32 v21;
	v22 =	vcvt.f32.s32 v22  }
0x88: {  	v23 =	vcvt.f32.s32 v23;
	v24 =	vcvt.f32.s32 v24  }
0x89: {  	v25 =	vcvt.f32.s32 v25;
	v49 =	vcvt.f32.s32 v47  }
0x8a: {  	v27 =	vcvt.f32.s32 v27;
	v28 =	vcvt.f32.s32 v28  }
0x8b: {  	v32 =	vcvt.f32.s32 v62;
	v37 =	vtrunc.f32 v31  }
0x8c: {  	v47 =	vmul.f32 $2.940000000e+02, v17;
	v31 =	vtrunc.f32 v38  }
0x8d: {  	v62 =	vtrunc.f32 v61;
	vm0 =	vlt.s32 v20, $0xF;
	vm6 =	vlt.s32 v21, $0xF  }
0x8e: {  	vm1 =	vlt.s32 v22, $0xF;
	vm7 =	vlt.s32 v23, $0x15;
	vm8 =	vlt.s32 v24, $0x15  }
0x8f: {  	vm10 =	vlt.s32 v25, $0x1D;
	vm13 =	vlt.s32 v49, $0x29;
	vm4 =	vlt.s32 v27, $0x39  }
0x90: {  	v31 =	vcvt.f32.s32 v31;
	v20 =	vnsel vm0, $0xF, v20;
	v21 =	vnsel vm6, $0xF, v21  }
0x91: {  	v22 =	vnsel vm1, $0xF, v22;
	v23 =	vnsel vm7, $0x15, v23;
	v24 =	vnsel vm8, $0x15, v24  }
0x92: {  	v25 =	vnsel vm10, $0x1D, v25;
	v27 =	vnsel vm4, $0x39, v27;
	vm7 =	vlt.s32 v28, $0x4F  }
0x93: {  	vm10 =	vlt.s32 v32, $0x6E;
	v21 =	vmul.u32 $0x779B1, v21;
	v22 =	vmul.u32 $0x25795, v22  }
0x94: {  	v23 =	vmul.u32 $0x779B1, v23;
	v24 =	vmul.u32 $0x25795, v24;
	v44 =	vmul.u32 $0x779B1, v25  }
0x95: {  	v25 =	vtrunc.f32 v48;
	v27 =	vmul.u32 $0x779B1, v27;
	v28 =	vnsel vm7, $0x4F, v28  }
0x96: {  	vm4 =	vlt.s32 v31, $0xD3;
	v25 =	vcvt.f32.s32 v25;
	v59 =	vmul.u32 $0x779B1, v28  }
0x97: {  	v28 =	vtrunc.f32 v63;
	v31 =	vnsel vm4, $0xD3, v31;
	v63 =	vmul.f32 $7.760000000e+02, v19  }
0x98: {  	v20 =	vadd.s32 v20, v21;
	v21 =	vcvt.f32.s32 v39;
	v28 =	vcvt.f32.s32 v28  }
0x99: {  	v39 =	vmul.f32 $2.120000000e+02, v17;
	v20 =	vadd.s32 v22, v20;
	vm15 =	vlt.s32 v25, $0x29  }
0x9a: {  	v38 =	vtrunc.f32 v63;
	v22 =	vshll.u32 v20, $0x1;
	vm9 =	vlt.s32 v21, $0x15  }
0x9b: {  	v20 =	vand.u32 $0x7F, v20;
	v25 =	vnsel vm15, $0x29, v25;
	v21 =	vnsel vm9, $0x15, v21  }
0x9c: {  	v22 =	vand.u32 $0xFFF00, v22;
	v25 =	vmul.u32 $0x25795, v25;
	v21 =	vadd.s32 v21, v23  }
0x9d: {  	v23 =	vtrunc.f32 v41;
	v20 =	vor.u32 v20, v22;
	v41 =	vtrunc.f32 v40  }
0x9e: {  	v21 =	vadd.s32 v24, v21;
	v23 =	vcvt.f32.s32 v23;
	v24 =	vtrunc.f32 v42  }
0x9f: {  	v40 =	vmul.f32 $1.072000000e+03, v19;
	v26 =	vshll.u32 v21, $0x1;
	v24 =	vcvt.f32.s32 v24  }
0xa0: {  	v21 =	vand.u32 $0x7F, v21;
	v26 =	vand.u32 $0xFFF00, v26;
	vm11 =	vlt.s32 v23, $0x1D  }
0xa1: {  	v21 =	vor.u32 v26, v21;
	v43 =	vnsel vm11, $0x1D, v23;
	vm12 =	vlt.s32 v24, $0x1D  }
0xa2: {  	v24 =	vnsel vm12, $0x1D, v24;
	v22 =	vmul.u32 $0x25795, v43;
	vm12 =	vlt.s32 v28, $0x6E  }
0xa3: {  	v43 =	vmul.u32 $0x779B1, v31;
	v31 =	vtrunc.f32 v47;
	v47 =	vmul.f32 $1.482000000e+03, v18  }
0xa4: {  	v21 =	vor.u32 $0x100000, v21;
	v23 =	vadd.s32 v24, v44;
	v24 =	vcvt.f32.s32 v50  }
0xa5: {  	v28 =	vnsel vm12, $0x6E, v28;
	v44 =	vmul.f32 $2.940000000e+02, v18;
	v31 =	vcvt.f32.s32 v31  }
0xa6: {  	v22 =	vadd.s32 v22, v23;
	v23 =	vnsel vm13, $0x29, v49;
	v49 =	vtrunc.f32 v45  }
0xa7: {  	v51 =	vshll.u32 v22, $0x1;
	v22 =	vand.u32 $0x7F, v22;
	v46 =	vtrunc.f32 v44  }
0xa8: {  	vm14 =	vlt.s32 v24, $0x29;
	v26 =	vand.u32 $0xFFF00, v51;
	v48 =	vcvt.f32.s32 v46  }
0xa9: {  	v24 =	vnsel vm14, $0x29, v24;
	v51 =	vmul.f32 $4.060000000e+02, v18;
	v46 =	vmul.f32 $1.482000000e+03, v19  }
0xaa: {  	v22 =	vor.u32 v26, v22;
	v24 =	vmul.u32 $0x779B1, v24;
	v26 =	vtrunc.f32 v52  }
0xab: {  	v28 =	vmul.u32 $0x25795, v28;
	v52 =	vmul.f32 $4.060000000e+02, v19;
	v26 =	vcvt.f32.s32 v26  }
0xac: {  	vm7 =	vlt.s32 v48, $0x125;
	v23 =	vadd.s32 v23, v24;
	v24 =	vcvt.f32.s32 v53  }
0xad: {  	v22 =	vor.u32 $0x200000, v22;
	v23 =	vadd.s32 v25, v23;
	vm5 =	vlt.s32 v26, $0x39  }
0xae: {  	v25 =	vshll.u32 v23, $0x1;
	v26 =	vnsel vm5, $0x39, v26;
	vm6 =	vlt.s32 v24, $0x39  }
0xaf: {  	v23 =	vand.u32 $0x7F, v23;
	v24 =	vnsel vm6, $0x39, v24;
	v26 =	vmul.u32 $0x25795, v26  }
0xb0: {  	v25 =	vand.u32 $0xFFF00, v25;
	v24 =	vadd.s32 v24, v27;
	v27 =	vtrunc.f32 v55  }
0xb1: {  	v24 =	vadd.s32 v26, v24;
	v27 =	vcvt.f32.s32 v27;
	v26 =	vcvt.f32.s32 v57  }
0xb2: {  	v57 =	vmul.f32 $5.610000000e+02, v19;
	v19 =	vmul.f32 $2.047000000e+03, v19;
	v29 =	vshll.u32 v24, $0x1  }
0xb3: {  	v30 =	vand.u32 $0x7F, v24;
	v24 =	vor.u32 v25, v23;
	v29 =	vand.u32 $0xFFF00, v29  }
0xb4: {  	vm8 =	vlt.s32 v27, $0x4F;
	vm9 =	vlt.s32 v26, $0x4F;
	v24 =	vor.u32 $0x300000, v24  }
0xb5: {  	v19 =	vtrunc.f32 v19;
	v23 =	vor.u32 v29, v30;
	v58 =	vnsel vm8, $0x4F, v27  }
0xb6: {  	v26 =	vnsel vm9, $0x4F, v26;
	v27 =	vcvt.f32.s32 v33;
	v30 =	vtrunc.f32 v35  }
0xb7: {  	vm9 =	vlt.s32 v31, $0x125;
	v35 =	vmul.f32 $5.610000000e+02, v17;
	v19 =	vcvt.f32.s32 v19  }
0xb8: {  	v25 =	vmul.u32 $0x25795, v58;
	v26 =	vadd.s32 v26, v59;
	v30 =	vcvt.f32.s32 v30  }
0xb9: {  	v31 =	vnsel vm9, $0x125, v31;
	v23 =	vor.u32 $0x400000, v23;
	vm11 =	vlt.s32 v27, $0x6E  }
0xba: {  	v31 =	vmul.u32 $0x25795, v31;
	v35 =	vtrunc.f32 v35;
	v25 =	vadd.s32 v25, v26  }
0xbb: {  	v26 =	vnsel vm10, $0x6E, v32;
	v27 =	vnsel vm11, $0x6E, v27;
	vm13 =	vlt.s32 v30, $0x98  }
0xbc: {  	v58 =	vcvt.f32.s32 v35;
	v34 =	vshll.u32 v25, $0x1;
	v25 =	vand.u32 $0x7F, v25  }
0xbd: {  	v27 =	vmul.u32 $0x779B1, v27;
	v30 =	vnsel vm13, $0x98, v30;
	v29 =	vand.u32 $0xFFF00, v34  }
0xbe: {  	v30 =	vmul.u32 $0x779B1, v30;
	v34 =	vmul.f32 $4.060000000e+02, v17;
	v25 =	vor.u32 v29, v25  }
0xbf: {  	v29 =	vtrunc.f32 v36;
	v26 =	vadd.s32 v26, v27;
	v27 =	vcvt.f32.s32 v37  }
0xc0: {  	v36 =	vmul.f32 $5.610000000e+02, v18;
	v29 =	vcvt.f32.s32 v29;
	v26 =	vadd.s32 v28, v26  }
0xc1: {  	v54 =	vtrunc.f32 v34;
	v34 =	vtrunc.f32 v57;
	v28 =	vshll.u32 v26, $0x1  }
0xc2: {  	vm15 =	vlt.s32 v27, $0x98;
	v55 =	vcvt.f32.s32 v54;
	v34 =	vcvt.f32.s32 v34  }
0xc3: {  	v26 =	vand.u32 $0x7F, v26;
	v59 =	vtrunc.f32 v36;
	v36 =	vcvt.f32.s32 v62  }
0xc4: {  	vm14 =	vlt.s32 v29, $0x98;
	v27 =	vnsel vm15, $0x98, v27;
	v28 =	vand.u32 $0xFFF00, v28  }
0xc5: {  	v29 =	vnsel vm14, $0x98, v29;
	v27 =	vadd.s32 v27, v30;
	v30 =	vtrunc.f32 v39  }
0xc6: {  	vm12 =	vlt.s32 v55, $0x195;
	vm13 =	vlt.s32 v34, $0x230;
	vm14 =	vlt.s32 v58, $0x230  }
0xc7: {  	vm4 =	vlt.s32 v36, $0x307;
	v39 =	vmul.f32 $7.760000000e+02, v17;
	v29 =	vmul.u32 $0x25795, v29  }
0xc8: {  	v30 =	vcvt.f32.s32 v30;
	v34 =	vnsel vm13, $0x230, v34;
	vm13 =	vlt.s32 v19, $0x7FE  }
0xc9: {  	v34 =	vmul.u32 $0x779B1, v34;
	v35 =	vtrunc.f32 v39;
	v19 =	vnsel vm13, $0x7FE, v19  }
0xca: {  	v27 =	vadd.s32 v29, v27;
	v29 =	vcvt.f32.s32 v41;
	vm5 =	vlt.s32 v30, $0xD3  }
0xcb: {  	v19 =	vmul.u32 $0x779B1, v19;
	v32 =	vshll.u32 v27, $0x1;
	v33 =	vand.u32 $0x7F, v27  }
0xcc: {  	v27 =	vor.u32 v28, v26;
	v42 =	vnsel vm5, $0xD3, v30;
	v30 =	vcvt.f32.s32 v49  }
0xcd: {  	v32 =	vand.u32 $0xFFF00, v32;
	vm6 =	vlt.s32 v29, $0xD3;
	v28 =	vmul.u32 $0x25795, v42  }
0xce: {  	v42 =	vcvt.f32.s32 v35;
	v26 =	vor.u32 v32, v33;
	v29 =	vnsel vm6, $0xD3, v29  }
0xcf: {  	vm8 =	vlt.s32 v30, $0x125;
	v33 =	vtrunc.f32 v51;
	v29 =	vadd.s32 v29, v43  }
0xd0: {  	v30 =	vnsel vm8, $0x125, v30;
	v33 =	vcvt.f32.s32 v33;
	v28 =	vadd.s32 v28, v29  }
0xd1: {  	v43 =	vmul.f32 $1.072000000e+03, v18;
	vm6 =	vlt.s32 v42, $0x307;
	v50 =	vshll.u32 v28, $0x1  }
0xd2: {  	v18 =	vmul.f32 $2.047000000e+03, v18;
	v28 =	vand.u32 $0x7F, v28;
	v32 =	vand.u32 $0xFFF00, v50  }
0xd3: {  	v29 =	vnsel vm7, $0x125, v48;
	v28 =	vor.u32 v32, v28;
	v32 =	vtrunc.f32 v52  }
0xd4: {  	v30 =	vmul.u32 $0x779B1, v30;
	v48 =	vtrunc.f32 v46;
	v53 =	vcvt.f32.s32 v32  }
0xd5: {  	vm10 =	vlt.s32 v33, $0x195;
	v44 =	vtrunc.f32 v43;
	v18 =	vtrunc.f32 v18  }
0xd6: {  	v29 =	vadd.s32 v29, v30;
	v33 =	vnsel vm10, $0x195, v33;
	vm11 =	vlt.s32 v53, $0x195  }
0xd7: {  	v18 =	vcvt.f32.s32 v18;
	v29 =	vadd.s32 v31, v29;
	v30 =	vnsel vm11, $0x195, v53  }
0xd8: {  	v31 =	vnsel vm12, $0x195, v55;
	v52 =	vmul.f32 $1.482000000e+03, v17;
	v30 =	vmul.u32 $0x779B1, v30  }
0xd9: {  	v55 =	vor.u32 $0x600000, v27;
	v56 =	vshll.u32 v29, $0x1;
	v31 =	vmul.u32 $0x25795, v31  }
0xda: {  	v29 =	vand.u32 $0x7F, v29;
	v32 =	vand.u32 $0xFFF00, v56;
	v30 =	vadd.s32 v33, v30  }
0xdb: {  	v56 =	vor.u32 $0x700000, v26;
	v30 =	vadd.s32 v31, v30;
	v31 =	vcvt.f32.s32 v59  }
0xdc: {  	v29 =	vor.u32 v32, v29;
	v53 =	vor.u32 $0x500000, v25;
	v33 =	vnsel vm14, $0x230, v58  }
0xdd: {  	vm14 =	vlt.s32 v18, $0x7FE;
	v33 =	vmul.u32 $0x25795, v33;
	vm15 =	vlt.s32 v31, $0x230  }
0xde: {  	v60 =	vshll.u32 v30, $0x1;
	v30 =	vand.u32 $0x7F, v30;
	v31 =	vnsel vm15, $0x230, v31  }
0xdf: {  	v32 =	vand.u32 $0xFFF00, v60;
	v31 =	vadd.s32 v31, v34;
	v34 =	vcvt.f32.s32 v38  }
0xe0: {  	v30 =	vor.u32 v32, v30;
	v31 =	vadd.s32 v33, v31;
	v33 =	vnsel vm4, $0x307, v36  }
0xe1: {  	v36 =	vtrunc.f32 v40;
	v37 =	vshll.u32 v31, $0x1;
	vm5 =	vlt.s32 v34, $0x307  }
0xe2: {  	v31 =	vand.u32 $0x7F, v31;
	v32 =	vand.u32 $0xFFF00, v37;
	v41 =	vnsel vm5, $0x307, v34  }
0xe3: {  	v36 =	vcvt.f32.s32 v36;
	v31 =	vor.u32 v32, v31;
	v32 =	vmul.u32 $0x779B1, v41  }
0xe4: {  	v18 =	vnsel vm14, $0x7FE, v18;
	v59 =	vor.u32 $0x800000, v28;
	v37 =	vmul.f32 $1.072000000e+03, v17  }
0xe5: {  	vm7 =	vlt.s32 v36, $0x42F;
	v32 =	vadd.s32 v33, v32;
	v33 =	vcvt.f32.s32 v44  }
0xe6: {  	v34 =	vnsel vm6, $0x307, v42;
	v45 =	vtrunc.f32 v37;
	v36 =	vnsel vm7, $0x42F, v36  }
0xe7: {  	v35 =	vcvt.f32.s32 v45;
	v36 =	vmul.u32 $0x779B1, v36;
	vm8 =	vlt.s32 v33, $0x42F  }
0xe8: {  	v17 =	vmul.f32 $2.047000000e+03, v17;
	v34 =	vmul.u32 $0x25795, v34;
	v33 =	vnsel vm8, $0x42F, v33  }
0xe9: {  	s30 =	sshrl.u32 s28, $0x2;
	vm9 =	vlt.s32 v35, $0x42F;
	v33 =	vadd.s32 v33, v36;
	v36 =	vcvt.f32.s32 v48  }
0xea: {  	s14 =	sand.u32 $0x70, s23;
	s0 =	sand.u32 $0x380, s30;
	v32 =	vadd.s32 v34, v32;
	v34 =	vtrunc.f32 v47;
	v35 =	vnsel vm9, $0x42F, v35  }
0xeb: {  	s0 =	sor.u32 s14, s0;
	v34 =	vcvt.f32.s32 v34;
	v35 =	vmul.u32 $0x25795, v35;
	vm10 =	vlt.s32 v36, $0x5C9  }
0xec: {  	[tilespmem:s0+$0xC00] =	vst v20;
	v18 =	vadd.s32 v18, v19;
	v17 =	vtrunc.f32 v17;
	v50 =	vnsel vm10, $0x5C9, v36  }
0xed: {  	[tilespmem:s0+$0x1000] =	vst v21;
	vm11 =	vlt.s32 v34, $0x5C9;
	v33 =	vadd.s32 v35, v33;
	v35 =	vmul.u32 $0x779B1, v50  }
0xee: {  	[tilespmem:s0+$0x1400] =	vst v22;
	v19 =	vor.u32 $0x900000, v29;
	v17 =	vcvt.f32.s32 v17;
	v34 =	vnsel vm11, $0x5C9, v34  }
0xef: {  	[tilespmem:s0+$0x3000] =	vst v19;
	v19 =	vor.u32 $0xA00000, v30;
	v34 =	vadd.s32 v34, v35;
	v35 =	vtrunc.f32 v52  }
0xf0: {  	[tilespmem:s0+$0x1800] =	vst v24;
	v49 =	vshll.u32 v32, $0x1;
	vm15 =	vlt.s32 v17, $0x7FE;
	v54 =	vcvt.f32.s32 v35  }
0xf1: {  	[tilespmem:s0+$0x1C00] =	vst v23;
	v32 =	vand.u32 $0x7F, v32;
	v37 =	vand.u32 $0xFFF00, v49;
	v17 =	vnsel vm15, $0x7FE, v17  }
0xf2: {  	[tilespmem:s0+$0x2400] =	vst v55;
	v32 =	vor.u32 v37, v32;
	v17 =	vmul.u32 $0x25795, v17;
	vm12 =	vlt.s32 v54, $0x5C9  }
0xf3: {  	[tilespmem:s0+$0x2800] =	vst v56;
	v60 =	vor.u32 $0xB00000, v31;
	v61 =	vor.u32 $0xC00000, v32;
	v57 =	vnsel vm12, $0x5C9, v54  }
0xf4: {  	[tilespmem:s0+$0x2000] =	vst v53;
	v17 =	vadd.s32 v17, v18;
	v51 =	vshll.u32 v33, $0x1;
	v58 =	vmul.u32 $0x25795, v57  }
0xf5: {  	[tilespmem:s0+$0x2C00] =	vst v59;
	v33 =	vand.u32 $0x7F, v33;
	v62 =	vshll.u32 v17, $0x1;
	v17 =	vand.u32 $0x7F, v17  }
0xf6: {  	p0 =	sne.s32 s28, $0xFC0;
	[tilespmem:s0+$0x3400] =	vst v19;
	v36 =	vand.u32 $0xFFF00, v51;
	v63 =	vand.u32 $0xFFF00, v62;
	v20 =	vadd.s32 v58, v34  }
.Ltmp0:
0xf7: {  	[tilespmem:s0+$0x3800] =	vst v60;
	v33 =	vor.u32 v36, v33;
	v17 =	vor.u32 v63, v17;
	v18 =	vshll.u32 v20, $0x1;
	(pc) =	sbr.rel @p0 .LBB2_3-.Ltmp0, $4  }
0xf8: {  	[tilespmem:s0+$0x3C00] =	vst v61;
	v19 =	vor.u32 $0xD00000, v33;
	v20 =	vand.u32 $0x7F, v20;
	v18 =	vand.u32 $0xFFF00, v18  }
0xf9: {  	v17 =	vor.u32 $0xF00000, v17;
	[tilespmem:s0+$0x4000] =	vst v19;
	v18 =	vor.u32 v18, v20  }
0xfa: {  	[tilespmem:s0+$0x4800] =	vst v17;
	v18 =	vor.u32 $0xE00000, v18  }
0xfb: {  	s23 =	sadd.s32 $0x10, s23;
	s28 =	sadd.s32 $0x40, s28;
	[tilespmem:s0+$0x4400] =	vst v18  }
0xfc: {  	s0 =	simm.s32 $0x0  }
0xfd: {  	v17 =	vld [tilespmem:s0+$0xC00]  }
0xfe: {  	s14 =	simm.s32 $0x40  }
.LBB2_5:
0xff: {  	p0 =	sne.s32 s14, $0xFFC0  }
.Ltmp1:
0x100: {  	_ = 	snop;
	(pc) =	sbr.rel @p0 .LBB2_5-.Ltmp1, $4  }
0x101: {  	_ = 	snop  }
0x102: {  	s21 =	sshra.s32 s14, $0x2;
	s14 =	sadd.s32 $0x40, s14;
	v18 =	vshra.s32 v17, $0x3  }
0x103: {  	v17 =	vld [tilespmem:s21+$0xC00];
	[tilespmem:s0+$0x4C00] =	vst v18;
	v18 =	vadd.s32 $0x10, v18  }
0x104: {  	[tilespmem:s0+$0x8C00] =	vst v18;
	s0 =	smov.u32 s21  }
0x105: {  	_ =	sdelay $0x2  }
0x106: {  	v17 =	vshra.s32 v17, $0x3  }
0x107: {  	[tilespmem:s0+$0x4C00] =	vst v17;
	v17 =	vadd.s32 $0x10, v17  }
0x108: {  	s23 =	simm.s32 $0x4C00;
	[tilespmem:s0+$0x8C00] =	vst v17  }
0x109: {  	[tilespmem:s18], [sflag:$0x1] =	stream.indirect.gather [hbm4b:s1+s16], $0x8, s23, s16, $0xb8;
	[tilespmem:$0x1CC00] =	vst v63  }
0x10a: {  	s30 =	simm.s32 $0x8C00;
	s14 =	simm.s32 $0xEC00  }
0x10b: {  	[tilespmem:s14], [sflag:$0x1] =	stream.indirect.gather [hbm4b:s1+s16], $0x8, s30, s16, $0xb8;
	[tilespmem:$0x1CC00] =	vst v63  }
0x10c: {  	s17 =	simm.s32 $0x4C80;
	s21 =	simm.s32 $0xD000  }
0x10d: {  	[tilespmem:s21], [sflag:$0x1] =	stream.indirect.gather [hbm4b:s1+s16], $0x8, s17, s16, $0xb8;
	[tilespmem:$0x1CC00] =	vst v63  }
0x10e: {  	s23 =	simm.s32 $0x8C80;
	s30 =	simm.s32 $0xF000  }
0x10f: {  	[tilespmem:s30], [sflag:$0x1] =	stream.indirect.gather [hbm4b:s1+s16], $0x8, s23, s16, $0xb8;
	[tilespmem:$0x1CC00] =	vst v63  }
0x110: {  	s17 =	simm.s32 $0x4D00;
	s21 =	simm.s32 $0xD400  }
0x111: {  	[tilespmem:s21], [sflag:$0x1] =	stream.indirect.gather [hbm4b:s1+s16], $0x8, s17, s16, $0xb8;
	[tilespmem:$0x1CC00] =	vst v63  }
0x112: {  	s23 =	simm.s32 $0x8D00;
	s30 =	simm.s32 $0xF400  }
0x113: {  	[tilespmem:s30], [sflag:$0x1] =	stream.indirect.gather [hbm4b:s1+s16], $0x8, s23, s16, $0xb8;
	[tilespmem:$0x1CC00] =	vst v63  }
0x114: {  	s17 =	simm.s32 $0x4D80;
	s21 =	simm.s32 $0xD800  }
0x115: {  	[tilespmem:s21], [sflag:$0x1] =	stream.indirect.gather [hbm4b:s1+s16], $0x8, s17, s16, $0xb8;
	[tilespmem:$0x1CC00] =	vst v63  }
0x116: {  	s23 =	simm.s32 $0x8D80;
	s30 =	simm.s32 $0xF800  }
0x117: {  	[tilespmem:s30], [sflag:$0x1] =	stream.indirect.gather [hbm4b:s1+s16], $0x8, s23, s16, $0xb8;
	[tilespmem:$0x1CC00] =	vst v63  }
0x118: {  	s17 =	simm.s32 $0x4E00;
	s21 =	simm.s32 $0xDC00  }
0x119: {  	[tilespmem:s21], [sflag:$0x1] =	stream.indirect.gather [hbm4b:s1+s16], $0x8, s17, s16, $0xb8;
	[tilespmem:$0x1CC00] =	vst v63  }
0x11a: {  	s23 =	simm.s32 $0x8E00;
	s30 =	simm.s32 $0xFC00  }
0x11b: {  	[tilespmem:s30], [sflag:$0x1] =	stream.indirect.gather [hbm4b:s1+s16], $0x8, s23, s16, $0xb8;
	[tilespmem:$0x1CC00] =	vst v63  }
0x11c: {  	s17 =	simm.s32 $0x4E80;
	s21 =	simm.s32 $0xE000  }
0x11d: {  	[tilespmem:s21], [sflag:$0x1] =	stream.indirect.gather [hbm4b:s1+s16], $0x8, s17, s16, $0xb8;
	[tilespmem:$0x1CC00] =	vst v63  }
0x11e: {  	s23 =	simm.s32 $0x8E80;
	s30 =	simm.s32 $0x10000  }
0x11f: {  	[tilespmem:s30], [sflag:$0x1] =	stream.indirect.gather [hbm4b:s1+s16], $0x8, s23, s16, $0xb8;
	[tilespmem:$0x1CC00] =	vst v63  }
0x120: {  	s17 =	simm.s32 $0x4F00;
	s21 =	simm.s32 $0xE400  }
0x121: {  	[tilespmem:s21], [sflag:$0x1] =	stream.indirect.gather [hbm4b:s1+s16], $0x8, s17, s16, $0xb8;
	[tilespmem:$0x1CC00] =	vst v63  }
0x122: {  	s23 =	simm.s32 $0x8F00;
	s30 =	simm.s32 $0x10400  }
0x123: {  	[tilespmem:s30], [sflag:$0x1] =	stream.indirect.gather [hbm4b:s1+s16], $0x8, s23, s16, $0xb8;
	[tilespmem:$0x1CC00] =	vst v63  }
0x124: {  	s17 =	simm.s32 $0x4F80;
	s21 =	simm.s32 $0xE800  }
0x125: {  	[tilespmem:s21], [sflag:$0x1] =	stream.indirect.gather [hbm4b:s1+s16], $0x8, s17, s16, $0xb8;
	[tilespmem:$0x1CC00] =	vst v63  }
0x126: {  	s23 =	simm.s32 $0x8F80;
	s30 =	simm.s32 $0x10800  }
0x127: {  	[tilespmem:s30], [sflag:$0x1] =	stream.indirect.gather [hbm4b:s1+s16], $0x8, s23, s16, $0xb8;
	[tilespmem:$0x1CC00] =	vst v63  }
0x128: {  	s17 =	simm.s32 $0x5000;
	s21 =	simm.s32 $0x10C00  }
0x129: {  	[tilespmem:s21], [sflag:$0x2] =	stream.indirect.gather [hbm4b:s1+s16], $0x8, s17, s16, $0xb8;
	[tilespmem:$0x1CC00] =	vst v63  }
0x12a: {  	s23 =	simm.s32 $0x9000;
	s30 =	simm.s32 $0x12C00  }
0x12b: {  	[tilespmem:s30], [sflag:$0x2] =	stream.indirect.gather [hbm4b:s1+s16], $0x8, s23, s16, $0xb8;
	[tilespmem:$0x1CC00] =	vst v63  }
0x12c: {  	s14 =	simm.s32 $0x5080  }
0x12d: {  	[tilespmem:s12], [sflag:$0x2] =	stream.indirect.gather [hbm4b:s1+s16], $0x8, s14, s16, $0xb8;
	[tilespmem:$0x1CC00] =	vst v63  }
0x12e: {  	s17 =	simm.s32 $0x9080  }
0x12f: {  	[tilespmem:s25], [sflag:$0x2] =	stream.indirect.gather [hbm4b:s1+s16], $0x8, s17, s16, $0xb8;
	[tilespmem:$0x1CC00] =	vst v63  }
0x130: {  	s21 =	simm.s32 $0x5100  }
0x131: {  	[tilespmem:s5], [sflag:$0x2] =	stream.indirect.gather [hbm4b:s1+s16], $0x8, s21, s16, $0xb8;
	[tilespmem:$0x1CC00] =	vst v63  }
0x132: {  	s23 =	simm.s32 $0x9100  }
0x133: {  	[tilespmem:s6], [sflag:$0x2] =	stream.indirect.gather [hbm4b:s1+s16], $0x8, s23, s16, $0xb8;
	[tilespmem:$0x1CC00] =	vst v63  }
0x134: {  	s30 =	simm.s32 $0x5180  }
0x135: {  	[tilespmem:s7], [sflag:$0x2] =	stream.indirect.gather [hbm4b:s1+s16], $0x8, s30, s16, $0xb8;
	[tilespmem:$0x1CC00] =	vst v63  }
0x136: {  	s14 =	simm.s32 $0x9180  }
0x137: {  	[tilespmem:s8], [sflag:$0x2] =	stream.indirect.gather [hbm4b:s1+s16], $0x8, s14, s16, $0xb8;
	[tilespmem:$0x1CC00] =	vst v63  }
0x138: {  	s17 =	simm.s32 $0x5200  }
0x139: {  	[tilespmem:s9], [sflag:$0x2] =	stream.indirect.gather [hbm4b:s1+s16], $0x8, s17, s16, $0xb8;
	[tilespmem:$0x1CC00] =	vst v63  }
0x13a: {  	s21 =	simm.s32 $0x9200  }
0x13b: {  	[tilespmem:s10], [sflag:$0x2] =	stream.indirect.gather [hbm4b:s1+s16], $0x8, s21, s16, $0xb8;
	[tilespmem:$0x1CC00] =	vst v63  }
0x13c: {  	s23 =	simm.s32 $0x5280  }
0x13d: {  	[tilespmem:s11], [sflag:$0x2] =	stream.indirect.gather [hbm4b:s1+s16], $0x8, s23, s16, $0xb8;
	[tilespmem:$0x1CC00] =	vst v63  }
0x13e: {  	s30 =	simm.s32 $0x9280  }
0x13f: {  	[tilespmem:s3], [sflag:$0x2] =	stream.indirect.gather [hbm4b:s1+s16], $0x8, s30, s16, $0xb8;
	[tilespmem:$0x1CC00] =	vst v63  }
0x140: {  	s14 =	simm.s32 $0x5300  }
0x141: {  	[tilespmem:s20], [sflag:$0x2] =	stream.indirect.gather [hbm4b:s1+s16], $0x8, s14, s16, $0xb8;
	[tilespmem:$0x1CC00] =	vst v63  }
0x142: {  	s17 =	simm.s32 $0x9300  }
0x143: {  	[tilespmem:s22], [sflag:$0x2] =	stream.indirect.gather [hbm4b:s1+s16], $0x8, s17, s16, $0xb8;
	[tilespmem:$0x1CC00] =	vst v63  }
0x144: {  	s21 =	simm.s32 $0x5380  }
0x145: {  	[tilespmem:s24], [sflag:$0x2] =	stream.indirect.gather [hbm4b:s1+s16], $0x8, s21, s16, $0xb8;
	[tilespmem:$0x1CC00] =	vst v63  }
0x146: {  	s23 =	simm.s32 $0x9380  }
0x147: {  	[tilespmem:s26], [sflag:$0x2] =	stream.indirect.gather [hbm4b:s1+s16], $0x8, s23, s16, $0xb8;
	[tilespmem:$0x1CC00] =	vst v63  }
0x148: {  	_ =	swait.ge [sflag:s29], $0x400  }
0x149: {  	[sflag:s29] =	ssyncset.done $0x0  }
0x14a: {  	[sflag:s29] =	ssyncadd.s32 $0xFFFFFC00  }
0x14b: {  	_ =	swait.ge [sflag:s29], $0x400  }
0x14c: {  	[sflag:s29] =	ssyncset.done $0x0  }
0x14d: {  	[sflag:s29] =	ssyncadd.s32 $0xFFFFFC00  }
0x14e: {  	_ =	swait.ge [sflag:s29], $0x400  }
0x14f: {  	[sflag:s29] =	ssyncset.done $0x0  }
0x150: {  	[sflag:s29] =	ssyncadd.s32 $0xFFFFFC00  }
0x151: {  	_ =	swait.ge [sflag:s29], $0x400  }
0x152: {  	[sflag:s29] =	ssyncset.done $0x0  }
0x153: {  	[sflag:s29] =	ssyncadd.s32 $0xFFFFFC00  }
0x154: {  	_ =	swait.ge [sflag:s29], $0x400  }
0x155: {  	[sflag:s29] =	ssyncset.done $0x0  }
0x156: {  	[sflag:s29] =	ssyncadd.s32 $0xFFFFFC00  }
0x157: {  	_ =	swait.ge [sflag:s29], $0x400  }
0x158: {  	[sflag:s29] =	ssyncset.done $0x0  }
0x159: {  	[sflag:s29] =	ssyncadd.s32 $0xFFFFFC00  }
0x15a: {  	_ =	swait.ge [sflag:s29], $0x400  }
0x15b: {  	[sflag:s29] =	ssyncset.done $0x0  }
0x15c: {  	[sflag:s29] =	ssyncadd.s32 $0xFFFFFC00  }
0x15d: {  	_ =	swait.ge [sflag:s29], $0x400  }
0x15e: {  	[sflag:s29] =	ssyncset.done $0x0  }
0x15f: {  	[sflag:s29] =	ssyncadd.s32 $0xFFFFFC00  }
0x160: {  	_ =	swait.ge [sflag:s29], $0x400  }
0x161: {  	[sflag:s29] =	ssyncset.done $0x0  }
0x162: {  	[sflag:s29] =	ssyncadd.s32 $0xFFFFFC00  }
0x163: {  	_ =	swait.ge [sflag:s29], $0x400  }
0x164: {  	[sflag:s29] =	ssyncset.done $0x0  }
0x165: {  	[sflag:s29] =	ssyncadd.s32 $0xFFFFFC00  }
0x166: {  	_ =	swait.ge [sflag:s29], $0x400  }
0x167: {  	[sflag:s29] =	ssyncset.done $0x0  }
0x168: {  	[sflag:s29] =	ssyncadd.s32 $0xFFFFFC00  }
0x169: {  	_ =	swait.ge [sflag:s29], $0x400  }
0x16a: {  	[sflag:s29] =	ssyncset.done $0x0  }
0x16b: {  	[sflag:s29] =	ssyncadd.s32 $0xFFFFFC00  }
0x16c: {  	_ =	swait.ge [sflag:s29], $0x400  }
0x16d: {  	[sflag:s29] =	ssyncset.done $0x0  }
0x16e: {  	[sflag:s29] =	ssyncadd.s32 $0xFFFFFC00  }
0x16f: {  	s30 =	simm.s32 $0x0;
	_ =	swait.ge [sflag:s29], $0x400  }
0x170: {  	v19 =	vmov s30;
	s23 =	simm.s32 $0x0;
	[sflag:s29] =	ssyncset.done $0x0  }
0x171: {  	v17 =	vshll.u32 v19, $0x7;
	s28 =	sand.u32 $0x78, s23;
	[sflag:s29] =	ssyncadd.s32 $0xFFFFFC00  }
0x172: {  	v18 =	vor.u32 s28, v17;
	v17 =	vshrl.u32 v0, $0x1;
	_ =	swait.ge [sflag:s29], $0x400  }
0x173: {  	v18 =	vor.u32 v17, v18;
	[sflag:s29] =	ssyncset.done $0x0  }
0x174: {  	[sflag:s29] =	ssyncadd.s32 $0xFFFFFC00  }
0x175: {  	_ =	swait.ge [sflag:s29], $0x400  }
0x176: {  	[sflag:s29] =	ssyncset.done $0x0  }
0x177: {  	[sflag:s29] =	ssyncadd.s32 $0xFFFFFC00  }
0x178: {  	v21 =	vld.idx.msk [tilespmem:v18+s31+$0x0], $0xffff;
	_ =	sdelay $0x1  }
0x179: {  	v20 =	vmov s28;
	v18 =	vmul.u32 $0x8, v17  }
0x17a: {  	v22 =	vshll.u32 v20, $0x3  }
0x17b: {  	v20 =	vshll.u32 v19, $0xA;
	v19 =	vor.u32 v18, v22;
	v22 =	vand.u32 $0x1, v0  }
0x17c: {  	v23 =	vor.u32 v19, v20;
	v19 =	vmul.u32 $0x2000, v22;
	v21 =	vand.u32 $0x7, v21  }
0x17d: {  	v21 =	vor.u32 v21, v23  }
0x17e: {  	v21 =	vor.u32 v19, v21;
	_ =	sdelay $0x2  }
0x17f: {  	s0 =	simm.s32 $0x2;
	s14 =	simm.s32 $0x0  }
.LBB2_7:
0x180: {  	p0 =	sne.s32 s0, $0x7F;
	v22 =	vmov s14;
	s23 =	sadd.s32 $0x8, s23  }
0x181: {  	v20 =	vor.u32 s28, v20;
	v23 =	vshll.u32 v22, $0x7;
	v21 =	vld.idx.msk [tilespmem:v21+s18+$0x0], $0xffff;
	s28 =	sand.u32 $0x78, s23  }
0x182: {  	v20 =	vor.u32 v1, v20;
	v23 =	vor.u32 s28, v23  }
0x183: {  	v23 =	vor.u32 v17, v23;
	_ =	sdelay $0x3  }
0x184: {  	[tilespmem:v20+s4+$0x0] =	vst.idx.msk $0xffff, v21  }
0x185: {  	v21 =	vld.idx.msk [tilespmem:v23+s31+$0x0], $0xffff;
	_ =	sdelay $0x2  }
0x186: {  	v20 =	vmov s28  }
0x187: {  	v23 =	vshll.u32 v20, $0x3  }
0x188: {  	v20 =	vshll.u32 v22, $0xA;
	v22 =	vor.u32 v18, v23  }
0x189: {  	v22 =	vor.u32 v22, v20;
	v21 =	vand.u32 $0x7, v21  }
.Ltmp2:
0x18a: {  	v21 =	vor.u32 v21, v22;
	(pc) =	sbr.rel @p0 .LBB2_7-.Ltmp2, $2  }
0x18b: {  	v21 =	vor.u32 v19, v21;
	_ =	sdelay $0x2  }
0x18c: {  	s14 =	sshrl.u32 s0, $0x4;
	s0 =	sadd.s32 $0x1, s0  }
0x18d: {  	_ =	sdelay $0x1  }
0x18e: {  	v22 =	vmov s14;
	s0 =	sadd.s32 $0x8, s23  }
0x18f: {  	v20 =	vor.u32 s28, v20;
	s0 =	sand.u32 $0x78, s0;
	v23 =	vshll.u32 v22, $0x7  }
0x190: {  	v21 =	vld.idx.msk [tilespmem:v21+s18+$0x0], $0xffff;
	v20 =	vor.u32 v1, v20;
	v23 =	vor.u32 s0, v23  }
0x191: {  	v23 =	vor.u32 v17, v23;
	_ =	sdelay $0x3  }
0x192: {  	[tilespmem:v20+s4+$0x0] =	vst.idx.msk $0xffff, v21  }
0x193: {  	v20 =	vld.idx.msk [tilespmem:v23+s31+$0x0], $0xffff;
	_ =	sdelay $0x1  }
0x194: {  	v21 =	vmov s0  }
0x195: {  	v21 =	vshll.u32 v21, $0x3  }
0x196: {  	v22 =	vshll.u32 v22, $0xA;
	v21 =	vor.u32 v18, v21  }
0x197: {  	v21 =	vor.u32 v21, v22;
	v20 =	vand.u32 $0x7, v20  }
0x198: {  	v20 =	vor.u32 v20, v21  }
0x199: {  	v20 =	vor.u32 v19, v20;
	_ =	sdelay $0x3  }
0x19a: {  	v21 =	vor.u32 s0, v22  }
0x19b: {  	v21 =	vor.u32 v1, v21;
	v20 =	vld.idx.msk [tilespmem:v20+s18+$0x0], $0xffff;
	_ =	sdelay $0x4  }
0x19c: {  	s14 =	simm.s32 $0x5400;
	[tilespmem:v21+s4+$0x0] =	vst.idx.msk $0xffff, v20  }
0x19d: {  	[tilespmem:s18], [sflag:$0x1] =	stream.indirect.gather [hbm4b:s1+s16], $0x8, s14, s16, $0xb8;
	[tilespmem:$0x1CC00] =	vst v63  }
0x19e: {  	s17 =	simm.s32 $0xEC00;
	s21 =	simm.s32 $0x9400  }
0x19f: {  	[tilespmem:s17], [sflag:$0x1] =	stream.indirect.gather [hbm4b:s1+s16], $0x8, s21, s16, $0xb8;
	[tilespmem:$0x1CC00] =	vst v63  }
0x1a0: {  	s23 =	simm.s32 $0xD000;
	s30 =	simm.s32 $0x5480  }
0x1a1: {  	[tilespmem:s23], [sflag:$0x1] =	stream.indirect.gather [hbm4b:s1+s16], $0x8, s30, s16, $0xb8;
	[tilespmem:$0x1CC00] =	vst v63  }
0x1a2: {  	s17 =	simm.s32 $0xF000;
	s21 =	simm.s32 $0x9480  }
0x1a3: {  	[tilespmem:s17], [sflag:$0x1] =	stream.indirect.gather [hbm4b:s1+s16], $0x8, s21, s16, $0xb8;
	[tilespmem:$0x1CC00] =	vst v63  }
0x1a4: {  	s23 =	simm.s32 $0xD400;
	s30 =	simm.s32 $0x5500  }
0x1a5: {  	[tilespmem:s23], [sflag:$0x1] =	stream.indirect.gather [hbm4b:s1+s16], $0x8, s30, s16, $0xb8;
	[tilespmem:$0x1CC00] =	vst v63  }
0x1a6: {  	s17 =	simm.s32 $0xF400;
	s21 =	simm.s32 $0x9500  }
0x1a7: {  	[tilespmem:s17], [sflag:$0x1] =	stream.indirect.gather [hbm4b:s1+s16], $0x8, s21, s16, $0xb8;
	[tilespmem:$0x1CC00] =	vst v63  }
0x1a8: {  	s23 =	simm.s32 $0xD800;
	s30 =	simm.s32 $0x5580  }
0x1a9: {  	[tilespmem:s23], [sflag:$0x1] =	stream.indirect.gather [hbm4b:s1+s16], $0x8, s30, s16, $0xb8;
	[tilespmem:$0x1CC00] =	vst v63  }
0x1aa: {  	s17 =	simm.s32 $0xF800;
	s21 =	simm.s32 $0x9580  }
0x1ab: {  	[tilespmem:s17], [sflag:$0x1] =	stream.indirect.gather [hbm4b:s1+s16], $0x8, s21, s16, $0xb8;
	[tilespmem:$0x1CC00] =	vst v63  }
0x1ac: {  	s23 =	simm.s32 $0xDC00;
	s30 =	simm.s32 $0x5600  }
0x1ad: {  	[tilespmem:s23], [sflag:$0x1] =	stream.indirect.gather [hbm4b:s1+s16], $0x8, s30, s16, $0xb8;
	[tilespmem:$0x1CC00] =	vst v63  }
0x1ae: {  	s17 =	simm.s32 $0xFC00;
	s21 =	simm.s32 $0x9600  }
0x1af: {  	[tilespmem:s17], [sflag:$0x1] =	stream.indirect.gather [hbm4b:s1+s16], $0x8, s21, s16, $0xb8;
	[tilespmem:$0x1CC00] =	vst v63  }
0x1b0: {  	s23 =	simm.s32 $0xE000;
	s30 =	simm.s32 $0x5680  }
0x1b1: {  	[tilespmem:s23], [sflag:$0x1] =	stream.indirect.gather [hbm4b:s1+s16], $0x8, s30, s16, $0xb8;
	[tilespmem:$0x1CC00] =	vst v63  }
0x1b2: {  	s17 =	simm.s32 $0x10000;
	s21 =	simm.s32 $0x9680  }
0x1b3: {  	[tilespmem:s17], [sflag:$0x1] =	stream.indirect.gather [hbm4b:s1+s16], $0x8, s21, s16, $0xb8;
	[tilespmem:$0x1CC00] =	vst v63  }
0x1b4: {  	s23 =	simm.s32 $0xE400;
	s30 =	simm.s32 $0x5700  }
0x1b5: {  	[tilespmem:s23], [sflag:$0x1] =	stream.indirect.gather [hbm4b:s1+s16], $0x8, s30, s16, $0xb8;
	[tilespmem:$0x1CC00] =	vst v63  }
0x1b6: {  	s17 =	simm.s32 $0x10400;
	s21 =	simm.s32 $0x9700  }
0x1b7: {  	[tilespmem:s17], [sflag:$0x1] =	stream.indirect.gather [hbm4b:s1+s16], $0x8, s21, s16, $0xb8;
	[tilespmem:$0x1CC00] =	vst v63  }
0x1b8: {  	s23 =	simm.s32 $0xE800;
	s30 =	simm.s32 $0x5780  }
0x1b9: {  	[tilespmem:s23], [sflag:$0x1] =	stream.indirect.gather [hbm4b:s1+s16], $0x8, s30, s16, $0xb8;
	[tilespmem:$0x1CC00] =	vst v63  }
0x1ba: {  	s17 =	simm.s32 $0x10800;
	s21 =	simm.s32 $0x9780  }
0x1bb: {  	[tilespmem:s17], [sflag:$0x1] =	stream.indirect.gather [hbm4b:s1+s16], $0x8, s21, s16, $0xb8;
	[tilespmem:$0x1CC00] =	vst v63  }
0x1bc: {  	_ =	swait.ge [sflag:s2], $0x400  }
0x1bd: {  	[sflag:s2] =	ssyncset.done $0x0  }
0x1be: {  	[sflag:s2] =	ssyncadd.s32 $0xFFFFFC00  }
0x1bf: {  	_ =	swait.ge [sflag:s2], $0x400  }
0x1c0: {  	[sflag:s2] =	ssyncset.done $0x0  }
0x1c1: {  	[sflag:s2] =	ssyncadd.s32 $0xFFFFFC00  }
0x1c2: {  	_ =	swait.ge [sflag:s2], $0x400  }
0x1c3: {  	[sflag:s2] =	ssyncset.done $0x0  }
0x1c4: {  	[sflag:s2] =	ssyncadd.s32 $0xFFFFFC00  }
0x1c5: {  	_ =	swait.ge [sflag:s2], $0x400  }
0x1c6: {  	[sflag:s2] =	ssyncset.done $0x0  }
0x1c7: {  	[sflag:s2] =	ssyncadd.s32 $0xFFFFFC00  }
0x1c8: {  	_ =	swait.ge [sflag:s2], $0x400  }
0x1c9: {  	[sflag:s2] =	ssyncset.done $0x0  }
0x1ca: {  	[sflag:s2] =	ssyncadd.s32 $0xFFFFFC00  }
0x1cb: {  	_ =	swait.ge [sflag:s2], $0x400  }
0x1cc: {  	[sflag:s2] =	ssyncset.done $0x0  }
0x1cd: {  	[sflag:s2] =	ssyncadd.s32 $0xFFFFFC00  }
0x1ce: {  	_ =	swait.ge [sflag:s2], $0x400  }
0x1cf: {  	[sflag:s2] =	ssyncset.done $0x0  }
0x1d0: {  	[sflag:s2] =	ssyncadd.s32 $0xFFFFFC00  }
0x1d1: {  	_ =	swait.ge [sflag:s2], $0x400  }
0x1d2: {  	[sflag:s2] =	ssyncset.done $0x0  }
0x1d3: {  	[sflag:s2] =	ssyncadd.s32 $0xFFFFFC00  }
0x1d4: {  	_ =	swait.ge [sflag:s2], $0x400  }
0x1d5: {  	[sflag:s2] =	ssyncset.done $0x0  }
0x1d6: {  	[sflag:s2] =	ssyncadd.s32 $0xFFFFFC00  }
0x1d7: {  	_ =	swait.ge [sflag:s2], $0x400  }
0x1d8: {  	[sflag:s2] =	ssyncset.done $0x0  }
0x1d9: {  	[sflag:s2] =	ssyncadd.s32 $0xFFFFFC00  }
0x1da: {  	_ =	swait.ge [sflag:s2], $0x400  }
0x1db: {  	[sflag:s2] =	ssyncset.done $0x0  }
0x1dc: {  	[sflag:s2] =	ssyncadd.s32 $0xFFFFFC00  }
0x1dd: {  	_ =	swait.ge [sflag:s2], $0x400  }
0x1de: {  	[sflag:s2] =	ssyncset.done $0x0  }
0x1df: {  	[sflag:s2] =	ssyncadd.s32 $0xFFFFFC00  }
0x1e0: {  	_ =	swait.ge [sflag:s2], $0x400  }
0x1e1: {  	[sflag:s2] =	ssyncset.done $0x0  }
0x1e2: {  	[sflag:s2] =	ssyncadd.s32 $0xFFFFFC00  }
0x1e3: {  	s23 =	simm.s32 $0x0;
	_ =	swait.ge [sflag:s2], $0x400  }
0x1e4: {  	s30 =	simm.s32 $0x0;
	s23 =	sand.u32 $0x78, s23;
	[sflag:s2] =	ssyncset.done $0x0  }
0x1e5: {  	s0 =	sor.u32 s23, s30;
	[sflag:s2] =	ssyncadd.s32 $0xFFFFFC00  }
0x1e6: {  	s0 =	sor.u32 $0x400, s0;
	_ =	swait.ge [sflag:s2], $0x400  }
0x1e7: {  	v20 =	vor.u32 s0, v17;
	[sflag:s2] =	ssyncset.done $0x0  }
0x1e8: {  	[sflag:s2] =	ssyncadd.s32 $0xFFFFFC00  }
0x1e9: {  	_ =	swait.ge [sflag:s2], $0x400  }
0x1ea: {  	[sflag:s2] =	ssyncset.done $0x0  }
0x1eb: {  	[sflag:s2] =	ssyncadd.s32 $0xFFFFFC00  }
0x1ec: {  	v20 =	vld.idx.msk [tilespmem:v20+s31+$0x0], $0xffff;
	_ =	sdelay $0x1  }
0x1ed: {  	v21 =	vmov s23  }
0x1ee: {  	v21 =	vshll.u32 v21, $0x3  }
0x1ef: {  	s21 =	simm.s32 $0x0;
	v21 =	vor.u32 v18, v21  }
0x1f0: {  	v21 =	vor.u32 s21, v21;
	v22 =	vand.u32 $0x7, v20  }
0x1f1: {  	v20 =	vor.u32 $0x4000, v19;
	v21 =	vor.u32 v22, v21  }
0x1f2: {  	v21 =	vor.u32 v20, v21;
	_ =	sdelay $0x2  }
0x1f3: {  	s28 =	simm.s32 $0x0;
	s14 =	simm.s32 $0x2;
	s0 =	simm.s32 $0x8  }
.LBB2_9:
0x1f4: {  	p0 =	sne.s32 s14, $0x7F;
	s30 =	sand.u32 $0x78, s0;
	s17 =	sshll.u32 s28, $0x7;
	v22 =	vmov s21  }
0x1f5: {  	s17 =	sor.u32 s30, s17;
	v21 =	vld.idx.msk [tilespmem:v21+s18+$0x0], $0xffff;
	v22 =	vor.u32 s23, v22;
	s23 =	smov.u32 s30  }
0x1f6: {  	s17 =	sor.u32 $0x400, s17;
	v22 =	vor.u32 v2, v22  }
0x1f7: {  	v23 =	vor.u32 s17, v17;
	_ =	sdelay $0x3  }
0x1f8: {  	[tilespmem:v22+s4+$0x0] =	vst.idx.msk $0xffff, v21  }
0x1f9: {  	v21 =	vld.idx.msk [tilespmem:v23+s31+$0x0], $0xffff;
	_ =	sdelay $0x2  }
0x1fa: {  	v22 =	vmov s23  }
0x1fb: {  	v22 =	vshll.u32 v22, $0x3  }
0x1fc: {  	s21 =	sshll.u32 s28, $0xA;
	v22 =	vor.u32 v18, v22  }
0x1fd: {  	v22 =	vor.u32 s21, v22;
	v21 =	vand.u32 $0x7, v21  }
.Ltmp3:
0x1fe: {  	v21 =	vor.u32 v21, v22;
	(pc) =	sbr.rel @p0 .LBB2_9-.Ltmp3, $2  }
0x1ff: {  	v21 =	vor.u32 v20, v21;
	_ =	sdelay $0x2  }
0x200: {  	s28 =	sshrl.u32 s14, $0x4;
	s14 =	sadd.s32 $0x1, s14;
	s0 =	sadd.s32 $0x8, s0  }
0x201: {  	_ =	sdelay $0x1  }
0x202: {  	s0 =	sand.u32 $0x78, s0;
	s14 =	sshll.u32 s28, $0x7;
	v22 =	vmov s21  }
0x203: {  	s14 =	sor.u32 s0, s14;
	v22 =	vor.u32 s23, v22  }
0x204: {  	v21 =	vld.idx.msk [tilespmem:v21+s18+$0x0], $0xffff;
	s14 =	sor.u32 $0x400, s14;
	v22 =	vor.u32 v2, v22  }
0x205: {  	v23 =	vor.u32 s14, v17;
	_ =	sdelay $0x3  }
0x206: {  	[tilespmem:v22+s4+$0x0] =	vst.idx.msk $0xffff, v21  }
0x207: {  	v21 =	vld.idx.msk [tilespmem:v23+s31+$0x0], $0xffff;
	_ =	sdelay $0x1  }
0x208: {  	v22 =	vmov s0  }
0x209: {  	v22 =	vshll.u32 v22, $0x3  }
0x20a: {  	s30 =	sshll.u32 s28, $0xA;
	v22 =	vor.u32 v18, v22  }
0x20b: {  	v22 =	vor.u32 s30, v22;
	v21 =	vand.u32 $0x7, v21  }
0x20c: {  	v21 =	vor.u32 v21, v22  }
0x20d: {  	v21 =	vor.u32 v20, v21;
	_ =	sdelay $0x2  }
0x20e: {  	v22 =	vmov s30  }
0x20f: {  	v22 =	vor.u32 s0, v22  }
0x210: {  	v22 =	vor.u32 v2, v22;
	v21 =	vld.idx.msk [tilespmem:v21+s18+$0x0], $0xffff;
	_ =	sdelay $0x4  }
0x211: {  	s17 =	simm.s32 $0x5800;
	s14 =	simm.s32 $0x10C00;
	[tilespmem:v22+s4+$0x0] =	vst.idx.msk $0xffff, v21  }
0x212: {  	[tilespmem:s14], [sflag:$0x2] =	stream.indirect.gather [hbm4b:s1+s16], $0x8, s17, s16, $0xb8;
	[tilespmem:$0x1CC00] =	vst v63  }
0x213: {  	s21 =	simm.s32 $0x12C00;
	s23 =	simm.s32 $0x9800  }
0x214: {  	[tilespmem:s21], [sflag:$0x2] =	stream.indirect.gather [hbm4b:s1+s16], $0x8, s23, s16, $0xb8;
	[tilespmem:$0x1CC00] =	vst v63  }
0x215: {  	s30 =	simm.s32 $0x5880  }
0x216: {  	[tilespmem:s12], [sflag:$0x2] =	stream.indirect.gather [hbm4b:s1+s16], $0x8, s30, s16, $0xb8;
	[tilespmem:$0x1CC00] =	vst v63  }
0x217: {  	s14 =	simm.s32 $0x9880  }
0x218: {  	[tilespmem:s25], [sflag:$0x2] =	stream.indirect.gather [hbm4b:s1+s16], $0x8, s14, s16, $0xb8;
	[tilespmem:$0x1CC00] =	vst v63  }
0x219: {  	s17 =	simm.s32 $0x5900  }
0x21a: {  	[tilespmem:s5], [sflag:$0x2] =	stream.indirect.gather [hbm4b:s1+s16], $0x8, s17, s16, $0xb8;
	[tilespmem:$0x1CC00] =	vst v63  }
0x21b: {  	s21 =	simm.s32 $0x9900  }
0x21c: {  	[tilespmem:s6], [sflag:$0x2] =	stream.indirect.gather [hbm4b:s1+s16], $0x8, s21, s16, $0xb8;
	[tilespmem:$0x1CC00] =	vst v63  }
0x21d: {  	s23 =	simm.s32 $0x5980  }
0x21e: {  	[tilespmem:s7], [sflag:$0x2] =	stream.indirect.gather [hbm4b:s1+s16], $0x8, s23, s16, $0xb8;
	[tilespmem:$0x1CC00] =	vst v63  }
0x21f: {  	s30 =	simm.s32 $0x9980  }
0x220: {  	[tilespmem:s8], [sflag:$0x2] =	stream.indirect.gather [hbm4b:s1+s16], $0x8, s30, s16, $0xb8;
	[tilespmem:$0x1CC00] =	vst v63  }
0x221: {  	s14 =	simm.s32 $0x5A00  }
0x222: {  	[tilespmem:s9], [sflag:$0x2] =	stream.indirect.gather [hbm4b:s1+s16], $0x8, s14, s16, $0xb8;
	[tilespmem:$0x1CC00] =	vst v63  }
0x223: {  	s17 =	simm.s32 $0x9A00  }
0x224: {  	[tilespmem:s10], [sflag:$0x2] =	stream.indirect.gather [hbm4b:s1+s16], $0x8, s17, s16, $0xb8;
	[tilespmem:$0x1CC00] =	vst v63  }
0x225: {  	s21 =	simm.s32 $0x5A80  }
0x226: {  	[tilespmem:s11], [sflag:$0x2] =	stream.indirect.gather [hbm4b:s1+s16], $0x8, s21, s16, $0xb8;
	[tilespmem:$0x1CC00] =	vst v63  }
0x227: {  	s23 =	simm.s32 $0x9A80  }
0x228: {  	[tilespmem:s3], [sflag:$0x2] =	stream.indirect.gather [hbm4b:s1+s16], $0x8, s23, s16, $0xb8;
	[tilespmem:$0x1CC00] =	vst v63  }
0x229: {  	s30 =	simm.s32 $0x5B00  }
0x22a: {  	[tilespmem:s20], [sflag:$0x2] =	stream.indirect.gather [hbm4b:s1+s16], $0x8, s30, s16, $0xb8;
	[tilespmem:$0x1CC00] =	vst v63  }
0x22b: {  	s14 =	simm.s32 $0x9B00  }
0x22c: {  	[tilespmem:s22], [sflag:$0x2] =	stream.indirect.gather [hbm4b:s1+s16], $0x8, s14, s16, $0xb8;
	[tilespmem:$0x1CC00] =	vst v63  }
0x22d: {  	s17 =	simm.s32 $0x5B80  }
0x22e: {  	[tilespmem:s24], [sflag:$0x2] =	stream.indirect.gather [hbm4b:s1+s16], $0x8, s17, s16, $0xb8;
	[tilespmem:$0x1CC00] =	vst v63  }
0x22f: {  	s21 =	simm.s32 $0x9B80  }
0x230: {  	[tilespmem:s26], [sflag:$0x2] =	stream.indirect.gather [hbm4b:s1+s16], $0x8, s21, s16, $0xb8;
	[tilespmem:$0x1CC00] =	vst v63  }
0x231: {  	_ =	swait.ge [sflag:s29], $0x400  }
0x232: {  	[sflag:s29] =	ssyncset.done $0x0  }
0x233: {  	[sflag:s29] =	ssyncadd.s32 $0xFFFFFC00  }
0x234: {  	_ =	swait.ge [sflag:s29], $0x400  }
0x235: {  	[sflag:s29] =	ssyncset.done $0x0  }
0x236: {  	[sflag:s29] =	ssyncadd.s32 $0xFFFFFC00  }
0x237: {  	_ =	swait.ge [sflag:s29], $0x400  }
0x238: {  	[sflag:s29] =	ssyncset.done $0x0  }
0x239: {  	[sflag:s29] =	ssyncadd.s32 $0xFFFFFC00  }
0x23a: {  	_ =	swait.ge [sflag:s29], $0x400  }
0x23b: {  	[sflag:s29] =	ssyncset.done $0x0  }
0x23c: {  	[sflag:s29] =	ssyncadd.s32 $0xFFFFFC00  }
0x23d: {  	_ =	swait.ge [sflag:s29], $0x400  }
0x23e: {  	[sflag:s29] =	ssyncset.done $0x0  }
0x23f: {  	[sflag:s29] =	ssyncadd.s32 $0xFFFFFC00  }
0x240: {  	_ =	swait.ge [sflag:s29], $0x400  }
0x241: {  	[sflag:s29] =	ssyncset.done $0x0  }
0x242: {  	[sflag:s29] =	ssyncadd.s32 $0xFFFFFC00  }
0x243: {  	_ =	swait.ge [sflag:s29], $0x400  }
0x244: {  	[sflag:s29] =	ssyncset.done $0x0  }
0x245: {  	[sflag:s29] =	ssyncadd.s32 $0xFFFFFC00  }
0x246: {  	_ =	swait.ge [sflag:s29], $0x400  }
0x247: {  	[sflag:s29] =	ssyncset.done $0x0  }
0x248: {  	[sflag:s29] =	ssyncadd.s32 $0xFFFFFC00  }
0x249: {  	_ =	swait.ge [sflag:s29], $0x400  }
0x24a: {  	[sflag:s29] =	ssyncset.done $0x0  }
0x24b: {  	[sflag:s29] =	ssyncadd.s32 $0xFFFFFC00  }
0x24c: {  	_ =	swait.ge [sflag:s29], $0x400  }
0x24d: {  	[sflag:s29] =	ssyncset.done $0x0  }
0x24e: {  	[sflag:s29] =	ssyncadd.s32 $0xFFFFFC00  }
0x24f: {  	_ =	swait.ge [sflag:s29], $0x400  }
0x250: {  	[sflag:s29] =	ssyncset.done $0x0  }
0x251: {  	[sflag:s29] =	ssyncadd.s32 $0xFFFFFC00  }
0x252: {  	_ =	swait.ge [sflag:s29], $0x400  }
0x253: {  	[sflag:s29] =	ssyncset.done $0x0  }
0x254: {  	[sflag:s29] =	ssyncadd.s32 $0xFFFFFC00  }
0x255: {  	_ =	swait.ge [sflag:s29], $0x400  }
0x256: {  	[sflag:s29] =	ssyncset.done $0x0  }
0x257: {  	[sflag:s29] =	ssyncadd.s32 $0xFFFFFC00  }
0x258: {  	s23 =	simm.s32 $0x0;
	_ =	swait.ge [sflag:s29], $0x400  }
0x259: {  	s23 =	sand.u32 $0x78, s23;
	s30 =	simm.s32 $0x0;
	[sflag:s29] =	ssyncset.done $0x0  }
0x25a: {  	s0 =	sor.u32 s23, s30;
	[sflag:s29] =	ssyncadd.s32 $0xFFFFFC00  }
0x25b: {  	s0 =	sor.u32 $0x800, s0;
	_ =	swait.ge [sflag:s29], $0x400  }
0x25c: {  	v21 =	vor.u32 s0, v17;
	[sflag:s29] =	ssyncset.done $0x0  }
0x25d: {  	[sflag:s29] =	ssyncadd.s32 $0xFFFFFC00  }
0x25e: {  	_ =	swait.ge [sflag:s29], $0x400  }
0x25f: {  	[sflag:s29] =	ssyncset.done $0x0  }
0x260: {  	[sflag:s29] =	ssyncadd.s32 $0xFFFFFC00  }
0x261: {  	v21 =	vld.idx.msk [tilespmem:v21+s31+$0x0], $0xffff;
	_ =	sdelay $0x1  }
0x262: {  	v22 =	vmov s23  }
0x263: {  	v22 =	vshll.u32 v22, $0x3  }
0x264: {  	v22 =	vor.u32 v18, v22;
	s21 =	simm.s32 $0x0  }
0x265: {  	v22 =	vor.u32 s21, v22;
	v21 =	vand.u32 $0x7, v21  }
0x266: {  	v21 =	vor.u32 v21, v22  }
0x267: {  	v21 =	vor.u32 v19, v21;
	_ =	sdelay $0x2  }
0x268: {  	s28 =	simm.s32 $0x0;
	s14 =	simm.s32 $0x2;
	s0 =	simm.s32 $0x8  }
.LBB2_11:
0x269: {  	p0 =	sne.s32 s14, $0x7F;
	s17 =	sand.u32 $0x78, s0;
	s30 =	sshll.u32 s28, $0x7;
	v22 =	vmov s21  }
0x26a: {  	s21 =	sor.u32 s17, s30;
	v21 =	vld.idx.msk [tilespmem:v21+s18+$0x0], $0xffff;
	v22 =	vor.u32 s23, v22;
	s23 =	smov.u32 s17  }
0x26b: {  	s17 =	sor.u32 $0x800, s21;
	v22 =	vor.u32 v3, v22  }
0x26c: {  	v23 =	vor.u32 s17, v17;
	_ =	sdelay $0x3  }
0x26d: {  	[tilespmem:v22+s4+$0x0] =	vst.idx.msk $0xffff, v21  }
0x26e: {  	v21 =	vld.idx.msk [tilespmem:v23+s31+$0x0], $0xffff;
	_ =	sdelay $0x2  }
0x26f: {  	v22 =	vmov s23  }
0x270: {  	v22 =	vshll.u32 v22, $0x3  }
0x271: {  	s21 =	sshll.u32 s28, $0xA;
	v22 =	vor.u32 v18, v22  }
0x272: {  	v22 =	vor.u32 s21, v22;
	v21 =	vand.u32 $0x7, v21  }
.Ltmp4:
0x273: {  	v21 =	vor.u32 v21, v22;
	(pc) =	sbr.rel @p0 .LBB2_11-.Ltmp4, $2  }
0x274: {  	v21 =	vor.u32 v19, v21;
	_ =	sdelay $0x2  }
0x275: {  	s0 =	sadd.s32 $0x8, s0;
	s28 =	sshrl.u32 s14, $0x4;
	s14 =	sadd.s32 $0x1, s14  }
0x276: {  	_ =	sdelay $0x1  }
0x277: {  	s0 =	sand.u32 $0x78, s0;
	s14 =	sshll.u32 s28, $0x7;
	v22 =	vmov s21  }
0x278: {  	s14 =	sor.u32 s0, s14;
	v22 =	vor.u32 s23, v22  }
0x279: {  	v21 =	vld.idx.msk [tilespmem:v21+s18+$0x0], $0xffff;
	s14 =	sor.u32 $0x800, s14;
	v22 =	vor.u32 v3, v22  }
0x27a: {  	v23 =	vor.u32 s14, v17;
	_ =	sdelay $0x3  }
0x27b: {  	[tilespmem:v22+s4+$0x0] =	vst.idx.msk $0xffff, v21  }
0x27c: {  	v21 =	vld.idx.msk [tilespmem:v23+s31+$0x0], $0xffff;
	_ =	sdelay $0x1  }
0x27d: {  	v22 =	vmov s0  }
0x27e: {  	v22 =	vshll.u32 v22, $0x3  }
0x27f: {  	s30 =	sshll.u32 s28, $0xA;
	v22 =	vor.u32 v18, v22  }
0x280: {  	v22 =	vor.u32 s30, v22;
	v21 =	vand.u32 $0x7, v21  }
0x281: {  	v21 =	vor.u32 v21, v22  }
0x282: {  	v21 =	vor.u32 v19, v21;
	_ =	sdelay $0x2  }
0x283: {  	v22 =	vmov s30  }
0x284: {  	v22 =	vor.u32 s0, v22  }
0x285: {  	v22 =	vor.u32 v3, v22;
	v21 =	vld.idx.msk [tilespmem:v21+s18+$0x0], $0xffff;
	_ =	sdelay $0x4  }
0x286: {  	s14 =	simm.s32 $0x5C00;
	[tilespmem:v22+s4+$0x0] =	vst.idx.msk $0xffff, v21  }
0x287: {  	[tilespmem:s18], [sflag:$0x1] =	stream.indirect.gather [hbm4b:s1+s16], $0x8, s14, s16, $0xb8;
	[tilespmem:$0x1CC00] =	vst v63  }
0x288: {  	s17 =	simm.s32 $0xEC00;
	s21 =	simm.s32 $0x9C00  }
0x289: {  	[tilespmem:s17], [sflag:$0x1] =	stream.indirect.gather [hbm4b:s1+s16], $0x8, s21, s16, $0xb8;
	[tilespmem:$0x1CC00] =	vst v63  }
0x28a: {  	s23 =	simm.s32 $0xD000;
	s30 =	simm.s32 $0x5C80  }
0x28b: {  	[tilespmem:s23], [sflag:$0x1] =	stream.indirect.gather [hbm4b:s1+s16], $0x8, s30, s16, $0xb8;
	[tilespmem:$0x1CC00] =	vst v63  }
0x28c: {  	s17 =	simm.s32 $0xF000;
	s21 =	simm.s32 $0x9C80  }
0x28d: {  	[tilespmem:s17], [sflag:$0x1] =	stream.indirect.gather [hbm4b:s1+s16], $0x8, s21, s16, $0xb8;
	[tilespmem:$0x1CC00] =	vst v63  }
0x28e: {  	s23 =	simm.s32 $0xD400;
	s30 =	simm.s32 $0x5D00  }
0x28f: {  	[tilespmem:s23], [sflag:$0x1] =	stream.indirect.gather [hbm4b:s1+s16], $0x8, s30, s16, $0xb8;
	[tilespmem:$0x1CC00] =	vst v63  }
0x290: {  	s17 =	simm.s32 $0xF400;
	s21 =	simm.s32 $0x9D00  }
0x291: {  	[tilespmem:s17], [sflag:$0x1] =	stream.indirect.gather [hbm4b:s1+s16], $0x8, s21, s16, $0xb8;
	[tilespmem:$0x1CC00] =	vst v63  }
0x292: {  	s23 =	simm.s32 $0xD800;
	s30 =	simm.s32 $0x5D80  }
0x293: {  	[tilespmem:s23], [sflag:$0x1] =	stream.indirect.gather [hbm4b:s1+s16], $0x8, s30, s16, $0xb8;
	[tilespmem:$0x1CC00] =	vst v63  }
0x294: {  	s17 =	simm.s32 $0xF800;
	s21 =	simm.s32 $0x9D80  }
0x295: {  	[tilespmem:s17], [sflag:$0x1] =	stream.indirect.gather [hbm4b:s1+s16], $0x8, s21, s16, $0xb8;
	[tilespmem:$0x1CC00] =	vst v63  }
0x296: {  	s23 =	simm.s32 $0xDC00;
	s30 =	simm.s32 $0x5E00  }
0x297: {  	[tilespmem:s23], [sflag:$0x1] =	stream.indirect.gather [hbm4b:s1+s16], $0x8, s30, s16, $0xb8;
	[tilespmem:$0x1CC00] =	vst v63  }
0x298: {  	s17 =	simm.s32 $0xFC00;
	s21 =	simm.s32 $0x9E00  }
0x299: {  	[tilespmem:s17], [sflag:$0x1] =	stream.indirect.gather [hbm4b:s1+s16], $0x8, s21, s16, $0xb8;
	[tilespmem:$0x1CC00] =	vst v63  }
0x29a: {  	s23 =	simm.s32 $0xE000;
	s30 =	simm.s32 $0x5E80  }
0x29b: {  	[tilespmem:s23], [sflag:$0x1] =	stream.indirect.gather [hbm4b:s1+s16], $0x8, s30, s16, $0xb8;
	[tilespmem:$0x1CC00] =	vst v63  }
0x29c: {  	s17 =	simm.s32 $0x10000;
	s21 =	simm.s32 $0x9E80  }
0x29d: {  	[tilespmem:s17], [sflag:$0x1] =	stream.indirect.gather [hbm4b:s1+s16], $0x8, s21, s16, $0xb8;
	[tilespmem:$0x1CC00] =	vst v63  }
0x29e: {  	s23 =	simm.s32 $0xE400;
	s30 =	simm.s32 $0x5F00  }
0x29f: {  	[tilespmem:s23], [sflag:$0x1] =	stream.indirect.gather [hbm4b:s1+s16], $0x8, s30, s16, $0xb8;
	[tilespmem:$0x1CC00] =	vst v63  }
0x2a0: {  	s17 =	simm.s32 $0x10400;
	s21 =	simm.s32 $0x9F00  }
0x2a1: {  	[tilespmem:s17], [sflag:$0x1] =	stream.indirect.gather [hbm4b:s1+s16], $0x8, s21, s16, $0xb8;
	[tilespmem:$0x1CC00] =	vst v63  }
0x2a2: {  	s23 =	simm.s32 $0xE800;
	s30 =	simm.s32 $0x5F80  }
0x2a3: {  	[tilespmem:s23], [sflag:$0x1] =	stream.indirect.gather [hbm4b:s1+s16], $0x8, s30, s16, $0xb8;
	[tilespmem:$0x1CC00] =	vst v63  }
0x2a4: {  	s17 =	simm.s32 $0x10800;
	s21 =	simm.s32 $0x9F80  }
0x2a5: {  	[tilespmem:s17], [sflag:$0x1] =	stream.indirect.gather [hbm4b:s1+s16], $0x8, s21, s16, $0xb8;
	[tilespmem:$0x1CC00] =	vst v63  }
0x2a6: {  	_ =	swait.ge [sflag:s2], $0x400  }
0x2a7: {  	[sflag:s2] =	ssyncset.done $0x0  }
0x2a8: {  	[sflag:s2] =	ssyncadd.s32 $0xFFFFFC00  }
0x2a9: {  	_ =	swait.ge [sflag:s2], $0x400  }
0x2aa: {  	[sflag:s2] =	ssyncset.done $0x0  }
0x2ab: {  	[sflag:s2] =	ssyncadd.s32 $0xFFFFFC00  }
0x2ac: {  	_ =	swait.ge [sflag:s2], $0x400  }
0x2ad: {  	[sflag:s2] =	ssyncset.done $0x0  }
0x2ae: {  	[sflag:s2] =	ssyncadd.s32 $0xFFFFFC00  }
0x2af: {  	_ =	swait.ge [sflag:s2], $0x400  }
0x2b0: {  	[sflag:s2] =	ssyncset.done $0x0  }
0x2b1: {  	[sflag:s2] =	ssyncadd.s32 $0xFFFFFC00  }
0x2b2: {  	_ =	swait.ge [sflag:s2], $0x400  }
0x2b3: {  	[sflag:s2] =	ssyncset.done $0x0  }
0x2b4: {  	[sflag:s2] =	ssyncadd.s32 $0xFFFFFC00  }
0x2b5: {  	_ =	swait.ge [sflag:s2], $0x400  }
0x2b6: {  	[sflag:s2] =	ssyncset.done $0x0  }
0x2b7: {  	[sflag:s2] =	ssyncadd.s32 $0xFFFFFC00  }
0x2b8: {  	_ =	swait.ge [sflag:s2], $0x400  }
0x2b9: {  	[sflag:s2] =	ssyncset.done $0x0  }
0x2ba: {  	[sflag:s2] =	ssyncadd.s32 $0xFFFFFC00  }
0x2bb: {  	_ =	swait.ge [sflag:s2], $0x400  }
0x2bc: {  	[sflag:s2] =	ssyncset.done $0x0  }
0x2bd: {  	[sflag:s2] =	ssyncadd.s32 $0xFFFFFC00  }
0x2be: {  	_ =	swait.ge [sflag:s2], $0x400  }
0x2bf: {  	[sflag:s2] =	ssyncset.done $0x0  }
0x2c0: {  	[sflag:s2] =	ssyncadd.s32 $0xFFFFFC00  }
0x2c1: {  	_ =	swait.ge [sflag:s2], $0x400  }
0x2c2: {  	[sflag:s2] =	ssyncset.done $0x0  }
0x2c3: {  	[sflag:s2] =	ssyncadd.s32 $0xFFFFFC00  }
0x2c4: {  	_ =	swait.ge [sflag:s2], $0x400  }
0x2c5: {  	[sflag:s2] =	ssyncset.done $0x0  }
0x2c6: {  	[sflag:s2] =	ssyncadd.s32 $0xFFFFFC00  }
0x2c7: {  	_ =	swait.ge [sflag:s2], $0x400  }
0x2c8: {  	[sflag:s2] =	ssyncset.done $0x0  }
0x2c9: {  	[sflag:s2] =	ssyncadd.s32 $0xFFFFFC00  }
0x2ca: {  	_ =	swait.ge [sflag:s2], $0x400  }
0x2cb: {  	[sflag:s2] =	ssyncset.done $0x0  }
0x2cc: {  	[sflag:s2] =	ssyncadd.s32 $0xFFFFFC00  }
0x2cd: {  	s23 =	simm.s32 $0x0;
	_ =	swait.ge [sflag:s2], $0x400  }
0x2ce: {  	s30 =	simm.s32 $0x0;
	s23 =	sand.u32 $0x78, s23;
	[sflag:s2] =	ssyncset.done $0x0  }
0x2cf: {  	s0 =	sor.u32 s23, s30;
	[sflag:s2] =	ssyncadd.s32 $0xFFFFFC00  }
0x2d0: {  	s0 =	sor.u32 $0xC00, s0;
	_ =	swait.ge [sflag:s2], $0x400  }
0x2d1: {  	v21 =	vor.u32 s0, v17;
	[sflag:s2] =	ssyncset.done $0x0  }
0x2d2: {  	[sflag:s2] =	ssyncadd.s32 $0xFFFFFC00  }
0x2d3: {  	_ =	swait.ge [sflag:s2], $0x400  }
0x2d4: {  	[sflag:s2] =	ssyncset.done $0x0  }
0x2d5: {  	[sflag:s2] =	ssyncadd.s32 $0xFFFFFC00  }
0x2d6: {  	v21 =	vld.idx.msk [tilespmem:v21+s31+$0x0], $0xffff;
	_ =	sdelay $0x1  }
0x2d7: {  	v22 =	vmov s23  }
0x2d8: {  	v22 =	vshll.u32 v22, $0x3  }
0x2d9: {  	s21 =	simm.s32 $0x0;
	v22 =	vor.u32 v18, v22  }
0x2da: {  	v22 =	vor.u32 s21, v22;
	v21 =	vand.u32 $0x7, v21  }
0x2db: {  	v21 =	vor.u32 v21, v22  }
0x2dc: {  	v21 =	vor.u32 v20, v21;
	_ =	sdelay $0x2  }
0x2dd: {  	s28 =	simm.s32 $0x0;
	s14 =	simm.s32 $0x2;
	s0 =	simm.s32 $0x8  }
.LBB2_13:
0x2de: {  	p0 =	sne.s32 s14, $0x7F;
	s17 =	sand.u32 $0x78, s0;
	s30 =	sshll.u32 s28, $0x7;
	v22 =	vmov s21  }
0x2df: {  	s21 =	sor.u32 s17, s30;
	v21 =	vld.idx.msk [tilespmem:v21+s18+$0x0], $0xffff;
	v22 =	vor.u32 s23, v22;
	s23 =	smov.u32 s17  }
0x2e0: {  	s17 =	sor.u32 $0xC00, s21;
	v22 =	vor.u32 v4, v22  }
0x2e1: {  	v23 =	vor.u32 s17, v17;
	_ =	sdelay $0x3  }
0x2e2: {  	[tilespmem:v22+s4+$0x0] =	vst.idx.msk $0xffff, v21  }
0x2e3: {  	v21 =	vld.idx.msk [tilespmem:v23+s31+$0x0], $0xffff;
	_ =	sdelay $0x2  }
0x2e4: {  	v22 =	vmov s23  }
0x2e5: {  	v22 =	vshll.u32 v22, $0x3  }
0x2e6: {  	s21 =	sshll.u32 s28, $0xA;
	v22 =	vor.u32 v18, v22  }
0x2e7: {  	v22 =	vor.u32 s21, v22;
	v21 =	vand.u32 $0x7, v21  }
.Ltmp5:
0x2e8: {  	v21 =	vor.u32 v21, v22;
	(pc) =	sbr.rel @p0 .LBB2_13-.Ltmp5, $2  }
0x2e9: {  	v21 =	vor.u32 v20, v21;
	_ =	sdelay $0x2  }
0x2ea: {  	s0 =	sadd.s32 $0x8, s0;
	s28 =	sshrl.u32 s14, $0x4;
	s14 =	sadd.s32 $0x1, s14  }
0x2eb: {  	_ =	sdelay $0x1  }
0x2ec: {  	s0 =	sand.u32 $0x78, s0;
	s14 =	sshll.u32 s28, $0x7;
	v22 =	vmov s21  }
0x2ed: {  	s14 =	sor.u32 s0, s14;
	v22 =	vor.u32 s23, v22  }
0x2ee: {  	v21 =	vld.idx.msk [tilespmem:v21+s18+$0x0], $0xffff;
	s14 =	sor.u32 $0xC00, s14;
	v22 =	vor.u32 v4, v22  }
0x2ef: {  	v23 =	vor.u32 s14, v17;
	_ =	sdelay $0x3  }
0x2f0: {  	[tilespmem:v22+s4+$0x0] =	vst.idx.msk $0xffff, v21  }
0x2f1: {  	v21 =	vld.idx.msk [tilespmem:v23+s31+$0x0], $0xffff;
	_ =	sdelay $0x1  }
0x2f2: {  	v22 =	vmov s0  }
0x2f3: {  	v22 =	vshll.u32 v22, $0x3  }
0x2f4: {  	s30 =	sshll.u32 s28, $0xA;
	v22 =	vor.u32 v18, v22  }
0x2f5: {  	v22 =	vor.u32 s30, v22;
	v21 =	vand.u32 $0x7, v21  }
0x2f6: {  	v21 =	vor.u32 v21, v22  }
0x2f7: {  	v21 =	vor.u32 v20, v21;
	_ =	sdelay $0x2  }
0x2f8: {  	v22 =	vmov s30  }
0x2f9: {  	v22 =	vor.u32 s0, v22  }
0x2fa: {  	v22 =	vor.u32 v4, v22;
	v21 =	vld.idx.msk [tilespmem:v21+s18+$0x0], $0xffff;
	_ =	sdelay $0x4  }
0x2fb: {  	s17 =	simm.s32 $0x6000;
	s14 =	simm.s32 $0x10C00;
	[tilespmem:v22+s4+$0x0] =	vst.idx.msk $0xffff, v21  }
0x2fc: {  	[tilespmem:s14], [sflag:$0x2] =	stream.indirect.gather [hbm4b:s1+s16], $0x8, s17, s16, $0xb8;
	[tilespmem:$0x1CC00] =	vst v63  }
0x2fd: {  	s21 =	simm.s32 $0x12C00;
	s23 =	simm.s32 $0xA000  }
0x2fe: {  	[tilespmem:s21], [sflag:$0x2] =	stream.indirect.gather [hbm4b:s1+s16], $0x8, s23, s16, $0xb8;
	[tilespmem:$0x1CC00] =	vst v63  }
0x2ff: {  	s30 =	simm.s32 $0x6080  }
0x300: {  	[tilespmem:s12], [sflag:$0x2] =	stream.indirect.gather [hbm4b:s1+s16], $0x8, s30, s16, $0xb8;
	[tilespmem:$0x1CC00] =	vst v63  }
0x301: {  	s14 =	simm.s32 $0xA080  }
0x302: {  	[tilespmem:s25], [sflag:$0x2] =	stream.indirect.gather [hbm4b:s1+s16], $0x8, s14, s16, $0xb8;
	[tilespmem:$0x1CC00] =	vst v63  }
0x303: {  	s17 =	simm.s32 $0x6100  }
0x304: {  	[tilespmem:s5], [sflag:$0x2] =	stream.indirect.gather [hbm4b:s1+s16], $0x8, s17, s16, $0xb8;
	[tilespmem:$0x1CC00] =	vst v63  }
0x305: {  	s21 =	simm.s32 $0xA100  }
0x306: {  	[tilespmem:s6], [sflag:$0x2] =	stream.indirect.gather [hbm4b:s1+s16], $0x8, s21, s16, $0xb8;
	[tilespmem:$0x1CC00] =	vst v63  }
0x307: {  	s23 =	simm.s32 $0x6180  }
0x308: {  	[tilespmem:s7], [sflag:$0x2] =	stream.indirect.gather [hbm4b:s1+s16], $0x8, s23, s16, $0xb8;
	[tilespmem:$0x1CC00] =	vst v63  }
0x309: {  	s30 =	simm.s32 $0xA180  }
0x30a: {  	[tilespmem:s8], [sflag:$0x2] =	stream.indirect.gather [hbm4b:s1+s16], $0x8, s30, s16, $0xb8;
	[tilespmem:$0x1CC00] =	vst v63  }
0x30b: {  	s14 =	simm.s32 $0x6200  }
0x30c: {  	[tilespmem:s9], [sflag:$0x2] =	stream.indirect.gather [hbm4b:s1+s16], $0x8, s14, s16, $0xb8;
	[tilespmem:$0x1CC00] =	vst v63  }
0x30d: {  	s17 =	simm.s32 $0xA200  }
0x30e: {  	[tilespmem:s10], [sflag:$0x2] =	stream.indirect.gather [hbm4b:s1+s16], $0x8, s17, s16, $0xb8;
	[tilespmem:$0x1CC00] =	vst v63  }
0x30f: {  	s21 =	simm.s32 $0x6280  }
0x310: {  	[tilespmem:s11], [sflag:$0x2] =	stream.indirect.gather [hbm4b:s1+s16], $0x8, s21, s16, $0xb8;
	[tilespmem:$0x1CC00] =	vst v63  }
0x311: {  	s23 =	simm.s32 $0xA280  }
0x312: {  	[tilespmem:s3], [sflag:$0x2] =	stream.indirect.gather [hbm4b:s1+s16], $0x8, s23, s16, $0xb8;
	[tilespmem:$0x1CC00] =	vst v63  }
0x313: {  	s30 =	simm.s32 $0x6300  }
0x314: {  	[tilespmem:s20], [sflag:$0x2] =	stream.indirect.gather [hbm4b:s1+s16], $0x8, s30, s16, $0xb8;
	[tilespmem:$0x1CC00] =	vst v63  }
0x315: {  	s14 =	simm.s32 $0xA300  }
0x316: {  	[tilespmem:s22], [sflag:$0x2] =	stream.indirect.gather [hbm4b:s1+s16], $0x8, s14, s16, $0xb8;
	[tilespmem:$0x1CC00] =	vst v63  }
0x317: {  	s17 =	simm.s32 $0x6380  }
0x318: {  	[tilespmem:s24], [sflag:$0x2] =	stream.indirect.gather [hbm4b:s1+s16], $0x8, s17, s16, $0xb8;
	[tilespmem:$0x1CC00] =	vst v63  }
0x319: {  	s21 =	simm.s32 $0xA380  }
0x31a: {  	[tilespmem:s26], [sflag:$0x2] =	stream.indirect.gather [hbm4b:s1+s16], $0x8, s21, s16, $0xb8;
	[tilespmem:$0x1CC00] =	vst v63  }
0x31b: {  	_ =	swait.ge [sflag:s29], $0x400  }
0x31c: {  	[sflag:s29] =	ssyncset.done $0x0  }
0x31d: {  	[sflag:s29] =	ssyncadd.s32 $0xFFFFFC00  }
0x31e: {  	_ =	swait.ge [sflag:s29], $0x400  }
0x31f: {  	[sflag:s29] =	ssyncset.done $0x0  }
0x320: {  	[sflag:s29] =	ssyncadd.s32 $0xFFFFFC00  }
0x321: {  	_ =	swait.ge [sflag:s29], $0x400  }
0x322: {  	[sflag:s29] =	ssyncset.done $0x0  }
0x323: {  	[sflag:s29] =	ssyncadd.s32 $0xFFFFFC00  }
0x324: {  	_ =	swait.ge [sflag:s29], $0x400  }
0x325: {  	[sflag:s29] =	ssyncset.done $0x0  }
0x326: {  	[sflag:s29] =	ssyncadd.s32 $0xFFFFFC00  }
0x327: {  	_ =	swait.ge [sflag:s29], $0x400  }
0x328: {  	[sflag:s29] =	ssyncset.done $0x0  }
0x329: {  	[sflag:s29] =	ssyncadd.s32 $0xFFFFFC00  }
0x32a: {  	_ =	swait.ge [sflag:s29], $0x400  }
0x32b: {  	[sflag:s29] =	ssyncset.done $0x0  }
0x32c: {  	[sflag:s29] =	ssyncadd.s32 $0xFFFFFC00  }
0x32d: {  	_ =	swait.ge [sflag:s29], $0x400  }
0x32e: {  	[sflag:s29] =	ssyncset.done $0x0  }
0x32f: {  	[sflag:s29] =	ssyncadd.s32 $0xFFFFFC00  }
0x330: {  	_ =	swait.ge [sflag:s29], $0x400  }
0x331: {  	[sflag:s29] =	ssyncset.done $0x0  }
0x332: {  	[sflag:s29] =	ssyncadd.s32 $0xFFFFFC00  }
0x333: {  	_ =	swait.ge [sflag:s29], $0x400  }
0x334: {  	[sflag:s29] =	ssyncset.done $0x0  }
0x335: {  	[sflag:s29] =	ssyncadd.s32 $0xFFFFFC00  }
0x336: {  	_ =	swait.ge [sflag:s29], $0x400  }
0x337: {  	[sflag:s29] =	ssyncset.done $0x0  }
0x338: {  	[sflag:s29] =	ssyncadd.s32 $0xFFFFFC00  }
0x339: {  	_ =	swait.ge [sflag:s29], $0x400  }
0x33a: {  	[sflag:s29] =	ssyncset.done $0x0  }
0x33b: {  	[sflag:s29] =	ssyncadd.s32 $0xFFFFFC00  }
0x33c: {  	_ =	swait.ge [sflag:s29], $0x400  }
0x33d: {  	[sflag:s29] =	ssyncset.done $0x0  }
0x33e: {  	[sflag:s29] =	ssyncadd.s32 $0xFFFFFC00  }
0x33f: {  	_ =	swait.ge [sflag:s29], $0x400  }
0x340: {  	[sflag:s29] =	ssyncset.done $0x0  }
0x341: {  	[sflag:s29] =	ssyncadd.s32 $0xFFFFFC00  }
0x342: {  	s23 =	simm.s32 $0x0;
	_ =	swait.ge [sflag:s29], $0x400  }
0x343: {  	s23 =	sand.u32 $0x78, s23;
	s30 =	simm.s32 $0x0;
	[sflag:s29] =	ssyncset.done $0x0  }
0x344: {  	s0 =	sor.u32 s23, s30;
	[sflag:s29] =	ssyncadd.s32 $0xFFFFFC00  }
0x345: {  	s0 =	sor.u32 $0x1000, s0;
	_ =	swait.ge [sflag:s29], $0x400  }
0x346: {  	v21 =	vor.u32 s0, v17;
	[sflag:s29] =	ssyncset.done $0x0  }
0x347: {  	[sflag:s29] =	ssyncadd.s32 $0xFFFFFC00  }
0x348: {  	_ =	swait.ge [sflag:s29], $0x400  }
0x349: {  	[sflag:s29] =	ssyncset.done $0x0  }
0x34a: {  	[sflag:s29] =	ssyncadd.s32 $0xFFFFFC00  }
0x34b: {  	v21 =	vld.idx.msk [tilespmem:v21+s31+$0x0], $0xffff;
	_ =	sdelay $0x1  }
0x34c: {  	v22 =	vmov s23  }
0x34d: {  	v22 =	vshll.u32 v22, $0x3  }
0x34e: {  	v22 =	vor.u32 v18, v22;
	s21 =	simm.s32 $0x0  }
0x34f: {  	v22 =	vor.u32 s21, v22;
	v21 =	vand.u32 $0x7, v21  }
0x350: {  	v21 =	vor.u32 v21, v22  }
0x351: {  	v21 =	vor.u32 v19, v21;
	_ =	sdelay $0x2  }
0x352: {  	s28 =	simm.s32 $0x0;
	s14 =	simm.s32 $0x2;
	s0 =	simm.s32 $0x8  }
.LBB2_15:
0x353: {  	p0 =	sne.s32 s14, $0x7F;
	s17 =	sand.u32 $0x78, s0;
	s30 =	sshll.u32 s28, $0x7;
	v22 =	vmov s21  }
0x354: {  	s21 =	sor.u32 s17, s30;
	v21 =	vld.idx.msk [tilespmem:v21+s18+$0x0], $0xffff;
	v22 =	vor.u32 s23, v22;
	s23 =	smov.u32 s17  }
0x355: {  	s17 =	sor.u32 $0x1000, s21;
	v22 =	vor.u32 v5, v22  }
0x356: {  	v23 =	vor.u32 s17, v17;
	_ =	sdelay $0x3  }
0x357: {  	[tilespmem:v22+s4+$0x0] =	vst.idx.msk $0xffff, v21  }
0x358: {  	v21 =	vld.idx.msk [tilespmem:v23+s31+$0x0], $0xffff;
	_ =	sdelay $0x2  }
0x359: {  	v22 =	vmov s23  }
0x35a: {  	v22 =	vshll.u32 v22, $0x3  }
0x35b: {  	s21 =	sshll.u32 s28, $0xA;
	v22 =	vor.u32 v18, v22  }
0x35c: {  	v22 =	vor.u32 s21, v22;
	v21 =	vand.u32 $0x7, v21  }
.Ltmp6:
0x35d: {  	v21 =	vor.u32 v21, v22;
	(pc) =	sbr.rel @p0 .LBB2_15-.Ltmp6, $2  }
0x35e: {  	v21 =	vor.u32 v19, v21;
	_ =	sdelay $0x2  }
0x35f: {  	s0 =	sadd.s32 $0x8, s0;
	s28 =	sshrl.u32 s14, $0x4;
	s14 =	sadd.s32 $0x1, s14  }
0x360: {  	_ =	sdelay $0x1  }
0x361: {  	s0 =	sand.u32 $0x78, s0;
	s14 =	sshll.u32 s28, $0x7;
	v22 =	vmov s21  }
0x362: {  	s14 =	sor.u32 s0, s14;
	v22 =	vor.u32 s23, v22  }
0x363: {  	v21 =	vld.idx.msk [tilespmem:v21+s18+$0x0], $0xffff;
	s14 =	sor.u32 $0x1000, s14;
	v22 =	vor.u32 v5, v22  }
0x364: {  	v23 =	vor.u32 s14, v17;
	_ =	sdelay $0x3  }
0x365: {  	[tilespmem:v22+s4+$0x0] =	vst.idx.msk $0xffff, v21  }
0x366: {  	v21 =	vld.idx.msk [tilespmem:v23+s31+$0x0], $0xffff;
	_ =	sdelay $0x1  }
0x367: {  	v22 =	vmov s0  }
0x368: {  	v22 =	vshll.u32 v22, $0x3  }
0x369: {  	s30 =	sshll.u32 s28, $0xA;
	v22 =	vor.u32 v18, v22  }
0x36a: {  	v22 =	vor.u32 s30, v22;
	v21 =	vand.u32 $0x7, v21  }
0x36b: {  	v21 =	vor.u32 v21, v22  }
0x36c: {  	v21 =	vor.u32 v19, v21;
	_ =	sdelay $0x2  }
0x36d: {  	v22 =	vmov s30  }
0x36e: {  	v22 =	vor.u32 s0, v22  }
0x36f: {  	v22 =	vor.u32 v5, v22;
	v21 =	vld.idx.msk [tilespmem:v21+s18+$0x0], $0xffff;
	_ =	sdelay $0x4  }
0x370: {  	s14 =	simm.s32 $0x6400;
	[tilespmem:v22+s4+$0x0] =	vst.idx.msk $0xffff, v21  }
0x371: {  	[tilespmem:s18], [sflag:$0x1] =	stream.indirect.gather [hbm4b:s1+s16], $0x8, s14, s16, $0xb8;
	[tilespmem:$0x1CC00] =	vst v63  }
0x372: {  	s17 =	simm.s32 $0xEC00;
	s21 =	simm.s32 $0xA400  }
0x373: {  	[tilespmem:s17], [sflag:$0x1] =	stream.indirect.gather [hbm4b:s1+s16], $0x8, s21, s16, $0xb8;
	[tilespmem:$0x1CC00] =	vst v63  }
0x374: {  	s23 =	simm.s32 $0xD000;
	s30 =	simm.s32 $0x6480  }
0x375: {  	[tilespmem:s23], [sflag:$0x1] =	stream.indirect.gather [hbm4b:s1+s16], $0x8, s30, s16, $0xb8;
	[tilespmem:$0x1CC00] =	vst v63  }
0x376: {  	s17 =	simm.s32 $0xF000;
	s21 =	simm.s32 $0xA480  }
0x377: {  	[tilespmem:s17], [sflag:$0x1] =	stream.indirect.gather [hbm4b:s1+s16], $0x8, s21, s16, $0xb8;
	[tilespmem:$0x1CC00] =	vst v63  }
0x378: {  	s23 =	simm.s32 $0xD400;
	s30 =	simm.s32 $0x6500  }
0x379: {  	[tilespmem:s23], [sflag:$0x1] =	stream.indirect.gather [hbm4b:s1+s16], $0x8, s30, s16, $0xb8;
	[tilespmem:$0x1CC00] =	vst v63  }
0x37a: {  	s17 =	simm.s32 $0xF400;
	s21 =	simm.s32 $0xA500  }
0x37b: {  	[tilespmem:s17], [sflag:$0x1] =	stream.indirect.gather [hbm4b:s1+s16], $0x8, s21, s16, $0xb8;
	[tilespmem:$0x1CC00] =	vst v63  }
0x37c: {  	s23 =	simm.s32 $0xD800;
	s30 =	simm.s32 $0x6580  }
0x37d: {  	[tilespmem:s23], [sflag:$0x1] =	stream.indirect.gather [hbm4b:s1+s16], $0x8, s30, s16, $0xb8;
	[tilespmem:$0x1CC00] =	vst v63  }
0x37e: {  	s17 =	simm.s32 $0xF800;
	s21 =	simm.s32 $0xA580  }
0x37f: {  	[tilespmem:s17], [sflag:$0x1] =	stream.indirect.gather [hbm4b:s1+s16], $0x8, s21, s16, $0xb8;
	[tilespmem:$0x1CC00] =	vst v63  }
0x380: {  	s23 =	simm.s32 $0xDC00;
	s30 =	simm.s32 $0x6600  }
0x381: {  	[tilespmem:s23], [sflag:$0x1] =	stream.indirect.gather [hbm4b:s1+s16], $0x8, s30, s16, $0xb8;
	[tilespmem:$0x1CC00] =	vst v63  }
0x382: {  	s17 =	simm.s32 $0xFC00;
	s21 =	simm.s32 $0xA600  }
0x383: {  	[tilespmem:s17], [sflag:$0x1] =	stream.indirect.gather [hbm4b:s1+s16], $0x8, s21, s16, $0xb8;
	[tilespmem:$0x1CC00] =	vst v63  }
0x384: {  	s23 =	simm.s32 $0xE000;
	s30 =	simm.s32 $0x6680  }
0x385: {  	[tilespmem:s23], [sflag:$0x1] =	stream.indirect.gather [hbm4b:s1+s16], $0x8, s30, s16, $0xb8;
	[tilespmem:$0x1CC00] =	vst v63  }
0x386: {  	s17 =	simm.s32 $0x10000;
	s21 =	simm.s32 $0xA680  }
0x387: {  	[tilespmem:s17], [sflag:$0x1] =	stream.indirect.gather [hbm4b:s1+s16], $0x8, s21, s16, $0xb8;
	[tilespmem:$0x1CC00] =	vst v63  }
0x388: {  	s23 =	simm.s32 $0xE400;
	s30 =	simm.s32 $0x6700  }
0x389: {  	[tilespmem:s23], [sflag:$0x1] =	stream.indirect.gather [hbm4b:s1+s16], $0x8, s30, s16, $0xb8;
	[tilespmem:$0x1CC00] =	vst v63  }
0x38a: {  	s17 =	simm.s32 $0x10400;
	s21 =	simm.s32 $0xA700  }
0x38b: {  	[tilespmem:s17], [sflag:$0x1] =	stream.indirect.gather [hbm4b:s1+s16], $0x8, s21, s16, $0xb8;
	[tilespmem:$0x1CC00] =	vst v63  }
0x38c: {  	s23 =	simm.s32 $0xE800;
	s30 =	simm.s32 $0x6780  }
0x38d: {  	[tilespmem:s23], [sflag:$0x1] =	stream.indirect.gather [hbm4b:s1+s16], $0x8, s30, s16, $0xb8;
	[tilespmem:$0x1CC00] =	vst v63  }
0x38e: {  	s17 =	simm.s32 $0x10800;
	s21 =	simm.s32 $0xA780  }
0x38f: {  	[tilespmem:s17], [sflag:$0x1] =	stream.indirect.gather [hbm4b:s1+s16], $0x8, s21, s16, $0xb8;
	[tilespmem:$0x1CC00] =	vst v63  }
0x390: {  	_ =	swait.ge [sflag:s2], $0x400  }
0x391: {  	[sflag:s2] =	ssyncset.done $0x0  }
0x392: {  	[sflag:s2] =	ssyncadd.s32 $0xFFFFFC00  }
0x393: {  	_ =	swait.ge [sflag:s2], $0x400  }
0x394: {  	[sflag:s2] =	ssyncset.done $0x0  }
0x395: {  	[sflag:s2] =	ssyncadd.s32 $0xFFFFFC00  }
0x396: {  	_ =	swait.ge [sflag:s2], $0x400  }
0x397: {  	[sflag:s2] =	ssyncset.done $0x0  }
0x398: {  	[sflag:s2] =	ssyncadd.s32 $0xFFFFFC00  }
0x399: {  	_ =	swait.ge [sflag:s2], $0x400  }
0x39a: {  	[sflag:s2] =	ssyncset.done $0x0  }
0x39b: {  	[sflag:s2] =	ssyncadd.s32 $0xFFFFFC00  }
0x39c: {  	_ =	swait.ge [sflag:s2], $0x400  }
0x39d: {  	[sflag:s2] =	ssyncset.done $0x0  }
0x39e: {  	[sflag:s2] =	ssyncadd.s32 $0xFFFFFC00  }
0x39f: {  	_ =	swait.ge [sflag:s2], $0x400  }
0x3a0: {  	[sflag:s2] =	ssyncset.done $0x0  }
0x3a1: {  	[sflag:s2] =	ssyncadd.s32 $0xFFFFFC00  }
0x3a2: {  	_ =	swait.ge [sflag:s2], $0x400  }
0x3a3: {  	[sflag:s2] =	ssyncset.done $0x0  }
0x3a4: {  	[sflag:s2] =	ssyncadd.s32 $0xFFFFFC00  }
0x3a5: {  	_ =	swait.ge [sflag:s2], $0x400  }
0x3a6: {  	[sflag:s2] =	ssyncset.done $0x0  }
0x3a7: {  	[sflag:s2] =	ssyncadd.s32 $0xFFFFFC00  }
0x3a8: {  	_ =	swait.ge [sflag:s2], $0x400  }
0x3a9: {  	[sflag:s2] =	ssyncset.done $0x0  }
0x3aa: {  	[sflag:s2] =	ssyncadd.s32 $0xFFFFFC00  }
0x3ab: {  	_ =	swait.ge [sflag:s2], $0x400  }
0x3ac: {  	[sflag:s2] =	ssyncset.done $0x0  }
0x3ad: {  	[sflag:s2] =	ssyncadd.s32 $0xFFFFFC00  }
0x3ae: {  	_ =	swait.ge [sflag:s2], $0x400  }
0x3af: {  	[sflag:s2] =	ssyncset.done $0x0  }
0x3b0: {  	[sflag:s2] =	ssyncadd.s32 $0xFFFFFC00  }
0x3b1: {  	_ =	swait.ge [sflag:s2], $0x400  }
0x3b2: {  	[sflag:s2] =	ssyncset.done $0x0  }
0x3b3: {  	[sflag:s2] =	ssyncadd.s32 $0xFFFFFC00  }
0x3b4: {  	_ =	swait.ge [sflag:s2], $0x400  }
0x3b5: {  	[sflag:s2] =	ssyncset.done $0x0  }
0x3b6: {  	[sflag:s2] =	ssyncadd.s32 $0xFFFFFC00  }
0x3b7: {  	s23 =	simm.s32 $0x0;
	_ =	swait.ge [sflag:s2], $0x400  }
0x3b8: {  	s30 =	simm.s32 $0x0;
	s23 =	sand.u32 $0x78, s23;
	[sflag:s2] =	ssyncset.done $0x0  }
0x3b9: {  	s0 =	sor.u32 s23, s30;
	[sflag:s2] =	ssyncadd.s32 $0xFFFFFC00  }
0x3ba: {  	s0 =	sor.u32 $0x1400, s0;
	_ =	swait.ge [sflag:s2], $0x400  }
0x3bb: {  	v21 =	vor.u32 s0, v17;
	[sflag:s2] =	ssyncset.done $0x0  }
0x3bc: {  	[sflag:s2] =	ssyncadd.s32 $0xFFFFFC00  }
0x3bd: {  	_ =	swait.ge [sflag:s2], $0x400  }
0x3be: {  	[sflag:s2] =	ssyncset.done $0x0  }
0x3bf: {  	[sflag:s2] =	ssyncadd.s32 $0xFFFFFC00  }
0x3c0: {  	v21 =	vld.idx.msk [tilespmem:v21+s31+$0x0], $0xffff;
	_ =	sdelay $0x1  }
0x3c1: {  	v22 =	vmov s23  }
0x3c2: {  	v22 =	vshll.u32 v22, $0x3  }
0x3c3: {  	s21 =	simm.s32 $0x0;
	v22 =	vor.u32 v18, v22  }
0x3c4: {  	v22 =	vor.u32 s21, v22;
	v21 =	vand.u32 $0x7, v21  }
0x3c5: {  	v21 =	vor.u32 v21, v22  }
0x3c6: {  	v21 =	vor.u32 v20, v21;
	_ =	sdelay $0x2  }
0x3c7: {  	s28 =	simm.s32 $0x0;
	s14 =	simm.s32 $0x2;
	s0 =	simm.s32 $0x8  }
.LBB2_17:
0x3c8: {  	p0 =	sne.s32 s14, $0x7F;
	s17 =	sand.u32 $0x78, s0;
	s30 =	sshll.u32 s28, $0x7;
	v22 =	vmov s21  }
0x3c9: {  	s21 =	sor.u32 s17, s30;
	v21 =	vld.idx.msk [tilespmem:v21+s18+$0x0], $0xffff;
	v22 =	vor.u32 s23, v22;
	s23 =	smov.u32 s17  }
0x3ca: {  	s17 =	sor.u32 $0x1400, s21;
	v22 =	vor.u32 v6, v22  }
0x3cb: {  	v23 =	vor.u32 s17, v17;
	_ =	sdelay $0x3  }
0x3cc: {  	[tilespmem:v22+s4+$0x0] =	vst.idx.msk $0xffff, v21  }
0x3cd: {  	v21 =	vld.idx.msk [tilespmem:v23+s31+$0x0], $0xffff;
	_ =	sdelay $0x2  }
0x3ce: {  	v22 =	vmov s23  }
0x3cf: {  	v22 =	vshll.u32 v22, $0x3  }
0x3d0: {  	s21 =	sshll.u32 s28, $0xA;
	v22 =	vor.u32 v18, v22  }
0x3d1: {  	v22 =	vor.u32 s21, v22;
	v21 =	vand.u32 $0x7, v21  }
.Ltmp7:
0x3d2: {  	v21 =	vor.u32 v21, v22;
	(pc) =	sbr.rel @p0 .LBB2_17-.Ltmp7, $2  }
0x3d3: {  	v21 =	vor.u32 v20, v21;
	_ =	sdelay $0x2  }
0x3d4: {  	s0 =	sadd.s32 $0x8, s0;
	s28 =	sshrl.u32 s14, $0x4;
	s14 =	sadd.s32 $0x1, s14  }
0x3d5: {  	_ =	sdelay $0x1  }
0x3d6: {  	s0 =	sand.u32 $0x78, s0;
	s14 =	sshll.u32 s28, $0x7;
	v22 =	vmov s21  }
0x3d7: {  	s14 =	sor.u32 s0, s14;
	v22 =	vor.u32 s23, v22  }
0x3d8: {  	v21 =	vld.idx.msk [tilespmem:v21+s18+$0x0], $0xffff;
	s14 =	sor.u32 $0x1400, s14;
	v22 =	vor.u32 v6, v22  }
0x3d9: {  	v23 =	vor.u32 s14, v17;
	_ =	sdelay $0x3  }
0x3da: {  	[tilespmem:v22+s4+$0x0] =	vst.idx.msk $0xffff, v21  }
0x3db: {  	v21 =	vld.idx.msk [tilespmem:v23+s31+$0x0], $0xffff;
	_ =	sdelay $0x1  }
0x3dc: {  	v22 =	vmov s0  }
0x3dd: {  	v22 =	vshll.u32 v22, $0x3  }
0x3de: {  	s30 =	sshll.u32 s28, $0xA;
	v22 =	vor.u32 v18, v22  }
0x3df: {  	v22 =	vor.u32 s30, v22;
	v21 =	vand.u32 $0x7, v21  }
0x3e0: {  	v21 =	vor.u32 v21, v22  }
0x3e1: {  	v21 =	vor.u32 v20, v21;
	_ =	sdelay $0x2  }
0x3e2: {  	v22 =	vmov s30  }
0x3e3: {  	v22 =	vor.u32 s0, v22  }
0x3e4: {  	v22 =	vor.u32 v6, v22;
	v21 =	vld.idx.msk [tilespmem:v21+s18+$0x0], $0xffff;
	_ =	sdelay $0x4  }
0x3e5: {  	s17 =	simm.s32 $0x6800;
	s14 =	simm.s32 $0x10C00;
	[tilespmem:v22+s4+$0x0] =	vst.idx.msk $0xffff, v21  }
0x3e6: {  	[tilespmem:s14], [sflag:$0x2] =	stream.indirect.gather [hbm4b:s1+s16], $0x8, s17, s16, $0xb8;
	[tilespmem:$0x1CC00] =	vst v63  }
0x3e7: {  	s21 =	simm.s32 $0x12C00;
	s23 =	simm.s32 $0xA800  }
0x3e8: {  	[tilespmem:s21], [sflag:$0x2] =	stream.indirect.gather [hbm4b:s1+s16], $0x8, s23, s16, $0xb8;
	[tilespmem:$0x1CC00] =	vst v63  }
0x3e9: {  	s30 =	simm.s32 $0x6880  }
0x3ea: {  	[tilespmem:s12], [sflag:$0x2] =	stream.indirect.gather [hbm4b:s1+s16], $0x8, s30, s16, $0xb8;
	[tilespmem:$0x1CC00] =	vst v63  }
0x3eb: {  	s14 =	simm.s32 $0xA880  }
0x3ec: {  	[tilespmem:s25], [sflag:$0x2] =	stream.indirect.gather [hbm4b:s1+s16], $0x8, s14, s16, $0xb8;
	[tilespmem:$0x1CC00] =	vst v63  }
0x3ed: {  	s17 =	simm.s32 $0x6900  }
0x3ee: {  	[tilespmem:s5], [sflag:$0x2] =	stream.indirect.gather [hbm4b:s1+s16], $0x8, s17, s16, $0xb8;
	[tilespmem:$0x1CC00] =	vst v63  }
0x3ef: {  	s21 =	simm.s32 $0xA900  }
0x3f0: {  	[tilespmem:s6], [sflag:$0x2] =	stream.indirect.gather [hbm4b:s1+s16], $0x8, s21, s16, $0xb8;
	[tilespmem:$0x1CC00] =	vst v63  }
0x3f1: {  	s23 =	simm.s32 $0x6980  }
0x3f2: {  	[tilespmem:s7], [sflag:$0x2] =	stream.indirect.gather [hbm4b:s1+s16], $0x8, s23, s16, $0xb8;
	[tilespmem:$0x1CC00] =	vst v63  }
0x3f3: {  	s30 =	simm.s32 $0xA980  }
0x3f4: {  	[tilespmem:s8], [sflag:$0x2] =	stream.indirect.gather [hbm4b:s1+s16], $0x8, s30, s16, $0xb8;
	[tilespmem:$0x1CC00] =	vst v63  }
0x3f5: {  	s14 =	simm.s32 $0x6A00  }
0x3f6: {  	[tilespmem:s9], [sflag:$0x2] =	stream.indirect.gather [hbm4b:s1+s16], $0x8, s14, s16, $0xb8;
	[tilespmem:$0x1CC00] =	vst v63  }
0x3f7: {  	s17 =	simm.s32 $0xAA00  }
0x3f8: {  	[tilespmem:s10], [sflag:$0x2] =	stream.indirect.gather [hbm4b:s1+s16], $0x8, s17, s16, $0xb8;
	[tilespmem:$0x1CC00] =	vst v63  }
0x3f9: {  	s21 =	simm.s32 $0x6A80  }
0x3fa: {  	[tilespmem:s11], [sflag:$0x2] =	stream.indirect.gather [hbm4b:s1+s16], $0x8, s21, s16, $0xb8;
	[tilespmem:$0x1CC00] =	vst v63  }
0x3fb: {  	s23 =	simm.s32 $0xAA80  }
0x3fc: {  	[tilespmem:s3], [sflag:$0x2] =	stream.indirect.gather [hbm4b:s1+s16], $0x8, s23, s16, $0xb8;
	[tilespmem:$0x1CC00] =	vst v63  }
0x3fd: {  	s30 =	simm.s32 $0x6B00  }
0x3fe: {  	[tilespmem:s20], [sflag:$0x2] =	stream.indirect.gather [hbm4b:s1+s16], $0x8, s30, s16, $0xb8;
	[tilespmem:$0x1CC00] =	vst v63  }
0x3ff: {  	s14 =	simm.s32 $0xAB00  }
0x400: {  	[tilespmem:s22], [sflag:$0x2] =	stream.indirect.gather [hbm4b:s1+s16], $0x8, s14, s16, $0xb8;
	[tilespmem:$0x1CC00] =	vst v63  }
0x401: {  	s17 =	simm.s32 $0x6B80  }
0x402: {  	[tilespmem:s24], [sflag:$0x2] =	stream.indirect.gather [hbm4b:s1+s16], $0x8, s17, s16, $0xb8;
	[tilespmem:$0x1CC00] =	vst v63  }
0x403: {  	s21 =	simm.s32 $0xAB80  }
0x404: {  	[tilespmem:s26], [sflag:$0x2] =	stream.indirect.gather [hbm4b:s1+s16], $0x8, s21, s16, $0xb8;
	[tilespmem:$0x1CC00] =	vst v63  }
0x405: {  	_ =	swait.ge [sflag:s29], $0x400  }
0x406: {  	[sflag:s29] =	ssyncset.done $0x0  }
0x407: {  	[sflag:s29] =	ssyncadd.s32 $0xFFFFFC00  }
0x408: {  	_ =	swait.ge [sflag:s29], $0x400  }
0x409: {  	[sflag:s29] =	ssyncset.done $0x0  }
0x40a: {  	[sflag:s29] =	ssyncadd.s32 $0xFFFFFC00  }
0x40b: {  	_ =	swait.ge [sflag:s29], $0x400  }
0x40c: {  	[sflag:s29] =	ssyncset.done $0x0  }
0x40d: {  	[sflag:s29] =	ssyncadd.s32 $0xFFFFFC00  }
0x40e: {  	_ =	swait.ge [sflag:s29], $0x400  }
0x40f: {  	[sflag:s29] =	ssyncset.done $0x0  }
0x410: {  	[sflag:s29] =	ssyncadd.s32 $0xFFFFFC00  }
0x411: {  	_ =	swait.ge [sflag:s29], $0x400  }
0x412: {  	[sflag:s29] =	ssyncset.done $0x0  }
0x413: {  	[sflag:s29] =	ssyncadd.s32 $0xFFFFFC00  }
0x414: {  	_ =	swait.ge [sflag:s29], $0x400  }
0x415: {  	[sflag:s29] =	ssyncset.done $0x0  }
0x416: {  	[sflag:s29] =	ssyncadd.s32 $0xFFFFFC00  }
0x417: {  	_ =	swait.ge [sflag:s29], $0x400  }
0x418: {  	[sflag:s29] =	ssyncset.done $0x0  }
0x419: {  	[sflag:s29] =	ssyncadd.s32 $0xFFFFFC00  }
0x41a: {  	_ =	swait.ge [sflag:s29], $0x400  }
0x41b: {  	[sflag:s29] =	ssyncset.done $0x0  }
0x41c: {  	[sflag:s29] =	ssyncadd.s32 $0xFFFFFC00  }
0x41d: {  	_ =	swait.ge [sflag:s29], $0x400  }
0x41e: {  	[sflag:s29] =	ssyncset.done $0x0  }
0x41f: {  	[sflag:s29] =	ssyncadd.s32 $0xFFFFFC00  }
0x420: {  	_ =	swait.ge [sflag:s29], $0x400  }
0x421: {  	[sflag:s29] =	ssyncset.done $0x0  }
0x422: {  	[sflag:s29] =	ssyncadd.s32 $0xFFFFFC00  }
0x423: {  	_ =	swait.ge [sflag:s29], $0x400  }
0x424: {  	[sflag:s29] =	ssyncset.done $0x0  }
0x425: {  	[sflag:s29] =	ssyncadd.s32 $0xFFFFFC00  }
0x426: {  	_ =	swait.ge [sflag:s29], $0x400  }
0x427: {  	[sflag:s29] =	ssyncset.done $0x0  }
0x428: {  	[sflag:s29] =	ssyncadd.s32 $0xFFFFFC00  }
0x429: {  	_ =	swait.ge [sflag:s29], $0x400  }
0x42a: {  	[sflag:s29] =	ssyncset.done $0x0  }
0x42b: {  	[sflag:s29] =	ssyncadd.s32 $0xFFFFFC00  }
0x42c: {  	s23 =	simm.s32 $0x0;
	_ =	swait.ge [sflag:s29], $0x400  }
0x42d: {  	s23 =	sand.u32 $0x78, s23;
	s30 =	simm.s32 $0x0;
	[sflag:s29] =	ssyncset.done $0x0  }
0x42e: {  	s0 =	sor.u32 s23, s30;
	[sflag:s29] =	ssyncadd.s32 $0xFFFFFC00  }
0x42f: {  	s0 =	sor.u32 $0x1800, s0;
	_ =	swait.ge [sflag:s29], $0x400  }
0x430: {  	v21 =	vor.u32 s0, v17;
	[sflag:s29] =	ssyncset.done $0x0  }
0x431: {  	[sflag:s29] =	ssyncadd.s32 $0xFFFFFC00  }
0x432: {  	_ =	swait.ge [sflag:s29], $0x400  }
0x433: {  	[sflag:s29] =	ssyncset.done $0x0  }
0x434: {  	[sflag:s29] =	ssyncadd.s32 $0xFFFFFC00  }
0x435: {  	v21 =	vld.idx.msk [tilespmem:v21+s31+$0x0], $0xffff;
	_ =	sdelay $0x1  }
0x436: {  	v22 =	vmov s23  }
0x437: {  	v22 =	vshll.u32 v22, $0x3  }
0x438: {  	v22 =	vor.u32 v18, v22;
	s21 =	simm.s32 $0x0  }
0x439: {  	v22 =	vor.u32 s21, v22;
	v21 =	vand.u32 $0x7, v21  }
0x43a: {  	v21 =	vor.u32 v21, v22  }
0x43b: {  	v21 =	vor.u32 v19, v21;
	_ =	sdelay $0x2  }
0x43c: {  	s28 =	simm.s32 $0x0;
	s14 =	simm.s32 $0x2;
	s0 =	simm.s32 $0x8  }
.LBB2_19:
0x43d: {  	p0 =	sne.s32 s14, $0x7F;
	s17 =	sand.u32 $0x78, s0;
	s30 =	sshll.u32 s28, $0x7;
	v22 =	vmov s21  }
0x43e: {  	s21 =	sor.u32 s17, s30;
	v21 =	vld.idx.msk [tilespmem:v21+s18+$0x0], $0xffff;
	v22 =	vor.u32 s23, v22;
	s23 =	smov.u32 s17  }
0x43f: {  	s17 =	sor.u32 $0x1800, s21;
	v22 =	vor.u32 v7, v22  }
0x440: {  	v23 =	vor.u32 s17, v17;
	_ =	sdelay $0x3  }
0x441: {  	[tilespmem:v22+s4+$0x0] =	vst.idx.msk $0xffff, v21  }
0x442: {  	v21 =	vld.idx.msk [tilespmem:v23+s31+$0x0], $0xffff;
	_ =	sdelay $0x2  }
0x443: {  	v22 =	vmov s23  }
0x444: {  	v22 =	vshll.u32 v22, $0x3  }
0x445: {  	s21 =	sshll.u32 s28, $0xA;
	v22 =	vor.u32 v18, v22  }
0x446: {  	v22 =	vor.u32 s21, v22;
	v21 =	vand.u32 $0x7, v21  }
.Ltmp8:
0x447: {  	v21 =	vor.u32 v21, v22;
	(pc) =	sbr.rel @p0 .LBB2_19-.Ltmp8, $2  }
0x448: {  	v21 =	vor.u32 v19, v21;
	_ =	sdelay $0x2  }
0x449: {  	s0 =	sadd.s32 $0x8, s0;
	s28 =	sshrl.u32 s14, $0x4;
	s14 =	sadd.s32 $0x1, s14  }
0x44a: {  	_ =	sdelay $0x1  }
0x44b: {  	s0 =	sand.u32 $0x78, s0;
	s14 =	sshll.u32 s28, $0x7;
	v22 =	vmov s21  }
0x44c: {  	s14 =	sor.u32 s0, s14;
	v22 =	vor.u32 s23, v22  }
0x44d: {  	v21 =	vld.idx.msk [tilespmem:v21+s18+$0x0], $0xffff;
	s14 =	sor.u32 $0x1800, s14;
	v22 =	vor.u32 v7, v22  }
0x44e: {  	v23 =	vor.u32 s14, v17;
	_ =	sdelay $0x3  }
0x44f: {  	[tilespmem:v22+s4+$0x0] =	vst.idx.msk $0xffff, v21  }
0x450: {  	v21 =	vld.idx.msk [tilespmem:v23+s31+$0x0], $0xffff;
	_ =	sdelay $0x1  }
0x451: {  	v22 =	vmov s0  }
0x452: {  	v22 =	vshll.u32 v22, $0x3  }
0x453: {  	s30 =	sshll.u32 s28, $0xA;
	v22 =	vor.u32 v18, v22  }
0x454: {  	v22 =	vor.u32 s30, v22;
	v21 =	vand.u32 $0x7, v21  }
0x455: {  	v21 =	vor.u32 v21, v22  }
0x456: {  	v21 =	vor.u32 v19, v21;
	_ =	sdelay $0x2  }
0x457: {  	v22 =	vmov s30  }
0x458: {  	v22 =	vor.u32 s0, v22  }
0x459: {  	v22 =	vor.u32 v7, v22;
	v21 =	vld.idx.msk [tilespmem:v21+s18+$0x0], $0xffff;
	_ =	sdelay $0x4  }
0x45a: {  	s14 =	simm.s32 $0x6C00;
	[tilespmem:v22+s4+$0x0] =	vst.idx.msk $0xffff, v21  }
0x45b: {  	[tilespmem:s18], [sflag:$0x1] =	stream.indirect.gather [hbm4b:s1+s16], $0x8, s14, s16, $0xb8;
	[tilespmem:$0x1CC00] =	vst v63  }
0x45c: {  	s17 =	simm.s32 $0xEC00;
	s21 =	simm.s32 $0xAC00  }
0x45d: {  	[tilespmem:s17], [sflag:$0x1] =	stream.indirect.gather [hbm4b:s1+s16], $0x8, s21, s16, $0xb8;
	[tilespmem:$0x1CC00] =	vst v63  }
0x45e: {  	s23 =	simm.s32 $0xD000;
	s30 =	simm.s32 $0x6C80  }
0x45f: {  	[tilespmem:s23], [sflag:$0x1] =	stream.indirect.gather [hbm4b:s1+s16], $0x8, s30, s16, $0xb8;
	[tilespmem:$0x1CC00] =	vst v63  }
0x460: {  	s17 =	simm.s32 $0xF000;
	s21 =	simm.s32 $0xAC80  }
0x461: {  	[tilespmem:s17], [sflag:$0x1] =	stream.indirect.gather [hbm4b:s1+s16], $0x8, s21, s16, $0xb8;
	[tilespmem:$0x1CC00] =	vst v63  }
0x462: {  	s23 =	simm.s32 $0xD400;
	s30 =	simm.s32 $0x6D00  }
0x463: {  	[tilespmem:s23], [sflag:$0x1] =	stream.indirect.gather [hbm4b:s1+s16], $0x8, s30, s16, $0xb8;
	[tilespmem:$0x1CC00] =	vst v63  }
0x464: {  	s17 =	simm.s32 $0xF400;
	s21 =	simm.s32 $0xAD00  }
0x465: {  	[tilespmem:s17], [sflag:$0x1] =	stream.indirect.gather [hbm4b:s1+s16], $0x8, s21, s16, $0xb8;
	[tilespmem:$0x1CC00] =	vst v63  }
0x466: {  	s23 =	simm.s32 $0xD800;
	s30 =	simm.s32 $0x6D80  }
0x467: {  	[tilespmem:s23], [sflag:$0x1] =	stream.indirect.gather [hbm4b:s1+s16], $0x8, s30, s16, $0xb8;
	[tilespmem:$0x1CC00] =	vst v63  }
0x468: {  	s17 =	simm.s32 $0xF800;
	s21 =	simm.s32 $0xAD80  }
0x469: {  	[tilespmem:s17], [sflag:$0x1] =	stream.indirect.gather [hbm4b:s1+s16], $0x8, s21, s16, $0xb8;
	[tilespmem:$0x1CC00] =	vst v63  }
0x46a: {  	s23 =	simm.s32 $0xDC00;
	s30 =	simm.s32 $0x6E00  }
0x46b: {  	[tilespmem:s23], [sflag:$0x1] =	stream.indirect.gather [hbm4b:s1+s16], $0x8, s30, s16, $0xb8;
	[tilespmem:$0x1CC00] =	vst v63  }
0x46c: {  	s17 =	simm.s32 $0xFC00;
	s21 =	simm.s32 $0xAE00  }
0x46d: {  	[tilespmem:s17], [sflag:$0x1] =	stream.indirect.gather [hbm4b:s1+s16], $0x8, s21, s16, $0xb8;
	[tilespmem:$0x1CC00] =	vst v63  }
0x46e: {  	s23 =	simm.s32 $0xE000;
	s30 =	simm.s32 $0x6E80  }
0x46f: {  	[tilespmem:s23], [sflag:$0x1] =	stream.indirect.gather [hbm4b:s1+s16], $0x8, s30, s16, $0xb8;
	[tilespmem:$0x1CC00] =	vst v63  }
0x470: {  	s17 =	simm.s32 $0x10000;
	s21 =	simm.s32 $0xAE80  }
0x471: {  	[tilespmem:s17], [sflag:$0x1] =	stream.indirect.gather [hbm4b:s1+s16], $0x8, s21, s16, $0xb8;
	[tilespmem:$0x1CC00] =	vst v63  }
0x472: {  	s23 =	simm.s32 $0xE400;
	s30 =	simm.s32 $0x6F00  }
0x473: {  	[tilespmem:s23], [sflag:$0x1] =	stream.indirect.gather [hbm4b:s1+s16], $0x8, s30, s16, $0xb8;
	[tilespmem:$0x1CC00] =	vst v63  }
0x474: {  	s17 =	simm.s32 $0x10400;
	s21 =	simm.s32 $0xAF00  }
0x475: {  	[tilespmem:s17], [sflag:$0x1] =	stream.indirect.gather [hbm4b:s1+s16], $0x8, s21, s16, $0xb8;
	[tilespmem:$0x1CC00] =	vst v63  }
0x476: {  	s23 =	simm.s32 $0xE800;
	s30 =	simm.s32 $0x6F80  }
0x477: {  	[tilespmem:s23], [sflag:$0x1] =	stream.indirect.gather [hbm4b:s1+s16], $0x8, s30, s16, $0xb8;
	[tilespmem:$0x1CC00] =	vst v63  }
0x478: {  	s17 =	simm.s32 $0x10800;
	s21 =	simm.s32 $0xAF80  }
0x479: {  	[tilespmem:s17], [sflag:$0x1] =	stream.indirect.gather [hbm4b:s1+s16], $0x8, s21, s16, $0xb8;
	[tilespmem:$0x1CC00] =	vst v63  }
0x47a: {  	_ =	swait.ge [sflag:s2], $0x400  }
0x47b: {  	[sflag:s2] =	ssyncset.done $0x0  }
0x47c: {  	[sflag:s2] =	ssyncadd.s32 $0xFFFFFC00  }
0x47d: {  	_ =	swait.ge [sflag:s2], $0x400  }
0x47e: {  	[sflag:s2] =	ssyncset.done $0x0  }
0x47f: {  	[sflag:s2] =	ssyncadd.s32 $0xFFFFFC00  }
0x480: {  	_ =	swait.ge [sflag:s2], $0x400  }
0x481: {  	[sflag:s2] =	ssyncset.done $0x0  }
0x482: {  	[sflag:s2] =	ssyncadd.s32 $0xFFFFFC00  }
0x483: {  	_ =	swait.ge [sflag:s2], $0x400  }
0x484: {  	[sflag:s2] =	ssyncset.done $0x0  }
0x485: {  	[sflag:s2] =	ssyncadd.s32 $0xFFFFFC00  }
0x486: {  	_ =	swait.ge [sflag:s2], $0x400  }
0x487: {  	[sflag:s2] =	ssyncset.done $0x0  }
0x488: {  	[sflag:s2] =	ssyncadd.s32 $0xFFFFFC00  }
0x489: {  	_ =	swait.ge [sflag:s2], $0x400  }
0x48a: {  	[sflag:s2] =	ssyncset.done $0x0  }
0x48b: {  	[sflag:s2] =	ssyncadd.s32 $0xFFFFFC00  }
0x48c: {  	_ =	swait.ge [sflag:s2], $0x400  }
0x48d: {  	[sflag:s2] =	ssyncset.done $0x0  }
0x48e: {  	[sflag:s2] =	ssyncadd.s32 $0xFFFFFC00  }
0x48f: {  	_ =	swait.ge [sflag:s2], $0x400  }
0x490: {  	[sflag:s2] =	ssyncset.done $0x0  }
0x491: {  	[sflag:s2] =	ssyncadd.s32 $0xFFFFFC00  }
0x492: {  	_ =	swait.ge [sflag:s2], $0x400  }
0x493: {  	[sflag:s2] =	ssyncset.done $0x0  }
0x494: {  	[sflag:s2] =	ssyncadd.s32 $0xFFFFFC00  }
0x495: {  	_ =	swait.ge [sflag:s2], $0x400  }
0x496: {  	[sflag:s2] =	ssyncset.done $0x0  }
0x497: {  	[sflag:s2] =	ssyncadd.s32 $0xFFFFFC00  }
0x498: {  	_ =	swait.ge [sflag:s2], $0x400  }
0x499: {  	[sflag:s2] =	ssyncset.done $0x0  }
0x49a: {  	[sflag:s2] =	ssyncadd.s32 $0xFFFFFC00  }
0x49b: {  	_ =	swait.ge [sflag:s2], $0x400  }
0x49c: {  	[sflag:s2] =	ssyncset.done $0x0  }
0x49d: {  	[sflag:s2] =	ssyncadd.s32 $0xFFFFFC00  }
0x49e: {  	_ =	swait.ge [sflag:s2], $0x400  }
0x49f: {  	[sflag:s2] =	ssyncset.done $0x0  }
0x4a0: {  	[sflag:s2] =	ssyncadd.s32 $0xFFFFFC00  }
0x4a1: {  	s23 =	simm.s32 $0x0;
	_ =	swait.ge [sflag:s2], $0x400  }
0x4a2: {  	s30 =	simm.s32 $0x0;
	s23 =	sand.u32 $0x78, s23;
	[sflag:s2] =	ssyncset.done $0x0  }
0x4a3: {  	s0 =	sor.u32 s23, s30;
	[sflag:s2] =	ssyncadd.s32 $0xFFFFFC00  }
0x4a4: {  	s0 =	sor.u32 $0x1C00, s0;
	_ =	swait.ge [sflag:s2], $0x400  }
0x4a5: {  	v21 =	vor.u32 s0, v17;
	[sflag:s2] =	ssyncset.done $0x0  }
0x4a6: {  	[sflag:s2] =	ssyncadd.s32 $0xFFFFFC00  }
0x4a7: {  	_ =	swait.ge [sflag:s2], $0x400  }
0x4a8: {  	[sflag:s2] =	ssyncset.done $0x0  }
0x4a9: {  	[sflag:s2] =	ssyncadd.s32 $0xFFFFFC00  }
0x4aa: {  	v21 =	vld.idx.msk [tilespmem:v21+s31+$0x0], $0xffff;
	_ =	sdelay $0x1  }
0x4ab: {  	v22 =	vmov s23  }
0x4ac: {  	v22 =	vshll.u32 v22, $0x3  }
0x4ad: {  	s21 =	simm.s32 $0x0;
	v22 =	vor.u32 v18, v22  }
0x4ae: {  	v22 =	vor.u32 s21, v22;
	v21 =	vand.u32 $0x7, v21  }
0x4af: {  	v21 =	vor.u32 v21, v22  }
0x4b0: {  	v21 =	vor.u32 v20, v21;
	_ =	sdelay $0x2  }
0x4b1: {  	s28 =	simm.s32 $0x0;
	s14 =	simm.s32 $0x2;
	s0 =	simm.s32 $0x8  }
.LBB2_21:
0x4b2: {  	p0 =	sne.s32 s14, $0x7F;
	s17 =	sand.u32 $0x78, s0;
	s30 =	sshll.u32 s28, $0x7;
	v22 =	vmov s21  }
0x4b3: {  	s21 =	sor.u32 s17, s30;
	v21 =	vld.idx.msk [tilespmem:v21+s18+$0x0], $0xffff;
	v22 =	vor.u32 s23, v22;
	s23 =	smov.u32 s17  }
0x4b4: {  	s17 =	sor.u32 $0x1C00, s21;
	v22 =	vor.u32 v8, v22  }
0x4b5: {  	v23 =	vor.u32 s17, v17;
	_ =	sdelay $0x3  }
0x4b6: {  	[tilespmem:v22+s4+$0x0] =	vst.idx.msk $0xffff, v21  }
0x4b7: {  	v21 =	vld.idx.msk [tilespmem:v23+s31+$0x0], $0xffff;
	_ =	sdelay $0x2  }
0x4b8: {  	v22 =	vmov s23  }
0x4b9: {  	v22 =	vshll.u32 v22, $0x3  }
0x4ba: {  	s21 =	sshll.u32 s28, $0xA;
	v22 =	vor.u32 v18, v22  }
0x4bb: {  	v22 =	vor.u32 s21, v22;
	v21 =	vand.u32 $0x7, v21  }
.Ltmp9:
0x4bc: {  	v21 =	vor.u32 v21, v22;
	(pc) =	sbr.rel @p0 .LBB2_21-.Ltmp9, $2  }
0x4bd: {  	v21 =	vor.u32 v20, v21;
	_ =	sdelay $0x2  }
0x4be: {  	s0 =	sadd.s32 $0x8, s0;
	s28 =	sshrl.u32 s14, $0x4;
	s14 =	sadd.s32 $0x1, s14  }
0x4bf: {  	_ =	sdelay $0x1  }
0x4c0: {  	s0 =	sand.u32 $0x78, s0;
	s14 =	sshll.u32 s28, $0x7;
	v22 =	vmov s21  }
0x4c1: {  	s14 =	sor.u32 s0, s14;
	v22 =	vor.u32 s23, v22  }
0x4c2: {  	v21 =	vld.idx.msk [tilespmem:v21+s18+$0x0], $0xffff;
	s14 =	sor.u32 $0x1C00, s14;
	v22 =	vor.u32 v8, v22  }
0x4c3: {  	v23 =	vor.u32 s14, v17;
	_ =	sdelay $0x3  }
0x4c4: {  	[tilespmem:v22+s4+$0x0] =	vst.idx.msk $0xffff, v21  }
0x4c5: {  	v21 =	vld.idx.msk [tilespmem:v23+s31+$0x0], $0xffff;
	_ =	sdelay $0x1  }
0x4c6: {  	v22 =	vmov s0  }
0x4c7: {  	v22 =	vshll.u32 v22, $0x3  }
0x4c8: {  	s30 =	sshll.u32 s28, $0xA;
	v22 =	vor.u32 v18, v22  }
0x4c9: {  	v22 =	vor.u32 s30, v22;
	v21 =	vand.u32 $0x7, v21  }
0x4ca: {  	v21 =	vor.u32 v21, v22  }
0x4cb: {  	v21 =	vor.u32 v20, v21;
	_ =	sdelay $0x2  }
0x4cc: {  	v22 =	vmov s30  }
0x4cd: {  	v22 =	vor.u32 s0, v22  }
0x4ce: {  	v22 =	vor.u32 v8, v22;
	v21 =	vld.idx.msk [tilespmem:v21+s18+$0x0], $0xffff;
	_ =	sdelay $0x4  }
0x4cf: {  	s17 =	simm.s32 $0x7000;
	s14 =	simm.s32 $0x10C00;
	[tilespmem:v22+s4+$0x0] =	vst.idx.msk $0xffff, v21  }
0x4d0: {  	[tilespmem:s14], [sflag:$0x2] =	stream.indirect.gather [hbm4b:s1+s16], $0x8, s17, s16, $0xb8;
	[tilespmem:$0x1CC00] =	vst v63  }
0x4d1: {  	s21 =	simm.s32 $0x12C00;
	s23 =	simm.s32 $0xB000  }
0x4d2: {  	[tilespmem:s21], [sflag:$0x2] =	stream.indirect.gather [hbm4b:s1+s16], $0x8, s23, s16, $0xb8;
	[tilespmem:$0x1CC00] =	vst v63  }
0x4d3: {  	s30 =	simm.s32 $0x7080  }
0x4d4: {  	[tilespmem:s12], [sflag:$0x2] =	stream.indirect.gather [hbm4b:s1+s16], $0x8, s30, s16, $0xb8;
	[tilespmem:$0x1CC00] =	vst v63  }
0x4d5: {  	s14 =	simm.s32 $0xB080  }
0x4d6: {  	[tilespmem:s25], [sflag:$0x2] =	stream.indirect.gather [hbm4b:s1+s16], $0x8, s14, s16, $0xb8;
	[tilespmem:$0x1CC00] =	vst v63  }
0x4d7: {  	s17 =	simm.s32 $0x7100  }
0x4d8: {  	[tilespmem:s5], [sflag:$0x2] =	stream.indirect.gather [hbm4b:s1+s16], $0x8, s17, s16, $0xb8;
	[tilespmem:$0x1CC00] =	vst v63  }
0x4d9: {  	s21 =	simm.s32 $0xB100  }
0x4da: {  	[tilespmem:s6], [sflag:$0x2] =	stream.indirect.gather [hbm4b:s1+s16], $0x8, s21, s16, $0xb8;
	[tilespmem:$0x1CC00] =	vst v63  }
0x4db: {  	s23 =	simm.s32 $0x7180  }
0x4dc: {  	[tilespmem:s7], [sflag:$0x2] =	stream.indirect.gather [hbm4b:s1+s16], $0x8, s23, s16, $0xb8;
	[tilespmem:$0x1CC00] =	vst v63  }
0x4dd: {  	s30 =	simm.s32 $0xB180  }
0x4de: {  	[tilespmem:s8], [sflag:$0x2] =	stream.indirect.gather [hbm4b:s1+s16], $0x8, s30, s16, $0xb8;
	[tilespmem:$0x1CC00] =	vst v63  }
0x4df: {  	s14 =	simm.s32 $0x7200  }
0x4e0: {  	[tilespmem:s9], [sflag:$0x2] =	stream.indirect.gather [hbm4b:s1+s16], $0x8, s14, s16, $0xb8;
	[tilespmem:$0x1CC00] =	vst v63  }
0x4e1: {  	s17 =	simm.s32 $0xB200  }
0x4e2: {  	[tilespmem:s10], [sflag:$0x2] =	stream.indirect.gather [hbm4b:s1+s16], $0x8, s17, s16, $0xb8;
	[tilespmem:$0x1CC00] =	vst v63  }
0x4e3: {  	s21 =	simm.s32 $0x7280  }
0x4e4: {  	[tilespmem:s11], [sflag:$0x2] =	stream.indirect.gather [hbm4b:s1+s16], $0x8, s21, s16, $0xb8;
	[tilespmem:$0x1CC00] =	vst v63  }
0x4e5: {  	s23 =	simm.s32 $0xB280  }
0x4e6: {  	[tilespmem:s3], [sflag:$0x2] =	stream.indirect.gather [hbm4b:s1+s16], $0x8, s23, s16, $0xb8;
	[tilespmem:$0x1CC00] =	vst v63  }
0x4e7: {  	s30 =	simm.s32 $0x7300  }
0x4e8: {  	[tilespmem:s20], [sflag:$0x2] =	stream.indirect.gather [hbm4b:s1+s16], $0x8, s30, s16, $0xb8;
	[tilespmem:$0x1CC00] =	vst v63  }
0x4e9: {  	s14 =	simm.s32 $0xB300  }
0x4ea: {  	[tilespmem:s22], [sflag:$0x2] =	stream.indirect.gather [hbm4b:s1+s16], $0x8, s14, s16, $0xb8;
	[tilespmem:$0x1CC00] =	vst v63  }
0x4eb: {  	s17 =	simm.s32 $0x7380  }
0x4ec: {  	[tilespmem:s24], [sflag:$0x2] =	stream.indirect.gather [hbm4b:s1+s16], $0x8, s17, s16, $0xb8;
	[tilespmem:$0x1CC00] =	vst v63  }
0x4ed: {  	s21 =	simm.s32 $0xB380  }
0x4ee: {  	[tilespmem:s26], [sflag:$0x2] =	stream.indirect.gather [hbm4b:s1+s16], $0x8, s21, s16, $0xb8;
	[tilespmem:$0x1CC00] =	vst v63  }
0x4ef: {  	_ =	swait.ge [sflag:s29], $0x400  }
0x4f0: {  	[sflag:s29] =	ssyncset.done $0x0  }
0x4f1: {  	[sflag:s29] =	ssyncadd.s32 $0xFFFFFC00  }
0x4f2: {  	_ =	swait.ge [sflag:s29], $0x400  }
0x4f3: {  	[sflag:s29] =	ssyncset.done $0x0  }
0x4f4: {  	[sflag:s29] =	ssyncadd.s32 $0xFFFFFC00  }
0x4f5: {  	_ =	swait.ge [sflag:s29], $0x400  }
0x4f6: {  	[sflag:s29] =	ssyncset.done $0x0  }
0x4f7: {  	[sflag:s29] =	ssyncadd.s32 $0xFFFFFC00  }
0x4f8: {  	_ =	swait.ge [sflag:s29], $0x400  }
0x4f9: {  	[sflag:s29] =	ssyncset.done $0x0  }
0x4fa: {  	[sflag:s29] =	ssyncadd.s32 $0xFFFFFC00  }
0x4fb: {  	_ =	swait.ge [sflag:s29], $0x400  }
0x4fc: {  	[sflag:s29] =	ssyncset.done $0x0  }
0x4fd: {  	[sflag:s29] =	ssyncadd.s32 $0xFFFFFC00  }
0x4fe: {  	_ =	swait.ge [sflag:s29], $0x400  }
0x4ff: {  	[sflag:s29] =	ssyncset.done $0x0  }
0x500: {  	[sflag:s29] =	ssyncadd.s32 $0xFFFFFC00  }
0x501: {  	_ =	swait.ge [sflag:s29], $0x400  }
0x502: {  	[sflag:s29] =	ssyncset.done $0x0  }
0x503: {  	[sflag:s29] =	ssyncadd.s32 $0xFFFFFC00  }
0x504: {  	_ =	swait.ge [sflag:s29], $0x400  }
0x505: {  	[sflag:s29] =	ssyncset.done $0x0  }
0x506: {  	[sflag:s29] =	ssyncadd.s32 $0xFFFFFC00  }
0x507: {  	_ =	swait.ge [sflag:s29], $0x400  }
0x508: {  	[sflag:s29] =	ssyncset.done $0x0  }
0x509: {  	[sflag:s29] =	ssyncadd.s32 $0xFFFFFC00  }
0x50a: {  	_ =	swait.ge [sflag:s29], $0x400  }
0x50b: {  	[sflag:s29] =	ssyncset.done $0x0  }
0x50c: {  	[sflag:s29] =	ssyncadd.s32 $0xFFFFFC00  }
0x50d: {  	_ =	swait.ge [sflag:s29], $0x400  }
0x50e: {  	[sflag:s29] =	ssyncset.done $0x0  }
0x50f: {  	[sflag:s29] =	ssyncadd.s32 $0xFFFFFC00  }
0x510: {  	_ =	swait.ge [sflag:s29], $0x400  }
0x511: {  	[sflag:s29] =	ssyncset.done $0x0  }
0x512: {  	[sflag:s29] =	ssyncadd.s32 $0xFFFFFC00  }
0x513: {  	_ =	swait.ge [sflag:s29], $0x400  }
0x514: {  	[sflag:s29] =	ssyncset.done $0x0  }
0x515: {  	[sflag:s29] =	ssyncadd.s32 $0xFFFFFC00  }
0x516: {  	s23 =	simm.s32 $0x0;
	_ =	swait.ge [sflag:s29], $0x400  }
0x517: {  	s23 =	sand.u32 $0x78, s23;
	s30 =	simm.s32 $0x0;
	[sflag:s29] =	ssyncset.done $0x0  }
0x518: {  	s0 =	sor.u32 s23, s30;
	[sflag:s29] =	ssyncadd.s32 $0xFFFFFC00  }
0x519: {  	s0 =	sor.u32 $0x2000, s0;
	_ =	swait.ge [sflag:s29], $0x400  }
0x51a: {  	v21 =	vor.u32 s0, v17;
	[sflag:s29] =	ssyncset.done $0x0  }
0x51b: {  	[sflag:s29] =	ssyncadd.s32 $0xFFFFFC00  }
0x51c: {  	_ =	swait.ge [sflag:s29], $0x400  }
0x51d: {  	[sflag:s29] =	ssyncset.done $0x0  }
0x51e: {  	[sflag:s29] =	ssyncadd.s32 $0xFFFFFC00  }
0x51f: {  	v21 =	vld.idx.msk [tilespmem:v21+s31+$0x0], $0xffff;
	_ =	sdelay $0x1  }
0x520: {  	v22 =	vmov s23  }
0x521: {  	v22 =	vshll.u32 v22, $0x3  }
0x522: {  	v22 =	vor.u32 v18, v22;
	s21 =	simm.s32 $0x0  }
0x523: {  	v22 =	vor.u32 s21, v22;
	v21 =	vand.u32 $0x7, v21  }
0x524: {  	v21 =	vor.u32 v21, v22  }
0x525: {  	v21 =	vor.u32 v19, v21;
	_ =	sdelay $0x2  }
0x526: {  	s28 =	simm.s32 $0x0;
	s14 =	simm.s32 $0x2;
	s0 =	simm.s32 $0x8  }
.LBB2_23:
0x527: {  	p0 =	sne.s32 s14, $0x7F;
	s17 =	sand.u32 $0x78, s0;
	s30 =	sshll.u32 s28, $0x7;
	v22 =	vmov s21  }
0x528: {  	s21 =	sor.u32 s17, s30;
	v21 =	vld.idx.msk [tilespmem:v21+s18+$0x0], $0xffff;
	v22 =	vor.u32 s23, v22;
	s23 =	smov.u32 s17  }
0x529: {  	s17 =	sor.u32 $0x2000, s21;
	v22 =	vor.u32 v9, v22  }
0x52a: {  	v23 =	vor.u32 s17, v17;
	_ =	sdelay $0x3  }
0x52b: {  	[tilespmem:v22+s4+$0x0] =	vst.idx.msk $0xffff, v21  }
0x52c: {  	v21 =	vld.idx.msk [tilespmem:v23+s31+$0x0], $0xffff;
	_ =	sdelay $0x2  }
0x52d: {  	v22 =	vmov s23  }
0x52e: {  	v22 =	vshll.u32 v22, $0x3  }
0x52f: {  	s21 =	sshll.u32 s28, $0xA;
	v22 =	vor.u32 v18, v22  }
0x530: {  	v22 =	vor.u32 s21, v22;
	v21 =	vand.u32 $0x7, v21  }
.Ltmp10:
0x531: {  	v21 =	vor.u32 v21, v22;
	(pc) =	sbr.rel @p0 .LBB2_23-.Ltmp10, $2  }
0x532: {  	v21 =	vor.u32 v19, v21;
	_ =	sdelay $0x2  }
0x533: {  	s0 =	sadd.s32 $0x8, s0;
	s28 =	sshrl.u32 s14, $0x4;
	s14 =	sadd.s32 $0x1, s14  }
0x534: {  	_ =	sdelay $0x1  }
0x535: {  	s0 =	sand.u32 $0x78, s0;
	s14 =	sshll.u32 s28, $0x7;
	v22 =	vmov s21  }
0x536: {  	s14 =	sor.u32 s0, s14;
	v22 =	vor.u32 s23, v22  }
0x537: {  	v21 =	vld.idx.msk [tilespmem:v21+s18+$0x0], $0xffff;
	s14 =	sor.u32 $0x2000, s14;
	v22 =	vor.u32 v9, v22  }
0x538: {  	v23 =	vor.u32 s14, v17;
	_ =	sdelay $0x3  }
0x539: {  	[tilespmem:v22+s4+$0x0] =	vst.idx.msk $0xffff, v21  }
0x53a: {  	v21 =	vld.idx.msk [tilespmem:v23+s31+$0x0], $0xffff;
	_ =	sdelay $0x1  }
0x53b: {  	v22 =	vmov s0  }
0x53c: {  	v22 =	vshll.u32 v22, $0x3  }
0x53d: {  	s30 =	sshll.u32 s28, $0xA;
	v22 =	vor.u32 v18, v22  }
0x53e: {  	v22 =	vor.u32 s30, v22;
	v21 =	vand.u32 $0x7, v21  }
0x53f: {  	v21 =	vor.u32 v21, v22  }
0x540: {  	v21 =	vor.u32 v19, v21;
	_ =	sdelay $0x2  }
0x541: {  	v22 =	vmov s30  }
0x542: {  	v22 =	vor.u32 s0, v22  }
0x543: {  	v22 =	vor.u32 v9, v22;
	v21 =	vld.idx.msk [tilespmem:v21+s18+$0x0], $0xffff;
	_ =	sdelay $0x4  }
0x544: {  	s14 =	simm.s32 $0x7400;
	[tilespmem:v22+s4+$0x0] =	vst.idx.msk $0xffff, v21  }
0x545: {  	[tilespmem:s18], [sflag:$0x1] =	stream.indirect.gather [hbm4b:s1+s16], $0x8, s14, s16, $0xb8;
	[tilespmem:$0x1CC00] =	vst v63  }
0x546: {  	s17 =	simm.s32 $0xEC00;
	s21 =	simm.s32 $0xB400  }
0x547: {  	[tilespmem:s17], [sflag:$0x1] =	stream.indirect.gather [hbm4b:s1+s16], $0x8, s21, s16, $0xb8;
	[tilespmem:$0x1CC00] =	vst v63  }
0x548: {  	s23 =	simm.s32 $0xD000;
	s30 =	simm.s32 $0x7480  }
0x549: {  	[tilespmem:s23], [sflag:$0x1] =	stream.indirect.gather [hbm4b:s1+s16], $0x8, s30, s16, $0xb8;
	[tilespmem:$0x1CC00] =	vst v63  }
0x54a: {  	s17 =	simm.s32 $0xF000;
	s21 =	simm.s32 $0xB480  }
0x54b: {  	[tilespmem:s17], [sflag:$0x1] =	stream.indirect.gather [hbm4b:s1+s16], $0x8, s21, s16, $0xb8;
	[tilespmem:$0x1CC00] =	vst v63  }
0x54c: {  	s23 =	simm.s32 $0xD400;
	s30 =	simm.s32 $0x7500  }
0x54d: {  	[tilespmem:s23], [sflag:$0x1] =	stream.indirect.gather [hbm4b:s1+s16], $0x8, s30, s16, $0xb8;
	[tilespmem:$0x1CC00] =	vst v63  }
0x54e: {  	s17 =	simm.s32 $0xF400;
	s21 =	simm.s32 $0xB500  }
0x54f: {  	[tilespmem:s17], [sflag:$0x1] =	stream.indirect.gather [hbm4b:s1+s16], $0x8, s21, s16, $0xb8;
	[tilespmem:$0x1CC00] =	vst v63  }
0x550: {  	s23 =	simm.s32 $0xD800;
	s30 =	simm.s32 $0x7580  }
0x551: {  	[tilespmem:s23], [sflag:$0x1] =	stream.indirect.gather [hbm4b:s1+s16], $0x8, s30, s16, $0xb8;
	[tilespmem:$0x1CC00] =	vst v63  }
0x552: {  	s17 =	simm.s32 $0xF800;
	s21 =	simm.s32 $0xB580  }
0x553: {  	[tilespmem:s17], [sflag:$0x1] =	stream.indirect.gather [hbm4b:s1+s16], $0x8, s21, s16, $0xb8;
	[tilespmem:$0x1CC00] =	vst v63  }
0x554: {  	s23 =	simm.s32 $0xDC00;
	s30 =	simm.s32 $0x7600  }
0x555: {  	[tilespmem:s23], [sflag:$0x1] =	stream.indirect.gather [hbm4b:s1+s16], $0x8, s30, s16, $0xb8;
	[tilespmem:$0x1CC00] =	vst v63  }
0x556: {  	s17 =	simm.s32 $0xFC00;
	s21 =	simm.s32 $0xB600  }
0x557: {  	[tilespmem:s17], [sflag:$0x1] =	stream.indirect.gather [hbm4b:s1+s16], $0x8, s21, s16, $0xb8;
	[tilespmem:$0x1CC00] =	vst v63  }
0x558: {  	s23 =	simm.s32 $0xE000;
	s30 =	simm.s32 $0x7680  }
0x559: {  	[tilespmem:s23], [sflag:$0x1] =	stream.indirect.gather [hbm4b:s1+s16], $0x8, s30, s16, $0xb8;
	[tilespmem:$0x1CC00] =	vst v63  }
0x55a: {  	s17 =	simm.s32 $0x10000;
	s21 =	simm.s32 $0xB680  }
0x55b: {  	[tilespmem:s17], [sflag:$0x1] =	stream.indirect.gather [hbm4b:s1+s16], $0x8, s21, s16, $0xb8;
	[tilespmem:$0x1CC00] =	vst v63  }
0x55c: {  	s23 =	simm.s32 $0xE400;
	s30 =	simm.s32 $0x7700  }
0x55d: {  	[tilespmem:s23], [sflag:$0x1] =	stream.indirect.gather [hbm4b:s1+s16], $0x8, s30, s16, $0xb8;
	[tilespmem:$0x1CC00] =	vst v63  }
0x55e: {  	s17 =	simm.s32 $0x10400;
	s21 =	simm.s32 $0xB700  }
0x55f: {  	[tilespmem:s17], [sflag:$0x1] =	stream.indirect.gather [hbm4b:s1+s16], $0x8, s21, s16, $0xb8;
	[tilespmem:$0x1CC00] =	vst v63  }
0x560: {  	s23 =	simm.s32 $0xE800;
	s30 =	simm.s32 $0x7780  }
0x561: {  	[tilespmem:s23], [sflag:$0x1] =	stream.indirect.gather [hbm4b:s1+s16], $0x8, s30, s16, $0xb8;
	[tilespmem:$0x1CC00] =	vst v63  }
0x562: {  	s17 =	simm.s32 $0x10800;
	s21 =	simm.s32 $0xB780  }
0x563: {  	[tilespmem:s17], [sflag:$0x1] =	stream.indirect.gather [hbm4b:s1+s16], $0x8, s21, s16, $0xb8;
	[tilespmem:$0x1CC00] =	vst v63  }
0x564: {  	_ =	swait.ge [sflag:s2], $0x400  }
0x565: {  	[sflag:s2] =	ssyncset.done $0x0  }
0x566: {  	[sflag:s2] =	ssyncadd.s32 $0xFFFFFC00  }
0x567: {  	_ =	swait.ge [sflag:s2], $0x400  }
0x568: {  	[sflag:s2] =	ssyncset.done $0x0  }
0x569: {  	[sflag:s2] =	ssyncadd.s32 $0xFFFFFC00  }
0x56a: {  	_ =	swait.ge [sflag:s2], $0x400  }
0x56b: {  	[sflag:s2] =	ssyncset.done $0x0  }
0x56c: {  	[sflag:s2] =	ssyncadd.s32 $0xFFFFFC00  }
0x56d: {  	_ =	swait.ge [sflag:s2], $0x400  }
0x56e: {  	[sflag:s2] =	ssyncset.done $0x0  }
0x56f: {  	[sflag:s2] =	ssyncadd.s32 $0xFFFFFC00  }
0x570: {  	_ =	swait.ge [sflag:s2], $0x400  }
0x571: {  	[sflag:s2] =	ssyncset.done $0x0  }
0x572: {  	[sflag:s2] =	ssyncadd.s32 $0xFFFFFC00  }
0x573: {  	_ =	swait.ge [sflag:s2], $0x400  }
0x574: {  	[sflag:s2] =	ssyncset.done $0x0  }
0x575: {  	[sflag:s2] =	ssyncadd.s32 $0xFFFFFC00  }
0x576: {  	_ =	swait.ge [sflag:s2], $0x400  }
0x577: {  	[sflag:s2] =	ssyncset.done $0x0  }
0x578: {  	[sflag:s2] =	ssyncadd.s32 $0xFFFFFC00  }
0x579: {  	_ =	swait.ge [sflag:s2], $0x400  }
0x57a: {  	[sflag:s2] =	ssyncset.done $0x0  }
0x57b: {  	[sflag:s2] =	ssyncadd.s32 $0xFFFFFC00  }
0x57c: {  	_ =	swait.ge [sflag:s2], $0x400  }
0x57d: {  	[sflag:s2] =	ssyncset.done $0x0  }
0x57e: {  	[sflag:s2] =	ssyncadd.s32 $0xFFFFFC00  }
0x57f: {  	_ =	swait.ge [sflag:s2], $0x400  }
0x580: {  	[sflag:s2] =	ssyncset.done $0x0  }
0x581: {  	[sflag:s2] =	ssyncadd.s32 $0xFFFFFC00  }
0x582: {  	_ =	swait.ge [sflag:s2], $0x400  }
0x583: {  	[sflag:s2] =	ssyncset.done $0x0  }
0x584: {  	[sflag:s2] =	ssyncadd.s32 $0xFFFFFC00  }
0x585: {  	_ =	swait.ge [sflag:s2], $0x400  }
0x586: {  	[sflag:s2] =	ssyncset.done $0x0  }
0x587: {  	[sflag:s2] =	ssyncadd.s32 $0xFFFFFC00  }
0x588: {  	_ =	swait.ge [sflag:s2], $0x400  }
0x589: {  	[sflag:s2] =	ssyncset.done $0x0  }
0x58a: {  	[sflag:s2] =	ssyncadd.s32 $0xFFFFFC00  }
0x58b: {  	s23 =	simm.s32 $0x0;
	_ =	swait.ge [sflag:s2], $0x400  }
0x58c: {  	s30 =	simm.s32 $0x0;
	s23 =	sand.u32 $0x78, s23;
	[sflag:s2] =	ssyncset.done $0x0  }
0x58d: {  	s0 =	sor.u32 s23, s30;
	[sflag:s2] =	ssyncadd.s32 $0xFFFFFC00  }
0x58e: {  	s0 =	sor.u32 $0x2400, s0;
	_ =	swait.ge [sflag:s2], $0x400  }
0x58f: {  	v21 =	vor.u32 s0, v17;
	[sflag:s2] =	ssyncset.done $0x0  }
0x590: {  	[sflag:s2] =	ssyncadd.s32 $0xFFFFFC00  }
0x591: {  	_ =	swait.ge [sflag:s2], $0x400  }
0x592: {  	[sflag:s2] =	ssyncset.done $0x0  }
0x593: {  	[sflag:s2] =	ssyncadd.s32 $0xFFFFFC00  }
0x594: {  	v21 =	vld.idx.msk [tilespmem:v21+s31+$0x0], $0xffff;
	_ =	sdelay $0x1  }
0x595: {  	v22 =	vmov s23  }
0x596: {  	v22 =	vshll.u32 v22, $0x3  }
0x597: {  	s21 =	simm.s32 $0x0;
	v22 =	vor.u32 v18, v22  }
0x598: {  	v22 =	vor.u32 s21, v22;
	v21 =	vand.u32 $0x7, v21  }
0x599: {  	v21 =	vor.u32 v21, v22  }
0x59a: {  	v21 =	vor.u32 v20, v21;
	_ =	sdelay $0x2  }
0x59b: {  	s28 =	simm.s32 $0x0;
	s14 =	simm.s32 $0x2;
	s0 =	simm.s32 $0x8  }
.LBB2_25:
0x59c: {  	p0 =	sne.s32 s14, $0x7F;
	s17 =	sand.u32 $0x78, s0;
	s30 =	sshll.u32 s28, $0x7;
	v22 =	vmov s21  }
0x59d: {  	s21 =	sor.u32 s17, s30;
	v21 =	vld.idx.msk [tilespmem:v21+s18+$0x0], $0xffff;
	v22 =	vor.u32 s23, v22;
	s23 =	smov.u32 s17  }
0x59e: {  	s17 =	sor.u32 $0x2400, s21;
	v22 =	vor.u32 v10, v22  }
0x59f: {  	v23 =	vor.u32 s17, v17;
	_ =	sdelay $0x3  }
0x5a0: {  	[tilespmem:v22+s4+$0x0] =	vst.idx.msk $0xffff, v21  }
0x5a1: {  	v21 =	vld.idx.msk [tilespmem:v23+s31+$0x0], $0xffff;
	_ =	sdelay $0x2  }
0x5a2: {  	v22 =	vmov s23  }
0x5a3: {  	v22 =	vshll.u32 v22, $0x3  }
0x5a4: {  	s21 =	sshll.u32 s28, $0xA;
	v22 =	vor.u32 v18, v22  }
0x5a5: {  	v22 =	vor.u32 s21, v22;
	v21 =	vand.u32 $0x7, v21  }
.Ltmp11:
0x5a6: {  	v21 =	vor.u32 v21, v22;
	(pc) =	sbr.rel @p0 .LBB2_25-.Ltmp11, $2  }
0x5a7: {  	v21 =	vor.u32 v20, v21;
	_ =	sdelay $0x2  }
0x5a8: {  	s0 =	sadd.s32 $0x8, s0;
	s28 =	sshrl.u32 s14, $0x4;
	s14 =	sadd.s32 $0x1, s14  }
0x5a9: {  	_ =	sdelay $0x1  }
0x5aa: {  	s0 =	sand.u32 $0x78, s0;
	s14 =	sshll.u32 s28, $0x7;
	v22 =	vmov s21  }
0x5ab: {  	s14 =	sor.u32 s0, s14;
	v22 =	vor.u32 s23, v22  }
0x5ac: {  	v21 =	vld.idx.msk [tilespmem:v21+s18+$0x0], $0xffff;
	s14 =	sor.u32 $0x2400, s14;
	v22 =	vor.u32 v10, v22  }
0x5ad: {  	v23 =	vor.u32 s14, v17;
	_ =	sdelay $0x3  }
0x5ae: {  	[tilespmem:v22+s4+$0x0] =	vst.idx.msk $0xffff, v21  }
0x5af: {  	v21 =	vld.idx.msk [tilespmem:v23+s31+$0x0], $0xffff;
	_ =	sdelay $0x1  }
0x5b0: {  	v22 =	vmov s0  }
0x5b1: {  	v22 =	vshll.u32 v22, $0x3  }
0x5b2: {  	s30 =	sshll.u32 s28, $0xA;
	v22 =	vor.u32 v18, v22  }
0x5b3: {  	v22 =	vor.u32 s30, v22;
	v21 =	vand.u32 $0x7, v21  }
0x5b4: {  	v21 =	vor.u32 v21, v22  }
0x5b5: {  	v21 =	vor.u32 v20, v21;
	_ =	sdelay $0x2  }
0x5b6: {  	v22 =	vmov s30  }
0x5b7: {  	v22 =	vor.u32 s0, v22  }
0x5b8: {  	v22 =	vor.u32 v10, v22;
	v21 =	vld.idx.msk [tilespmem:v21+s18+$0x0], $0xffff;
	_ =	sdelay $0x4  }
0x5b9: {  	s17 =	simm.s32 $0x7800;
	s14 =	simm.s32 $0x10C00;
	[tilespmem:v22+s4+$0x0] =	vst.idx.msk $0xffff, v21  }
0x5ba: {  	[tilespmem:s14], [sflag:$0x2] =	stream.indirect.gather [hbm4b:s1+s16], $0x8, s17, s16, $0xb8;
	[tilespmem:$0x1CC00] =	vst v63  }
0x5bb: {  	s21 =	simm.s32 $0x12C00;
	s23 =	simm.s32 $0xB800  }
0x5bc: {  	[tilespmem:s21], [sflag:$0x2] =	stream.indirect.gather [hbm4b:s1+s16], $0x8, s23, s16, $0xb8;
	[tilespmem:$0x1CC00] =	vst v63  }
0x5bd: {  	s30 =	simm.s32 $0x7880  }
0x5be: {  	[tilespmem:s12], [sflag:$0x2] =	stream.indirect.gather [hbm4b:s1+s16], $0x8, s30, s16, $0xb8;
	[tilespmem:$0x1CC00] =	vst v63  }
0x5bf: {  	s14 =	simm.s32 $0xB880  }
0x5c0: {  	[tilespmem:s25], [sflag:$0x2] =	stream.indirect.gather [hbm4b:s1+s16], $0x8, s14, s16, $0xb8;
	[tilespmem:$0x1CC00] =	vst v63  }
0x5c1: {  	s17 =	simm.s32 $0x7900  }
0x5c2: {  	[tilespmem:s5], [sflag:$0x2] =	stream.indirect.gather [hbm4b:s1+s16], $0x8, s17, s16, $0xb8;
	[tilespmem:$0x1CC00] =	vst v63  }
0x5c3: {  	s21 =	simm.s32 $0xB900  }
0x5c4: {  	[tilespmem:s6], [sflag:$0x2] =	stream.indirect.gather [hbm4b:s1+s16], $0x8, s21, s16, $0xb8;
	[tilespmem:$0x1CC00] =	vst v63  }
0x5c5: {  	s23 =	simm.s32 $0x7980  }
0x5c6: {  	[tilespmem:s7], [sflag:$0x2] =	stream.indirect.gather [hbm4b:s1+s16], $0x8, s23, s16, $0xb8;
	[tilespmem:$0x1CC00] =	vst v63  }
0x5c7: {  	s30 =	simm.s32 $0xB980  }
0x5c8: {  	[tilespmem:s8], [sflag:$0x2] =	stream.indirect.gather [hbm4b:s1+s16], $0x8, s30, s16, $0xb8;
	[tilespmem:$0x1CC00] =	vst v63  }
0x5c9: {  	s14 =	simm.s32 $0x7A00  }
0x5ca: {  	[tilespmem:s9], [sflag:$0x2] =	stream.indirect.gather [hbm4b:s1+s16], $0x8, s14, s16, $0xb8;
	[tilespmem:$0x1CC00] =	vst v63  }
0x5cb: {  	s17 =	simm.s32 $0xBA00  }
0x5cc: {  	[tilespmem:s10], [sflag:$0x2] =	stream.indirect.gather [hbm4b:s1+s16], $0x8, s17, s16, $0xb8;
	[tilespmem:$0x1CC00] =	vst v63  }
0x5cd: {  	s21 =	simm.s32 $0x7A80  }
0x5ce: {  	[tilespmem:s11], [sflag:$0x2] =	stream.indirect.gather [hbm4b:s1+s16], $0x8, s21, s16, $0xb8;
	[tilespmem:$0x1CC00] =	vst v63  }
0x5cf: {  	s23 =	simm.s32 $0xBA80  }
0x5d0: {  	[tilespmem:s3], [sflag:$0x2] =	stream.indirect.gather [hbm4b:s1+s16], $0x8, s23, s16, $0xb8;
	[tilespmem:$0x1CC00] =	vst v63  }
0x5d1: {  	s30 =	simm.s32 $0x7B00  }
0x5d2: {  	[tilespmem:s20], [sflag:$0x2] =	stream.indirect.gather [hbm4b:s1+s16], $0x8, s30, s16, $0xb8;
	[tilespmem:$0x1CC00] =	vst v63  }
0x5d3: {  	s14 =	simm.s32 $0xBB00  }
0x5d4: {  	[tilespmem:s22], [sflag:$0x2] =	stream.indirect.gather [hbm4b:s1+s16], $0x8, s14, s16, $0xb8;
	[tilespmem:$0x1CC00] =	vst v63  }
0x5d5: {  	s17 =	simm.s32 $0x7B80  }
0x5d6: {  	[tilespmem:s24], [sflag:$0x2] =	stream.indirect.gather [hbm4b:s1+s16], $0x8, s17, s16, $0xb8;
	[tilespmem:$0x1CC00] =	vst v63  }
0x5d7: {  	s21 =	simm.s32 $0xBB80  }
0x5d8: {  	[tilespmem:s26], [sflag:$0x2] =	stream.indirect.gather [hbm4b:s1+s16], $0x8, s21, s16, $0xb8;
	[tilespmem:$0x1CC00] =	vst v63  }
0x5d9: {  	_ =	swait.ge [sflag:s29], $0x400  }
0x5da: {  	[sflag:s29] =	ssyncset.done $0x0  }
0x5db: {  	[sflag:s29] =	ssyncadd.s32 $0xFFFFFC00  }
0x5dc: {  	_ =	swait.ge [sflag:s29], $0x400  }
0x5dd: {  	[sflag:s29] =	ssyncset.done $0x0  }
0x5de: {  	[sflag:s29] =	ssyncadd.s32 $0xFFFFFC00  }
0x5df: {  	_ =	swait.ge [sflag:s29], $0x400  }
0x5e0: {  	[sflag:s29] =	ssyncset.done $0x0  }
0x5e1: {  	[sflag:s29] =	ssyncadd.s32 $0xFFFFFC00  }
0x5e2: {  	_ =	swait.ge [sflag:s29], $0x400  }
0x5e3: {  	[sflag:s29] =	ssyncset.done $0x0  }
0x5e4: {  	[sflag:s29] =	ssyncadd.s32 $0xFFFFFC00  }
0x5e5: {  	_ =	swait.ge [sflag:s29], $0x400  }
0x5e6: {  	[sflag:s29] =	ssyncset.done $0x0  }
0x5e7: {  	[sflag:s29] =	ssyncadd.s32 $0xFFFFFC00  }
0x5e8: {  	_ =	swait.ge [sflag:s29], $0x400  }
0x5e9: {  	[sflag:s29] =	ssyncset.done $0x0  }
0x5ea: {  	[sflag:s29] =	ssyncadd.s32 $0xFFFFFC00  }
0x5eb: {  	_ =	swait.ge [sflag:s29], $0x400  }
0x5ec: {  	[sflag:s29] =	ssyncset.done $0x0  }
0x5ed: {  	[sflag:s29] =	ssyncadd.s32 $0xFFFFFC00  }
0x5ee: {  	_ =	swait.ge [sflag:s29], $0x400  }
0x5ef: {  	[sflag:s29] =	ssyncset.done $0x0  }
0x5f0: {  	[sflag:s29] =	ssyncadd.s32 $0xFFFFFC00  }
0x5f1: {  	_ =	swait.ge [sflag:s29], $0x400  }
0x5f2: {  	[sflag:s29] =	ssyncset.done $0x0  }
0x5f3: {  	[sflag:s29] =	ssyncadd.s32 $0xFFFFFC00  }
0x5f4: {  	_ =	swait.ge [sflag:s29], $0x400  }
0x5f5: {  	[sflag:s29] =	ssyncset.done $0x0  }
0x5f6: {  	[sflag:s29] =	ssyncadd.s32 $0xFFFFFC00  }
0x5f7: {  	_ =	swait.ge [sflag:s29], $0x400  }
0x5f8: {  	[sflag:s29] =	ssyncset.done $0x0  }
0x5f9: {  	[sflag:s29] =	ssyncadd.s32 $0xFFFFFC00  }
0x5fa: {  	_ =	swait.ge [sflag:s29], $0x400  }
0x5fb: {  	[sflag:s29] =	ssyncset.done $0x0  }
0x5fc: {  	[sflag:s29] =	ssyncadd.s32 $0xFFFFFC00  }
0x5fd: {  	_ =	swait.ge [sflag:s29], $0x400  }
0x5fe: {  	[sflag:s29] =	ssyncset.done $0x0  }
0x5ff: {  	[sflag:s29] =	ssyncadd.s32 $0xFFFFFC00  }
0x600: {  	s23 =	simm.s32 $0x0;
	_ =	swait.ge [sflag:s29], $0x400  }
0x601: {  	s23 =	sand.u32 $0x78, s23;
	s30 =	simm.s32 $0x0;
	[sflag:s29] =	ssyncset.done $0x0  }
0x602: {  	s0 =	sor.u32 s23, s30;
	[sflag:s29] =	ssyncadd.s32 $0xFFFFFC00  }
0x603: {  	s0 =	sor.u32 $0x2800, s0;
	_ =	swait.ge [sflag:s29], $0x400  }
0x604: {  	v21 =	vor.u32 s0, v17;
	[sflag:s29] =	ssyncset.done $0x0  }
0x605: {  	[sflag:s29] =	ssyncadd.s32 $0xFFFFFC00  }
0x606: {  	_ =	swait.ge [sflag:s29], $0x400  }
0x607: {  	[sflag:s29] =	ssyncset.done $0x0  }
0x608: {  	[sflag:s29] =	ssyncadd.s32 $0xFFFFFC00  }
0x609: {  	v21 =	vld.idx.msk [tilespmem:v21+s31+$0x0], $0xffff;
	_ =	sdelay $0x1  }
0x60a: {  	v22 =	vmov s23  }
0x60b: {  	v22 =	vshll.u32 v22, $0x3  }
0x60c: {  	v22 =	vor.u32 v18, v22;
	s21 =	simm.s32 $0x0  }
0x60d: {  	v22 =	vor.u32 s21, v22;
	v21 =	vand.u32 $0x7, v21  }
0x60e: {  	v21 =	vor.u32 v21, v22  }
0x60f: {  	v21 =	vor.u32 v19, v21;
	_ =	sdelay $0x2  }
0x610: {  	s28 =	simm.s32 $0x0;
	s14 =	simm.s32 $0x2;
	s0 =	simm.s32 $0x8  }
.LBB2_27:
0x611: {  	p0 =	sne.s32 s14, $0x7F;
	s17 =	sand.u32 $0x78, s0;
	s30 =	sshll.u32 s28, $0x7;
	v22 =	vmov s21  }
0x612: {  	s21 =	sor.u32 s17, s30;
	v21 =	vld.idx.msk [tilespmem:v21+s18+$0x0], $0xffff;
	v22 =	vor.u32 s23, v22;
	s23 =	smov.u32 s17  }
0x613: {  	s17 =	sor.u32 $0x2800, s21;
	v22 =	vor.u32 v11, v22  }
0x614: {  	v23 =	vor.u32 s17, v17;
	_ =	sdelay $0x3  }
0x615: {  	[tilespmem:v22+s4+$0x0] =	vst.idx.msk $0xffff, v21  }
0x616: {  	v21 =	vld.idx.msk [tilespmem:v23+s31+$0x0], $0xffff;
	_ =	sdelay $0x2  }
0x617: {  	v22 =	vmov s23  }
0x618: {  	v22 =	vshll.u32 v22, $0x3  }
0x619: {  	s21 =	sshll.u32 s28, $0xA;
	v22 =	vor.u32 v18, v22  }
0x61a: {  	v22 =	vor.u32 s21, v22;
	v21 =	vand.u32 $0x7, v21  }
.Ltmp12:
0x61b: {  	v21 =	vor.u32 v21, v22;
	(pc) =	sbr.rel @p0 .LBB2_27-.Ltmp12, $2  }
0x61c: {  	v21 =	vor.u32 v19, v21;
	_ =	sdelay $0x2  }
0x61d: {  	s0 =	sadd.s32 $0x8, s0;
	s28 =	sshrl.u32 s14, $0x4;
	s14 =	sadd.s32 $0x1, s14  }
0x61e: {  	_ =	sdelay $0x1  }
0x61f: {  	s0 =	sand.u32 $0x78, s0;
	s14 =	sshll.u32 s28, $0x7;
	v22 =	vmov s21  }
0x620: {  	s14 =	sor.u32 s0, s14;
	v22 =	vor.u32 s23, v22  }
0x621: {  	v21 =	vld.idx.msk [tilespmem:v21+s18+$0x0], $0xffff;
	s14 =	sor.u32 $0x2800, s14;
	v22 =	vor.u32 v11, v22  }
0x622: {  	v23 =	vor.u32 s14, v17;
	_ =	sdelay $0x3  }
0x623: {  	[tilespmem:v22+s4+$0x0] =	vst.idx.msk $0xffff, v21  }
0x624: {  	v21 =	vld.idx.msk [tilespmem:v23+s31+$0x0], $0xffff;
	_ =	sdelay $0x1  }
0x625: {  	v22 =	vmov s0  }
0x626: {  	v22 =	vshll.u32 v22, $0x3  }
0x627: {  	s30 =	sshll.u32 s28, $0xA;
	v22 =	vor.u32 v18, v22  }
0x628: {  	v22 =	vor.u32 s30, v22;
	v21 =	vand.u32 $0x7, v21  }
0x629: {  	v21 =	vor.u32 v21, v22  }
0x62a: {  	v21 =	vor.u32 v19, v21;
	_ =	sdelay $0x2  }
0x62b: {  	v22 =	vmov s30  }
0x62c: {  	v22 =	vor.u32 s0, v22  }
0x62d: {  	v22 =	vor.u32 v11, v22;
	v21 =	vld.idx.msk [tilespmem:v21+s18+$0x0], $0xffff;
	_ =	sdelay $0x4  }
0x62e: {  	s14 =	simm.s32 $0x7C00;
	[tilespmem:v22+s4+$0x0] =	vst.idx.msk $0xffff, v21  }
0x62f: {  	[tilespmem:s18], [sflag:$0x1] =	stream.indirect.gather [hbm4b:s1+s16], $0x8, s14, s16, $0xb8;
	[tilespmem:$0x1CC00] =	vst v63  }
0x630: {  	s17 =	simm.s32 $0xEC00;
	s21 =	simm.s32 $0xBC00  }
0x631: {  	[tilespmem:s17], [sflag:$0x1] =	stream.indirect.gather [hbm4b:s1+s16], $0x8, s21, s16, $0xb8;
	[tilespmem:$0x1CC00] =	vst v63  }
0x632: {  	s23 =	simm.s32 $0xD000;
	s30 =	simm.s32 $0x7C80  }
0x633: {  	[tilespmem:s23], [sflag:$0x1] =	stream.indirect.gather [hbm4b:s1+s16], $0x8, s30, s16, $0xb8;
	[tilespmem:$0x1CC00] =	vst v63  }
0x634: {  	s17 =	simm.s32 $0xF000;
	s21 =	simm.s32 $0xBC80  }
0x635: {  	[tilespmem:s17], [sflag:$0x1] =	stream.indirect.gather [hbm4b:s1+s16], $0x8, s21, s16, $0xb8;
	[tilespmem:$0x1CC00] =	vst v63  }
0x636: {  	s23 =	simm.s32 $0xD400;
	s30 =	simm.s32 $0x7D00  }
0x637: {  	[tilespmem:s23], [sflag:$0x1] =	stream.indirect.gather [hbm4b:s1+s16], $0x8, s30, s16, $0xb8;
	[tilespmem:$0x1CC00] =	vst v63  }
0x638: {  	s17 =	simm.s32 $0xF400;
	s21 =	simm.s32 $0xBD00  }
0x639: {  	[tilespmem:s17], [sflag:$0x1] =	stream.indirect.gather [hbm4b:s1+s16], $0x8, s21, s16, $0xb8;
	[tilespmem:$0x1CC00] =	vst v63  }
0x63a: {  	s23 =	simm.s32 $0xD800;
	s30 =	simm.s32 $0x7D80  }
0x63b: {  	[tilespmem:s23], [sflag:$0x1] =	stream.indirect.gather [hbm4b:s1+s16], $0x8, s30, s16, $0xb8;
	[tilespmem:$0x1CC00] =	vst v63  }
0x63c: {  	s17 =	simm.s32 $0xF800;
	s21 =	simm.s32 $0xBD80  }
0x63d: {  	[tilespmem:s17], [sflag:$0x1] =	stream.indirect.gather [hbm4b:s1+s16], $0x8, s21, s16, $0xb8;
	[tilespmem:$0x1CC00] =	vst v63  }
0x63e: {  	s23 =	simm.s32 $0xDC00;
	s30 =	simm.s32 $0x7E00  }
0x63f: {  	[tilespmem:s23], [sflag:$0x1] =	stream.indirect.gather [hbm4b:s1+s16], $0x8, s30, s16, $0xb8;
	[tilespmem:$0x1CC00] =	vst v63  }
0x640: {  	s17 =	simm.s32 $0xFC00;
	s21 =	simm.s32 $0xBE00  }
0x641: {  	[tilespmem:s17], [sflag:$0x1] =	stream.indirect.gather [hbm4b:s1+s16], $0x8, s21, s16, $0xb8;
	[tilespmem:$0x1CC00] =	vst v63  }
0x642: {  	s23 =	simm.s32 $0xE000;
	s30 =	simm.s32 $0x7E80  }
0x643: {  	[tilespmem:s23], [sflag:$0x1] =	stream.indirect.gather [hbm4b:s1+s16], $0x8, s30, s16, $0xb8;
	[tilespmem:$0x1CC00] =	vst v63  }
0x644: {  	s17 =	simm.s32 $0x10000;
	s21 =	simm.s32 $0xBE80  }
0x645: {  	[tilespmem:s17], [sflag:$0x1] =	stream.indirect.gather [hbm4b:s1+s16], $0x8, s21, s16, $0xb8;
	[tilespmem:$0x1CC00] =	vst v63  }
0x646: {  	s23 =	simm.s32 $0xE400;
	s30 =	simm.s32 $0x7F00  }
0x647: {  	[tilespmem:s23], [sflag:$0x1] =	stream.indirect.gather [hbm4b:s1+s16], $0x8, s30, s16, $0xb8;
	[tilespmem:$0x1CC00] =	vst v63  }
0x648: {  	s17 =	simm.s32 $0x10400;
	s21 =	simm.s32 $0xBF00  }
0x649: {  	[tilespmem:s17], [sflag:$0x1] =	stream.indirect.gather [hbm4b:s1+s16], $0x8, s21, s16, $0xb8;
	[tilespmem:$0x1CC00] =	vst v63  }
0x64a: {  	s23 =	simm.s32 $0xE800;
	s30 =	simm.s32 $0x7F80  }
0x64b: {  	[tilespmem:s23], [sflag:$0x1] =	stream.indirect.gather [hbm4b:s1+s16], $0x8, s30, s16, $0xb8;
	[tilespmem:$0x1CC00] =	vst v63  }
0x64c: {  	s17 =	simm.s32 $0x10800;
	s21 =	simm.s32 $0xBF80  }
0x64d: {  	[tilespmem:s17], [sflag:$0x1] =	stream.indirect.gather [hbm4b:s1+s16], $0x8, s21, s16, $0xb8;
	[tilespmem:$0x1CC00] =	vst v63  }
0x64e: {  	_ =	swait.ge [sflag:s2], $0x400  }
0x64f: {  	[sflag:s2] =	ssyncset.done $0x0  }
0x650: {  	[sflag:s2] =	ssyncadd.s32 $0xFFFFFC00  }
0x651: {  	_ =	swait.ge [sflag:s2], $0x400  }
0x652: {  	[sflag:s2] =	ssyncset.done $0x0  }
0x653: {  	[sflag:s2] =	ssyncadd.s32 $0xFFFFFC00  }
0x654: {  	_ =	swait.ge [sflag:s2], $0x400  }
0x655: {  	[sflag:s2] =	ssyncset.done $0x0  }
0x656: {  	[sflag:s2] =	ssyncadd.s32 $0xFFFFFC00  }
0x657: {  	_ =	swait.ge [sflag:s2], $0x400  }
0x658: {  	[sflag:s2] =	ssyncset.done $0x0  }
0x659: {  	[sflag:s2] =	ssyncadd.s32 $0xFFFFFC00  }
0x65a: {  	_ =	swait.ge [sflag:s2], $0x400  }
0x65b: {  	[sflag:s2] =	ssyncset.done $0x0  }
0x65c: {  	[sflag:s2] =	ssyncadd.s32 $0xFFFFFC00  }
0x65d: {  	_ =	swait.ge [sflag:s2], $0x400  }
0x65e: {  	[sflag:s2] =	ssyncset.done $0x0  }
0x65f: {  	[sflag:s2] =	ssyncadd.s32 $0xFFFFFC00  }
0x660: {  	_ =	swait.ge [sflag:s2], $0x400  }
0x661: {  	[sflag:s2] =	ssyncset.done $0x0  }
0x662: {  	[sflag:s2] =	ssyncadd.s32 $0xFFFFFC00  }
0x663: {  	_ =	swait.ge [sflag:s2], $0x400  }
0x664: {  	[sflag:s2] =	ssyncset.done $0x0  }
0x665: {  	[sflag:s2] =	ssyncadd.s32 $0xFFFFFC00  }
0x666: {  	_ =	swait.ge [sflag:s2], $0x400  }
0x667: {  	[sflag:s2] =	ssyncset.done $0x0  }
0x668: {  	[sflag:s2] =	ssyncadd.s32 $0xFFFFFC00  }
0x669: {  	_ =	swait.ge [sflag:s2], $0x400  }
0x66a: {  	[sflag:s2] =	ssyncset.done $0x0  }
0x66b: {  	[sflag:s2] =	ssyncadd.s32 $0xFFFFFC00  }
0x66c: {  	_ =	swait.ge [sflag:s2], $0x400  }
0x66d: {  	[sflag:s2] =	ssyncset.done $0x0  }
0x66e: {  	[sflag:s2] =	ssyncadd.s32 $0xFFFFFC00  }
0x66f: {  	_ =	swait.ge [sflag:s2], $0x400  }
0x670: {  	[sflag:s2] =	ssyncset.done $0x0  }
0x671: {  	[sflag:s2] =	ssyncadd.s32 $0xFFFFFC00  }
0x672: {  	_ =	swait.ge [sflag:s2], $0x400  }
0x673: {  	[sflag:s2] =	ssyncset.done $0x0  }
0x674: {  	[sflag:s2] =	ssyncadd.s32 $0xFFFFFC00  }
0x675: {  	s23 =	simm.s32 $0x0;
	_ =	swait.ge [sflag:s2], $0x400  }
0x676: {  	s30 =	simm.s32 $0x0;
	s23 =	sand.u32 $0x78, s23;
	[sflag:s2] =	ssyncset.done $0x0  }
0x677: {  	s0 =	sor.u32 s23, s30;
	[sflag:s2] =	ssyncadd.s32 $0xFFFFFC00  }
0x678: {  	s0 =	sor.u32 $0x2C00, s0;
	_ =	swait.ge [sflag:s2], $0x400  }
0x679: {  	v21 =	vor.u32 s0, v17;
	[sflag:s2] =	ssyncset.done $0x0  }
0x67a: {  	[sflag:s2] =	ssyncadd.s32 $0xFFFFFC00  }
0x67b: {  	_ =	swait.ge [sflag:s2], $0x400  }
0x67c: {  	[sflag:s2] =	ssyncset.done $0x0  }
0x67d: {  	[sflag:s2] =	ssyncadd.s32 $0xFFFFFC00  }
0x67e: {  	v21 =	vld.idx.msk [tilespmem:v21+s31+$0x0], $0xffff;
	_ =	sdelay $0x1  }
0x67f: {  	v22 =	vmov s23  }
0x680: {  	v22 =	vshll.u32 v22, $0x3  }
0x681: {  	s21 =	simm.s32 $0x0;
	v22 =	vor.u32 v18, v22  }
0x682: {  	v22 =	vor.u32 s21, v22;
	v21 =	vand.u32 $0x7, v21  }
0x683: {  	v21 =	vor.u32 v21, v22  }
0x684: {  	v21 =	vor.u32 v20, v21;
	_ =	sdelay $0x2  }
0x685: {  	s28 =	simm.s32 $0x0;
	s14 =	simm.s32 $0x2;
	s0 =	simm.s32 $0x8  }
.LBB2_29:
0x686: {  	p0 =	sne.s32 s14, $0x7F;
	s17 =	sand.u32 $0x78, s0;
	s30 =	sshll.u32 s28, $0x7;
	v22 =	vmov s21  }
0x687: {  	s21 =	sor.u32 s17, s30;
	v21 =	vld.idx.msk [tilespmem:v21+s18+$0x0], $0xffff;
	v22 =	vor.u32 s23, v22;
	s23 =	smov.u32 s17  }
0x688: {  	s17 =	sor.u32 $0x2C00, s21;
	v22 =	vor.u32 v12, v22  }
0x689: {  	v23 =	vor.u32 s17, v17;
	_ =	sdelay $0x3  }
0x68a: {  	[tilespmem:v22+s4+$0x0] =	vst.idx.msk $0xffff, v21  }
0x68b: {  	v21 =	vld.idx.msk [tilespmem:v23+s31+$0x0], $0xffff;
	_ =	sdelay $0x2  }
0x68c: {  	v22 =	vmov s23  }
0x68d: {  	v22 =	vshll.u32 v22, $0x3  }
0x68e: {  	s21 =	sshll.u32 s28, $0xA;
	v22 =	vor.u32 v18, v22  }
0x68f: {  	v22 =	vor.u32 s21, v22;
	v21 =	vand.u32 $0x7, v21  }
.Ltmp13:
0x690: {  	v21 =	vor.u32 v21, v22;
	(pc) =	sbr.rel @p0 .LBB2_29-.Ltmp13, $2  }
0x691: {  	v21 =	vor.u32 v20, v21;
	_ =	sdelay $0x2  }
0x692: {  	s0 =	sadd.s32 $0x8, s0;
	s28 =	sshrl.u32 s14, $0x4;
	s14 =	sadd.s32 $0x1, s14  }
0x693: {  	_ =	sdelay $0x1  }
0x694: {  	s0 =	sand.u32 $0x78, s0;
	s14 =	sshll.u32 s28, $0x7;
	v22 =	vmov s21  }
0x695: {  	s14 =	sor.u32 s0, s14;
	v22 =	vor.u32 s23, v22  }
0x696: {  	v21 =	vld.idx.msk [tilespmem:v21+s18+$0x0], $0xffff;
	s14 =	sor.u32 $0x2C00, s14;
	v22 =	vor.u32 v12, v22  }
0x697: {  	v23 =	vor.u32 s14, v17;
	_ =	sdelay $0x3  }
0x698: {  	[tilespmem:v22+s4+$0x0] =	vst.idx.msk $0xffff, v21  }
0x699: {  	v21 =	vld.idx.msk [tilespmem:v23+s31+$0x0], $0xffff;
	_ =	sdelay $0x1  }
0x69a: {  	v22 =	vmov s0  }
0x69b: {  	v22 =	vshll.u32 v22, $0x3  }
0x69c: {  	s30 =	sshll.u32 s28, $0xA;
	v22 =	vor.u32 v18, v22  }
0x69d: {  	v22 =	vor.u32 s30, v22;
	v21 =	vand.u32 $0x7, v21  }
0x69e: {  	v21 =	vor.u32 v21, v22  }
0x69f: {  	v21 =	vor.u32 v20, v21;
	_ =	sdelay $0x2  }
0x6a0: {  	v22 =	vmov s30  }
0x6a1: {  	v22 =	vor.u32 s0, v22  }
0x6a2: {  	v22 =	vor.u32 v12, v22;
	v21 =	vld.idx.msk [tilespmem:v21+s18+$0x0], $0xffff;
	_ =	sdelay $0x4  }
0x6a3: {  	s17 =	simm.s32 $0x8000;
	s14 =	simm.s32 $0x10C00;
	[tilespmem:v22+s4+$0x0] =	vst.idx.msk $0xffff, v21  }
0x6a4: {  	[tilespmem:s14], [sflag:$0x2] =	stream.indirect.gather [hbm4b:s1+s16], $0x8, s17, s16, $0xb8;
	[tilespmem:$0x1CC00] =	vst v63  }
0x6a5: {  	s21 =	simm.s32 $0x12C00;
	s23 =	simm.s32 $0xC000  }
0x6a6: {  	[tilespmem:s21], [sflag:$0x2] =	stream.indirect.gather [hbm4b:s1+s16], $0x8, s23, s16, $0xb8;
	[tilespmem:$0x1CC00] =	vst v63  }
0x6a7: {  	s30 =	simm.s32 $0x8080  }
0x6a8: {  	[tilespmem:s12], [sflag:$0x2] =	stream.indirect.gather [hbm4b:s1+s16], $0x8, s30, s16, $0xb8;
	[tilespmem:$0x1CC00] =	vst v63  }
0x6a9: {  	s14 =	simm.s32 $0xC080  }
0x6aa: {  	[tilespmem:s25], [sflag:$0x2] =	stream.indirect.gather [hbm4b:s1+s16], $0x8, s14, s16, $0xb8;
	[tilespmem:$0x1CC00] =	vst v63  }
0x6ab: {  	s17 =	simm.s32 $0x8100  }
0x6ac: {  	[tilespmem:s5], [sflag:$0x2] =	stream.indirect.gather [hbm4b:s1+s16], $0x8, s17, s16, $0xb8;
	[tilespmem:$0x1CC00] =	vst v63  }
0x6ad: {  	s21 =	simm.s32 $0xC100  }
0x6ae: {  	[tilespmem:s6], [sflag:$0x2] =	stream.indirect.gather [hbm4b:s1+s16], $0x8, s21, s16, $0xb8;
	[tilespmem:$0x1CC00] =	vst v63  }
0x6af: {  	s23 =	simm.s32 $0x8180  }
0x6b0: {  	[tilespmem:s7], [sflag:$0x2] =	stream.indirect.gather [hbm4b:s1+s16], $0x8, s23, s16, $0xb8;
	[tilespmem:$0x1CC00] =	vst v63  }
0x6b1: {  	s30 =	simm.s32 $0xC180  }
0x6b2: {  	[tilespmem:s8], [sflag:$0x2] =	stream.indirect.gather [hbm4b:s1+s16], $0x8, s30, s16, $0xb8;
	[tilespmem:$0x1CC00] =	vst v63  }
0x6b3: {  	s14 =	simm.s32 $0x8200  }
0x6b4: {  	[tilespmem:s9], [sflag:$0x2] =	stream.indirect.gather [hbm4b:s1+s16], $0x8, s14, s16, $0xb8;
	[tilespmem:$0x1CC00] =	vst v63  }
0x6b5: {  	s17 =	simm.s32 $0xC200  }
0x6b6: {  	[tilespmem:s10], [sflag:$0x2] =	stream.indirect.gather [hbm4b:s1+s16], $0x8, s17, s16, $0xb8;
	[tilespmem:$0x1CC00] =	vst v63  }
0x6b7: {  	s21 =	simm.s32 $0x8280  }
0x6b8: {  	[tilespmem:s11], [sflag:$0x2] =	stream.indirect.gather [hbm4b:s1+s16], $0x8, s21, s16, $0xb8;
	[tilespmem:$0x1CC00] =	vst v63  }
0x6b9: {  	s23 =	simm.s32 $0xC280  }
0x6ba: {  	[tilespmem:s3], [sflag:$0x2] =	stream.indirect.gather [hbm4b:s1+s16], $0x8, s23, s16, $0xb8;
	[tilespmem:$0x1CC00] =	vst v63  }
0x6bb: {  	s30 =	simm.s32 $0x8300  }
0x6bc: {  	[tilespmem:s20], [sflag:$0x2] =	stream.indirect.gather [hbm4b:s1+s16], $0x8, s30, s16, $0xb8;
	[tilespmem:$0x1CC00] =	vst v63  }
0x6bd: {  	s14 =	simm.s32 $0xC300  }
0x6be: {  	[tilespmem:s22], [sflag:$0x2] =	stream.indirect.gather [hbm4b:s1+s16], $0x8, s14, s16, $0xb8;
	[tilespmem:$0x1CC00] =	vst v63  }
0x6bf: {  	s17 =	simm.s32 $0x8380  }
0x6c0: {  	[tilespmem:s24], [sflag:$0x2] =	stream.indirect.gather [hbm4b:s1+s16], $0x8, s17, s16, $0xb8;
	[tilespmem:$0x1CC00] =	vst v63  }
0x6c1: {  	s21 =	simm.s32 $0xC380  }
0x6c2: {  	[tilespmem:s26], [sflag:$0x2] =	stream.indirect.gather [hbm4b:s1+s16], $0x8, s21, s16, $0xb8;
	[tilespmem:$0x1CC00] =	vst v63  }
0x6c3: {  	_ =	swait.ge [sflag:s29], $0x400  }
0x6c4: {  	[sflag:s29] =	ssyncset.done $0x0  }
0x6c5: {  	[sflag:s29] =	ssyncadd.s32 $0xFFFFFC00  }
0x6c6: {  	_ =	swait.ge [sflag:s29], $0x400  }
0x6c7: {  	[sflag:s29] =	ssyncset.done $0x0  }
0x6c8: {  	[sflag:s29] =	ssyncadd.s32 $0xFFFFFC00  }
0x6c9: {  	_ =	swait.ge [sflag:s29], $0x400  }
0x6ca: {  	[sflag:s29] =	ssyncset.done $0x0  }
0x6cb: {  	[sflag:s29] =	ssyncadd.s32 $0xFFFFFC00  }
0x6cc: {  	_ =	swait.ge [sflag:s29], $0x400  }
0x6cd: {  	[sflag:s29] =	ssyncset.done $0x0  }
0x6ce: {  	[sflag:s29] =	ssyncadd.s32 $0xFFFFFC00  }
0x6cf: {  	_ =	swait.ge [sflag:s29], $0x400  }
0x6d0: {  	[sflag:s29] =	ssyncset.done $0x0  }
0x6d1: {  	[sflag:s29] =	ssyncadd.s32 $0xFFFFFC00  }
0x6d2: {  	_ =	swait.ge [sflag:s29], $0x400  }
0x6d3: {  	[sflag:s29] =	ssyncset.done $0x0  }
0x6d4: {  	[sflag:s29] =	ssyncadd.s32 $0xFFFFFC00  }
0x6d5: {  	_ =	swait.ge [sflag:s29], $0x400  }
0x6d6: {  	[sflag:s29] =	ssyncset.done $0x0  }
0x6d7: {  	[sflag:s29] =	ssyncadd.s32 $0xFFFFFC00  }
0x6d8: {  	_ =	swait.ge [sflag:s29], $0x400  }
0x6d9: {  	[sflag:s29] =	ssyncset.done $0x0  }
0x6da: {  	[sflag:s29] =	ssyncadd.s32 $0xFFFFFC00  }
0x6db: {  	_ =	swait.ge [sflag:s29], $0x400  }
0x6dc: {  	[sflag:s29] =	ssyncset.done $0x0  }
0x6dd: {  	[sflag:s29] =	ssyncadd.s32 $0xFFFFFC00  }
0x6de: {  	_ =	swait.ge [sflag:s29], $0x400  }
0x6df: {  	[sflag:s29] =	ssyncset.done $0x0  }
0x6e0: {  	[sflag:s29] =	ssyncadd.s32 $0xFFFFFC00  }
0x6e1: {  	_ =	swait.ge [sflag:s29], $0x400  }
0x6e2: {  	[sflag:s29] =	ssyncset.done $0x0  }
0x6e3: {  	[sflag:s29] =	ssyncadd.s32 $0xFFFFFC00  }
0x6e4: {  	_ =	swait.ge [sflag:s29], $0x400  }
0x6e5: {  	[sflag:s29] =	ssyncset.done $0x0  }
0x6e6: {  	[sflag:s29] =	ssyncadd.s32 $0xFFFFFC00  }
0x6e7: {  	_ =	swait.ge [sflag:s29], $0x400  }
0x6e8: {  	[sflag:s29] =	ssyncset.done $0x0  }
0x6e9: {  	[sflag:s29] =	ssyncadd.s32 $0xFFFFFC00  }
0x6ea: {  	s23 =	simm.s32 $0x0;
	_ =	swait.ge [sflag:s29], $0x400  }
0x6eb: {  	s23 =	sand.u32 $0x78, s23;
	s30 =	simm.s32 $0x0;
	[sflag:s29] =	ssyncset.done $0x0  }
0x6ec: {  	s0 =	sor.u32 s23, s30;
	[sflag:s29] =	ssyncadd.s32 $0xFFFFFC00  }
0x6ed: {  	s0 =	sor.u32 $0x3000, s0;
	_ =	swait.ge [sflag:s29], $0x400  }
0x6ee: {  	v21 =	vor.u32 s0, v17;
	[sflag:s29] =	ssyncset.done $0x0  }
0x6ef: {  	[sflag:s29] =	ssyncadd.s32 $0xFFFFFC00  }
0x6f0: {  	_ =	swait.ge [sflag:s29], $0x400  }
0x6f1: {  	[sflag:s29] =	ssyncset.done $0x0  }
0x6f2: {  	[sflag:s29] =	ssyncadd.s32 $0xFFFFFC00  }
0x6f3: {  	v21 =	vld.idx.msk [tilespmem:v21+s31+$0x0], $0xffff;
	_ =	sdelay $0x1  }
0x6f4: {  	v22 =	vmov s23  }
0x6f5: {  	v22 =	vshll.u32 v22, $0x3  }
0x6f6: {  	v22 =	vor.u32 v18, v22;
	s21 =	simm.s32 $0x0  }
0x6f7: {  	v22 =	vor.u32 s21, v22;
	v21 =	vand.u32 $0x7, v21  }
0x6f8: {  	v21 =	vor.u32 v21, v22  }
0x6f9: {  	v21 =	vor.u32 v19, v21;
	_ =	sdelay $0x2  }
0x6fa: {  	s28 =	simm.s32 $0x0;
	s14 =	simm.s32 $0x2;
	s0 =	simm.s32 $0x8  }
.LBB2_31:
0x6fb: {  	p0 =	sne.s32 s14, $0x7F;
	s17 =	sand.u32 $0x78, s0;
	s30 =	sshll.u32 s28, $0x7;
	v22 =	vmov s21  }
0x6fc: {  	s21 =	sor.u32 s17, s30;
	v21 =	vld.idx.msk [tilespmem:v21+s18+$0x0], $0xffff;
	v22 =	vor.u32 s23, v22;
	s23 =	smov.u32 s17  }
0x6fd: {  	s17 =	sor.u32 $0x3000, s21;
	v22 =	vor.u32 v13, v22  }
0x6fe: {  	v23 =	vor.u32 s17, v17;
	_ =	sdelay $0x3  }
0x6ff: {  	[tilespmem:v22+s4+$0x0] =	vst.idx.msk $0xffff, v21  }
0x700: {  	v21 =	vld.idx.msk [tilespmem:v23+s31+$0x0], $0xffff;
	_ =	sdelay $0x2  }
0x701: {  	v22 =	vmov s23  }
0x702: {  	v22 =	vshll.u32 v22, $0x3  }
0x703: {  	s21 =	sshll.u32 s28, $0xA;
	v22 =	vor.u32 v18, v22  }
0x704: {  	v22 =	vor.u32 s21, v22;
	v21 =	vand.u32 $0x7, v21  }
.Ltmp14:
0x705: {  	v21 =	vor.u32 v21, v22;
	(pc) =	sbr.rel @p0 .LBB2_31-.Ltmp14, $2  }
0x706: {  	v21 =	vor.u32 v19, v21;
	_ =	sdelay $0x2  }
0x707: {  	s0 =	sadd.s32 $0x8, s0;
	s28 =	sshrl.u32 s14, $0x4;
	s14 =	sadd.s32 $0x1, s14  }
0x708: {  	_ =	sdelay $0x1  }
0x709: {  	s0 =	sand.u32 $0x78, s0;
	s14 =	sshll.u32 s28, $0x7;
	v22 =	vmov s21  }
0x70a: {  	s14 =	sor.u32 s0, s14;
	v22 =	vor.u32 s23, v22  }
0x70b: {  	v21 =	vld.idx.msk [tilespmem:v21+s18+$0x0], $0xffff;
	s14 =	sor.u32 $0x3000, s14;
	v22 =	vor.u32 v13, v22  }
0x70c: {  	v23 =	vor.u32 s14, v17;
	_ =	sdelay $0x3  }
0x70d: {  	[tilespmem:v22+s4+$0x0] =	vst.idx.msk $0xffff, v21  }
0x70e: {  	v21 =	vld.idx.msk [tilespmem:v23+s31+$0x0], $0xffff;
	_ =	sdelay $0x1  }
0x70f: {  	v22 =	vmov s0  }
0x710: {  	v22 =	vshll.u32 v22, $0x3  }
0x711: {  	s30 =	sshll.u32 s28, $0xA;
	v22 =	vor.u32 v18, v22  }
0x712: {  	v22 =	vor.u32 s30, v22;
	v21 =	vand.u32 $0x7, v21  }
0x713: {  	v21 =	vor.u32 v21, v22  }
0x714: {  	v21 =	vor.u32 v19, v21;
	_ =	sdelay $0x2  }
0x715: {  	v22 =	vmov s30  }
0x716: {  	v22 =	vor.u32 s0, v22  }
0x717: {  	v22 =	vor.u32 v13, v22;
	v21 =	vld.idx.msk [tilespmem:v21+s18+$0x0], $0xffff;
	_ =	sdelay $0x4  }
0x718: {  	s14 =	simm.s32 $0x8400;
	[tilespmem:v22+s4+$0x0] =	vst.idx.msk $0xffff, v21  }
0x719: {  	[tilespmem:s18], [sflag:$0x1] =	stream.indirect.gather [hbm4b:s1+s16], $0x8, s14, s16, $0xb8;
	[tilespmem:$0x1CC00] =	vst v63  }
0x71a: {  	s17 =	simm.s32 $0xEC00;
	s21 =	simm.s32 $0xC400  }
0x71b: {  	[tilespmem:s17], [sflag:$0x1] =	stream.indirect.gather [hbm4b:s1+s16], $0x8, s21, s16, $0xb8;
	[tilespmem:$0x1CC00] =	vst v63  }
0x71c: {  	s23 =	simm.s32 $0xD000;
	s30 =	simm.s32 $0x8480  }
0x71d: {  	[tilespmem:s23], [sflag:$0x1] =	stream.indirect.gather [hbm4b:s1+s16], $0x8, s30, s16, $0xb8;
	[tilespmem:$0x1CC00] =	vst v63  }
0x71e: {  	s17 =	simm.s32 $0xF000;
	s21 =	simm.s32 $0xC480  }
0x71f: {  	[tilespmem:s17], [sflag:$0x1] =	stream.indirect.gather [hbm4b:s1+s16], $0x8, s21, s16, $0xb8;
	[tilespmem:$0x1CC00] =	vst v63  }
0x720: {  	s23 =	simm.s32 $0xD400;
	s30 =	simm.s32 $0x8500  }
0x721: {  	[tilespmem:s23], [sflag:$0x1] =	stream.indirect.gather [hbm4b:s1+s16], $0x8, s30, s16, $0xb8;
	[tilespmem:$0x1CC00] =	vst v63  }
0x722: {  	s17 =	simm.s32 $0xF400;
	s21 =	simm.s32 $0xC500  }
0x723: {  	[tilespmem:s17], [sflag:$0x1] =	stream.indirect.gather [hbm4b:s1+s16], $0x8, s21, s16, $0xb8;
	[tilespmem:$0x1CC00] =	vst v63  }
0x724: {  	s23 =	simm.s32 $0xD800;
	s30 =	simm.s32 $0x8580  }
0x725: {  	[tilespmem:s23], [sflag:$0x1] =	stream.indirect.gather [hbm4b:s1+s16], $0x8, s30, s16, $0xb8;
	[tilespmem:$0x1CC00] =	vst v63  }
0x726: {  	s17 =	simm.s32 $0xF800;
	s21 =	simm.s32 $0xC580  }
0x727: {  	[tilespmem:s17], [sflag:$0x1] =	stream.indirect.gather [hbm4b:s1+s16], $0x8, s21, s16, $0xb8;
	[tilespmem:$0x1CC00] =	vst v63  }
0x728: {  	s23 =	simm.s32 $0xDC00;
	s30 =	simm.s32 $0x8600  }
0x729: {  	[tilespmem:s23], [sflag:$0x1] =	stream.indirect.gather [hbm4b:s1+s16], $0x8, s30, s16, $0xb8;
	[tilespmem:$0x1CC00] =	vst v63  }
0x72a: {  	s17 =	simm.s32 $0xFC00;
	s21 =	simm.s32 $0xC600  }
0x72b: {  	[tilespmem:s17], [sflag:$0x1] =	stream.indirect.gather [hbm4b:s1+s16], $0x8, s21, s16, $0xb8;
	[tilespmem:$0x1CC00] =	vst v63  }
0x72c: {  	s23 =	simm.s32 $0xE000;
	s30 =	simm.s32 $0x8680  }
0x72d: {  	[tilespmem:s23], [sflag:$0x1] =	stream.indirect.gather [hbm4b:s1+s16], $0x8, s30, s16, $0xb8;
	[tilespmem:$0x1CC00] =	vst v63  }
0x72e: {  	s17 =	simm.s32 $0x10000;
	s21 =	simm.s32 $0xC680  }
0x72f: {  	[tilespmem:s17], [sflag:$0x1] =	stream.indirect.gather [hbm4b:s1+s16], $0x8, s21, s16, $0xb8;
	[tilespmem:$0x1CC00] =	vst v63  }
0x730: {  	s23 =	simm.s32 $0xE400;
	s30 =	simm.s32 $0x8700  }
0x731: {  	[tilespmem:s23], [sflag:$0x1] =	stream.indirect.gather [hbm4b:s1+s16], $0x8, s30, s16, $0xb8;
	[tilespmem:$0x1CC00] =	vst v63  }
0x732: {  	s17 =	simm.s32 $0x10400;
	s21 =	simm.s32 $0xC700  }
0x733: {  	[tilespmem:s17], [sflag:$0x1] =	stream.indirect.gather [hbm4b:s1+s16], $0x8, s21, s16, $0xb8;
	[tilespmem:$0x1CC00] =	vst v63  }
0x734: {  	s23 =	simm.s32 $0xE800;
	s30 =	simm.s32 $0x8780  }
0x735: {  	[tilespmem:s23], [sflag:$0x1] =	stream.indirect.gather [hbm4b:s1+s16], $0x8, s30, s16, $0xb8;
	[tilespmem:$0x1CC00] =	vst v63  }
0x736: {  	s17 =	simm.s32 $0x10800;
	s21 =	simm.s32 $0xC780  }
0x737: {  	[tilespmem:s17], [sflag:$0x1] =	stream.indirect.gather [hbm4b:s1+s16], $0x8, s21, s16, $0xb8;
	[tilespmem:$0x1CC00] =	vst v63  }
0x738: {  	_ =	swait.ge [sflag:s2], $0x400  }
0x739: {  	[sflag:s2] =	ssyncset.done $0x0  }
0x73a: {  	[sflag:s2] =	ssyncadd.s32 $0xFFFFFC00  }
0x73b: {  	_ =	swait.ge [sflag:s2], $0x400  }
0x73c: {  	[sflag:s2] =	ssyncset.done $0x0  }
0x73d: {  	[sflag:s2] =	ssyncadd.s32 $0xFFFFFC00  }
0x73e: {  	_ =	swait.ge [sflag:s2], $0x400  }
0x73f: {  	[sflag:s2] =	ssyncset.done $0x0  }
0x740: {  	[sflag:s2] =	ssyncadd.s32 $0xFFFFFC00  }
0x741: {  	_ =	swait.ge [sflag:s2], $0x400  }
0x742: {  	[sflag:s2] =	ssyncset.done $0x0  }
0x743: {  	[sflag:s2] =	ssyncadd.s32 $0xFFFFFC00  }
0x744: {  	_ =	swait.ge [sflag:s2], $0x400  }
0x745: {  	[sflag:s2] =	ssyncset.done $0x0  }
0x746: {  	[sflag:s2] =	ssyncadd.s32 $0xFFFFFC00  }
0x747: {  	_ =	swait.ge [sflag:s2], $0x400  }
0x748: {  	[sflag:s2] =	ssyncset.done $0x0  }
0x749: {  	[sflag:s2] =	ssyncadd.s32 $0xFFFFFC00  }
0x74a: {  	_ =	swait.ge [sflag:s2], $0x400  }
0x74b: {  	[sflag:s2] =	ssyncset.done $0x0  }
0x74c: {  	[sflag:s2] =	ssyncadd.s32 $0xFFFFFC00  }
0x74d: {  	_ =	swait.ge [sflag:s2], $0x400  }
0x74e: {  	[sflag:s2] =	ssyncset.done $0x0  }
0x74f: {  	[sflag:s2] =	ssyncadd.s32 $0xFFFFFC00  }
0x750: {  	_ =	swait.ge [sflag:s2], $0x400  }
0x751: {  	[sflag:s2] =	ssyncset.done $0x0  }
0x752: {  	[sflag:s2] =	ssyncadd.s32 $0xFFFFFC00  }
0x753: {  	_ =	swait.ge [sflag:s2], $0x400  }
0x754: {  	[sflag:s2] =	ssyncset.done $0x0  }
0x755: {  	[sflag:s2] =	ssyncadd.s32 $0xFFFFFC00  }
0x756: {  	_ =	swait.ge [sflag:s2], $0x400  }
0x757: {  	[sflag:s2] =	ssyncset.done $0x0  }
0x758: {  	[sflag:s2] =	ssyncadd.s32 $0xFFFFFC00  }
0x759: {  	_ =	swait.ge [sflag:s2], $0x400  }
0x75a: {  	[sflag:s2] =	ssyncset.done $0x0  }
0x75b: {  	[sflag:s2] =	ssyncadd.s32 $0xFFFFFC00  }
0x75c: {  	_ =	swait.ge [sflag:s2], $0x400  }
0x75d: {  	[sflag:s2] =	ssyncset.done $0x0  }
0x75e: {  	[sflag:s2] =	ssyncadd.s32 $0xFFFFFC00  }
0x75f: {  	s23 =	simm.s32 $0x0;
	_ =	swait.ge [sflag:s2], $0x400  }
0x760: {  	s30 =	simm.s32 $0x0;
	s23 =	sand.u32 $0x78, s23;
	[sflag:s2] =	ssyncset.done $0x0  }
0x761: {  	s0 =	sor.u32 s23, s30;
	[sflag:s2] =	ssyncadd.s32 $0xFFFFFC00  }
0x762: {  	s0 =	sor.u32 $0x3400, s0;
	_ =	swait.ge [sflag:s2], $0x400  }
0x763: {  	v21 =	vor.u32 s0, v17;
	[sflag:s2] =	ssyncset.done $0x0  }
0x764: {  	[sflag:s2] =	ssyncadd.s32 $0xFFFFFC00  }
0x765: {  	_ =	swait.ge [sflag:s2], $0x400  }
0x766: {  	[sflag:s2] =	ssyncset.done $0x0  }
0x767: {  	[sflag:s2] =	ssyncadd.s32 $0xFFFFFC00  }
0x768: {  	v21 =	vld.idx.msk [tilespmem:v21+s31+$0x0], $0xffff;
	_ =	sdelay $0x1  }
0x769: {  	v22 =	vmov s23  }
0x76a: {  	v22 =	vshll.u32 v22, $0x3  }
0x76b: {  	s21 =	simm.s32 $0x0;
	v22 =	vor.u32 v18, v22  }
0x76c: {  	v22 =	vor.u32 s21, v22;
	v21 =	vand.u32 $0x7, v21  }
0x76d: {  	v21 =	vor.u32 v21, v22  }
0x76e: {  	v21 =	vor.u32 v20, v21;
	_ =	sdelay $0x2  }
0x76f: {  	s28 =	simm.s32 $0x0;
	s14 =	simm.s32 $0x2;
	s0 =	simm.s32 $0x8  }
.LBB2_33:
0x770: {  	p0 =	sne.s32 s14, $0x7F;
	s17 =	sand.u32 $0x78, s0;
	s30 =	sshll.u32 s28, $0x7;
	v22 =	vmov s21  }
0x771: {  	s21 =	sor.u32 s17, s30;
	v21 =	vld.idx.msk [tilespmem:v21+s18+$0x0], $0xffff;
	v22 =	vor.u32 s23, v22;
	s23 =	smov.u32 s17  }
0x772: {  	s17 =	sor.u32 $0x3400, s21;
	v22 =	vor.u32 v14, v22  }
0x773: {  	v23 =	vor.u32 s17, v17;
	_ =	sdelay $0x3  }
0x774: {  	[tilespmem:v22+s4+$0x0] =	vst.idx.msk $0xffff, v21  }
0x775: {  	v21 =	vld.idx.msk [tilespmem:v23+s31+$0x0], $0xffff;
	_ =	sdelay $0x2  }
0x776: {  	v22 =	vmov s23  }
0x777: {  	v22 =	vshll.u32 v22, $0x3  }
0x778: {  	s21 =	sshll.u32 s28, $0xA;
	v22 =	vor.u32 v18, v22  }
0x779: {  	v22 =	vor.u32 s21, v22;
	v21 =	vand.u32 $0x7, v21  }
.Ltmp15:
0x77a: {  	v21 =	vor.u32 v21, v22;
	(pc) =	sbr.rel @p0 .LBB2_33-.Ltmp15, $2  }
0x77b: {  	v21 =	vor.u32 v20, v21;
	_ =	sdelay $0x2  }
0x77c: {  	s0 =	sadd.s32 $0x8, s0;
	s28 =	sshrl.u32 s14, $0x4;
	s14 =	sadd.s32 $0x1, s14  }
0x77d: {  	_ =	sdelay $0x1  }
0x77e: {  	s0 =	sand.u32 $0x78, s0;
	s14 =	sshll.u32 s28, $0x7;
	v22 =	vmov s21  }
0x77f: {  	s14 =	sor.u32 s0, s14;
	v22 =	vor.u32 s23, v22  }
0x780: {  	v21 =	vld.idx.msk [tilespmem:v21+s18+$0x0], $0xffff;
	s14 =	sor.u32 $0x3400, s14;
	v22 =	vor.u32 v14, v22  }
0x781: {  	v23 =	vor.u32 s14, v17;
	_ =	sdelay $0x3  }
0x782: {  	[tilespmem:v22+s4+$0x0] =	vst.idx.msk $0xffff, v21  }
0x783: {  	v21 =	vld.idx.msk [tilespmem:v23+s31+$0x0], $0xffff;
	_ =	sdelay $0x1  }
0x784: {  	v22 =	vmov s0  }
0x785: {  	v22 =	vshll.u32 v22, $0x3  }
0x786: {  	s30 =	sshll.u32 s28, $0xA;
	v22 =	vor.u32 v18, v22  }
0x787: {  	v22 =	vor.u32 s30, v22;
	v21 =	vand.u32 $0x7, v21  }
0x788: {  	v21 =	vor.u32 v21, v22  }
0x789: {  	v21 =	vor.u32 v20, v21;
	_ =	sdelay $0x2  }
0x78a: {  	v22 =	vmov s30  }
0x78b: {  	v22 =	vor.u32 s0, v22  }
0x78c: {  	v22 =	vor.u32 v14, v22;
	v21 =	vld.idx.msk [tilespmem:v21+s18+$0x0], $0xffff;
	_ =	sdelay $0x4  }
0x78d: {  	s17 =	simm.s32 $0x8800;
	s14 =	simm.s32 $0x10C00;
	[tilespmem:v22+s4+$0x0] =	vst.idx.msk $0xffff, v21  }
0x78e: {  	[tilespmem:s14], [sflag:$0x2] =	stream.indirect.gather [hbm4b:s1+s16], $0x8, s17, s16, $0xb8;
	[tilespmem:$0x1CC00] =	vst v63  }
0x78f: {  	s21 =	simm.s32 $0x12C00;
	s23 =	simm.s32 $0xC800  }
0x790: {  	[tilespmem:s21], [sflag:$0x2] =	stream.indirect.gather [hbm4b:s1+s16], $0x8, s23, s16, $0xb8;
	[tilespmem:$0x1CC00] =	vst v63  }
0x791: {  	s30 =	simm.s32 $0x8880  }
0x792: {  	[tilespmem:s12], [sflag:$0x2] =	stream.indirect.gather [hbm4b:s1+s16], $0x8, s30, s16, $0xb8;
	[tilespmem:$0x1CC00] =	vst v63  }
0x793: {  	s14 =	simm.s32 $0xC880  }
0x794: {  	[tilespmem:s25], [sflag:$0x2] =	stream.indirect.gather [hbm4b:s1+s16], $0x8, s14, s16, $0xb8;
	[tilespmem:$0x1CC00] =	vst v63  }
0x795: {  	s17 =	simm.s32 $0x8900  }
0x796: {  	[tilespmem:s5], [sflag:$0x2] =	stream.indirect.gather [hbm4b:s1+s16], $0x8, s17, s16, $0xb8;
	[tilespmem:$0x1CC00] =	vst v63  }
0x797: {  	s21 =	simm.s32 $0xC900  }
0x798: {  	[tilespmem:s6], [sflag:$0x2] =	stream.indirect.gather [hbm4b:s1+s16], $0x8, s21, s16, $0xb8;
	[tilespmem:$0x1CC00] =	vst v63  }
0x799: {  	s23 =	simm.s32 $0x8980  }
0x79a: {  	[tilespmem:s7], [sflag:$0x2] =	stream.indirect.gather [hbm4b:s1+s16], $0x8, s23, s16, $0xb8;
	[tilespmem:$0x1CC00] =	vst v63  }
0x79b: {  	s30 =	simm.s32 $0xC980  }
0x79c: {  	[tilespmem:s8], [sflag:$0x2] =	stream.indirect.gather [hbm4b:s1+s16], $0x8, s30, s16, $0xb8;
	[tilespmem:$0x1CC00] =	vst v63  }
0x79d: {  	s14 =	simm.s32 $0x8A00  }
0x79e: {  	[tilespmem:s9], [sflag:$0x2] =	stream.indirect.gather [hbm4b:s1+s16], $0x8, s14, s16, $0xb8;
	[tilespmem:$0x1CC00] =	vst v63  }
0x79f: {  	s17 =	simm.s32 $0xCA00  }
0x7a0: {  	[tilespmem:s10], [sflag:$0x2] =	stream.indirect.gather [hbm4b:s1+s16], $0x8, s17, s16, $0xb8;
	[tilespmem:$0x1CC00] =	vst v63  }
0x7a1: {  	s21 =	simm.s32 $0x8A80  }
0x7a2: {  	[tilespmem:s11], [sflag:$0x2] =	stream.indirect.gather [hbm4b:s1+s16], $0x8, s21, s16, $0xb8;
	[tilespmem:$0x1CC00] =	vst v63  }
0x7a3: {  	s23 =	simm.s32 $0xCA80  }
0x7a4: {  	[tilespmem:s3], [sflag:$0x2] =	stream.indirect.gather [hbm4b:s1+s16], $0x8, s23, s16, $0xb8;
	[tilespmem:$0x1CC00] =	vst v63  }
0x7a5: {  	s30 =	simm.s32 $0x8B00  }
0x7a6: {  	[tilespmem:s20], [sflag:$0x2] =	stream.indirect.gather [hbm4b:s1+s16], $0x8, s30, s16, $0xb8;
	[tilespmem:$0x1CC00] =	vst v63  }
0x7a7: {  	s14 =	simm.s32 $0xCB00  }
0x7a8: {  	[tilespmem:s22], [sflag:$0x2] =	stream.indirect.gather [hbm4b:s1+s16], $0x8, s14, s16, $0xb8;
	[tilespmem:$0x1CC00] =	vst v63  }
0x7a9: {  	s17 =	simm.s32 $0x8B80  }
0x7aa: {  	[tilespmem:s24], [sflag:$0x2] =	stream.indirect.gather [hbm4b:s1+s16], $0x8, s17, s16, $0xb8;
	[tilespmem:$0x1CC00] =	vst v63  }
0x7ab: {  	s21 =	simm.s32 $0xCB80  }
0x7ac: {  	[tilespmem:s26], [sflag:$0x2] =	stream.indirect.gather [hbm4b:s1+s16], $0x8, s21, s16, $0xb8;
	[tilespmem:$0x1CC00] =	vst v63  }
0x7ad: {  	_ =	swait.ge [sflag:s29], $0x400  }
0x7ae: {  	[sflag:s29] =	ssyncset.done $0x0  }
0x7af: {  	[sflag:s29] =	ssyncadd.s32 $0xFFFFFC00  }
0x7b0: {  	_ =	swait.ge [sflag:s29], $0x400  }
0x7b1: {  	[sflag:s29] =	ssyncset.done $0x0  }
0x7b2: {  	[sflag:s29] =	ssyncadd.s32 $0xFFFFFC00  }
0x7b3: {  	_ =	swait.ge [sflag:s29], $0x400  }
0x7b4: {  	[sflag:s29] =	ssyncset.done $0x0  }
0x7b5: {  	[sflag:s29] =	ssyncadd.s32 $0xFFFFFC00  }
0x7b6: {  	_ =	swait.ge [sflag:s29], $0x400  }
0x7b7: {  	[sflag:s29] =	ssyncset.done $0x0  }
0x7b8: {  	[sflag:s29] =	ssyncadd.s32 $0xFFFFFC00  }
0x7b9: {  	_ =	swait.ge [sflag:s29], $0x400  }
0x7ba: {  	[sflag:s29] =	ssyncset.done $0x0  }
0x7bb: {  	[sflag:s29] =	ssyncadd.s32 $0xFFFFFC00  }
0x7bc: {  	_ =	swait.ge [sflag:s29], $0x400  }
0x7bd: {  	[sflag:s29] =	ssyncset.done $0x0  }
0x7be: {  	[sflag:s29] =	ssyncadd.s32 $0xFFFFFC00  }
0x7bf: {  	_ =	swait.ge [sflag:s29], $0x400  }
0x7c0: {  	[sflag:s29] =	ssyncset.done $0x0  }
0x7c1: {  	[sflag:s29] =	ssyncadd.s32 $0xFFFFFC00  }
0x7c2: {  	_ =	swait.ge [sflag:s29], $0x400  }
0x7c3: {  	[sflag:s29] =	ssyncset.done $0x0  }
0x7c4: {  	[sflag:s29] =	ssyncadd.s32 $0xFFFFFC00  }
0x7c5: {  	_ =	swait.ge [sflag:s29], $0x400  }
0x7c6: {  	[sflag:s29] =	ssyncset.done $0x0  }
0x7c7: {  	[sflag:s29] =	ssyncadd.s32 $0xFFFFFC00  }
0x7c8: {  	_ =	swait.ge [sflag:s29], $0x400  }
0x7c9: {  	[sflag:s29] =	ssyncset.done $0x0  }
0x7ca: {  	[sflag:s29] =	ssyncadd.s32 $0xFFFFFC00  }
0x7cb: {  	_ =	swait.ge [sflag:s29], $0x400  }
0x7cc: {  	[sflag:s29] =	ssyncset.done $0x0  }
0x7cd: {  	[sflag:s29] =	ssyncadd.s32 $0xFFFFFC00  }
0x7ce: {  	_ =	swait.ge [sflag:s29], $0x400  }
0x7cf: {  	[sflag:s29] =	ssyncset.done $0x0  }
0x7d0: {  	[sflag:s29] =	ssyncadd.s32 $0xFFFFFC00  }
0x7d1: {  	_ =	swait.ge [sflag:s29], $0x400  }
0x7d2: {  	[sflag:s29] =	ssyncset.done $0x0  }
0x7d3: {  	[sflag:s29] =	ssyncadd.s32 $0xFFFFFC00  }
0x7d4: {  	s23 =	simm.s32 $0x0;
	_ =	swait.ge [sflag:s29], $0x400  }
0x7d5: {  	s23 =	sand.u32 $0x78, s23;
	s30 =	simm.s32 $0x0;
	[sflag:s29] =	ssyncset.done $0x0  }
0x7d6: {  	s0 =	sor.u32 s23, s30;
	[sflag:s29] =	ssyncadd.s32 $0xFFFFFC00  }
0x7d7: {  	s0 =	sor.u32 $0x3800, s0;
	_ =	swait.ge [sflag:s29], $0x400  }
0x7d8: {  	v21 =	vor.u32 s0, v17;
	[sflag:s29] =	ssyncset.done $0x0  }
0x7d9: {  	[sflag:s29] =	ssyncadd.s32 $0xFFFFFC00  }
0x7da: {  	_ =	swait.ge [sflag:s29], $0x400  }
0x7db: {  	[sflag:s29] =	ssyncset.done $0x0  }
0x7dc: {  	[sflag:s29] =	ssyncadd.s32 $0xFFFFFC00  }
0x7dd: {  	v21 =	vld.idx.msk [tilespmem:v21+s31+$0x0], $0xffff;
	_ =	sdelay $0x1  }
0x7de: {  	v22 =	vmov s23  }
0x7df: {  	v22 =	vshll.u32 v22, $0x3  }
0x7e0: {  	v22 =	vor.u32 v18, v22;
	s21 =	simm.s32 $0x0  }
0x7e1: {  	v22 =	vor.u32 s21, v22;
	v21 =	vand.u32 $0x7, v21  }
0x7e2: {  	v21 =	vor.u32 v21, v22  }
0x7e3: {  	v21 =	vor.u32 v19, v21;
	_ =	sdelay $0x2  }
0x7e4: {  	s28 =	simm.s32 $0x0;
	s14 =	simm.s32 $0x2;
	s0 =	simm.s32 $0x8  }
.LBB2_35:
0x7e5: {  	p0 =	sne.s32 s14, $0x7F;
	s17 =	sand.u32 $0x78, s0;
	s30 =	sshll.u32 s28, $0x7;
	v22 =	vmov s21  }
0x7e6: {  	s21 =	sor.u32 s17, s30;
	v21 =	vld.idx.msk [tilespmem:v21+s18+$0x0], $0xffff;
	v22 =	vor.u32 s23, v22;
	s23 =	smov.u32 s17  }
0x7e7: {  	s17 =	sor.u32 $0x3800, s21;
	v22 =	vor.u32 v15, v22  }
0x7e8: {  	v23 =	vor.u32 s17, v17;
	_ =	sdelay $0x3  }
0x7e9: {  	[tilespmem:v22+s4+$0x0] =	vst.idx.msk $0xffff, v21  }
0x7ea: {  	v21 =	vld.idx.msk [tilespmem:v23+s31+$0x0], $0xffff;
	_ =	sdelay $0x2  }
0x7eb: {  	v22 =	vmov s23  }
0x7ec: {  	v22 =	vshll.u32 v22, $0x3  }
0x7ed: {  	s21 =	sshll.u32 s28, $0xA;
	v22 =	vor.u32 v18, v22  }
0x7ee: {  	v22 =	vor.u32 s21, v22;
	v21 =	vand.u32 $0x7, v21  }
.Ltmp16:
0x7ef: {  	v21 =	vor.u32 v21, v22;
	(pc) =	sbr.rel @p0 .LBB2_35-.Ltmp16, $2  }
0x7f0: {  	v21 =	vor.u32 v19, v21;
	_ =	sdelay $0x2  }
0x7f1: {  	s0 =	sadd.s32 $0x8, s0;
	s28 =	sshrl.u32 s14, $0x4;
	s14 =	sadd.s32 $0x1, s14  }
0x7f2: {  	_ =	sdelay $0x1  }
0x7f3: {  	s0 =	sand.u32 $0x78, s0;
	s14 =	sshll.u32 s28, $0x7;
	v22 =	vmov s21  }
0x7f4: {  	s14 =	sor.u32 s0, s14;
	v22 =	vor.u32 s23, v22  }
0x7f5: {  	v21 =	vld.idx.msk [tilespmem:v21+s18+$0x0], $0xffff;
	s14 =	sor.u32 $0x3800, s14;
	v22 =	vor.u32 v15, v22  }
0x7f6: {  	v23 =	vor.u32 s14, v17;
	_ =	sdelay $0x3  }
0x7f7: {  	[tilespmem:v22+s4+$0x0] =	vst.idx.msk $0xffff, v21  }
0x7f8: {  	v21 =	vld.idx.msk [tilespmem:v23+s31+$0x0], $0xffff;
	_ =	sdelay $0x1  }
0x7f9: {  	v22 =	vmov s0  }
0x7fa: {  	v22 =	vshll.u32 v22, $0x3  }
0x7fb: {  	s21 =	sshll.u32 s28, $0xA;
	v22 =	vor.u32 v18, v22  }
0x7fc: {  	v22 =	vor.u32 s21, v22;
	v21 =	vand.u32 $0x7, v21  }
0x7fd: {  	v21 =	vor.u32 v21, v22  }
0x7fe: {  	v19 =	vor.u32 v19, v21;
	_ =	sdelay $0x2  }
0x7ff: {  	v21 =	vmov s21  }
0x800: {  	v21 =	vor.u32 s0, v21  }
0x801: {  	v21 =	vor.u32 v15, v21;
	v19 =	vld.idx.msk [tilespmem:v19+s18+$0x0], $0xffff;
	_ =	sdelay $0x4  }
0x802: {  	[tilespmem:v21+s4+$0x0] =	vst.idx.msk $0xffff, v19  }
0x803: {  	_ =	swait.ge [sflag:s2], $0x400  }
0x804: {  	[sflag:s2] =	ssyncset.done $0x0  }
0x805: {  	[sflag:s2] =	ssyncadd.s32 $0xFFFFFC00  }
0x806: {  	_ =	swait.ge [sflag:s2], $0x400  }
0x807: {  	[sflag:s2] =	ssyncset.done $0x0  }
0x808: {  	[sflag:s2] =	ssyncadd.s32 $0xFFFFFC00  }
0x809: {  	_ =	swait.ge [sflag:s2], $0x400  }
0x80a: {  	[sflag:s2] =	ssyncset.done $0x0  }
0x80b: {  	[sflag:s2] =	ssyncadd.s32 $0xFFFFFC00  }
0x80c: {  	_ =	swait.ge [sflag:s2], $0x400  }
0x80d: {  	[sflag:s2] =	ssyncset.done $0x0  }
0x80e: {  	[sflag:s2] =	ssyncadd.s32 $0xFFFFFC00  }
0x80f: {  	_ =	swait.ge [sflag:s2], $0x400  }
0x810: {  	[sflag:s2] =	ssyncset.done $0x0  }
0x811: {  	[sflag:s2] =	ssyncadd.s32 $0xFFFFFC00  }
0x812: {  	_ =	swait.ge [sflag:s2], $0x400  }
0x813: {  	[sflag:s2] =	ssyncset.done $0x0  }
0x814: {  	[sflag:s2] =	ssyncadd.s32 $0xFFFFFC00  }
0x815: {  	_ =	swait.ge [sflag:s2], $0x400  }
0x816: {  	[sflag:s2] =	ssyncset.done $0x0  }
0x817: {  	[sflag:s2] =	ssyncadd.s32 $0xFFFFFC00  }
0x818: {  	_ =	swait.ge [sflag:s2], $0x400  }
0x819: {  	[sflag:s2] =	ssyncset.done $0x0  }
0x81a: {  	[sflag:s2] =	ssyncadd.s32 $0xFFFFFC00  }
0x81b: {  	_ =	swait.ge [sflag:s2], $0x400  }
0x81c: {  	[sflag:s2] =	ssyncset.done $0x0  }
0x81d: {  	[sflag:s2] =	ssyncadd.s32 $0xFFFFFC00  }
0x81e: {  	_ =	swait.ge [sflag:s2], $0x400  }
0x81f: {  	[sflag:s2] =	ssyncset.done $0x0  }
0x820: {  	[sflag:s2] =	ssyncadd.s32 $0xFFFFFC00  }
0x821: {  	_ =	swait.ge [sflag:s2], $0x400  }
0x822: {  	[sflag:s2] =	ssyncset.done $0x0  }
0x823: {  	[sflag:s2] =	ssyncadd.s32 $0xFFFFFC00  }
0x824: {  	_ =	swait.ge [sflag:s2], $0x400  }
0x825: {  	[sflag:s2] =	ssyncset.done $0x0  }
0x826: {  	[sflag:s2] =	ssyncadd.s32 $0xFFFFFC00  }
0x827: {  	_ =	swait.ge [sflag:s2], $0x400  }
0x828: {  	[sflag:s2] =	ssyncset.done $0x0  }
0x829: {  	[sflag:s2] =	ssyncadd.s32 $0xFFFFFC00  }
0x82a: {  	s23 =	simm.s32 $0x0;
	_ =	swait.ge [sflag:s2], $0x400  }
0x82b: {  	s30 =	simm.s32 $0x0;
	s23 =	sand.u32 $0x78, s23;
	[sflag:s2] =	ssyncset.done $0x0  }
0x82c: {  	s0 =	sor.u32 s23, s30;
	[sflag:s2] =	ssyncadd.s32 $0xFFFFFC00  }
0x82d: {  	s0 =	sor.u32 $0x3C00, s0;
	_ =	swait.ge [sflag:s2], $0x400  }
0x82e: {  	v19 =	vor.u32 s0, v17;
	[sflag:s2] =	ssyncset.done $0x0  }
0x82f: {  	[sflag:s2] =	ssyncadd.s32 $0xFFFFFC00  }
0x830: {  	_ =	swait.ge [sflag:s2], $0x400  }
0x831: {  	[sflag:s2] =	ssyncset.done $0x0  }
0x832: {  	[sflag:s2] =	ssyncadd.s32 $0xFFFFFC00  }
0x833: {  	v19 =	vld.idx.msk [tilespmem:v19+s31+$0x0], $0xffff;
	_ =	sdelay $0x1  }
0x834: {  	v21 =	vmov s23  }
0x835: {  	v21 =	vshll.u32 v21, $0x3  }
0x836: {  	s21 =	simm.s32 $0x0;
	v21 =	vor.u32 v18, v21  }
0x837: {  	v21 =	vor.u32 s21, v21;
	v19 =	vand.u32 $0x7, v19  }
0x838: {  	v19 =	vor.u32 v19, v21  }
0x839: {  	v19 =	vor.u32 v20, v19;
	_ =	sdelay $0x2  }
0x83a: {  	s28 =	simm.s32 $0x0;
	s14 =	simm.s32 $0x2;
	s0 =	simm.s32 $0x8  }
.LBB2_37:
0x83b: {  	p0 =	sne.s32 s14, $0x7F;
	s17 =	sand.u32 $0x78, s0;
	s30 =	sshll.u32 s28, $0x7;
	v21 =	vmov s21  }
0x83c: {  	s21 =	sor.u32 s17, s30;
	v19 =	vld.idx.msk [tilespmem:v19+s18+$0x0], $0xffff;
	v21 =	vor.u32 s23, v21;
	s23 =	smov.u32 s17  }
0x83d: {  	s17 =	sor.u32 $0x3C00, s21;
	v21 =	vor.u32 v16, v21  }
0x83e: {  	v22 =	vor.u32 s17, v17;
	_ =	sdelay $0x3  }
0x83f: {  	[tilespmem:v21+s4+$0x0] =	vst.idx.msk $0xffff, v19  }
0x840: {  	v19 =	vld.idx.msk [tilespmem:v22+s31+$0x0], $0xffff;
	_ =	sdelay $0x2  }
0x841: {  	v21 =	vmov s23  }
0x842: {  	v21 =	vshll.u32 v21, $0x3  }
0x843: {  	s21 =	sshll.u32 s28, $0xA;
	v21 =	vor.u32 v18, v21  }
0x844: {  	v21 =	vor.u32 s21, v21;
	v19 =	vand.u32 $0x7, v19  }
.Ltmp17:
0x845: {  	v19 =	vor.u32 v19, v21;
	(pc) =	sbr.rel @p0 .LBB2_37-.Ltmp17, $2  }
0x846: {  	v19 =	vor.u32 v20, v19;
	_ =	sdelay $0x2  }
0x847: {  	s0 =	sadd.s32 $0x8, s0;
	s28 =	sshrl.u32 s14, $0x4;
	s14 =	sadd.s32 $0x1, s14  }
0x848: {  	_ =	sdelay $0x1  }
0x849: {  	s0 =	sand.u32 $0x78, s0;
	s14 =	sshll.u32 s28, $0x7;
	v21 =	vmov s21  }
0x84a: {  	s14 =	sor.u32 s0, s14;
	v21 =	vor.u32 s23, v21  }
0x84b: {  	v19 =	vld.idx.msk [tilespmem:v19+s18+$0x0], $0xffff;
	s14 =	sor.u32 $0x3C00, s14;
	v21 =	vor.u32 v16, v21  }
0x84c: {  	v17 =	vor.u32 s14, v17;
	_ =	sdelay $0x3  }
0x84d: {  	[tilespmem:v21+s4+$0x0] =	vst.idx.msk $0xffff, v19  }
0x84e: {  	v17 =	vld.idx.msk [tilespmem:v17+s31+$0x0], $0xffff;
	_ =	sdelay $0x1  }
0x84f: {  	v19 =	vmov s0  }
0x850: {  	v19 =	vshll.u32 v19, $0x3  }
0x851: {  	s30 =	sshll.u32 s28, $0xA;
	v18 =	vor.u32 v18, v19  }
0x852: {  	v18 =	vor.u32 s30, v18;
	v17 =	vand.u32 $0x7, v17  }
0x853: {  	v17 =	vor.u32 v17, v18  }
0x854: {  	v17 =	vor.u32 v20, v17;
	_ =	sdelay $0x2  }
0x855: {  	v18 =	vmov s30  }
0x856: {  	v18 =	vor.u32 s0, v18  }
0x857: {  	v18 =	vor.u32 v16, v18;
	v17 =	vld.idx.msk [tilespmem:v17+s18+$0x0], $0xffff;
	_ =	sdelay $0x3  }
0x858: {  	s14 =	rddreg [dreg:$0x2]  }
0x859: {  	s0 =	sadd.s32 s14, s19;
	s14 =	simm.s32 $0x0;
	[tilespmem:v18+s4+$0x0] =	vst.idx.msk $0xffff, v17  }
0x85a: {  	[hbm4b:s0+s14] =	stream.linear.scatter [tilespmem:s4], [sflag:$0x3], $0x2000, $0x38;
	[tilespmem:$0x1CC00] =	vst v63  }
0x85b: {  	_ =	swait.ge [sflag:s13], $0x2000  }
0x85c: {  	[sflag:s13] =	ssyncset.done $0x0;
	s17 =	rddreg [dreg:$0x8]  }
0x85d: {  	[sflag:s13] =	ssyncadd.s32 $0xFFFFE000;
	s0 =	sadd.s32 s19, s17;
	s17 =	simm.s32 $0x16C00  }
0x85e: {  	[hbm4b:s0+s14] =	stream.linear.scatter [tilespmem:s17], [sflag:$0x3], $0x2000, $0x38;
	[tilespmem:$0x1CC00] =	vst v63  }
0x85f: {  	_ =	swait.ge [sflag:s13], $0x2000  }
0x860: {  	s15 =	sadd.s32 $0x1, s15;
	[sflag:s13] =	ssyncset.done $0x0;
	s21 =	rddreg [dreg:$0x9]  }
0x861: {  	s23 =	simm.s32 $0x18C00;
	[sflag:s13] =	ssyncadd.s32 $0xFFFFE000;
	s0 =	sadd.s32 s19, s21  }
0x862: {  	[hbm4b:s0+s14] =	stream.linear.scatter [tilespmem:s23], [sflag:$0x3], $0x2000, $0x38;
	[tilespmem:$0x1CC00] =	vst v63  }
0x863: {  	p0 =	sne.s32 s15, $0x20;
	_ =	swait.ge [sflag:s13], $0x2000  }
0x864: {  	s30 =	simm.s32 $0x1AC00;
	[sflag:s13] =	ssyncset.done $0x0;
	s28 =	rddreg [dreg:$0xa]  }
.Ltmp18:
0x865: {  	[sflag:s13] =	ssyncadd.s32 $0xFFFFE000;
	s0 =	sadd.s32 s19, s28;
	(pc) =	sbr.rel @p0 .LBB2_2-.Ltmp18, $4  }
0x866: {  	[hbm4b:s0+s14] =	stream.linear.scatter [tilespmem:s30], [sflag:$0x3], $0x2000, $0x38;
	[tilespmem:$0x1CC00] =	vst v63  }
0x867: {  	_ =	swait.ge [sflag:s13], $0x2000  }
0x868: {  	[sflag:s13] =	ssyncset.done $0x0  }
0x869: {  	[sflag:s13] =	ssyncadd.s32 $0xFFFFE000  }
0x86a: {  	s14 =	rddreg [dreg:$0xc]  }
0x86b: {  	s0 =	rddreg [dreg:$0xb];
	s14 =	sadd.s32 $0x1, s14  }
0x86c: {  	p0 =	sne.s32 s14, s0  }
.Ltmp19:
0x86d: {  	_ = 	snop;
	(pc) =	sbr.rel @p0 .LBB2_1-.Ltmp19, $1  }
0x86e: {  	_ =	sdelay $0x3  }
0x86f: {  	_ =	sfence.sel $0x180000  }
0x870: {  	[bflag:$0x0] =	sbarrier.arrive $0xFFFF  }
0x871: {  	_ =	strace $0x90000047  }
0x872: {  	s0 =	stileid.u32;
	[bflag:$0x2] =	sbarrier.arrive $0xFFFF  }
0x873: {  	p0 =	sne.s32 s0, $0x0;
	s0 =	rddreg [dreg:$0x3]  }
0x874: {  	s0 =	sadd.s32 @!p0 $0x100000, s0  }
0x875: {  	[sflag:s0] =	ssyncadd.tile.s32 @!p0 $0x1;
	_ =	shalt  }
.Lfunc_end2:
_tile_overlayer_lowered:
.L_overlay_start_2:
0x876: {  	(tag) =	ssettag $0x2  }
0x877: {  	s0 =	rddreg [dreg:$0x0];
	s2 =	stileid.u32  }
0x878: {  	s1 =	rddreg [dreg:$0x1];
	p0 =	sne.s32 s2, $0x0  }
0x879: {  	s3 =	rddreg [dreg:$0x2];
	[bflag:$0x3] =	sbarrier.arrive $0xFFFF;
	s2 =	simm.s32 @!p0 $0x1C03  }
0x87a: {  	[timem:s3], [sflag:s2] =	dma.local @!p0 [hbm:s0], s1  }
0x87b: {  	s0 =	simm.s32 @!p0 $0x3  }
0x87c: {  	_ =	swait.ge @!p0 [sflag:s0], s1  }
0x87d: {  	s1 =	ssub.s32 @!p0 $0x0, s1;
	[sflag:s0] =	ssyncset.done @!p0 $0x0  }
0x87e: {  	[sflag:s0] =	ssyncadd.s32 @!p0 s1  }
0x87f: {  	[bflag:$0x3] =	sbarrier.arrive $0xFFFF  }
0x880: {  	_ =	shalt  }

</sc_bundles>
